<compile_context>
chip_gen: v7x
topology: tpu7x:2x2x1
jax: 0.10.2.dev20260603
libtpu: 0.0.44.dev20260713+nightly
codegen_flags: <defaults>
</compile_context>

<pallas_src>
import functools

import jax
import jax.numpy as jnp
from jax import lax
from jax.experimental import pallas as pl
from jax.experimental.pallas import tpu as pltpu
from jax.experimental.pallas import tpu_sc as plsc

N = 10000
E = 320000
F = 128
NC = 2
NS = 16
NW = NC * NS
CH = 128
NPAD = 10112
RPT = NPAD // NS
NCHUNK = 80
EW = NCHUNK * CH
EPAD = NW * EW
NBUF = 4
NBURST = 8
BR = 632
GRID = NPAD // BR

_mesh = plsc.VectorSubcoreMesh(
    core_axis_name="c", subcore_axis_name="s", num_cores=NC, num_subcores=NS)


@functools.partial(
    pl.kernel,
    out_type=jax.ShapeDtypeStruct((NC * NPAD, F), jnp.float32),
    mesh=_mesh,
    scratch_types=[
        [pltpu.VMEM((CH,), jnp.int32) for _ in range(4)],
        [pltpu.VMEM((CH,), jnp.int32) for _ in range(4)],
        [pltpu.VMEM((CH, F), jnp.float32) for _ in range(2)],
        pltpu.VMEM_SHARED((NPAD, F), jnp.float32),
        pltpu.SemaphoreType.DMA((4,)),
        pltpu.SemaphoreType.DMA((2,)),
        pltpu.SemaphoreType.DMA((2,)),
    ],
)
def _edge_kernel(g_hbm, src_hbm, dst_hbm, zeros_hbm, out_hbm, srcb,
                 dstb, buf, acc_sh, si, sg, ss):
    c = lax.axis_index("c")
    s = lax.axis_index("s")
    wid = c * NS + s
    pltpu.sync_copy(zeros_hbm.at[pl.ds(s * RPT, RPT)],
                    acc_sh.at[pl.ds(s * RPT, RPT)])
    for q in range(3):
        pltpu.async_copy(src_hbm.at[wid, q], srcb[q], si.at[q])
        pltpu.async_copy(dst_hbm.at[wid, q], dstb[q], si.at[q])
    plsc.subcore_barrier()
    pltpu.make_async_copy(src_hbm.at[wid, 0], srcb[0], si.at[0]).wait()
    pltpu.make_async_copy(dst_hbm.at[wid, 0], dstb[0], si.at[0]).wait()

    pltpu.async_copy(g_hbm.at[srcb[0]], buf[0], sg.at[0])

    def body(t, carry):
        for k in range(4):
            j = t * 4 + k
            b = k % 2
            nq = (k + 3) % 4
            pq = (k + 1) % 4

            @pl.when(j >= 1)
            def _():
                pltpu.make_async_copy(buf[1 - b], acc_sh.at[dstb[nq]],
                                      ss.at[1 - b]).wait()

            @pl.when(j + 1 < NCHUNK)
            def _():
                pltpu.make_async_copy(src_hbm.at[wid, 0], srcb[pq],
                                      si.at[pq]).wait()
                pltpu.make_async_copy(dst_hbm.at[wid, 0], dstb[pq],
                                      si.at[pq]).wait()

            @pl.when(j + 1 < NCHUNK)
            def _():
                pltpu.async_copy(g_hbm.at[srcb[pq]], buf[1 - b],
                                 sg.at[1 - b])

            @pl.when(j + 3 < NCHUNK)
            def _():
                pltpu.async_copy(src_hbm.at[wid, j + 3], srcb[nq], si.at[nq])
                pltpu.async_copy(dst_hbm.at[wid, j + 3], dstb[nq], si.at[nq])

            pltpu.make_async_copy(g_hbm.at[srcb[k]], buf[b],
                                  sg.at[b]).wait()

            pltpu.async_copy(buf[b], acc_sh.at[dstb[k]], ss.at[b], add=True)
        return carry

    lax.fori_loop(0, NCHUNK // 4, body, 0)
    pltpu.make_async_copy(buf[1], acc_sh.at[dstb[3]], ss.at[1]).wait()
    plsc.subcore_barrier()
    pltpu.sync_copy(acc_sh.at[pl.ds(s * RPT, RPT)],
                    out_hbm.at[pl.ds(c * NPAD + s * RPT, RPT)])


def _first_body(dega_ref, degb_ref, x_ref, w_ref, dinv_ref, g_ref):
    deg = dega_ref[...] + degb_ref[...] + 1.0
    dv = lax.rsqrt(jnp.clip(deg, 1.0, None))
    dinv_ref[...] = dv[:, 0:16]
    h = jnp.dot(x_ref[...], w_ref[...], preferred_element_type=jnp.float32)
    g_ref[...] = dv[:, 0:1] * h


def _mid_body(sa_ref, sb_ref, g_ref, dinv_ref, b_ref, w_ref, o_ref):
    dv = dinv_ref[...][:, 0:1]
    z = jnp.maximum((sa_ref[...] + sb_ref[...] + g_ref[...]) * dv + b_ref[...],
                    0.0)
    o_ref[...] = dv * jnp.dot(z, w_ref[...], preferred_element_type=jnp.float32)


def _final_body(sa_ref, sb_ref, g_ref, dinv_ref, b_ref, wl1_ref, bl1_ref,
                wl2_ref, bl2_ref, o_ref):
    dv = dinv_ref[...][:, 0:1]
    z = jnp.maximum((sa_ref[...] + sb_ref[...] + g_ref[...]) * dv + b_ref[...],
                    0.0)
    h4 = jnp.maximum(
        jnp.dot(z, wl1_ref[...], preferred_element_type=jnp.float32)
        + bl1_ref[...], 0.0)
    logits = jnp.dot(h4, wl2_ref[...],
                     preferred_element_type=jnp.float32) + bl2_ref[...]
    l0 = logits[:, 0:1]
    l1 = logits[:, 1:2]
    m = jnp.maximum(l0, l1)
    lse = m + jnp.log(jnp.exp(l0 - m) + jnp.exp(l1 - m))
    o_ref[...] = logits - lse


def _row_spec(w):
    return pl.BlockSpec((BR, w), lambda i: (i, 0))


def _lo_spec(w):
    return pl.BlockSpec((BR, w), lambda i: (i, 0))


def _hi_spec(w):
    return pl.BlockSpec((BR, w), lambda i: (GRID + i, 0))


def _full_spec(r, c):
    return pl.BlockSpec((r, c), lambda i: (0, 0))


def _first(deg2, x, w):
    return pl.pallas_call(
        _first_body,
        grid=(GRID,),
        in_specs=[_lo_spec(F), _hi_spec(F), _row_spec(F), _full_spec(F, F)],
        out_specs=[_row_spec(16), _row_spec(F)],
        out_shape=[
            jax.ShapeDtypeStruct((NPAD, 16), jnp.float32),
            jax.ShapeDtypeStruct((NPAD, F), jnp.float32),
        ],
    )(deg2, deg2, x, w)


def _mid(s2, g, dinv16, b, w):
    return pl.pallas_call(
        _mid_body,
        grid=(GRID,),
        in_specs=[_lo_spec(F), _hi_spec(F), _row_spec(F), _row_spec(16),
                  _full_spec(1, F), _full_spec(F, F)],
        out_specs=_row_spec(F),
        out_shape=jax.ShapeDtypeStruct((NPAD, F), jnp.float32),
    )(s2, s2, g, dinv16, b, w)


def _final(s2, g, dinv16, b, wl1, bl1, wl2, bl2):
    return pl.pallas_call(
        _final_body,
        grid=(GRID,),
        in_specs=[_lo_spec(F), _hi_spec(F), _row_spec(F), _row_spec(16),
                  _full_spec(1, F), _full_spec(F, F // 2),
                  _full_spec(1, F // 2), _full_spec(F // 2, F),
                  _full_spec(1, F)],
        out_specs=_row_spec(F),
        out_shape=jax.ShapeDtypeStruct((NPAD, F), jnp.float32),
    )(s2, s2, g, dinv16, b, wl1, bl1, wl2, bl2)


def kernel(x, edge_index, W1, b1, W2, b2, W3, b3, Wl1, bl1, Wl2, bl2):
    src = edge_index[0].astype(jnp.int32)
    dst = edge_index[1].astype(jnp.int32)
    npad_e = EPAD - E
    pad_idx = (N + jnp.arange(npad_e, dtype=jnp.int32) % (NPAD - N))
    src_p = jnp.concatenate([src, pad_idx]).reshape(NW, NCHUNK, CH)
    dst_p = jnp.concatenate([dst, pad_idx]).reshape(NW, NCHUNK, CH)

    xp = jnp.pad(x, ((0, NPAD - N), (0, 0)))
    zeros = jnp.zeros((NPAD, F), jnp.float32)
    ones_tab = jnp.ones((NPAD, F), jnp.float32)
    b1r = b1.reshape(1, F)
    b2r = b2.reshape(1, F)
    b3r = b3.reshape(1, F)
    bl1r = bl1.reshape(1, F // 2)
    wl2p = jnp.pad(Wl2, ((0, 0), (0, F - Wl2.shape[1])))
    bl2p = jnp.pad(bl2, (0, F - bl2.shape[0])).reshape(1, F)

    lin_p = (jnp.arange(EPAD, dtype=jnp.int32) % NPAD).reshape(NW, NCHUNK, CH)
    deg2 = _edge_kernel(ones_tab, lin_p, dst_p, zeros)
    dinv16, g1 = _first(deg2, xp, W1)

    s1 = _edge_kernel(g1, src_p, dst_p, zeros)
    g2 = _mid(s1, g1, dinv16, b1r, W2)
    s2 = _edge_kernel(g2, src_p, dst_p, zeros)
    g3 = _mid(s2, g2, dinv16, b2r, W3)
    s3 = _edge_kernel(g3, src_p, dst_p, zeros)
    out = _final(s3, g3, dinv16, b3r, Wl1, bl1r, wl2p, bl2p)
    return out[:N, :2]

# --- scband reference (transcript-rebuilt; emitter-appended) ---
"""Pipeline reference for scband-gcn-io-t-classifier-77678778515803 (READ-ONLY COPY).

The authoritative reference and input builder live on the scoring server;
editing this copy changes nothing except your own understanding.
"""

import jax, jax.numpy as jnp
import numpy as np

N = 10000
E = 320000
F_IN = 128
H = 128
C = 2


def setup_inputs(seed: int = 0) -> dict:
    key = jax.random.key(seed)
    ks = jax.random.split(key, 12)
    x = jax.random.normal(ks[0], (N, F_IN), dtype=jnp.float32)
    edge_index = jax.random.randint(ks[1], (2, E), 0, N)
    W1 = jax.random.normal(ks[2], (F_IN, H), dtype=jnp.float32) / np.sqrt(F_IN)
    b1 = jnp.zeros((H,), jnp.float32)
    W2 = jax.random.normal(ks[3], (H, H), dtype=jnp.float32) / np.sqrt(H)
    b2 = jnp.zeros((H,), jnp.float32)
    W3 = jax.random.normal(ks[4], (H, H), dtype=jnp.float32) / np.sqrt(H)
    b3 = jnp.zeros((H,), jnp.float32)
    Wl1 = jax.random.normal(ks[5], (H, H // 2), dtype=jnp.float32) / np.sqrt(H)
    bl1 = jnp.zeros((H // 2,), jnp.float32)
    Wl2 = jax.random.normal(ks[6], (H // 2, C), dtype=jnp.float32) / np.sqrt(H // 2)
    bl2 = jnp.zeros((C,), jnp.float32)
    return {"x": x, "edge_index": edge_index, "W1": W1, "b1": b1, "W2": W2, "b2": b2, "W3": W3, "b3": b3, "Wl1": Wl1, "bl1": bl1, "Wl2": Wl2, "bl2": bl2}


def _gcn_conv(h_in, src, dst, W, b):
    # GCNConv with symmetric normalization and self-loops (loops already in src/dst)
    h = h_in @ W
    n = h_in.shape[0]
    deg = jnp.zeros((n,), h.dtype).at[dst].add(1.0)
    dinv = jax.lax.rsqrt(jnp.clip(deg, 1.0, None))
    norm = dinv[src] * dinv[dst]
    msg = h[src] * norm[:, None]
    out = jnp.zeros_like(h).at[dst].add(msg)
    return out + b


def reference(x, edge_index, W1, b1, W2, b2, W3, b3, Wl1, bl1, Wl2, bl2):
    n = x.shape[0]
    loop = jnp.arange(n, dtype=edge_index.dtype)
    src = jnp.concatenate([edge_index[0], loop])
    dst = jnp.concatenate([edge_index[1], loop])
    h = jax.nn.relu(_gcn_conv(x, src, dst, W1, b1))
    # dropout is identity in eval mode
    h = jax.nn.relu(_gcn_conv(h, src, dst, W2, b2))
    h = jax.nn.relu(_gcn_conv(h, src, dst, W3, b3))
    h = jax.nn.relu(h @ Wl1 + bl1)
    logits = h @ Wl2 + bl2
    return jax.nn.log_softmax(logits, axis=1)

if __name__ == "__main__":
    import jax
    _d = setup_inputs()
    print(jax.jit(kernel)(*tuple(_d.values())))

</pallas_src>

<mosaic_0001>
#map = affine_map<(d0, d1) -> (0, 0)>
#map1 = affine_map<(d0, d1) -> (0, 0, 0)>
module attributes {stable_mosaic.version = 14 : i64} {
  func.func @_edge_kernel(%arg0: i32, %arg1: i32, %arg2: memref<10112x128xf32, #tpu.memory_space<hbm>>, %arg3: memref<32x80x128xi32, #tpu.memory_space<hbm>>, %arg4: memref<32x80x128xi32, #tpu.memory_space<hbm>>, %arg5: memref<10112x128xf32, #tpu.memory_space<hbm>>, %arg6: memref<20224x128xf32, #tpu.memory_space<hbm>>, %arg7: memref<128xi32, #tpu.memory_space<vmem>>, %arg8: memref<128xi32, #tpu.memory_space<vmem>>, %arg9: memref<128xi32, #tpu.memory_space<vmem>>, %arg10: memref<128xi32, #tpu.memory_space<vmem>>, %arg11: memref<128xi32, #tpu.memory_space<vmem>>, %arg12: memref<128xi32, #tpu.memory_space<vmem>>, %arg13: memref<128xi32, #tpu.memory_space<vmem>>, %arg14: memref<128xi32, #tpu.memory_space<vmem>>, %arg15: memref<128x128xf32, #tpu.memory_space<vmem>>, %arg16: memref<128x128xf32, #tpu.memory_space<vmem>>, %arg17: memref<10112x128xf32, #tpu.memory_space<vmem_shared>>, %arg18: memref<4x!tpu.dma_semaphore, #tpu.memory_space<semaphore_mem>>, %arg19: memref<2x!tpu.dma_semaphore, #tpu.memory_space<semaphore_mem>>, %arg20: memref<2x!tpu.dma_semaphore, #tpu.memory_space<semaphore_mem>>) attributes {dimension_semantics = [#tpu.dimension_semantics<core_parallel>, #tpu.dimension_semantics<subcore_parallel>], iteration_bounds = array<i64: 2, 16>, scalar_prefetch = 0 : i64, scratch_operands = 14 : i64, tpu.core_type = #tpu.core_type<sc_vector_subcore>, window_params = [{transform_indices = #map}, {transform_indices = #map1}, {transform_indices = #map1}, {transform_indices = #map}, {transform_indices = #map}]} {
    %mul3A = arith.constant 16 : i32
    %mul3A_0 = arith.muli %arg0, %mul3A : i32
    %add3A = arith.addi %mul3A_0, %arg1 : i32
    %mul3A_1 = arith.constant 632 : i32
    %mul3A_2 = arith.muli %arg1, %mul3A_1 : i32
    %mul3A_3 = arith.constant 632 : i32
    %mul3A_4 = arith.muli %arg1, %mul3A_3 : i32
    "tpu.region"() ({
      %run_scoped3A = tpu.sem_alloc : memref<!tpu.dma_semaphore, #tpu.memory_space<semaphore_mem>>
      %dma_start3A_108 = arith.constant 0 : i32
      %dma_start3A_109 = tpu.memref_slice %arg17[%mul3A_4, %dma_start3A_108] : memref<10112x128xf32, #tpu.memory_space<vmem_shared>> -> memref<632x128xf32, #tpu.memory_space<vmem_shared>>
      %dma_start3A_110 = arith.constant 0 : i32
      %dma_start3A_111 = tpu.memref_slice %arg5[%mul3A_2, %dma_start3A_110] : memref<10112x128xf32, #tpu.memory_space<hbm>> -> memref<632x128xf32, #tpu.memory_space<hbm>>
      tpu.enqueue_dma source(%dma_start3A_111 : memref<632x128xf32, #tpu.memory_space<hbm>>) target(%dma_start3A_109 : memref<632x128xf32, #tpu.memory_space<vmem_shared>>) target_semaphore(%run_scoped3A : memref<!tpu.dma_semaphore, #tpu.memory_space<semaphore_mem>>)
      %dma_wait3A_112 = arith.constant 0 : i32
      %dma_wait3A_113 = tpu.memref_slice %arg17[%mul3A_4, %dma_wait3A_112] : memref<10112x128xf32, #tpu.memory_space<vmem_shared>> -> memref<632x128xf32, #tpu.memory_space<vmem_shared>>
      %dma_wait3A_114 = arith.constant 0 : i32
      %dma_wait3A_115 = tpu.memref_slice %arg5[%mul3A_2, %dma_wait3A_114] : memref<10112x128xf32, #tpu.memory_space<hbm>> -> memref<632x128xf32, #tpu.memory_space<hbm>>
      tpu.wait_dma2 semaphore(%run_scoped3A : memref<!tpu.dma_semaphore, #tpu.memory_space<semaphore_mem>>) src(%dma_wait3A_115 : memref<632x128xf32, #tpu.memory_space<hbm>>) dst(%dma_wait3A_113 : memref<632x128xf32, #tpu.memory_space<vmem_shared>>)
      tpu.yield
    }) : () -> ()
    %dma_start3A = arith.constant 0 : i32
    %dma_start3A_5 = arith.constant 0 : i32
    %dma_start3A_6 = arith.constant 0 : i32
    %dma_start3A_7 = tpu.memref_slice %arg3[%add3A, %dma_start3A, %dma_start3A_6] : memref<32x80x128xi32, #tpu.memory_space<hbm>> -> memref<1x1x128xi32, #tpu.memory_space<hbm>>
    %dma_start3A_8 = tpu.memref_squeeze %dma_start3A_7 : memref<1x1x128xi32, #tpu.memory_space<hbm>> -> memref<128xi32, #tpu.memory_space<hbm>>
    %dma_start3A_9 = tpu.memref_slice %arg18[%dma_start3A_5] : memref<4x!tpu.dma_semaphore, #tpu.memory_space<semaphore_mem>> -> memref<1x!tpu.dma_semaphore, #tpu.memory_space<semaphore_mem>>
    %dma_start3A_10 = tpu.memref_squeeze %dma_start3A_9 : memref<1x!tpu.dma_semaphore, #tpu.memory_space<semaphore_mem>> -> memref<!tpu.dma_semaphore, #tpu.memory_space<semaphore_mem>>
    %dma_start3A_11 = arith.constant 0 : i32
    %dma_start3A_12 = tpu.memref_slice %arg3[%add3A, %dma_start3A, %dma_start3A_11] : memref<32x80x128xi32, #tpu.memory_space<hbm>> -> memref<1x1x128xi32, #tpu.memory_space<hbm>>
    %dma_start3A_13 = tpu.memref_squeeze %dma_start3A_12 : memref<1x1x128xi32, #tpu.memory_space<hbm>> -> memref<128xi32, #tpu.memory_space<hbm>>
    tpu.enqueue_dma source(%dma_start3A_13 : memref<128xi32, #tpu.memory_space<hbm>>) target(%arg7 : memref<128xi32, #tpu.memory_space<vmem>>) target_semaphore(%dma_start3A_10 : memref<!tpu.dma_semaphore, #tpu.memory_space<semaphore_mem>>)
    %dma_start3A_14 = arith.constant 0 : i32
    %dma_start3A_15 = arith.constant 0 : i32
    %dma_start3A_16 = arith.constant 0 : i32
    %dma_start3A_17 = tpu.memref_slice %arg4[%add3A, %dma_start3A_14, %dma_start3A_16] : memref<32x80x128xi32, #tpu.memory_space<hbm>> -> memref<1x1x128xi32, #tpu.memory_space<hbm>>
    %dma_start3A_18 = tpu.memref_squeeze %dma_start3A_17 : memref<1x1x128xi32, #tpu.memory_space<hbm>> -> memref<128xi32, #tpu.memory_space<hbm>>
    %dma_start3A_19 = tpu.memref_slice %arg18[%dma_start3A_15] : memref<4x!tpu.dma_semaphore, #tpu.memory_space<semaphore_mem>> -> memref<1x!tpu.dma_semaphore, #tpu.memory_space<semaphore_mem>>
    %dma_start3A_20 = tpu.memref_squeeze %dma_start3A_19 : memref<1x!tpu.dma_semaphore, #tpu.memory_space<semaphore_mem>> -> memref<!tpu.dma_semaphore, #tpu.memory_space<semaphore_mem>>
    %dma_start3A_21 = arith.constant 0 : i32
    %dma_start3A_22 = tpu.memref_slice %arg4[%add3A, %dma_start3A_14, %dma_start3A_21] : memref<32x80x128xi32, #tpu.memory_space<hbm>> -> memref<1x1x128xi32, #tpu.memory_space<hbm>>
    %dma_start3A_23 = tpu.memref_squeeze %dma_start3A_22 : memref<1x1x128xi32, #tpu.memory_space<hbm>> -> memref<128xi32, #tpu.memory_space<hbm>>
    tpu.enqueue_dma source(%dma_start3A_23 : memref<128xi32, #tpu.memory_space<hbm>>) target(%arg11 : memref<128xi32, #tpu.memory_space<vmem>>) target_semaphore(%dma_start3A_20 : memref<!tpu.dma_semaphore, #tpu.memory_space<semaphore_mem>>)
    %dma_start3A_24 = arith.constant 1 : i32
    %dma_start3A_25 = arith.constant 1 : i32
    %dma_start3A_26 = arith.constant 0 : i32
    %dma_start3A_27 = tpu.memref_slice %arg3[%add3A, %dma_start3A_24, %dma_start3A_26] : memref<32x80x128xi32, #tpu.memory_space<hbm>> -> memref<1x1x128xi32, #tpu.memory_space<hbm>>
    %dma_start3A_28 = tpu.memref_squeeze %dma_start3A_27 : memref<1x1x128xi32, #tpu.memory_space<hbm>> -> memref<128xi32, #tpu.memory_space<hbm>>
    %dma_start3A_29 = tpu.memref_slice %arg18[%dma_start3A_25] : memref<4x!tpu.dma_semaphore, #tpu.memory_space<semaphore_mem>> -> memref<1x!tpu.dma_semaphore, #tpu.memory_space<semaphore_mem>>
    %dma_start3A_30 = tpu.memref_squeeze %dma_start3A_29 : memref<1x!tpu.dma_semaphore, #tpu.memory_space<semaphore_mem>> -> memref<!tpu.dma_semaphore, #tpu.memory_space<semaphore_mem>>
    %dma_start3A_31 = arith.constant 0 : i32
    %dma_start3A_32 = tpu.memref_slice %arg3[%add3A, %dma_start3A_24, %dma_start3A_31] : memref<32x80x128xi32, #tpu.memory_space<hbm>> -> memref<1x1x128xi32, #tpu.memory_space<hbm>>
    %dma_start3A_33 = tpu.memref_squeeze %dma_start3A_32 : memref<1x1x128xi32, #tpu.memory_space<hbm>> -> memref<128xi32, #tpu.memory_space<hbm>>
    tpu.enqueue_dma source(%dma_start3A_33 : memref<128xi32, #tpu.memory_space<hbm>>) target(%arg8 : memref<128xi32, #tpu.memory_space<vmem>>) target_semaphore(%dma_start3A_30 : memref<!tpu.dma_semaphore, #tpu.memory_space<semaphore_mem>>)
    %dma_start3A_34 = arith.constant 1 : i32
    %dma_start3A_35 = arith.constant 1 : i32
    %dma_start3A_36 = arith.constant 0 : i32
    %dma_start3A_37 = tpu.memref_slice %arg4[%add3A, %dma_start3A_34, %dma_start3A_36] : memref<32x80x128xi32, #tpu.memory_space<hbm>> -> memref<1x1x128xi32, #tpu.memory_space<hbm>>
    %dma_start3A_38 = tpu.memref_squeeze %dma_start3A_37 : memref<1x1x128xi32, #tpu.memory_space<hbm>> -> memref<128xi32, #tpu.memory_space<hbm>>
    %dma_start3A_39 = tpu.memref_slice %arg18[%dma_start3A_35] : memref<4x!tpu.dma_semaphore, #tpu.memory_space<semaphore_mem>> -> memref<1x!tpu.dma_semaphore, #tpu.memory_space<semaphore_mem>>
    %dma_start3A_40 = tpu.memref_squeeze %dma_start3A_39 : memref<1x!tpu.dma_semaphore, #tpu.memory_space<semaphore_mem>> -> memref<!tpu.dma_semaphore, #tpu.memory_space<semaphore_mem>>
    %dma_start3A_41 = arith.constant 0 : i32
    %dma_start3A_42 = tpu.memref_slice %arg4[%add3A, %dma_start3A_34, %dma_start3A_41] : memref<32x80x128xi32, #tpu.memory_space<hbm>> -> memref<1x1x128xi32, #tpu.memory_space<hbm>>
    %dma_start3A_43 = tpu.memref_squeeze %dma_start3A_42 : memref<1x1x128xi32, #tpu.memory_space<hbm>> -> memref<128xi32, #tpu.memory_space<hbm>>
    tpu.enqueue_dma source(%dma_start3A_43 : memref<128xi32, #tpu.memory_space<hbm>>) target(%arg12 : memref<128xi32, #tpu.memory_space<vmem>>) target_semaphore(%dma_start3A_40 : memref<!tpu.dma_semaphore, #tpu.memory_space<semaphore_mem>>)
    %dma_start3A_44 = arith.constant 2 : i32
    %dma_start3A_45 = arith.constant 2 : i32
    %dma_start3A_46 = arith.constant 0 : i32
    %dma_start3A_47 = tpu.memref_slice %arg3[%add3A, %dma_start3A_44, %dma_start3A_46] : memref<32x80x128xi32, #tpu.memory_space<hbm>> -> memref<1x1x128xi32, #tpu.memory_space<hbm>>
    %dma_start3A_48 = tpu.memref_squeeze %dma_start3A_47 : memref<1x1x128xi32, #tpu.memory_space<hbm>> -> memref<128xi32, #tpu.memory_space<hbm>>
    %dma_start3A_49 = tpu.memref_slice %arg18[%dma_start3A_45] : memref<4x!tpu.dma_semaphore, #tpu.memory_space<semaphore_mem>> -> memref<1x!tpu.dma_semaphore, #tpu.memory_space<semaphore_mem>>
    %dma_start3A_50 = tpu.memref_squeeze %dma_start3A_49 : memref<1x!tpu.dma_semaphore, #tpu.memory_space<semaphore_mem>> -> memref<!tpu.dma_semaphore, #tpu.memory_space<semaphore_mem>>
    %dma_start3A_51 = arith.constant 0 : i32
    %dma_start3A_52 = tpu.memref_slice %arg3[%add3A, %dma_start3A_44, %dma_start3A_51] : memref<32x80x128xi32, #tpu.memory_space<hbm>> -> memref<1x1x128xi32, #tpu.memory_space<hbm>>
    %dma_start3A_53 = tpu.memref_squeeze %dma_start3A_52 : memref<1x1x128xi32, #tpu.memory_space<hbm>> -> memref<128xi32, #tpu.memory_space<hbm>>
    tpu.enqueue_dma source(%dma_start3A_53 : memref<128xi32, #tpu.memory_space<hbm>>) target(%arg9 : memref<128xi32, #tpu.memory_space<vmem>>) target_semaphore(%dma_start3A_50 : memref<!tpu.dma_semaphore, #tpu.memory_space<semaphore_mem>>)
    %dma_start3A_54 = arith.constant 2 : i32
    %dma_start3A_55 = arith.constant 2 : i32
    %dma_start3A_56 = arith.constant 0 : i32
    %dma_start3A_57 = tpu.memref_slice %arg4[%add3A, %dma_start3A_54, %dma_start3A_56] : memref<32x80x128xi32, #tpu.memory_space<hbm>> -> memref<1x1x128xi32, #tpu.memory_space<hbm>>
    %dma_start3A_58 = tpu.memref_squeeze %dma_start3A_57 : memref<1x1x128xi32, #tpu.memory_space<hbm>> -> memref<128xi32, #tpu.memory_space<hbm>>
    %dma_start3A_59 = tpu.memref_slice %arg18[%dma_start3A_55] : memref<4x!tpu.dma_semaphore, #tpu.memory_space<semaphore_mem>> -> memref<1x!tpu.dma_semaphore, #tpu.memory_space<semaphore_mem>>
    %dma_start3A_60 = tpu.memref_squeeze %dma_start3A_59 : memref<1x!tpu.dma_semaphore, #tpu.memory_space<semaphore_mem>> -> memref<!tpu.dma_semaphore, #tpu.memory_space<semaphore_mem>>
    %dma_start3A_61 = arith.constant 0 : i32
    %dma_start3A_62 = tpu.memref_slice %arg4[%add3A, %dma_start3A_54, %dma_start3A_61] : memref<32x80x128xi32, #tpu.memory_space<hbm>> -> memref<1x1x128xi32, #tpu.memory_space<hbm>>
    %dma_start3A_63 = tpu.memref_squeeze %dma_start3A_62 : memref<1x1x128xi32, #tpu.memory_space<hbm>> -> memref<128xi32, #tpu.memory_space<hbm>>
    tpu.enqueue_dma source(%dma_start3A_63 : memref<128xi32, #tpu.memory_space<hbm>>) target(%arg13 : memref<128xi32, #tpu.memory_space<vmem>>) target_semaphore(%dma_start3A_60 : memref<!tpu.dma_semaphore, #tpu.memory_space<semaphore_mem>>)
    %barrier3A = arith.constant 0 : index
    tpu.barrier barrier_id(%barrier3A)
    %dma_wait3A = arith.constant 0 : i32
    %dma_wait3A_64 = arith.constant 0 : i32
    %dma_wait3A_65 = arith.constant 0 : i32
    %dma_wait3A_66 = tpu.memref_slice %arg3[%add3A, %dma_wait3A, %dma_wait3A_65] : memref<32x80x128xi32, #tpu.memory_space<hbm>> -> memref<1x1x128xi32, #tpu.memory_space<hbm>>
    %dma_wait3A_67 = tpu.memref_squeeze %dma_wait3A_66 : memref<1x1x128xi32, #tpu.memory_space<hbm>> -> memref<128xi32, #tpu.memory_space<hbm>>
    %dma_wait3A_68 = tpu.memref_slice %arg18[%dma_wait3A_64] : memref<4x!tpu.dma_semaphore, #tpu.memory_space<semaphore_mem>> -> memref<1x!tpu.dma_semaphore, #tpu.memory_space<semaphore_mem>>
    %dma_wait3A_69 = tpu.memref_squeeze %dma_wait3A_68 : memref<1x!tpu.dma_semaphore, #tpu.memory_space<semaphore_mem>> -> memref<!tpu.dma_semaphore, #tpu.memory_space<semaphore_mem>>
    %dma_wait3A_70 = arith.constant 0 : i32
    %dma_wait3A_71 = tpu.memref_slice %arg3[%add3A, %dma_wait3A, %dma_wait3A_70] : memref<32x80x128xi32, #tpu.memory_space<hbm>> -> memref<1x1x128xi32, #tpu.memory_space<hbm>>
    %dma_wait3A_72 = tpu.memref_squeeze %dma_wait3A_71 : memref<1x1x128xi32, #tpu.memory_space<hbm>> -> memref<128xi32, #tpu.memory_space<hbm>>
    tpu.wait_dma2 semaphore(%dma_wait3A_69 : memref<!tpu.dma_semaphore, #tpu.memory_space<semaphore_mem>>) src(%dma_wait3A_72 : memref<128xi32, #tpu.memory_space<hbm>>) dst(%arg7 : memref<128xi32, #tpu.memory_space<vmem>>)
    %dma_wait3A_73 = arith.constant 0 : i32
    %dma_wait3A_74 = arith.constant 0 : i32
    %dma_wait3A_75 = arith.constant 0 : i32
    %dma_wait3A_76 = tpu.memref_slice %arg4[%add3A, %dma_wait3A_73, %dma_wait3A_75] : memref<32x80x128xi32, #tpu.memory_space<hbm>> -> memref<1x1x128xi32, #tpu.memory_space<hbm>>
    %dma_wait3A_77 = tpu.memref_squeeze %dma_wait3A_76 : memref<1x1x128xi32, #tpu.memory_space<hbm>> -> memref<128xi32, #tpu.memory_space<hbm>>
    %dma_wait3A_78 = tpu.memref_slice %arg18[%dma_wait3A_74] : memref<4x!tpu.dma_semaphore, #tpu.memory_space<semaphore_mem>> -> memref<1x!tpu.dma_semaphore, #tpu.memory_space<semaphore_mem>>
    %dma_wait3A_79 = tpu.memref_squeeze %dma_wait3A_78 : memref<1x!tpu.dma_semaphore, #tpu.memory_space<semaphore_mem>> -> memref<!tpu.dma_semaphore, #tpu.memory_space<semaphore_mem>>
    %dma_wait3A_80 = arith.constant 0 : i32
    %dma_wait3A_81 = tpu.memref_slice %arg4[%add3A, %dma_wait3A_73, %dma_wait3A_80] : memref<32x80x128xi32, #tpu.memory_space<hbm>> -> memref<1x1x128xi32, #tpu.memory_space<hbm>>
    %dma_wait3A_82 = tpu.memref_squeeze %dma_wait3A_81 : memref<1x1x128xi32, #tpu.memory_space<hbm>> -> memref<128xi32, #tpu.memory_space<hbm>>
    tpu.wait_dma2 semaphore(%dma_wait3A_79 : memref<!tpu.dma_semaphore, #tpu.memory_space<semaphore_mem>>) src(%dma_wait3A_82 : memref<128xi32, #tpu.memory_space<hbm>>) dst(%arg11 : memref<128xi32, #tpu.memory_space<vmem>>)
    %dma_start3A_83 = arith.constant 0 : i32
    %dma_start3A_84 = arith.constant 0 : i32
    %dma_start3A_85 = arith.constant 0 : i32
    %dma_start3A_86 = tpu.memref_slice %arg2[%dma_start3A_84, %dma_start3A_85] : memref<10112x128xf32, #tpu.memory_space<hbm>> -> memref<10112x128xf32, #tpu.memory_space<hbm>>
    %dma_start3A_87 = tpu.memref_slice %arg19[%dma_start3A_83] : memref<2x!tpu.dma_semaphore, #tpu.memory_space<semaphore_mem>> -> memref<1x!tpu.dma_semaphore, #tpu.memory_space<semaphore_mem>>
    %dma_start3A_88 = tpu.memref_squeeze %dma_start3A_87 : memref<1x!tpu.dma_semaphore, #tpu.memory_space<semaphore_mem>> -> memref<!tpu.dma_semaphore, #tpu.memory_space<semaphore_mem>>
    tpu.enqueue_indirect_dma source(%dma_start3A_86 : memref<10112x128xf32, #tpu.memory_space<hbm>>) target(%arg15 : memref<128x128xf32, #tpu.memory_space<vmem>>) offsets(%arg7 : memref<128xi32, #tpu.memory_space<vmem>>) semaphore(%dma_start3A_88 : memref<!tpu.dma_semaphore, #tpu.memory_space<semaphore_mem>>)
    %scan3A = arith.constant 0 : i32
    %scan3A_89 = arith.constant 0 : i32
    %scan3A_90 = arith.constant 20 : i32
    %scan3A_91 = arith.addi %scan3A_89, %scan3A_90 : i32
    %scan3A_92 = arith.constant 1 : i32
    scf.for %scan3A_108 = %scan3A_89 to %scan3A_91 step %scan3A_92  : i32 {
      %mul3A_109 = arith.constant 4 : i32
      %mul3A_110 = arith.muli %scan3A_108, %mul3A_109 : i32
      %add3A_111 = arith.constant 0 : i32
      %add3A_112 = arith.addi %mul3A_110, %add3A_111 : i32
      %ge3A = arith.constant 1 : i32
      %ge3A_113 = arith.cmpi sge, %add3A_112, %ge3A : i32
      %convert_element_type3A = arith.extui %ge3A_113 : i1 to i32
      %cond3A = arith.constant 0 : i32
      %cond3A_114 = arith.cmpi ne, %convert_element_type3A, %cond3A : i32
      scf.if %cond3A_114 {
        %dma_wait3A_273 = arith.constant 1 : i32
        %dma_wait3A_274 = arith.constant 0 : i32
        %dma_wait3A_275 = arith.constant 0 : i32
        %dma_wait3A_276 = tpu.memref_slice %arg17[%dma_wait3A_274, %dma_wait3A_275] : memref<10112x128xf32, #tpu.memory_space<vmem_shared>> -> memref<10112x128xf32, #tpu.memory_space<vmem_shared>>
        %dma_wait3A_277 = tpu.memref_slice %arg20[%dma_wait3A_273] : memref<2x!tpu.dma_semaphore, #tpu.memory_space<semaphore_mem>> -> memref<1x!tpu.dma_semaphore, #tpu.memory_space<semaphore_mem>>
        %dma_wait3A_278 = tpu.memref_squeeze %dma_wait3A_277 : memref<1x!tpu.dma_semaphore, #tpu.memory_space<semaphore_mem>> -> memref<!tpu.dma_semaphore, #tpu.memory_space<semaphore_mem>>
        tpu.wait_indirect_dma semaphore(%dma_wait3A_278 : memref<!tpu.dma_semaphore, #tpu.memory_space<semaphore_mem>>) src(%arg16 : memref<128x128xf32, #tpu.memory_space<vmem>>) dst(%dma_wait3A_276 : memref<10112x128xf32, #tpu.memory_space<vmem_shared>>)
      } else {
      }
      %add3A_115 = arith.constant 1 : i32
      %add3A_116 = arith.addi %add3A_112, %add3A_115 : i32
      %lt3A = arith.constant 80 : i32
      %lt3A_117 = arith.cmpi slt, %add3A_116, %lt3A : i32
      %convert_element_type3A_118 = arith.extui %lt3A_117 : i1 to i32
      %cond3A_119 = arith.constant 0 : i32
      %cond3A_120 = arith.cmpi ne, %convert_element_type3A_118, %cond3A_119 : i32
      scf.if %cond3A_120 {
        %dma_wait3A_273 = arith.constant 0 : i32
        %dma_wait3A_274 = arith.constant 1 : i32
        %dma_wait3A_275 = arith.constant 0 : i32
        %dma_wait3A_276 = tpu.memref_slice %arg3[%add3A, %dma_wait3A_273, %dma_wait3A_275] : memref<32x80x128xi32, #tpu.memory_space<hbm>> -> memref<1x1x128xi32, #tpu.memory_space<hbm>>
        %dma_wait3A_277 = tpu.memref_squeeze %dma_wait3A_276 : memref<1x1x128xi32, #tpu.memory_space<hbm>> -> memref<128xi32, #tpu.memory_space<hbm>>
        %dma_wait3A_278 = tpu.memref_slice %arg18[%dma_wait3A_274] : memref<4x!tpu.dma_semaphore, #tpu.memory_space<semaphore_mem>> -> memref<1x!tpu.dma_semaphore, #tpu.memory_space<semaphore_mem>>
        %dma_wait3A_279 = tpu.memref_squeeze %dma_wait3A_278 : memref<1x!tpu.dma_semaphore, #tpu.memory_space<semaphore_mem>> -> memref<!tpu.dma_semaphore, #tpu.memory_space<semaphore_mem>>
        %dma_wait3A_280 = arith.constant 0 : i32
        %dma_wait3A_281 = tpu.memref_slice %arg3[%add3A, %dma_wait3A_273, %dma_wait3A_280] : memref<32x80x128xi32, #tpu.memory_space<hbm>> -> memref<1x1x128xi32, #tpu.memory_space<hbm>>
        %dma_wait3A_282 = tpu.memref_squeeze %dma_wait3A_281 : memref<1x1x128xi32, #tpu.memory_space<hbm>> -> memref<128xi32, #tpu.memory_space<hbm>>
        tpu.wait_dma2 semaphore(%dma_wait3A_279 : memref<!tpu.dma_semaphore, #tpu.memory_space<semaphore_mem>>) src(%dma_wait3A_282 : memref<128xi32, #tpu.memory_space<hbm>>) dst(%arg8 : memref<128xi32, #tpu.memory_space<vmem>>)
        %dma_wait3A_283 = arith.constant 0 : i32
        %dma_wait3A_284 = arith.constant 1 : i32
        %dma_wait3A_285 = arith.constant 0 : i32
        %dma_wait3A_286 = tpu.memref_slice %arg4[%add3A, %dma_wait3A_283, %dma_wait3A_285] : memref<32x80x128xi32, #tpu.memory_space<hbm>> -> memref<1x1x128xi32, #tpu.memory_space<hbm>>
        %dma_wait3A_287 = tpu.memref_squeeze %dma_wait3A_286 : memref<1x1x128xi32, #tpu.memory_space<hbm>> -> memref<128xi32, #tpu.memory_space<hbm>>
        %dma_wait3A_288 = tpu.memref_slice %arg18[%dma_wait3A_284] : memref<4x!tpu.dma_semaphore, #tpu.memory_space<semaphore_mem>> -> memref<1x!tpu.dma_semaphore, #tpu.memory_space<semaphore_mem>>
        %dma_wait3A_289 = tpu.memref_squeeze %dma_wait3A_288 : memref<1x!tpu.dma_semaphore, #tpu.memory_space<semaphore_mem>> -> memref<!tpu.dma_semaphore, #tpu.memory_space<semaphore_mem>>
        %dma_wait3A_290 = arith.constant 0 : i32
        %dma_wait3A_291 = tpu.memref_slice %arg4[%add3A, %dma_wait3A_283, %dma_wait3A_290] : memref<32x80x128xi32, #tpu.memory_space<hbm>> -> memref<1x1x128xi32, #tpu.memory_space<hbm>>
        %dma_wait3A_292 = tpu.memref_squeeze %dma_wait3A_291 : memref<1x1x128xi32, #tpu.memory_space<hbm>> -> memref<128xi32, #tpu.memory_space<hbm>>
        tpu.wait_dma2 semaphore(%dma_wait3A_289 : memref<!tpu.dma_semaphore, #tpu.memory_space<semaphore_mem>>) src(%dma_wait3A_292 : memref<128xi32, #tpu.memory_space<hbm>>) dst(%arg12 : memref<128xi32, #tpu.memory_space<vmem>>)
      } else {
      }
      %add3A_121 = arith.constant 1 : i32
      %add3A_122 = arith.addi %add3A_112, %add3A_121 : i32
      %lt3A_123 = arith.constant 80 : i32
      %lt3A_124 = arith.cmpi slt, %add3A_122, %lt3A_123 : i32
      %convert_element_type3A_125 = arith.extui %lt3A_124 : i1 to i32
      %cond3A_126 = arith.constant 0 : i32
      %cond3A_127 = arith.cmpi ne, %convert_element_type3A_125, %cond3A_126 : i32
      scf.if %cond3A_127 {
        %dma_start3A_273 = arith.constant 1 : i32
        %dma_start3A_274 = arith.constant 0 : i32
        %dma_start3A_275 = arith.constant 0 : i32
        %dma_start3A_276 = tpu.memref_slice %arg2[%dma_start3A_274, %dma_start3A_275] : memref<10112x128xf32, #tpu.memory_space<hbm>> -> memref<10112x128xf32, #tpu.memory_space<hbm>>
        %dma_start3A_277 = tpu.memref_slice %arg19[%dma_start3A_273] : memref<2x!tpu.dma_semaphore, #tpu.memory_space<semaphore_mem>> -> memref<1x!tpu.dma_semaphore, #tpu.memory_space<semaphore_mem>>
        %dma_start3A_278 = tpu.memref_squeeze %dma_start3A_277 : memref<1x!tpu.dma_semaphore, #tpu.memory_space<semaphore_mem>> -> memref<!tpu.dma_semaphore, #tpu.memory_space<semaphore_mem>>
        tpu.enqueue_indirect_dma source(%dma_start3A_276 : memref<10112x128xf32, #tpu.memory_space<hbm>>) target(%arg16 : memref<128x128xf32, #tpu.memory_space<vmem>>) offsets(%arg8 : memref<128xi32, #tpu.memory_space<vmem>>) semaphore(%dma_start3A_278 : memref<!tpu.dma_semaphore, #tpu.memory_space<semaphore_mem>>)
      } else {
      }
      %add3A_128 = arith.constant 3 : i32
      %add3A_129 = arith.addi %add3A_112, %add3A_128 : i32
      %lt3A_130 = arith.constant 80 : i32
      %lt3A_131 = arith.cmpi slt, %add3A_129, %lt3A_130 : i32
      %convert_element_type3A_132 = arith.extui %lt3A_131 : i1 to i32
      %cond3A_133 = arith.constant 0 : i32
      %cond3A_134 = arith.cmpi ne, %convert_element_type3A_132, %cond3A_133 : i32
      scf.if %cond3A_134 {
        %add3A_273 = arith.constant 3 : i32
        %add3A_274 = arith.addi %add3A_112, %add3A_273 : i32
        %dma_start3A_275 = arith.constant 3 : i32
        %dma_start3A_276 = arith.constant 0 : i32
        %dma_start3A_277 = tpu.memref_slice %arg3[%add3A, %add3A_274, %dma_start3A_276] : memref<32x80x128xi32, #tpu.memory_space<hbm>> -> memref<1x1x128xi32, #tpu.memory_space<hbm>>
        %dma_start3A_278 = tpu.memref_squeeze %dma_start3A_277 : memref<1x1x128xi32, #tpu.memory_space<hbm>> -> memref<128xi32, #tpu.memory_space<hbm>>
        %dma_start3A_279 = tpu.memref_slice %arg18[%dma_start3A_275] : memref<4x!tpu.dma_semaphore, #tpu.memory_space<semaphore_mem>> -> memref<1x!tpu.dma_semaphore, #tpu.memory_space<semaphore_mem>>
        %dma_start3A_280 = tpu.memref_squeeze %dma_start3A_279 : memref<1x!tpu.dma_semaphore, #tpu.memory_space<semaphore_mem>> -> memref<!tpu.dma_semaphore, #tpu.memory_space<semaphore_mem>>
        %dma_start3A_281 = arith.constant 0 : i32
        %dma_start3A_282 = tpu.memref_slice %arg3[%add3A, %add3A_274, %dma_start3A_281] : memref<32x80x128xi32, #tpu.memory_space<hbm>> -> memref<1x1x128xi32, #tpu.memory_space<hbm>>
        %dma_start3A_283 = tpu.memref_squeeze %dma_start3A_282 : memref<1x1x128xi32, #tpu.memory_space<hbm>> -> memref<128xi32, #tpu.memory_space<hbm>>
        tpu.enqueue_dma source(%dma_start3A_283 : memref<128xi32, #tpu.memory_space<hbm>>) target(%arg10 : memref<128xi32, #tpu.memory_space<vmem>>) target_semaphore(%dma_start3A_280 : memref<!tpu.dma_semaphore, #tpu.memory_space<semaphore_mem>>)
        %add3A_284 = arith.constant 3 : i32
        %add3A_285 = arith.addi %add3A_112, %add3A_284 : i32
        %dma_start3A_286 = arith.constant 3 : i32
        %dma_start3A_287 = arith.constant 0 : i32
        %dma_start3A_288 = tpu.memref_slice %arg4[%add3A, %add3A_285, %dma_start3A_287] : memref<32x80x128xi32, #tpu.memory_space<hbm>> -> memref<1x1x128xi32, #tpu.memory_space<hbm>>
        %dma_start3A_289 = tpu.memref_squeeze %dma_start3A_288 : memref<1x1x128xi32, #tpu.memory_space<hbm>> -> memref<128xi32, #tpu.memory_space<hbm>>
        %dma_start3A_290 = tpu.memref_slice %arg18[%dma_start3A_286] : memref<4x!tpu.dma_semaphore, #tpu.memory_space<semaphore_mem>> -> memref<1x!tpu.dma_semaphore, #tpu.memory_space<semaphore_mem>>
        %dma_start3A_291 = tpu.memref_squeeze %dma_start3A_290 : memref<1x!tpu.dma_semaphore, #tpu.memory_space<semaphore_mem>> -> memref<!tpu.dma_semaphore, #tpu.memory_space<semaphore_mem>>
        %dma_start3A_292 = arith.constant 0 : i32
        %dma_start3A_293 = tpu.memref_slice %arg4[%add3A, %add3A_285, %dma_start3A_292] : memref<32x80x128xi32, #tpu.memory_space<hbm>> -> memref<1x1x128xi32, #tpu.memory_space<hbm>>
        %dma_start3A_294 = tpu.memref_squeeze %dma_start3A_293 : memref<1x1x128xi32, #tpu.memory_space<hbm>> -> memref<128xi32, #tpu.memory_space<hbm>>
        tpu.enqueue_dma source(%dma_start3A_294 : memref<128xi32, #tpu.memory_space<hbm>>) target(%arg14 : memref<128xi32, #tpu.memory_space<vmem>>) target_semaphore(%dma_start3A_291 : memref<!tpu.dma_semaphore, #tpu.memory_space<semaphore_mem>>)
      } else {
      }
      %dma_wait3A_135 = arith.constant 0 : i32
      %dma_wait3A_136 = arith.constant 0 : i32
      %dma_wait3A_137 = arith.constant 0 : i32
      %dma_wait3A_138 = tpu.memref_slice %arg2[%dma_wait3A_136, %dma_wait3A_137] : memref<10112x128xf32, #tpu.memory_space<hbm>> -> memref<10112x128xf32, #tpu.memory_space<hbm>>
      %dma_wait3A_139 = tpu.memref_slice %arg19[%dma_wait3A_135] : memref<2x!tpu.dma_semaphore, #tpu.memory_space<semaphore_mem>> -> memref<1x!tpu.dma_semaphore, #tpu.memory_space<semaphore_mem>>
      %dma_wait3A_140 = tpu.memref_squeeze %dma_wait3A_139 : memref<1x!tpu.dma_semaphore, #tpu.memory_space<semaphore_mem>> -> memref<!tpu.dma_semaphore, #tpu.memory_space<semaphore_mem>>
      tpu.wait_indirect_dma semaphore(%dma_wait3A_140 : memref<!tpu.dma_semaphore, #tpu.memory_space<semaphore_mem>>) src(%dma_wait3A_138 : memref<10112x128xf32, #tpu.memory_space<hbm>>) dst(%arg15 : memref<128x128xf32, #tpu.memory_space<vmem>>)
      %dma_start3A_141 = arith.constant 0 : i32
      %dma_start3A_142 = arith.constant 0 : i32
      %dma_start3A_143 = arith.constant 0 : i32
      %dma_start3A_144 = tpu.memref_slice %arg17[%dma_start3A_142, %dma_start3A_143] : memref<10112x128xf32, #tpu.memory_space<vmem_shared>> -> memref<10112x128xf32, #tpu.memory_space<vmem_shared>>
      %dma_start3A_145 = tpu.memref_slice %arg20[%dma_start3A_141] : memref<2x!tpu.dma_semaphore, #tpu.memory_space<semaphore_mem>> -> memref<1x!tpu.dma_semaphore, #tpu.memory_space<semaphore_mem>>
      %dma_start3A_146 = tpu.memref_squeeze %dma_start3A_145 : memref<1x!tpu.dma_semaphore, #tpu.memory_space<semaphore_mem>> -> memref<!tpu.dma_semaphore, #tpu.memory_space<semaphore_mem>>
      tpu.enqueue_indirect_dma source(%arg15 : memref<128x128xf32, #tpu.memory_space<vmem>>) target(%dma_start3A_144 : memref<10112x128xf32, #tpu.memory_space<vmem_shared>>) offsets(%arg11 : memref<128xi32, #tpu.memory_space<vmem>>) semaphore(%dma_start3A_146 : memref<!tpu.dma_semaphore, #tpu.memory_space<semaphore_mem>>) {add = true}
      %mul3A_147 = arith.constant 4 : i32
      %mul3A_148 = arith.muli %scan3A_108, %mul3A_147 : i32
      %add3A_149 = arith.constant 1 : i32
      %add3A_150 = arith.addi %mul3A_148, %add3A_149 : i32
      %ge3A_151 = arith.constant 1 : i32
      %ge3A_152 = arith.cmpi sge, %add3A_150, %ge3A_151 : i32
      %convert_element_type3A_153 = arith.extui %ge3A_152 : i1 to i32
      %cond3A_154 = arith.constant 0 : i32
      %cond3A_155 = arith.cmpi ne, %convert_element_type3A_153, %cond3A_154 : i32
      scf.if %cond3A_155 {
        %dma_wait3A_273 = arith.constant 0 : i32
        %dma_wait3A_274 = arith.constant 0 : i32
        %dma_wait3A_275 = arith.constant 0 : i32
        %dma_wait3A_276 = tpu.memref_slice %arg17[%dma_wait3A_274, %dma_wait3A_275] : memref<10112x128xf32, #tpu.memory_space<vmem_shared>> -> memref<10112x128xf32, #tpu.memory_space<vmem_shared>>
        %dma_wait3A_277 = tpu.memref_slice %arg20[%dma_wait3A_273] : memref<2x!tpu.dma_semaphore, #tpu.memory_space<semaphore_mem>> -> memref<1x!tpu.dma_semaphore, #tpu.memory_space<semaphore_mem>>
        %dma_wait3A_278 = tpu.memref_squeeze %dma_wait3A_277 : memref<1x!tpu.dma_semaphore, #tpu.memory_space<semaphore_mem>> -> memref<!tpu.dma_semaphore, #tpu.memory_space<semaphore_mem>>
        tpu.wait_indirect_dma semaphore(%dma_wait3A_278 : memref<!tpu.dma_semaphore, #tpu.memory_space<semaphore_mem>>) src(%arg15 : memref<128x128xf32, #tpu.memory_space<vmem>>) dst(%dma_wait3A_276 : memref<10112x128xf32, #tpu.memory_space<vmem_shared>>)
      } else {
      }
      %add3A_156 = arith.constant 1 : i32
      %add3A_157 = arith.addi %add3A_150, %add3A_156 : i32
      %lt3A_158 = arith.constant 80 : i32
      %lt3A_159 = arith.cmpi slt, %add3A_157, %lt3A_158 : i32
      %convert_element_type3A_160 = arith.extui %lt3A_159 : i1 to i32
      %cond3A_161 = arith.constant 0 : i32
      %cond3A_162 = arith.cmpi ne, %convert_element_type3A_160, %cond3A_161 : i32
      scf.if %cond3A_162 {
        %dma_wait3A_273 = arith.constant 0 : i32
        %dma_wait3A_274 = arith.constant 2 : i32
        %dma_wait3A_275 = arith.constant 0 : i32
        %dma_wait3A_276 = tpu.memref_slice %arg3[%add3A, %dma_wait3A_273, %dma_wait3A_275] : memref<32x80x128xi32, #tpu.memory_space<hbm>> -> memref<1x1x128xi32, #tpu.memory_space<hbm>>
        %dma_wait3A_277 = tpu.memref_squeeze %dma_wait3A_276 : memref<1x1x128xi32, #tpu.memory_space<hbm>> -> memref<128xi32, #tpu.memory_space<hbm>>
        %dma_wait3A_278 = tpu.memref_slice %arg18[%dma_wait3A_274] : memref<4x!tpu.dma_semaphore, #tpu.memory_space<semaphore_mem>> -> memref<1x!tpu.dma_semaphore, #tpu.memory_space<semaphore_mem>>
        %dma_wait3A_279 = tpu.memref_squeeze %dma_wait3A_278 : memref<1x!tpu.dma_semaphore, #tpu.memory_space<semaphore_mem>> -> memref<!tpu.dma_semaphore, #tpu.memory_space<semaphore_mem>>
        %dma_wait3A_280 = arith.constant 0 : i32
        %dma_wait3A_281 = tpu.memref_slice %arg3[%add3A, %dma_wait3A_273, %dma_wait3A_280] : memref<32x80x128xi32, #tpu.memory_space<hbm>> -> memref<1x1x128xi32, #tpu.memory_space<hbm>>
        %dma_wait3A_282 = tpu.memref_squeeze %dma_wait3A_281 : memref<1x1x128xi32, #tpu.memory_space<hbm>> -> memref<128xi32, #tpu.memory_space<hbm>>
        tpu.wait_dma2 semaphore(%dma_wait3A_279 : memref<!tpu.dma_semaphore, #tpu.memory_space<semaphore_mem>>) src(%dma_wait3A_282 : memref<128xi32, #tpu.memory_space<hbm>>) dst(%arg9 : memref<128xi32, #tpu.memory_space<vmem>>)
        %dma_wait3A_283 = arith.constant 0 : i32
        %dma_wait3A_284 = arith.constant 2 : i32
        %dma_wait3A_285 = arith.constant 0 : i32
        %dma_wait3A_286 = tpu.memref_slice %arg4[%add3A, %dma_wait3A_283, %dma_wait3A_285] : memref<32x80x128xi32, #tpu.memory_space<hbm>> -> memref<1x1x128xi32, #tpu.memory_space<hbm>>
        %dma_wait3A_287 = tpu.memref_squeeze %dma_wait3A_286 : memref<1x1x128xi32, #tpu.memory_space<hbm>> -> memref<128xi32, #tpu.memory_space<hbm>>
        %dma_wait3A_288 = tpu.memref_slice %arg18[%dma_wait3A_284] : memref<4x!tpu.dma_semaphore, #tpu.memory_space<semaphore_mem>> -> memref<1x!tpu.dma_semaphore, #tpu.memory_space<semaphore_mem>>
        %dma_wait3A_289 = tpu.memref_squeeze %dma_wait3A_288 : memref<1x!tpu.dma_semaphore, #tpu.memory_space<semaphore_mem>> -> memref<!tpu.dma_semaphore, #tpu.memory_space<semaphore_mem>>
        %dma_wait3A_290 = arith.constant 0 : i32
        %dma_wait3A_291 = tpu.memref_slice %arg4[%add3A, %dma_wait3A_283, %dma_wait3A_290] : memref<32x80x128xi32, #tpu.memory_space<hbm>> -> memref<1x1x128xi32, #tpu.memory_space<hbm>>
        %dma_wait3A_292 = tpu.memref_squeeze %dma_wait3A_291 : memref<1x1x128xi32, #tpu.memory_space<hbm>> -> memref<128xi32, #tpu.memory_space<hbm>>
        tpu.wait_dma2 semaphore(%dma_wait3A_289 : memref<!tpu.dma_semaphore, #tpu.memory_space<semaphore_mem>>) src(%dma_wait3A_292 : memref<128xi32, #tpu.memory_space<hbm>>) dst(%arg13 : memref<128xi32, #tpu.memory_space<vmem>>)
      } else {
      }
      %add3A_163 = arith.constant 1 : i32
      %add3A_164 = arith.addi %add3A_150, %add3A_163 : i32
      %lt3A_165 = arith.constant 80 : i32
      %lt3A_166 = arith.cmpi slt, %add3A_164, %lt3A_165 : i32
      %convert_element_type3A_167 = arith.extui %lt3A_166 : i1 to i32
      %cond3A_168 = arith.constant 0 : i32
      %cond3A_169 = arith.cmpi ne, %convert_element_type3A_167, %cond3A_168 : i32
      scf.if %cond3A_169 {
        %dma_start3A_273 = arith.constant 0 : i32
        %dma_start3A_274 = arith.constant 0 : i32
        %dma_start3A_275 = arith.constant 0 : i32
        %dma_start3A_276 = tpu.memref_slice %arg2[%dma_start3A_274, %dma_start3A_275] : memref<10112x128xf32, #tpu.memory_space<hbm>> -> memref<10112x128xf32, #tpu.memory_space<hbm>>
        %dma_start3A_277 = tpu.memref_slice %arg19[%dma_start3A_273] : memref<2x!tpu.dma_semaphore, #tpu.memory_space<semaphore_mem>> -> memref<1x!tpu.dma_semaphore, #tpu.memory_space<semaphore_mem>>
        %dma_start3A_278 = tpu.memref_squeeze %dma_start3A_277 : memref<1x!tpu.dma_semaphore, #tpu.memory_space<semaphore_mem>> -> memref<!tpu.dma_semaphore, #tpu.memory_space<semaphore_mem>>
        tpu.enqueue_indirect_dma source(%dma_start3A_276 : memref<10112x128xf32, #tpu.memory_space<hbm>>) target(%arg15 : memref<128x128xf32, #tpu.memory_space<vmem>>) offsets(%arg9 : memref<128xi32, #tpu.memory_space<vmem>>) semaphore(%dma_start3A_278 : memref<!tpu.dma_semaphore, #tpu.memory_space<semaphore_mem>>)
      } else {
      }
      %add3A_170 = arith.constant 3 : i32
      %add3A_171 = arith.addi %add3A_150, %add3A_170 : i32
      %lt3A_172 = arith.constant 80 : i32
      %lt3A_173 = arith.cmpi slt, %add3A_171, %lt3A_172 : i32
      %convert_element_type3A_174 = arith.extui %lt3A_173 : i1 to i32
      %cond3A_175 = arith.constant 0 : i32
      %cond3A_176 = arith.cmpi ne, %convert_element_type3A_174, %cond3A_175 : i32
      scf.if %cond3A_176 {
        %add3A_273 = arith.constant 3 : i32
        %add3A_274 = arith.addi %add3A_150, %add3A_273 : i32
        %dma_start3A_275 = arith.constant 0 : i32
        %dma_start3A_276 = arith.constant 0 : i32
        %dma_start3A_277 = tpu.memref_slice %arg3[%add3A, %add3A_274, %dma_start3A_276] : memref<32x80x128xi32, #tpu.memory_space<hbm>> -> memref<1x1x128xi32, #tpu.memory_space<hbm>>
        %dma_start3A_278 = tpu.memref_squeeze %dma_start3A_277 : memref<1x1x128xi32, #tpu.memory_space<hbm>> -> memref<128xi32, #tpu.memory_space<hbm>>
        %dma_start3A_279 = tpu.memref_slice %arg18[%dma_start3A_275] : memref<4x!tpu.dma_semaphore, #tpu.memory_space<semaphore_mem>> -> memref<1x!tpu.dma_semaphore, #tpu.memory_space<semaphore_mem>>
        %dma_start3A_280 = tpu.memref_squeeze %dma_start3A_279 : memref<1x!tpu.dma_semaphore, #tpu.memory_space<semaphore_mem>> -> memref<!tpu.dma_semaphore, #tpu.memory_space<semaphore_mem>>
        %dma_start3A_281 = arith.constant 0 : i32
        %dma_start3A_282 = tpu.memref_slice %arg3[%add3A, %add3A_274, %dma_start3A_281] : memref<32x80x128xi32, #tpu.memory_space<hbm>> -> memref<1x1x128xi32, #tpu.memory_space<hbm>>
        %dma_start3A_283 = tpu.memref_squeeze %dma_start3A_282 : memref<1x1x128xi32, #tpu.memory_space<hbm>> -> memref<128xi32, #tpu.memory_space<hbm>>
        tpu.enqueue_dma source(%dma_start3A_283 : memref<128xi32, #tpu.memory_space<hbm>>) target(%arg7 : memref<128xi32, #tpu.memory_space<vmem>>) target_semaphore(%dma_start3A_280 : memref<!tpu.dma_semaphore, #tpu.memory_space<semaphore_mem>>)
        %add3A_284 = arith.constant 3 : i32
        %add3A_285 = arith.addi %add3A_150, %add3A_284 : i32
        %dma_start3A_286 = arith.constant 0 : i32
        %dma_start3A_287 = arith.constant 0 : i32
        %dma_start3A_288 = tpu.memref_slice %arg4[%add3A, %add3A_285, %dma_start3A_287] : memref<32x80x128xi32, #tpu.memory_space<hbm>> -> memref<1x1x128xi32, #tpu.memory_space<hbm>>
        %dma_start3A_289 = tpu.memref_squeeze %dma_start3A_288 : memref<1x1x128xi32, #tpu.memory_space<hbm>> -> memref<128xi32, #tpu.memory_space<hbm>>
        %dma_start3A_290 = tpu.memref_slice %arg18[%dma_start3A_286] : memref<4x!tpu.dma_semaphore, #tpu.memory_space<semaphore_mem>> -> memref<1x!tpu.dma_semaphore, #tpu.memory_space<semaphore_mem>>
        %dma_start3A_291 = tpu.memref_squeeze %dma_start3A_290 : memref<1x!tpu.dma_semaphore, #tpu.memory_space<semaphore_mem>> -> memref<!tpu.dma_semaphore, #tpu.memory_space<semaphore_mem>>
        %dma_start3A_292 = arith.constant 0 : i32
        %dma_start3A_293 = tpu.memref_slice %arg4[%add3A, %add3A_285, %dma_start3A_292] : memref<32x80x128xi32, #tpu.memory_space<hbm>> -> memref<1x1x128xi32, #tpu.memory_space<hbm>>
        %dma_start3A_294 = tpu.memref_squeeze %dma_start3A_293 : memref<1x1x128xi32, #tpu.memory_space<hbm>> -> memref<128xi32, #tpu.memory_space<hbm>>
        tpu.enqueue_dma source(%dma_start3A_294 : memref<128xi32, #tpu.memory_space<hbm>>) target(%arg11 : memref<128xi32, #tpu.memory_space<vmem>>) target_semaphore(%dma_start3A_291 : memref<!tpu.dma_semaphore, #tpu.memory_space<semaphore_mem>>)
      } else {
      }
      %dma_wait3A_177 = arith.constant 1 : i32
      %dma_wait3A_178 = arith.constant 0 : i32
      %dma_wait3A_179 = arith.constant 0 : i32
      %dma_wait3A_180 = tpu.memref_slice %arg2[%dma_wait3A_178, %dma_wait3A_179] : memref<10112x128xf32, #tpu.memory_space<hbm>> -> memref<10112x128xf32, #tpu.memory_space<hbm>>
      %dma_wait3A_181 = tpu.memref_slice %arg19[%dma_wait3A_177] : memref<2x!tpu.dma_semaphore, #tpu.memory_space<semaphore_mem>> -> memref<1x!tpu.dma_semaphore, #tpu.memory_space<semaphore_mem>>
      %dma_wait3A_182 = tpu.memref_squeeze %dma_wait3A_181 : memref<1x!tpu.dma_semaphore, #tpu.memory_space<semaphore_mem>> -> memref<!tpu.dma_semaphore, #tpu.memory_space<semaphore_mem>>
      tpu.wait_indirect_dma semaphore(%dma_wait3A_182 : memref<!tpu.dma_semaphore, #tpu.memory_space<semaphore_mem>>) src(%dma_wait3A_180 : memref<10112x128xf32, #tpu.memory_space<hbm>>) dst(%arg16 : memref<128x128xf32, #tpu.memory_space<vmem>>)
      %dma_start3A_183 = arith.constant 1 : i32
      %dma_start3A_184 = arith.constant 0 : i32
      %dma_start3A_185 = arith.constant 0 : i32
      %dma_start3A_186 = tpu.memref_slice %arg17[%dma_start3A_184, %dma_start3A_185] : memref<10112x128xf32, #tpu.memory_space<vmem_shared>> -> memref<10112x128xf32, #tpu.memory_space<vmem_shared>>
      %dma_start3A_187 = tpu.memref_slice %arg20[%dma_start3A_183] : memref<2x!tpu.dma_semaphore, #tpu.memory_space<semaphore_mem>> -> memref<1x!tpu.dma_semaphore, #tpu.memory_space<semaphore_mem>>
      %dma_start3A_188 = tpu.memref_squeeze %dma_start3A_187 : memref<1x!tpu.dma_semaphore, #tpu.memory_space<semaphore_mem>> -> memref<!tpu.dma_semaphore, #tpu.memory_space<semaphore_mem>>
      tpu.enqueue_indirect_dma source(%arg16 : memref<128x128xf32, #tpu.memory_space<vmem>>) target(%dma_start3A_186 : memref<10112x128xf32, #tpu.memory_space<vmem_shared>>) offsets(%arg12 : memref<128xi32, #tpu.memory_space<vmem>>) semaphore(%dma_start3A_188 : memref<!tpu.dma_semaphore, #tpu.memory_space<semaphore_mem>>) {add = true}
      %mul3A_189 = arith.constant 4 : i32
      %mul3A_190 = arith.muli %scan3A_108, %mul3A_189 : i32
      %add3A_191 = arith.constant 2 : i32
      %add3A_192 = arith.addi %mul3A_190, %add3A_191 : i32
      %ge3A_193 = arith.constant 1 : i32
      %ge3A_194 = arith.cmpi sge, %add3A_192, %ge3A_193 : i32
      %convert_element_type3A_195 = arith.extui %ge3A_194 : i1 to i32
      %cond3A_196 = arith.constant 0 : i32
      %cond3A_197 = arith.cmpi ne, %convert_element_type3A_195, %cond3A_196 : i32
      scf.if %cond3A_197 {
        %dma_wait3A_273 = arith.constant 1 : i32
        %dma_wait3A_274 = arith.constant 0 : i32
        %dma_wait3A_275 = arith.constant 0 : i32
        %dma_wait3A_276 = tpu.memref_slice %arg17[%dma_wait3A_274, %dma_wait3A_275] : memref<10112x128xf32, #tpu.memory_space<vmem_shared>> -> memref<10112x128xf32, #tpu.memory_space<vmem_shared>>
        %dma_wait3A_277 = tpu.memref_slice %arg20[%dma_wait3A_273] : memref<2x!tpu.dma_semaphore, #tpu.memory_space<semaphore_mem>> -> memref<1x!tpu.dma_semaphore, #tpu.memory_space<semaphore_mem>>
        %dma_wait3A_278 = tpu.memref_squeeze %dma_wait3A_277 : memref<1x!tpu.dma_semaphore, #tpu.memory_space<semaphore_mem>> -> memref<!tpu.dma_semaphore, #tpu.memory_space<semaphore_mem>>
        tpu.wait_indirect_dma semaphore(%dma_wait3A_278 : memref<!tpu.dma_semaphore, #tpu.memory_space<semaphore_mem>>) src(%arg16 : memref<128x128xf32, #tpu.memory_space<vmem>>) dst(%dma_wait3A_276 : memref<10112x128xf32, #tpu.memory_space<vmem_shared>>)
      } else {
      }
      %add3A_198 = arith.constant 1 : i32
      %add3A_199 = arith.addi %add3A_192, %add3A_198 : i32
      %lt3A_200 = arith.constant 80 : i32
      %lt3A_201 = arith.cmpi slt, %add3A_199, %lt3A_200 : i32
      %convert_element_type3A_202 = arith.extui %lt3A_201 : i1 to i32
      %cond3A_203 = arith.constant 0 : i32
      %cond3A_204 = arith.cmpi ne, %convert_element_type3A_202, %cond3A_203 : i32
      scf.if %cond3A_204 {
        %dma_wait3A_273 = arith.constant 0 : i32
        %dma_wait3A_274 = arith.constant 3 : i32
        %dma_wait3A_275 = arith.constant 0 : i32
        %dma_wait3A_276 = tpu.memref_slice %arg3[%add3A, %dma_wait3A_273, %dma_wait3A_275] : memref<32x80x128xi32, #tpu.memory_space<hbm>> -> memref<1x1x128xi32, #tpu.memory_space<hbm>>
        %dma_wait3A_277 = tpu.memref_squeeze %dma_wait3A_276 : memref<1x1x128xi32, #tpu.memory_space<hbm>> -> memref<128xi32, #tpu.memory_space<hbm>>
        %dma_wait3A_278 = tpu.memref_slice %arg18[%dma_wait3A_274] : memref<4x!tpu.dma_semaphore, #tpu.memory_space<semaphore_mem>> -> memref<1x!tpu.dma_semaphore, #tpu.memory_space<semaphore_mem>>
        %dma_wait3A_279 = tpu.memref_squeeze %dma_wait3A_278 : memref<1x!tpu.dma_semaphore, #tpu.memory_space<semaphore_mem>> -> memref<!tpu.dma_semaphore, #tpu.memory_space<semaphore_mem>>
        %dma_wait3A_280 = arith.constant 0 : i32
        %dma_wait3A_281 = tpu.memref_slice %arg3[%add3A, %dma_wait3A_273, %dma_wait3A_280] : memref<32x80x128xi32, #tpu.memory_space<hbm>> -> memref<1x1x128xi32, #tpu.memory_space<hbm>>
        %dma_wait3A_282 = tpu.memref_squeeze %dma_wait3A_281 : memref<1x1x128xi32, #tpu.memory_space<hbm>> -> memref<128xi32, #tpu.memory_space<hbm>>
        tpu.wait_dma2 semaphore(%dma_wait3A_279 : memref<!tpu.dma_semaphore, #tpu.memory_space<semaphore_mem>>) src(%dma_wait3A_282 : memref<128xi32, #tpu.memory_space<hbm>>) dst(%arg10 : memref<128xi32, #tpu.memory_space<vmem>>)
        %dma_wait3A_283 = arith.constant 0 : i32
        %dma_wait3A_284 = arith.constant 3 : i32
        %dma_wait3A_285 = arith.constant 0 : i32
        %dma_wait3A_286 = tpu.memref_slice %arg4[%add3A, %dma_wait3A_283, %dma_wait3A_285] : memref<32x80x128xi32, #tpu.memory_space<hbm>> -> memref<1x1x128xi32, #tpu.memory_space<hbm>>
        %dma_wait3A_287 = tpu.memref_squeeze %dma_wait3A_286 : memref<1x1x128xi32, #tpu.memory_space<hbm>> -> memref<128xi32, #tpu.memory_space<hbm>>
        %dma_wait3A_288 = tpu.memref_slice %arg18[%dma_wait3A_284] : memref<4x!tpu.dma_semaphore, #tpu.memory_space<semaphore_mem>> -> memref<1x!tpu.dma_semaphore, #tpu.memory_space<semaphore_mem>>
        %dma_wait3A_289 = tpu.memref_squeeze %dma_wait3A_288 : memref<1x!tpu.dma_semaphore, #tpu.memory_space<semaphore_mem>> -> memref<!tpu.dma_semaphore, #tpu.memory_space<semaphore_mem>>
        %dma_wait3A_290 = arith.constant 0 : i32
        %dma_wait3A_291 = tpu.memref_slice %arg4[%add3A, %dma_wait3A_283, %dma_wait3A_290] : memref<32x80x128xi32, #tpu.memory_space<hbm>> -> memref<1x1x128xi32, #tpu.memory_space<hbm>>
        %dma_wait3A_292 = tpu.memref_squeeze %dma_wait3A_291 : memref<1x1x128xi32, #tpu.memory_space<hbm>> -> memref<128xi32, #tpu.memory_space<hbm>>
        tpu.wait_dma2 semaphore(%dma_wait3A_289 : memref<!tpu.dma_semaphore, #tpu.memory_space<semaphore_mem>>) src(%dma_wait3A_292 : memref<128xi32, #tpu.memory_space<hbm>>) dst(%arg14 : memref<128xi32, #tpu.memory_space<vmem>>)
      } else {
      }
      %add3A_205 = arith.constant 1 : i32
      %add3A_206 = arith.addi %add3A_192, %add3A_205 : i32
      %lt3A_207 = arith.constant 80 : i32
      %lt3A_208 = arith.cmpi slt, %add3A_206, %lt3A_207 : i32
      %convert_element_type3A_209 = arith.extui %lt3A_208 : i1 to i32
      %cond3A_210 = arith.constant 0 : i32
      %cond3A_211 = arith.cmpi ne, %convert_element_type3A_209, %cond3A_210 : i32
      scf.if %cond3A_211 {
        %dma_start3A_273 = arith.constant 1 : i32
        %dma_start3A_274 = arith.constant 0 : i32
        %dma_start3A_275 = arith.constant 0 : i32
        %dma_start3A_276 = tpu.memref_slice %arg2[%dma_start3A_274, %dma_start3A_275] : memref<10112x128xf32, #tpu.memory_space<hbm>> -> memref<10112x128xf32, #tpu.memory_space<hbm>>
        %dma_start3A_277 = tpu.memref_slice %arg19[%dma_start3A_273] : memref<2x!tpu.dma_semaphore, #tpu.memory_space<semaphore_mem>> -> memref<1x!tpu.dma_semaphore, #tpu.memory_space<semaphore_mem>>
        %dma_start3A_278 = tpu.memref_squeeze %dma_start3A_277 : memref<1x!tpu.dma_semaphore, #tpu.memory_space<semaphore_mem>> -> memref<!tpu.dma_semaphore, #tpu.memory_space<semaphore_mem>>
        tpu.enqueue_indirect_dma source(%dma_start3A_276 : memref<10112x128xf32, #tpu.memory_space<hbm>>) target(%arg16 : memref<128x128xf32, #tpu.memory_space<vmem>>) offsets(%arg10 : memref<128xi32, #tpu.memory_space<vmem>>) semaphore(%dma_start3A_278 : memref<!tpu.dma_semaphore, #tpu.memory_space<semaphore_mem>>)
      } else {
      }
      %add3A_212 = arith.constant 3 : i32
      %add3A_213 = arith.addi %add3A_192, %add3A_212 : i32
      %lt3A_214 = arith.constant 80 : i32
      %lt3A_215 = arith.cmpi slt, %add3A_213, %lt3A_214 : i32
      %convert_element_type3A_216 = arith.extui %lt3A_215 : i1 to i32
      %cond3A_217 = arith.constant 0 : i32
      %cond3A_218 = arith.cmpi ne, %convert_element_type3A_216, %cond3A_217 : i32
      scf.if %cond3A_218 {
        %add3A_273 = arith.constant 3 : i32
        %add3A_274 = arith.addi %add3A_192, %add3A_273 : i32
        %dma_start3A_275 = arith.constant 1 : i32
        %dma_start3A_276 = arith.constant 0 : i32
        %dma_start3A_277 = tpu.memref_slice %arg3[%add3A, %add3A_274, %dma_start3A_276] : memref<32x80x128xi32, #tpu.memory_space<hbm>> -> memref<1x1x128xi32, #tpu.memory_space<hbm>>
        %dma_start3A_278 = tpu.memref_squeeze %dma_start3A_277 : memref<1x1x128xi32, #tpu.memory_space<hbm>> -> memref<128xi32, #tpu.memory_space<hbm>>
        %dma_start3A_279 = tpu.memref_slice %arg18[%dma_start3A_275] : memref<4x!tpu.dma_semaphore, #tpu.memory_space<semaphore_mem>> -> memref<1x!tpu.dma_semaphore, #tpu.memory_space<semaphore_mem>>
        %dma_start3A_280 = tpu.memref_squeeze %dma_start3A_279 : memref<1x!tpu.dma_semaphore, #tpu.memory_space<semaphore_mem>> -> memref<!tpu.dma_semaphore, #tpu.memory_space<semaphore_mem>>
        %dma_start3A_281 = arith.constant 0 : i32
        %dma_start3A_282 = tpu.memref_slice %arg3[%add3A, %add3A_274, %dma_start3A_281] : memref<32x80x128xi32, #tpu.memory_space<hbm>> -> memref<1x1x128xi32, #tpu.memory_space<hbm>>
        %dma_start3A_283 = tpu.memref_squeeze %dma_start3A_282 : memref<1x1x128xi32, #tpu.memory_space<hbm>> -> memref<128xi32, #tpu.memory_space<hbm>>
        tpu.enqueue_dma source(%dma_start3A_283 : memref<128xi32, #tpu.memory_space<hbm>>) target(%arg8 : memref<128xi32, #tpu.memory_space<vmem>>) target_semaphore(%dma_start3A_280 : memref<!tpu.dma_semaphore, #tpu.memory_space<semaphore_mem>>)
        %add3A_284 = arith.constant 3 : i32
        %add3A_285 = arith.addi %add3A_192, %add3A_284 : i32
        %dma_start3A_286 = arith.constant 1 : i32
        %dma_start3A_287 = arith.constant 0 : i32
        %dma_start3A_288 = tpu.memref_slice %arg4[%add3A, %add3A_285, %dma_start3A_287] : memref<32x80x128xi32, #tpu.memory_space<hbm>> -> memref<1x1x128xi32, #tpu.memory_space<hbm>>
        %dma_start3A_289 = tpu.memref_squeeze %dma_start3A_288 : memref<1x1x128xi32, #tpu.memory_space<hbm>> -> memref<128xi32, #tpu.memory_space<hbm>>
        %dma_start3A_290 = tpu.memref_slice %arg18[%dma_start3A_286] : memref<4x!tpu.dma_semaphore, #tpu.memory_space<semaphore_mem>> -> memref<1x!tpu.dma_semaphore, #tpu.memory_space<semaphore_mem>>
        %dma_start3A_291 = tpu.memref_squeeze %dma_start3A_290 : memref<1x!tpu.dma_semaphore, #tpu.memory_space<semaphore_mem>> -> memref<!tpu.dma_semaphore, #tpu.memory_space<semaphore_mem>>
        %dma_start3A_292 = arith.constant 0 : i32
        %dma_start3A_293 = tpu.memref_slice %arg4[%add3A, %add3A_285, %dma_start3A_292] : memref<32x80x128xi32, #tpu.memory_space<hbm>> -> memref<1x1x128xi32, #tpu.memory_space<hbm>>
        %dma_start3A_294 = tpu.memref_squeeze %dma_start3A_293 : memref<1x1x128xi32, #tpu.memory_space<hbm>> -> memref<128xi32, #tpu.memory_space<hbm>>
        tpu.enqueue_dma source(%dma_start3A_294 : memref<128xi32, #tpu.memory_space<hbm>>) target(%arg12 : memref<128xi32, #tpu.memory_space<vmem>>) target_semaphore(%dma_start3A_291 : memref<!tpu.dma_semaphore, #tpu.memory_space<semaphore_mem>>)
      } else {
      }
      %dma_wait3A_219 = arith.constant 0 : i32
      %dma_wait3A_220 = arith.constant 0 : i32
      %dma_wait3A_221 = arith.constant 0 : i32
      %dma_wait3A_222 = tpu.memref_slice %arg2[%dma_wait3A_220, %dma_wait3A_221] : memref<10112x128xf32, #tpu.memory_space<hbm>> -> memref<10112x128xf32, #tpu.memory_space<hbm>>
      %dma_wait3A_223 = tpu.memref_slice %arg19[%dma_wait3A_219] : memref<2x!tpu.dma_semaphore, #tpu.memory_space<semaphore_mem>> -> memref<1x!tpu.dma_semaphore, #tpu.memory_space<semaphore_mem>>
      %dma_wait3A_224 = tpu.memref_squeeze %dma_wait3A_223 : memref<1x!tpu.dma_semaphore, #tpu.memory_space<semaphore_mem>> -> memref<!tpu.dma_semaphore, #tpu.memory_space<semaphore_mem>>
      tpu.wait_indirect_dma semaphore(%dma_wait3A_224 : memref<!tpu.dma_semaphore, #tpu.memory_space<semaphore_mem>>) src(%dma_wait3A_222 : memref<10112x128xf32, #tpu.memory_space<hbm>>) dst(%arg15 : memref<128x128xf32, #tpu.memory_space<vmem>>)
      %dma_start3A_225 = arith.constant 0 : i32
      %dma_start3A_226 = arith.constant 0 : i32
      %dma_start3A_227 = arith.constant 0 : i32
      %dma_start3A_228 = tpu.memref_slice %arg17[%dma_start3A_226, %dma_start3A_227] : memref<10112x128xf32, #tpu.memory_space<vmem_shared>> -> memref<10112x128xf32, #tpu.memory_space<vmem_shared>>
      %dma_start3A_229 = tpu.memref_slice %arg20[%dma_start3A_225] : memref<2x!tpu.dma_semaphore, #tpu.memory_space<semaphore_mem>> -> memref<1x!tpu.dma_semaphore, #tpu.memory_space<semaphore_mem>>
      %dma_start3A_230 = tpu.memref_squeeze %dma_start3A_229 : memref<1x!tpu.dma_semaphore, #tpu.memory_space<semaphore_mem>> -> memref<!tpu.dma_semaphore, #tpu.memory_space<semaphore_mem>>
      tpu.enqueue_indirect_dma source(%arg15 : memref<128x128xf32, #tpu.memory_space<vmem>>) target(%dma_start3A_228 : memref<10112x128xf32, #tpu.memory_space<vmem_shared>>) offsets(%arg13 : memref<128xi32, #tpu.memory_space<vmem>>) semaphore(%dma_start3A_230 : memref<!tpu.dma_semaphore, #tpu.memory_space<semaphore_mem>>) {add = true}
      %mul3A_231 = arith.constant 4 : i32
      %mul3A_232 = arith.muli %scan3A_108, %mul3A_231 : i32
      %add3A_233 = arith.constant 3 : i32
      %add3A_234 = arith.addi %mul3A_232, %add3A_233 : i32
      %ge3A_235 = arith.constant 1 : i32
      %ge3A_236 = arith.cmpi sge, %add3A_234, %ge3A_235 : i32
      %convert_element_type3A_237 = arith.extui %ge3A_236 : i1 to i32
      %cond3A_238 = arith.constant 0 : i32
      %cond3A_239 = arith.cmpi ne, %convert_element_type3A_237, %cond3A_238 : i32
      scf.if %cond3A_239 {
        %dma_wait3A_273 = arith.constant 0 : i32
        %dma_wait3A_274 = arith.constant 0 : i32
        %dma_wait3A_275 = arith.constant 0 : i32
        %dma_wait3A_276 = tpu.memref_slice %arg17[%dma_wait3A_274, %dma_wait3A_275] : memref<10112x128xf32, #tpu.memory_space<vmem_shared>> -> memref<10112x128xf32, #tpu.memory_space<vmem_shared>>
        %dma_wait3A_277 = tpu.memref_slice %arg20[%dma_wait3A_273] : memref<2x!tpu.dma_semaphore, #tpu.memory_space<semaphore_mem>> -> memref<1x!tpu.dma_semaphore, #tpu.memory_space<semaphore_mem>>
        %dma_wait3A_278 = tpu.memref_squeeze %dma_wait3A_277 : memref<1x!tpu.dma_semaphore, #tpu.memory_space<semaphore_mem>> -> memref<!tpu.dma_semaphore, #tpu.memory_space<semaphore_mem>>
        tpu.wait_indirect_dma semaphore(%dma_wait3A_278 : memref<!tpu.dma_semaphore, #tpu.memory_space<semaphore_mem>>) src(%arg15 : memref<128x128xf32, #tpu.memory_space<vmem>>) dst(%dma_wait3A_276 : memref<10112x128xf32, #tpu.memory_space<vmem_shared>>)
      } else {
      }
      %add3A_240 = arith.constant 1 : i32
      %add3A_241 = arith.addi %add3A_234, %add3A_240 : i32
      %lt3A_242 = arith.constant 80 : i32
      %lt3A_243 = arith.cmpi slt, %add3A_241, %lt3A_242 : i32
      %convert_element_type3A_244 = arith.extui %lt3A_243 : i1 to i32
      %cond3A_245 = arith.constant 0 : i32
      %cond3A_246 = arith.cmpi ne, %convert_element_type3A_244, %cond3A_245 : i32
      scf.if %cond3A_246 {
        %dma_wait3A_273 = arith.constant 0 : i32
        %dma_wait3A_274 = arith.constant 0 : i32
        %dma_wait3A_275 = arith.constant 0 : i32
        %dma_wait3A_276 = tpu.memref_slice %arg3[%add3A, %dma_wait3A_273, %dma_wait3A_275] : memref<32x80x128xi32, #tpu.memory_space<hbm>> -> memref<1x1x128xi32, #tpu.memory_space<hbm>>
        %dma_wait3A_277 = tpu.memref_squeeze %dma_wait3A_276 : memref<1x1x128xi32, #tpu.memory_space<hbm>> -> memref<128xi32, #tpu.memory_space<hbm>>
        %dma_wait3A_278 = tpu.memref_slice %arg18[%dma_wait3A_274] : memref<4x!tpu.dma_semaphore, #tpu.memory_space<semaphore_mem>> -> memref<1x!tpu.dma_semaphore, #tpu.memory_space<semaphore_mem>>
        %dma_wait3A_279 = tpu.memref_squeeze %dma_wait3A_278 : memref<1x!tpu.dma_semaphore, #tpu.memory_space<semaphore_mem>> -> memref<!tpu.dma_semaphore, #tpu.memory_space<semaphore_mem>>
        %dma_wait3A_280 = arith.constant 0 : i32
        %dma_wait3A_281 = tpu.memref_slice %arg3[%add3A, %dma_wait3A_273, %dma_wait3A_280] : memref<32x80x128xi32, #tpu.memory_space<hbm>> -> memref<1x1x128xi32, #tpu.memory_space<hbm>>
        %dma_wait3A_282 = tpu.memref_squeeze %dma_wait3A_281 : memref<1x1x128xi32, #tpu.memory_space<hbm>> -> memref<128xi32, #tpu.memory_space<hbm>>
        tpu.wait_dma2 semaphore(%dma_wait3A_279 : memref<!tpu.dma_semaphore, #tpu.memory_space<semaphore_mem>>) src(%dma_wait3A_282 : memref<128xi32, #tpu.memory_space<hbm>>) dst(%arg7 : memref<128xi32, #tpu.memory_space<vmem>>)
        %dma_wait3A_283 = arith.constant 0 : i32
        %dma_wait3A_284 = arith.constant 0 : i32
        %dma_wait3A_285 = arith.constant 0 : i32
        %dma_wait3A_286 = tpu.memref_slice %arg4[%add3A, %dma_wait3A_283, %dma_wait3A_285] : memref<32x80x128xi32, #tpu.memory_space<hbm>> -> memref<1x1x128xi32, #tpu.memory_space<hbm>>
        %dma_wait3A_287 = tpu.memref_squeeze %dma_wait3A_286 : memref<1x1x128xi32, #tpu.memory_space<hbm>> -> memref<128xi32, #tpu.memory_space<hbm>>
        %dma_wait3A_288 = tpu.memref_slice %arg18[%dma_wait3A_284] : memref<4x!tpu.dma_semaphore, #tpu.memory_space<semaphore_mem>> -> memref<1x!tpu.dma_semaphore, #tpu.memory_space<semaphore_mem>>
        %dma_wait3A_289 = tpu.memref_squeeze %dma_wait3A_288 : memref<1x!tpu.dma_semaphore, #tpu.memory_space<semaphore_mem>> -> memref<!tpu.dma_semaphore, #tpu.memory_space<semaphore_mem>>
        %dma_wait3A_290 = arith.constant 0 : i32
        %dma_wait3A_291 = tpu.memref_slice %arg4[%add3A, %dma_wait3A_283, %dma_wait3A_290] : memref<32x80x128xi32, #tpu.memory_space<hbm>> -> memref<1x1x128xi32, #tpu.memory_space<hbm>>
        %dma_wait3A_292 = tpu.memref_squeeze %dma_wait3A_291 : memref<1x1x128xi32, #tpu.memory_space<hbm>> -> memref<128xi32, #tpu.memory_space<hbm>>
        tpu.wait_dma2 semaphore(%dma_wait3A_289 : memref<!tpu.dma_semaphore, #tpu.memory_space<semaphore_mem>>) src(%dma_wait3A_292 : memref<128xi32, #tpu.memory_space<hbm>>) dst(%arg11 : memref<128xi32, #tpu.memory_space<vmem>>)
      } else {
      }
      %add3A_247 = arith.constant 1 : i32
      %add3A_248 = arith.addi %add3A_234, %add3A_247 : i32
      %lt3A_249 = arith.constant 80 : i32
      %lt3A_250 = arith.cmpi slt, %add3A_248, %lt3A_249 : i32
      %convert_element_type3A_251 = arith.extui %lt3A_250 : i1 to i32
      %cond3A_252 = arith.constant 0 : i32
      %cond3A_253 = arith.cmpi ne, %convert_element_type3A_251, %cond3A_252 : i32
      scf.if %cond3A_253 {
        %dma_start3A_273 = arith.constant 0 : i32
        %dma_start3A_274 = arith.constant 0 : i32
        %dma_start3A_275 = arith.constant 0 : i32
        %dma_start3A_276 = tpu.memref_slice %arg2[%dma_start3A_274, %dma_start3A_275] : memref<10112x128xf32, #tpu.memory_space<hbm>> -> memref<10112x128xf32, #tpu.memory_space<hbm>>
        %dma_start3A_277 = tpu.memref_slice %arg19[%dma_start3A_273] : memref<2x!tpu.dma_semaphore, #tpu.memory_space<semaphore_mem>> -> memref<1x!tpu.dma_semaphore, #tpu.memory_space<semaphore_mem>>
        %dma_start3A_278 = tpu.memref_squeeze %dma_start3A_277 : memref<1x!tpu.dma_semaphore, #tpu.memory_space<semaphore_mem>> -> memref<!tpu.dma_semaphore, #tpu.memory_space<semaphore_mem>>
        tpu.enqueue_indirect_dma source(%dma_start3A_276 : memref<10112x128xf32, #tpu.memory_space<hbm>>) target(%arg15 : memref<128x128xf32, #tpu.memory_space<vmem>>) offsets(%arg7 : memref<128xi32, #tpu.memory_space<vmem>>) semaphore(%dma_start3A_278 : memref<!tpu.dma_semaphore, #tpu.memory_space<semaphore_mem>>)
      } else {
      }
      %add3A_254 = arith.constant 3 : i32
      %add3A_255 = arith.addi %add3A_234, %add3A_254 : i32
      %lt3A_256 = arith.constant 80 : i32
      %lt3A_257 = arith.cmpi slt, %add3A_255, %lt3A_256 : i32
      %convert_element_type3A_258 = arith.extui %lt3A_257 : i1 to i32
      %cond3A_259 = arith.constant 0 : i32
      %cond3A_260 = arith.cmpi ne, %convert_element_type3A_258, %cond3A_259 : i32
      scf.if %cond3A_260 {
        %add3A_273 = arith.constant 3 : i32
        %add3A_274 = arith.addi %add3A_234, %add3A_273 : i32
        %dma_start3A_275 = arith.constant 2 : i32
        %dma_start3A_276 = arith.constant 0 : i32
        %dma_start3A_277 = tpu.memref_slice %arg3[%add3A, %add3A_274, %dma_start3A_276] : memref<32x80x128xi32, #tpu.memory_space<hbm>> -> memref<1x1x128xi32, #tpu.memory_space<hbm>>
        %dma_start3A_278 = tpu.memref_squeeze %dma_start3A_277 : memref<1x1x128xi32, #tpu.memory_space<hbm>> -> memref<128xi32, #tpu.memory_space<hbm>>
        %dma_start3A_279 = tpu.memref_slice %arg18[%dma_start3A_275] : memref<4x!tpu.dma_semaphore, #tpu.memory_space<semaphore_mem>> -> memref<1x!tpu.dma_semaphore, #tpu.memory_space<semaphore_mem>>
        %dma_start3A_280 = tpu.memref_squeeze %dma_start3A_279 : memref<1x!tpu.dma_semaphore, #tpu.memory_space<semaphore_mem>> -> memref<!tpu.dma_semaphore, #tpu.memory_space<semaphore_mem>>
        %dma_start3A_281 = arith.constant 0 : i32
        %dma_start3A_282 = tpu.memref_slice %arg3[%add3A, %add3A_274, %dma_start3A_281] : memref<32x80x128xi32, #tpu.memory_space<hbm>> -> memref<1x1x128xi32, #tpu.memory_space<hbm>>
        %dma_start3A_283 = tpu.memref_squeeze %dma_start3A_282 : memref<1x1x128xi32, #tpu.memory_space<hbm>> -> memref<128xi32, #tpu.memory_space<hbm>>
        tpu.enqueue_dma source(%dma_start3A_283 : memref<128xi32, #tpu.memory_space<hbm>>) target(%arg9 : memref<128xi32, #tpu.memory_space<vmem>>) target_semaphore(%dma_start3A_280 : memref<!tpu.dma_semaphore, #tpu.memory_space<semaphore_mem>>)
        %add3A_284 = arith.constant 3 : i32
        %add3A_285 = arith.addi %add3A_234, %add3A_284 : i32
        %dma_start3A_286 = arith.constant 2 : i32
        %dma_start3A_287 = arith.constant 0 : i32
        %dma_start3A_288 = tpu.memref_slice %arg4[%add3A, %add3A_285, %dma_start3A_287] : memref<32x80x128xi32, #tpu.memory_space<hbm>> -> memref<1x1x128xi32, #tpu.memory_space<hbm>>
        %dma_start3A_289 = tpu.memref_squeeze %dma_start3A_288 : memref<1x1x128xi32, #tpu.memory_space<hbm>> -> memref<128xi32, #tpu.memory_space<hbm>>
        %dma_start3A_290 = tpu.memref_slice %arg18[%dma_start3A_286] : memref<4x!tpu.dma_semaphore, #tpu.memory_space<semaphore_mem>> -> memref<1x!tpu.dma_semaphore, #tpu.memory_space<semaphore_mem>>
        %dma_start3A_291 = tpu.memref_squeeze %dma_start3A_290 : memref<1x!tpu.dma_semaphore, #tpu.memory_space<semaphore_mem>> -> memref<!tpu.dma_semaphore, #tpu.memory_space<semaphore_mem>>
        %dma_start3A_292 = arith.constant 0 : i32
        %dma_start3A_293 = tpu.memref_slice %arg4[%add3A, %add3A_285, %dma_start3A_292] : memref<32x80x128xi32, #tpu.memory_space<hbm>> -> memref<1x1x128xi32, #tpu.memory_space<hbm>>
        %dma_start3A_294 = tpu.memref_squeeze %dma_start3A_293 : memref<1x1x128xi32, #tpu.memory_space<hbm>> -> memref<128xi32, #tpu.memory_space<hbm>>
        tpu.enqueue_dma source(%dma_start3A_294 : memref<128xi32, #tpu.memory_space<hbm>>) target(%arg13 : memref<128xi32, #tpu.memory_space<vmem>>) target_semaphore(%dma_start3A_291 : memref<!tpu.dma_semaphore, #tpu.memory_space<semaphore_mem>>)
      } else {
      }
      %dma_wait3A_261 = arith.constant 1 : i32
      %dma_wait3A_262 = arith.constant 0 : i32
      %dma_wait3A_263 = arith.constant 0 : i32
      %dma_wait3A_264 = tpu.memref_slice %arg2[%dma_wait3A_262, %dma_wait3A_263] : memref<10112x128xf32, #tpu.memory_space<hbm>> -> memref<10112x128xf32, #tpu.memory_space<hbm>>
      %dma_wait3A_265 = tpu.memref_slice %arg19[%dma_wait3A_261] : memref<2x!tpu.dma_semaphore, #tpu.memory_space<semaphore_mem>> -> memref<1x!tpu.dma_semaphore, #tpu.memory_space<semaphore_mem>>
      %dma_wait3A_266 = tpu.memref_squeeze %dma_wait3A_265 : memref<1x!tpu.dma_semaphore, #tpu.memory_space<semaphore_mem>> -> memref<!tpu.dma_semaphore, #tpu.memory_space<semaphore_mem>>
      tpu.wait_indirect_dma semaphore(%dma_wait3A_266 : memref<!tpu.dma_semaphore, #tpu.memory_space<semaphore_mem>>) src(%dma_wait3A_264 : memref<10112x128xf32, #tpu.memory_space<hbm>>) dst(%arg16 : memref<128x128xf32, #tpu.memory_space<vmem>>)
      %dma_start3A_267 = arith.constant 1 : i32
      %dma_start3A_268 = arith.constant 0 : i32
      %dma_start3A_269 = arith.constant 0 : i32
      %dma_start3A_270 = tpu.memref_slice %arg17[%dma_start3A_268, %dma_start3A_269] : memref<10112x128xf32, #tpu.memory_space<vmem_shared>> -> memref<10112x128xf32, #tpu.memory_space<vmem_shared>>
      %dma_start3A_271 = tpu.memref_slice %arg20[%dma_start3A_267] : memref<2x!tpu.dma_semaphore, #tpu.memory_space<semaphore_mem>> -> memref<1x!tpu.dma_semaphore, #tpu.memory_space<semaphore_mem>>
      %dma_start3A_272 = tpu.memref_squeeze %dma_start3A_271 : memref<1x!tpu.dma_semaphore, #tpu.memory_space<semaphore_mem>> -> memref<!tpu.dma_semaphore, #tpu.memory_space<semaphore_mem>>
      tpu.enqueue_indirect_dma source(%arg16 : memref<128x128xf32, #tpu.memory_space<vmem>>) target(%dma_start3A_270 : memref<10112x128xf32, #tpu.memory_space<vmem_shared>>) offsets(%arg14 : memref<128xi32, #tpu.memory_space<vmem>>) semaphore(%dma_start3A_272 : memref<!tpu.dma_semaphore, #tpu.memory_space<semaphore_mem>>) {add = true}
    }
    %scan3A_93 = arith.constant 20 : i32
    %dma_wait3A_94 = arith.constant 1 : i32
    %dma_wait3A_95 = arith.constant 0 : i32
    %dma_wait3A_96 = arith.constant 0 : i32
    %dma_wait3A_97 = tpu.memref_slice %arg17[%dma_wait3A_95, %dma_wait3A_96] : memref<10112x128xf32, #tpu.memory_space<vmem_shared>> -> memref<10112x128xf32, #tpu.memory_space<vmem_shared>>
    %dma_wait3A_98 = tpu.memref_slice %arg20[%dma_wait3A_94] : memref<2x!tpu.dma_semaphore, #tpu.memory_space<semaphore_mem>> -> memref<1x!tpu.dma_semaphore, #tpu.memory_space<semaphore_mem>>
    %dma_wait3A_99 = tpu.memref_squeeze %dma_wait3A_98 : memref<1x!tpu.dma_semaphore, #tpu.memory_space<semaphore_mem>> -> memref<!tpu.dma_semaphore, #tpu.memory_space<semaphore_mem>>
    tpu.wait_indirect_dma semaphore(%dma_wait3A_99 : memref<!tpu.dma_semaphore, #tpu.memory_space<semaphore_mem>>) src(%arg16 : memref<128x128xf32, #tpu.memory_space<vmem>>) dst(%dma_wait3A_97 : memref<10112x128xf32, #tpu.memory_space<vmem_shared>>)
    %barrier3A_100 = arith.constant 0 : index
    tpu.barrier barrier_id(%barrier3A_100)
    %mul3A_101 = arith.constant 632 : i32
    %mul3A_102 = arith.muli %arg1, %mul3A_101 : i32
    %mul3A_103 = arith.constant 10112 : i32
    %mul3A_104 = arith.muli %arg0, %mul3A_103 : i32
    %mul3A_105 = arith.constant 632 : i32
    %mul3A_106 = arith.muli %arg1, %mul3A_105 : i32
    %add3A_107 = arith.addi %mul3A_104, %mul3A_106 : i32
    "tpu.region"() ({
      %run_scoped3A = tpu.sem_alloc : memref<!tpu.dma_semaphore, #tpu.memory_space<semaphore_mem>>
      %dma_start3A_108 = arith.constant 0 : i32
      %dma_start3A_109 = tpu.memref_slice %arg6[%add3A_107, %dma_start3A_108] : memref<20224x128xf32, #tpu.memory_space<hbm>> -> memref<632x128xf32, #tpu.memory_space<hbm>>
      %dma_start3A_110 = arith.constant 0 : i32
      %dma_start3A_111 = tpu.memref_slice %arg17[%mul3A_102, %dma_start3A_110] : memref<10112x128xf32, #tpu.memory_space<vmem_shared>> -> memref<632x128xf32, #tpu.memory_space<vmem_shared>>
      tpu.enqueue_dma source(%dma_start3A_111 : memref<632x128xf32, #tpu.memory_space<vmem_shared>>) target(%dma_start3A_109 : memref<632x128xf32, #tpu.memory_space<hbm>>) target_semaphore(%run_scoped3A : memref<!tpu.dma_semaphore, #tpu.memory_space<semaphore_mem>>)
      %dma_wait3A_112 = arith.constant 0 : i32
      %dma_wait3A_113 = tpu.memref_slice %arg6[%add3A_107, %dma_wait3A_112] : memref<20224x128xf32, #tpu.memory_space<hbm>> -> memref<632x128xf32, #tpu.memory_space<hbm>>
      %dma_wait3A_114 = arith.constant 0 : i32
      %dma_wait3A_115 = tpu.memref_slice %arg17[%mul3A_102, %dma_wait3A_114] : memref<10112x128xf32, #tpu.memory_space<vmem_shared>> -> memref<632x128xf32, #tpu.memory_space<vmem_shared>>
      tpu.wait_dma2 semaphore(%run_scoped3A : memref<!tpu.dma_semaphore, #tpu.memory_space<semaphore_mem>>) src(%dma_wait3A_115 : memref<632x128xf32, #tpu.memory_space<vmem_shared>>) dst(%dma_wait3A_113 : memref<632x128xf32, #tpu.memory_space<hbm>>)
      tpu.yield
    }) : () -> ()
    return
  }
}

#map = affine_map<(d0, d1) -> (0, 0)>
#map1 = affine_map<(d0, d1) -> (0, 0, 0)>
module attributes {stable_mosaic.version = 14 : i64} {
  func.func @_edge_kernel(%arg0: i32, %arg1: i32, %arg2: memref<10112x128xf32, #tpu.memory_space<hbm>>, %arg3: memref<32x80x128xi32, #tpu.memory_space<hbm>>, %arg4: memref<32x80x128xi32, #tpu.memory_space<hbm>>, %arg5: memref<10112x128xf32, #tpu.memory_space<hbm>>, %arg6: memref<20224x128xf32, #tpu.memory_space<hbm>>, %arg7: memref<128xi32, #tpu.memory_space<vmem>>, %arg8: memref<128xi32, #tpu.memory_space<vmem>>, %arg9: memref<128xi32, #tpu.memory_space<vmem>>, %arg10: memref<128xi32, #tpu.memory_space<vmem>>, %arg11: memref<128xi32, #tpu.memory_space<vmem>>, %arg12: memref<128xi32, #tpu.memory_space<vmem>>, %arg13: memref<128xi32, #tpu.memory_space<vmem>>, %arg14: memref<128xi32, #tpu.memory_space<vmem>>, %arg15: memref<128x128xf32, #tpu.memory_space<vmem>>, %arg16: memref<128x128xf32, #tpu.memory_space<vmem>>, %arg17: memref<10112x128xf32, #tpu.memory_space<vmem_shared>>, %arg18: memref<4x!tpu.dma_semaphore, #tpu.memory_space<semaphore_mem>>, %arg19: memref<2x!tpu.dma_semaphore, #tpu.memory_space<semaphore_mem>>, %arg20: memref<2x!tpu.dma_semaphore, #tpu.memory_space<semaphore_mem>>) attributes {dimension_semantics = [#tpu.dimension_semantics<core_parallel>, #tpu.dimension_semantics<subcore_parallel>], iteration_bounds = array<i64: 2, 16>, scalar_prefetch = 0 : i64, scratch_operands = 14 : i64, tpu.core_type = #tpu.core_type<sc_vector_subcore>, window_params = [{transform_indices = #map}, {transform_indices = #map1}, {transform_indices = #map1}, {transform_indices = #map}, {transform_indices = #map}]} {
    %mul3A = arith.constant 16 : i32
    %mul3A_0 = arith.muli %arg0, %mul3A : i32
    %add3A = arith.addi %mul3A_0, %arg1 : i32
    %mul3A_1 = arith.constant 632 : i32
    %mul3A_2 = arith.muli %arg1, %mul3A_1 : i32
    %mul3A_3 = arith.constant 632 : i32
    %mul3A_4 = arith.muli %arg1, %mul3A_3 : i32
    "tpu.region"() ({
      %run_scoped3A = tpu.sem_alloc : memref<!tpu.dma_semaphore, #tpu.memory_space<semaphore_mem>>
      %dma_start3A_108 = arith.constant 0 : i32
      %dma_start3A_109 = tpu.memref_slice %arg17[%mul3A_4, %dma_start3A_108] : memref<10112x128xf32, #tpu.memory_space<vmem_shared>> -> memref<632x128xf32, #tpu.memory_space<vmem_shared>>
      %dma_start3A_110 = arith.constant 0 : i32
      %dma_start3A_111 = tpu.memref_slice %arg5[%mul3A_2, %dma_start3A_110] : memref<10112x128xf32, #tpu.memory_space<hbm>> -> memref<632x128xf32, #tpu.memory_space<hbm>>
      tpu.enqueue_dma source(%dma_start3A_111 : memref<632x128xf32, #tpu.memory_space<hbm>>) target(%dma_start3A_109 : memref<632x128xf32, #tpu.memory_space<vmem_shared>>) target_semaphore(%run_scoped3A : memref<!tpu.dma_semaphore, #tpu.memory_space<semaphore_mem>>)
      %dma_wait3A_112 = arith.constant 0 : i32
      %dma_wait3A_113 = tpu.memref_slice %arg17[%mul3A_4, %dma_wait3A_112] : memref<10112x128xf32, #tpu.memory_space<vmem_shared>> -> memref<632x128xf32, #tpu.memory_space<vmem_shared>>
      %dma_wait3A_114 = arith.constant 0 : i32
      %dma_wait3A_115 = tpu.memref_slice %arg5[%mul3A_2, %dma_wait3A_114] : memref<10112x128xf32, #tpu.memory_space<hbm>> -> memref<632x128xf32, #tpu.memory_space<hbm>>
      tpu.wait_dma2 semaphore(%run_scoped3A : memref<!tpu.dma_semaphore, #tpu.memory_space<semaphore_mem>>) src(%dma_wait3A_115 : memref<632x128xf32, #tpu.memory_space<hbm>>) dst(%dma_wait3A_113 : memref<632x128xf32, #tpu.memory_space<vmem_shared>>)
      tpu.yield
    }) : () -> ()
    %dma_start3A = arith.constant 0 : i32
    %dma_start3A_5 = arith.constant 0 : i32
    %dma_start3A_6 = arith.constant 0 : i32
    %dma_start3A_7 = tpu.memref_slice %arg3[%add3A, %dma_start3A, %dma_start3A_6] : memref<32x80x128xi32, #tpu.memory_space<hbm>> -> memref<1x1x128xi32, #tpu.memory_space<hbm>>
    %dma_start3A_8 = tpu.memref_squeeze %dma_start3A_7 : memref<1x1x128xi32, #tpu.memory_space<hbm>> -> memref<128xi32, #tpu.memory_space<hbm>>
    %dma_start3A_9 = tpu.memref_slice %arg18[%dma_start3A_5] : memref<4x!tpu.dma_semaphore, #tpu.memory_space<semaphore_mem>> -> memref<1x!tpu.dma_semaphore, #tpu.memory_space<semaphore_mem>>
    %dma_start3A_10 = tpu.memref_squeeze %dma_start3A_9 : memref<1x!tpu.dma_semaphore, #tpu.memory_space<semaphore_mem>> -> memref<!tpu.dma_semaphore, #tpu.memory_space<semaphore_mem>>
    %dma_start3A_11 = arith.constant 0 : i32
    %dma_start3A_12 = tpu.memref_slice %arg3[%add3A, %dma_start3A, %dma_start3A_11] : memref<32x80x128xi32, #tpu.memory_space<hbm>> -> memref<1x1x128xi32, #tpu.memory_space<hbm>>
    %dma_start3A_13 = tpu.memref_squeeze %dma_start3A_12 : memref<1x1x128xi32, #tpu.memory_space<hbm>> -> memref<128xi32, #tpu.memory_space<hbm>>
    tpu.enqueue_dma source(%dma_start3A_13 : memref<128xi32, #tpu.memory_space<hbm>>) target(%arg7 : memref<128xi32, #tpu.memory_space<vmem>>) target_semaphore(%dma_start3A_10 : memref<!tpu.dma_semaphore, #tpu.memory_space<semaphore_mem>>)
    %dma_start3A_14 = arith.constant 0 : i32
    %dma_start3A_15 = arith.constant 0 : i32
    %dma_start3A_16 = arith.constant 0 : i32
    %dma_start3A_17 = tpu.memref_slice %arg4[%add3A, %dma_start3A_14, %dma_start3A_16] : memref<32x80x128xi32, #tpu.memory_space<hbm>> -> memref<1x1x128xi32, #tpu.memory_space<hbm>>
    %dma_start3A_18 = tpu.memref_squeeze %dma_start3A_17 : memref<1x1x128xi32, #tpu.memory_space<hbm>> -> memref<128xi32, #tpu.memory_space<hbm>>
    %dma_start3A_19 = tpu.memref_slice %arg18[%dma_start3A_15] : memref<4x!tpu.dma_semaphore, #tpu.memory_space<semaphore_mem>> -> memref<1x!tpu.dma_semaphore, #tpu.memory_space<semaphore_mem>>
    %dma_start3A_20 = tpu.memref_squeeze %dma_start3A_19 : memref<1x!tpu.dma_semaphore, #tpu.memory_space<semaphore_mem>> -> memref<!tpu.dma_semaphore, #tpu.memory_space<semaphore_mem>>
    %dma_start3A_21 = arith.constant 0 : i32
    %dma_start3A_22 = tpu.memref_slice %arg4[%add3A, %dma_start3A_14, %dma_start3A_21] : memref<32x80x128xi32, #tpu.memory_space<hbm>> -> memref<1x1x128xi32, #tpu.memory_space<hbm>>
    %dma_start3A_23 = tpu.memref_squeeze %dma_start3A_22 : memref<1x1x128xi32, #tpu.memory_space<hbm>> -> memref<128xi32, #tpu.memory_space<hbm>>
    tpu.enqueue_dma source(%dma_start3A_23 : memref<128xi32, #tpu.memory_space<hbm>>) target(%arg11 : memref<128xi32, #tpu.memory_space<vmem>>) target_semaphore(%dma_start3A_20 : memref<!tpu.dma_semaphore, #tpu.memory_space<semaphore_mem>>)
    %dma_start3A_24 = arith.constant 1 : i32
    %dma_start3A_25 = arith.constant 1 : i32
    %dma_start3A_26 = arith.constant 0 : i32
    %dma_start3A_27 = tpu.memref_slice %arg3[%add3A, %dma_start3A_24, %dma_start3A_26] : memref<32x80x128xi32, #tpu.memory_space<hbm>> -> memref<1x1x128xi32, #tpu.memory_space<hbm>>
    %dma_start3A_28 = tpu.memref_squeeze %dma_start3A_27 : memref<1x1x128xi32, #tpu.memory_space<hbm>> -> memref<128xi32, #tpu.memory_space<hbm>>
    %dma_start3A_29 = tpu.memref_slice %arg18[%dma_start3A_25] : memref<4x!tpu.dma_semaphore, #tpu.memory_space<semaphore_mem>> -> memref<1x!tpu.dma_semaphore, #tpu.memory_space<semaphore_mem>>
    %dma_start3A_30 = tpu.memref_squeeze %dma_start3A_29 : memref<1x!tpu.dma_semaphore, #tpu.memory_space<semaphore_mem>> -> memref<!tpu.dma_semaphore, #tpu.memory_space<semaphore_mem>>
    %dma_start3A_31 = arith.constant 0 : i32
    %dma_start3A_32 = tpu.memref_slice %arg3[%add3A, %dma_start3A_24, %dma_start3A_31] : memref<32x80x128xi32, #tpu.memory_space<hbm>> -> memref<1x1x128xi32, #tpu.memory_space<hbm>>
    %dma_start3A_33 = tpu.memref_squeeze %dma_start3A_32 : memref<1x1x128xi32, #tpu.memory_space<hbm>> -> memref<128xi32, #tpu.memory_space<hbm>>
    tpu.enqueue_dma source(%dma_start3A_33 : memref<128xi32, #tpu.memory_space<hbm>>) target(%arg8 : memref<128xi32, #tpu.memory_space<vmem>>) target_semaphore(%dma_start3A_30 : memref<!tpu.dma_semaphore, #tpu.memory_space<semaphore_mem>>)
    %dma_start3A_34 = arith.constant 1 : i32
    %dma_start3A_35 = arith.constant 1 : i32
    %dma_start3A_36 = arith.constant 0 : i32
    %dma_start3A_37 = tpu.memref_slice %arg4[%add3A, %dma_start3A_34, %dma_start3A_36] : memref<32x80x128xi32, #tpu.memory_space<hbm>> -> memref<1x1x128xi32, #tpu.memory_space<hbm>>
    %dma_start3A_38 = tpu.memref_squeeze %dma_start3A_37 : memref<1x1x128xi32, #tpu.memory_space<hbm>> -> memref<128xi32, #tpu.memory_space<hbm>>
    %dma_start3A_39 = tpu.memref_slice %arg18[%dma_start3A_35] : memref<4x!tpu.dma_semaphore, #tpu.memory_space<semaphore_mem>> -> memref<1x!tpu.dma_semaphore, #tpu.memory_space<semaphore_mem>>
    %dma_start3A_40 = tpu.memref_squeeze %dma_start3A_39 : memref<1x!tpu.dma_semaphore, #tpu.memory_space<semaphore_mem>> -> memref<!tpu.dma_semaphore, #tpu.memory_space<semaphore_mem>>
    %dma_start3A_41 = arith.constant 0 : i32
    %dma_start3A_42 = tpu.memref_slice %arg4[%add3A, %dma_start3A_34, %dma_start3A_41] : memref<32x80x128xi32, #tpu.memory_space<hbm>> -> memref<1x1x128xi32, #tpu.memory_space<hbm>>
    %dma_start3A_43 = tpu.memref_squeeze %dma_start3A_42 : memref<1x1x128xi32, #tpu.memory_space<hbm>> -> memref<128xi32, #tpu.memory_space<hbm>>
    tpu.enqueue_dma source(%dma_start3A_43 : memref<128xi32, #tpu.memory_space<hbm>>) target(%arg12 : memref<128xi32, #tpu.memory_space<vmem>>) target_semaphore(%dma_start3A_40 : memref<!tpu.dma_semaphore, #tpu.memory_space<semaphore_mem>>)
    %dma_start3A_44 = arith.constant 2 : i32
    %dma_start3A_45 = arith.constant 2 : i32
    %dma_start3A_46 = arith.constant 0 : i32
    %dma_start3A_47 = tpu.memref_slice %arg3[%add3A, %dma_start3A_44, %dma_start3A_46] : memref<32x80x128xi32, #tpu.memory_space<hbm>> -> memref<1x1x128xi32, #tpu.memory_space<hbm>>
    %dma_start3A_48 = tpu.memref_squeeze %dma_start3A_47 : memref<1x1x128xi32, #tpu.memory_space<hbm>> -> memref<128xi32, #tpu.memory_space<hbm>>
    %dma_start3A_49 = tpu.memref_slice %arg18[%dma_start3A_45] : memref<4x!tpu.dma_semaphore, #tpu.memory_space<semaphore_mem>> -> memref<1x!tpu.dma_semaphore, #tpu.memory_space<semaphore_mem>>
    %dma_start3A_50 = tpu.memref_squeeze %dma_start3A_49 : memref<1x!tpu.dma_semaphore, #tpu.memory_space<semaphore_mem>> -> memref<!tpu.dma_semaphore, #tpu.memory_space<semaphore_mem>>
    %dma_start3A_51 = arith.constant 0 : i32
    %dma_start3A_52 = tpu.memref_slice %arg3[%add3A, %dma_start3A_44, %dma_start3A_51] : memref<32x80x128xi32, #tpu.memory_space<hbm>> -> memref<1x1x128xi32, #tpu.memory_space<hbm>>
    %dma_start3A_53 = tpu.memref_squeeze %dma_start3A_52 : memref<1x1x128xi32, #tpu.memory_space<hbm>> -> memref<128xi32, #tpu.memory_space<hbm>>
    tpu.enqueue_dma source(%dma_start3A_53 : memref<128xi32, #tpu.memory_space<hbm>>) target(%arg9 : memref<128xi32, #tpu.memory_space<vmem>>) target_semaphore(%dma_start3A_50 : memref<!tpu.dma_semaphore, #tpu.memory_space<semaphore_mem>>)
    %dma_start3A_54 = arith.constant 2 : i32
    %dma_start3A_55 = arith.constant 2 : i32
    %dma_start3A_56 = arith.constant 0 : i32
    %dma_start3A_57 = tpu.memref_slice %arg4[%add3A, %dma_start3A_54, %dma_start3A_56] : memref<32x80x128xi32, #tpu.memory_space<hbm>> -> memref<1x1x128xi32, #tpu.memory_space<hbm>>
    %dma_start3A_58 = tpu.memref_squeeze %dma_start3A_57 : memref<1x1x128xi32, #tpu.memory_space<hbm>> -> memref<128xi32, #tpu.memory_space<hbm>>
    %dma_start3A_59 = tpu.memref_slice %arg18[%dma_start3A_55] : memref<4x!tpu.dma_semaphore, #tpu.memory_space<semaphore_mem>> -> memref<1x!tpu.dma_semaphore, #tpu.memory_space<semaphore_mem>>
    %dma_start3A_60 = tpu.memref_squeeze %dma_start3A_59 : memref<1x!tpu.dma_semaphore, #tpu.memory_space<semaphore_mem>> -> memref<!tpu.dma_semaphore, #tpu.memory_space<semaphore_mem>>
    %dma_start3A_61 = arith.constant 0 : i32
    %dma_start3A_62 = tpu.memref_slice %arg4[%add3A, %dma_start3A_54, %dma_start3A_61] : memref<32x80x128xi32, #tpu.memory_space<hbm>> -> memref<1x1x128xi32, #tpu.memory_space<hbm>>
    %dma_start3A_63 = tpu.memref_squeeze %dma_start3A_62 : memref<1x1x128xi32, #tpu.memory_space<hbm>> -> memref<128xi32, #tpu.memory_space<hbm>>
    tpu.enqueue_dma source(%dma_start3A_63 : memref<128xi32, #tpu.memory_space<hbm>>) target(%arg13 : memref<128xi32, #tpu.memory_space<vmem>>) target_semaphore(%dma_start3A_60 : memref<!tpu.dma_semaphore, #tpu.memory_space<semaphore_mem>>)
    %barrier3A = arith.constant 0 : index
    tpu.barrier barrier_id(%barrier3A)
    %dma_wait3A = arith.constant 0 : i32
    %dma_wait3A_64 = arith.constant 0 : i32
    %dma_wait3A_65 = arith.constant 0 : i32
    %dma_wait3A_66 = tpu.memref_slice %arg3[%add3A, %dma_wait3A, %dma_wait3A_65] : memref<32x80x128xi32, #tpu.memory_space<hbm>> -> memref<1x1x128xi32, #tpu.memory_space<hbm>>
    %dma_wait3A_67 = tpu.memref_squeeze %dma_wait3A_66 : memref<1x1x128xi32, #tpu.memory_space<hbm>> -> memref<128xi32, #tpu.memory_space<hbm>>
    %dma_wait3A_68 = tpu.memref_slice %arg18[%dma_wait3A_64] : memref<4x!tpu.dma_semaphore, #tpu.memory_space<semaphore_mem>> -> memref<1x!tpu.dma_semaphore, #tpu.memory_space<semaphore_mem>>
    %dma_wait3A_69 = tpu.memref_squeeze %dma_wait3A_68 : memref<1x!tpu.dma_semaphore, #tpu.memory_space<semaphore_mem>> -> memref<!tpu.dma_semaphore, #tpu.memory_space<semaphore_mem>>
    %dma_wait3A_70 = arith.constant 0 : i32
    %dma_wait3A_71 = tpu.memref_slice %arg3[%add3A, %dma_wait3A, %dma_wait3A_70] : memref<32x80x128xi32, #tpu.memory_space<hbm>> -> memref<1x1x128xi32, #tpu.memory_space<hbm>>
    %dma_wait3A_72 = tpu.memref_squeeze %dma_wait3A_71 : memref<1x1x128xi32, #tpu.memory_space<hbm>> -> memref<128xi32, #tpu.memory_space<hbm>>
    tpu.wait_dma2 semaphore(%dma_wait3A_69 : memref<!tpu.dma_semaphore, #tpu.memory_space<semaphore_mem>>) src(%dma_wait3A_72 : memref<128xi32, #tpu.memory_space<hbm>>) dst(%arg7 : memref<128xi32, #tpu.memory_space<vmem>>)
    %dma_wait3A_73 = arith.constant 0 : i32
    %dma_wait3A_74 = arith.constant 0 : i32
    %dma_wait3A_75 = arith.constant 0 : i32
    %dma_wait3A_76 = tpu.memref_slice %arg4[%add3A, %dma_wait3A_73, %dma_wait3A_75] : memref<32x80x128xi32, #tpu.memory_space<hbm>> -> memref<1x1x128xi32, #tpu.memory_space<hbm>>
    %dma_wait3A_77 = tpu.memref_squeeze %dma_wait3A_76 : memref<1x1x128xi32, #tpu.memory_space<hbm>> -> memref<128xi32, #tpu.memory_space<hbm>>
    %dma_wait3A_78 = tpu.memref_slice %arg18[%dma_wait3A_74] : memref<4x!tpu.dma_semaphore, #tpu.memory_space<semaphore_mem>> -> memref<1x!tpu.dma_semaphore, #tpu.memory_space<semaphore_mem>>
    %dma_wait3A_79 = tpu.memref_squeeze %dma_wait3A_78 : memref<1x!tpu.dma_semaphore, #tpu.memory_space<semaphore_mem>> -> memref<!tpu.dma_semaphore, #tpu.memory_space<semaphore_mem>>
    %dma_wait3A_80 = arith.constant 0 : i32
    %dma_wait3A_81 = tpu.memref_slice %arg4[%add3A, %dma_wait3A_73, %dma_wait3A_80] : memref<32x80x128xi32, #tpu.memory_space<hbm>> -> memref<1x1x128xi32, #tpu.memory_space<hbm>>
    %dma_wait3A_82 = tpu.memref_squeeze %dma_wait3A_81 : memref<1x1x128xi32, #tpu.memory_space<hbm>> -> memref<128xi32, #tpu.memory_space<hbm>>
    tpu.wait_dma2 semaphore(%dma_wait3A_79 : memref<!tpu.dma_semaphore, #tpu.memory_space<semaphore_mem>>) src(%dma_wait3A_82 : memref<128xi32, #tpu.memory_space<hbm>>) dst(%arg11 : memref<128xi32, #tpu.memory_space<vmem>>)
    %dma_start3A_83 = arith.constant 0 : i32
    %dma_start3A_84 = arith.constant 0 : i32
    %dma_start3A_85 = arith.constant 0 : i32
    %dma_start3A_86 = tpu.memref_slice %arg2[%dma_start3A_84, %dma_start3A_85] : memref<10112x128xf32, #tpu.memory_space<hbm>> -> memref<10112x128xf32, #tpu.memory_space<hbm>>
    %dma_start3A_87 = tpu.memref_slice %arg19[%dma_start3A_83] : memref<2x!tpu.dma_semaphore, #tpu.memory_space<semaphore_mem>> -> memref<1x!tpu.dma_semaphore, #tpu.memory_space<semaphore_mem>>
    %dma_start3A_88 = tpu.memref_squeeze %dma_start3A_87 : memref<1x!tpu.dma_semaphore, #tpu.memory_space<semaphore_mem>> -> memref<!tpu.dma_semaphore, #tpu.memory_space<semaphore_mem>>
    tpu.enqueue_indirect_dma source(%dma_start3A_86 : memref<10112x128xf32, #tpu.memory_space<hbm>>) target(%arg15 : memref<128x128xf32, #tpu.memory_space<vmem>>) offsets(%arg7 : memref<128xi32, #tpu.memory_space<vmem>>) semaphore(%dma_start3A_88 : memref<!tpu.dma_semaphore, #tpu.memory_space<semaphore_mem>>)
    %scan3A = arith.constant 0 : i32
    %scan3A_89 = arith.constant 0 : i32
    %scan3A_90 = arith.constant 20 : i32
    %scan3A_91 = arith.addi %scan3A_89, %scan3A_90 : i32
    %scan3A_92 = arith.constant 1 : i32
    scf.for %scan3A_108 = %scan3A_89 to %scan3A_91 step %scan3A_92  : i32 {
      %mul3A_109 = arith.constant 4 : i32
      %mul3A_110 = arith.muli %scan3A_108, %mul3A_109 : i32
      %add3A_111 = arith.constant 0 : i32
      %add3A_112 = arith.addi %mul3A_110, %add3A_111 : i32
      %ge3A = arith.constant 1 : i32
      %ge3A_113 = arith.cmpi sge, %add3A_112, %ge3A : i32
      %convert_element_type3A = arith.extui %ge3A_113 : i1 to i32
      %cond3A = arith.constant 0 : i32
      %cond3A_114 = arith.cmpi ne, %convert_element_type3A, %cond3A : i32
      scf.if %cond3A_114 {
        %dma_wait3A_273 = arith.constant 1 : i32
        %dma_wait3A_274 = arith.constant 0 : i32
        %dma_wait3A_275 = arith.constant 0 : i32
        %dma_wait3A_276 = tpu.memref_slice %arg17[%dma_wait3A_274, %dma_wait3A_275] : memref<10112x128xf32, #tpu.memory_space<vmem_shared>> -> memref<10112x128xf32, #tpu.memory_space<vmem_shared>>
        %dma_wait3A_277 = tpu.memref_slice %arg20[%dma_wait3A_273] : memref<2x!tpu.dma_semaphore, #tpu.memory_space<semaphore_mem>> -> memref<1x!tpu.dma_semaphore, #tpu.memory_space<semaphore_mem>>
        %dma_wait3A_278 = tpu.memref_squeeze %dma_wait3A_277 : memref<1x!tpu.dma_semaphore, #tpu.memory_space<semaphore_mem>> -> memref<!tpu.dma_semaphore, #tpu.memory_space<semaphore_mem>>
        tpu.wait_indirect_dma semaphore(%dma_wait3A_278 : memref<!tpu.dma_semaphore, #tpu.memory_space<semaphore_mem>>) src(%arg16 : memref<128x128xf32, #tpu.memory_space<vmem>>) dst(%dma_wait3A_276 : memref<10112x128xf32, #tpu.memory_space<vmem_shared>>)
      } else {
      }
      %add3A_115 = arith.constant 1 : i32
      %add3A_116 = arith.addi %add3A_112, %add3A_115 : i32
      %lt3A = arith.constant 80 : i32
      %lt3A_117 = arith.cmpi slt, %add3A_116, %lt3A : i32
      %convert_element_type3A_118 = arith.extui %lt3A_117 : i1 to i32
      %cond3A_119 = arith.constant 0 : i32
      %cond3A_120 = arith.cmpi ne, %convert_element_type3A_118, %cond3A_119 : i32
      scf.if %cond3A_120 {
        %dma_wait3A_273 = arith.constant 0 : i32
        %dma_wait3A_274 = arith.constant 1 : i32
        %dma_wait3A_275 = arith.constant 0 : i32
        %dma_wait3A_276 = tpu.memref_slice %arg3[%add3A, %dma_wait3A_273, %dma_wait3A_275] : memref<32x80x128xi32, #tpu.memory_space<hbm>> -> memref<1x1x128xi32, #tpu.memory_space<hbm>>
        %dma_wait3A_277 = tpu.memref_squeeze %dma_wait3A_276 : memref<1x1x128xi32, #tpu.memory_space<hbm>> -> memref<128xi32, #tpu.memory_space<hbm>>
        %dma_wait3A_278 = tpu.memref_slice %arg18[%dma_wait3A_274] : memref<4x!tpu.dma_semaphore, #tpu.memory_space<semaphore_mem>> -> memref<1x!tpu.dma_semaphore, #tpu.memory_space<semaphore_mem>>
        %dma_wait3A_279 = tpu.memref_squeeze %dma_wait3A_278 : memref<1x!tpu.dma_semaphore, #tpu.memory_space<semaphore_mem>> -> memref<!tpu.dma_semaphore, #tpu.memory_space<semaphore_mem>>
        %dma_wait3A_280 = arith.constant 0 : i32
        %dma_wait3A_281 = tpu.memref_slice %arg3[%add3A, %dma_wait3A_273, %dma_wait3A_280] : memref<32x80x128xi32, #tpu.memory_space<hbm>> -> memref<1x1x128xi32, #tpu.memory_space<hbm>>
        %dma_wait3A_282 = tpu.memref_squeeze %dma_wait3A_281 : memref<1x1x128xi32, #tpu.memory_space<hbm>> -> memref<128xi32, #tpu.memory_space<hbm>>
        tpu.wait_dma2 semaphore(%dma_wait3A_279 : memref<!tpu.dma_semaphore, #tpu.memory_space<semaphore_mem>>) src(%dma_wait3A_282 : memref<128xi32, #tpu.memory_space<hbm>>) dst(%arg8 : memref<128xi32, #tpu.memory_space<vmem>>)
        %dma_wait3A_283 = arith.constant 0 : i32
        %dma_wait3A_284 = arith.constant 1 : i32
        %dma_wait3A_285 = arith.constant 0 : i32
        %dma_wait3A_286 = tpu.memref_slice %arg4[%add3A, %dma_wait3A_283, %dma_wait3A_285] : memref<32x80x128xi32, #tpu.memory_space<hbm>> -> memref<1x1x128xi32, #tpu.memory_space<hbm>>
        %dma_wait3A_287 = tpu.memref_squeeze %dma_wait3A_286 : memref<1x1x128xi32, #tpu.memory_space<hbm>> -> memref<128xi32, #tpu.memory_space<hbm>>
        %dma_wait3A_288 = tpu.memref_slice %arg18[%dma_wait3A_284] : memref<4x!tpu.dma_semaphore, #tpu.memory_space<semaphore_mem>> -> memref<1x!tpu.dma_semaphore, #tpu.memory_space<semaphore_mem>>
        %dma_wait3A_289 = tpu.memref_squeeze %dma_wait3A_288 : memref<1x!tpu.dma_semaphore, #tpu.memory_space<semaphore_mem>> -> memref<!tpu.dma_semaphore, #tpu.memory_space<semaphore_mem>>
        %dma_wait3A_290 = arith.constant 0 : i32
        %dma_wait3A_291 = tpu.memref_slice %arg4[%add3A, %dma_wait3A_283, %dma_wait3A_290] : memref<32x80x128xi32, #tpu.memory_space<hbm>> -> memref<1x1x128xi32, #tpu.memory_space<hbm>>
        %dma_wait3A_292 = tpu.memref_squeeze %dma_wait3A_291 : memref<1x1x128xi32, #tpu.memory_space<hbm>> -> memref<128xi32, #tpu.memory_space<hbm>>
        tpu.wait_dma2 semaphore(%dma_wait3A_289 : memref<!tpu.dma_semaphore, #tpu.memory_space<semaphore_mem>>) src(%dma_wait3A_292 : memref<128xi32, #tpu.memory_space<hbm>>) dst(%arg12 : memref<128xi32, #tpu.memory_space<vmem>>)
      } else {
      }
      %add3A_121 = arith.constant 1 : i32
      %add3A_122 = arith.addi %add3A_112, %add3A_121 : i32
      %lt3A_123 = arith.constant 80 : i32
      %lt3A_124 = arith.cmpi slt, %add3A_122, %lt3A_123 : i32
      %convert_element_type3A_125 = arith.extui %lt3A_124 : i1 to i32
      %cond3A_126 = arith.constant 0 : i32
      %cond3A_127 = arith.cmpi ne, %convert_element_type3A_125, %cond3A_126 : i32
      scf.if %cond3A_127 {
        %dma_start3A_273 = arith.constant 1 : i32
        %dma_start3A_274 = arith.constant 0 : i32
        %dma_start3A_275 = arith.constant 0 : i32
        %dma_start3A_276 = tpu.memref_slice %arg2[%dma_start3A_274, %dma_start3A_275] : memref<10112x128xf32, #tpu.memory_space<hbm>> -> memref<10112x128xf32, #tpu.memory_space<hbm>>
        %dma_start3A_277 = tpu.memref_slice %arg19[%dma_start3A_273] : memref<2x!tpu.dma_semaphore, #tpu.memory_space<semaphore_mem>> -> memref<1x!tpu.dma_semaphore, #tpu.memory_space<semaphore_mem>>
        %dma_start3A_278 = tpu.memref_squeeze %dma_start3A_277 : memref<1x!tpu.dma_semaphore, #tpu.memory_space<semaphore_mem>> -> memref<!tpu.dma_semaphore, #tpu.memory_space<semaphore_mem>>
        tpu.enqueue_indirect_dma source(%dma_start3A_276 : memref<10112x128xf32, #tpu.memory_space<hbm>>) target(%arg16 : memref<128x128xf32, #tpu.memory_space<vmem>>) offsets(%arg8 : memref<128xi32, #tpu.memory_space<vmem>>) semaphore(%dma_start3A_278 : memref<!tpu.dma_semaphore, #tpu.memory_space<semaphore_mem>>)
      } else {
      }
      %add3A_128 = arith.constant 3 : i32
      %add3A_129 = arith.addi %add3A_112, %add3A_128 : i32
      %lt3A_130 = arith.constant 80 : i32
      %lt3A_131 = arith.cmpi slt, %add3A_129, %lt3A_130 : i32
      %convert_element_type3A_132 = arith.extui %lt3A_131 : i1 to i32
      %cond3A_133 = arith.constant 0 : i32
      %cond3A_134 = arith.cmpi ne, %convert_element_type3A_132, %cond3A_133 : i32
      scf.if %cond3A_134 {
        %add3A_273 = arith.constant 3 : i32
        %add3A_274 = arith.addi %add3A_112, %add3A_273 : i32
        %dma_start3A_275 = arith.constant 3 : i32
        %dma_start3A_276 = arith.constant 0 : i32
        %dma_start3A_277 = tpu.memref_slice %arg3[%add3A, %add3A_274, %dma_start3A_276] : memref<32x80x128xi32, #tpu.memory_space<hbm>> -> memref<1x1x128xi32, #tpu.memory_space<hbm>>
        %dma_start3A_278 = tpu.memref_squeeze %dma_start3A_277 : memref<1x1x128xi32, #tpu.memory_space<hbm>> -> memref<128xi32, #tpu.memory_space<hbm>>
        %dma_start3A_279 = tpu.memref_slice %arg18[%dma_start3A_275] : memref<4x!tpu.dma_semaphore, #tpu.memory_space<semaphore_mem>> -> memref<1x!tpu.dma_semaphore, #tpu.memory_space<semaphore_mem>>
        %dma_start3A_280 = tpu.memref_squeeze %dma_start3A_279 : memref<1x!tpu.dma_semaphore, #tpu.memory_space<semaphore_mem>> -> memref<!tpu.dma_semaphore, #tpu.memory_space<semaphore_mem>>
        %dma_start3A_281 = arith.constant 0 : i32
        %dma_start3A_282 = tpu.memref_slice %arg3[%add3A, %add3A_274, %dma_start3A_281] : memref<32x80x128xi32, #tpu.memory_space<hbm>> -> memref<1x1x128xi32, #tpu.memory_space<hbm>>
        %dma_start3A_283 = tpu.memref_squeeze %dma_start3A_282 : memref<1x1x128xi32, #tpu.memory_space<hbm>> -> memref<128xi32, #tpu.memory_space<hbm>>
        tpu.enqueue_dma source(%dma_start3A_283 : memref<128xi32, #tpu.memory_space<hbm>>) target(%arg10 : memref<128xi32, #tpu.memory_space<vmem>>) target_semaphore(%dma_start3A_280 : memref<!tpu.dma_semaphore, #tpu.memory_space<semaphore_mem>>)
        %add3A_284 = arith.constant 3 : i32
        %add3A_285 = arith.addi %add3A_112, %add3A_284 : i32
        %dma_start3A_286 = arith.constant 3 : i32
        %dma_start3A_287 = arith.constant 0 : i32
        %dma_start3A_288 = tpu.memref_slice %arg4[%add3A, %add3A_285, %dma_start3A_287] : memref<32x80x128xi32, #tpu.memory_space<hbm>> -> memref<1x1x128xi32, #tpu.memory_space<hbm>>
        %dma_start3A_289 = tpu.memref_squeeze %dma_start3A_288 : memref<1x1x128xi32, #tpu.memory_space<hbm>> -> memref<128xi32, #tpu.memory_space<hbm>>
        %dma_start3A_290 = tpu.memref_slice %arg18[%dma_start3A_286] : memref<4x!tpu.dma_semaphore, #tpu.memory_space<semaphore_mem>> -> memref<1x!tpu.dma_semaphore, #tpu.memory_space<semaphore_mem>>
        %dma_start3A_291 = tpu.memref_squeeze %dma_start3A_290 : memref<1x!tpu.dma_semaphore, #tpu.memory_space<semaphore_mem>> -> memref<!tpu.dma_semaphore, #tpu.memory_space<semaphore_mem>>
        %dma_start3A_292 = arith.constant 0 : i32
        %dma_start3A_293 = tpu.memref_slice %arg4[%add3A, %add3A_285, %dma_start3A_292] : memref<32x80x128xi32, #tpu.memory_space<hbm>> -> memref<1x1x128xi32, #tpu.memory_space<hbm>>
        %dma_start3A_294 = tpu.memref_squeeze %dma_start3A_293 : memref<1x1x128xi32, #tpu.memory_space<hbm>> -> memref<128xi32, #tpu.memory_space<hbm>>
        tpu.enqueue_dma source(%dma_start3A_294 : memref<128xi32, #tpu.memory_space<hbm>>) target(%arg14 : memref<128xi32, #tpu.memory_space<vmem>>) target_semaphore(%dma_start3A_291 : memref<!tpu.dma_semaphore, #tpu.memory_space<semaphore_mem>>)
      } else {
      }
      %dma_wait3A_135 = arith.constant 0 : i32
      %dma_wait3A_136 = arith.constant 0 : i32
      %dma_wait3A_137 = arith.constant 0 : i32
      %dma_wait3A_138 = tpu.memref_slice %arg2[%dma_wait3A_136, %dma_wait3A_137] : memref<10112x128xf32, #tpu.memory_space<hbm>> -> memref<10112x128xf32, #tpu.memory_space<hbm>>
      %dma_wait3A_139 = tpu.memref_slice %arg19[%dma_wait3A_135] : memref<2x!tpu.dma_semaphore, #tpu.memory_space<semaphore_mem>> -> memref<1x!tpu.dma_semaphore, #tpu.memory_space<semaphore_mem>>
      %dma_wait3A_140 = tpu.memref_squeeze %dma_wait3A_139 : memref<1x!tpu.dma_semaphore, #tpu.memory_space<semaphore_mem>> -> memref<!tpu.dma_semaphore, #tpu.memory_space<semaphore_mem>>
      tpu.wait_indirect_dma semaphore(%dma_wait3A_140 : memref<!tpu.dma_semaphore, #tpu.memory_space<semaphore_mem>>) src(%dma_wait3A_138 : memref<10112x128xf32, #tpu.memory_space<hbm>>) dst(%arg15 : memref<128x128xf32, #tpu.memory_space<vmem>>)
      %dma_start3A_141 = arith.constant 0 : i32
      %dma_start3A_142 = arith.constant 0 : i32
      %dma_start3A_143 = arith.constant 0 : i32
      %dma_start3A_144 = tpu.memref_slice %arg17[%dma_start3A_142, %dma_start3A_143] : memref<10112x128xf32, #tpu.memory_space<vmem_shared>> -> memref<10112x128xf32, #tpu.memory_space<vmem_shared>>
      %dma_start3A_145 = tpu.memref_slice %arg20[%dma_start3A_141] : memref<2x!tpu.dma_semaphore, #tpu.memory_space<semaphore_mem>> -> memref<1x!tpu.dma_semaphore, #tpu.memory_space<semaphore_mem>>
      %dma_start3A_146 = tpu.memref_squeeze %dma_start3A_145 : memref<1x!tpu.dma_semaphore, #tpu.memory_space<semaphore_mem>> -> memref<!tpu.dma_semaphore, #tpu.memory_space<semaphore_mem>>
      tpu.enqueue_indirect_dma source(%arg15 : memref<128x128xf32, #tpu.memory_space<vmem>>) target(%dma_start3A_144 : memref<10112x128xf32, #tpu.memory_space<vmem_shared>>) offsets(%arg11 : memref<128xi32, #tpu.memory_space<vmem>>) semaphore(%dma_start3A_146 : memref<!tpu.dma_semaphore, #tpu.memory_space<semaphore_mem>>) {add = true}
      %mul3A_147 = arith.constant 4 : i32
      %mul3A_148 = arith.muli %scan3A_108, %mul3A_147 : i32
      %add3A_149 = arith.constant 1 : i32
      %add3A_150 = arith.addi %mul3A_148, %add3A_149 : i32
      %ge3A_151 = arith.constant 1 : i32
      %ge3A_152 = arith.cmpi sge, %add3A_150, %ge3A_151 : i32
      %convert_element_type3A_153 = arith.extui %ge3A_152 : i1 to i32
      %cond3A_154 = arith.constant 0 : i32
      %cond3A_155 = arith.cmpi ne, %convert_element_type3A_153, %cond3A_154 : i32
      scf.if %cond3A_155 {
        %dma_wait3A_273 = arith.constant 0 : i32
        %dma_wait3A_274 = arith.constant 0 : i32
        %dma_wait3A_275 = arith.constant 0 : i32
        %dma_wait3A_276 = tpu.memref_slice %arg17[%dma_wait3A_274, %dma_wait3A_275] : memref<10112x128xf32, #tpu.memory_space<vmem_shared>> -> memref<10112x128xf32, #tpu.memory_space<vmem_shared>>
        %dma_wait3A_277 = tpu.memref_slice %arg20[%dma_wait3A_273] : memref<2x!tpu.dma_semaphore, #tpu.memory_space<semaphore_mem>> -> memref<1x!tpu.dma_semaphore, #tpu.memory_space<semaphore_mem>>
        %dma_wait3A_278 = tpu.memref_squeeze %dma_wait3A_277 : memref<1x!tpu.dma_semaphore, #tpu.memory_space<semaphore_mem>> -> memref<!tpu.dma_semaphore, #tpu.memory_space<semaphore_mem>>
        tpu.wait_indirect_dma semaphore(%dma_wait3A_278 : memref<!tpu.dma_semaphore, #tpu.memory_space<semaphore_mem>>) src(%arg15 : memref<128x128xf32, #tpu.memory_space<vmem>>) dst(%dma_wait3A_276 : memref<10112x128xf32, #tpu.memory_space<vmem_shared>>)
      } else {
      }
      %add3A_156 = arith.constant 1 : i32
      %add3A_157 = arith.addi %add3A_150, %add3A_156 : i32
      %lt3A_158 = arith.constant 80 : i32
      %lt3A_159 = arith.cmpi slt, %add3A_157, %lt3A_158 : i32
      %convert_element_type3A_160 = arith.extui %lt3A_159 : i1 to i32
      %cond3A_161 = arith.constant 0 : i32
      %cond3A_162 = arith.cmpi ne, %convert_element_type3A_160, %cond3A_161 : i32
      scf.if %cond3A_162 {
        %dma_wait3A_273 = arith.constant 0 : i32
        %dma_wait3A_274 = arith.constant 2 : i32
        %dma_wait3A_275 = arith.constant 0 : i32
        %dma_wait3A_276 = tpu.memref_slice %arg3[%add3A, %dma_wait3A_273, %dma_wait3A_275] : memref<32x80x128xi32, #tpu.memory_space<hbm>> -> memref<1x1x128xi32, #tpu.memory_space<hbm>>
        %dma_wait3A_277 = tpu.memref_squeeze %dma_wait3A_276 : memref<1x1x128xi32, #tpu.memory_space<hbm>> -> memref<128xi32, #tpu.memory_space<hbm>>
        %dma_wait3A_278 = tpu.memref_slice %arg18[%dma_wait3A_274] : memref<4x!tpu.dma_semaphore, #tpu.memory_space<semaphore_mem>> -> memref<1x!tpu.dma_semaphore, #tpu.memory_space<semaphore_mem>>
        %dma_wait3A_279 = tpu.memref_squeeze %dma_wait3A_278 : memref<1x!tpu.dma_semaphore, #tpu.memory_space<semaphore_mem>> -> memref<!tpu.dma_semaphore, #tpu.memory_space<semaphore_mem>>
        %dma_wait3A_280 = arith.constant 0 : i32
        %dma_wait3A_281 = tpu.memref_slice %arg3[%add3A, %dma_wait3A_273, %dma_wait3A_280] : memref<32x80x128xi32, #tpu.memory_space<hbm>> -> memref<1x1x128xi32, #tpu.memory_space<hbm>>
        %dma_wait3A_282 = tpu.memref_squeeze %dma_wait3A_281 : memref<1x1x128xi32, #tpu.memory_space<hbm>> -> memref<128xi32, #tpu.memory_space<hbm>>
        tpu.wait_dma2 semaphore(%dma_wait3A_279 : memref<!tpu.dma_semaphore, #tpu.memory_space<semaphore_mem>>) src(%dma_wait3A_282 : memref<128xi32, #tpu.memory_space<hbm>>) dst(%arg9 : memref<128xi32, #tpu.memory_space<vmem>>)
        %dma_wait3A_283 = arith.constant 0 : i32
        %dma_wait3A_284 = arith.constant 2 : i32
        %dma_wait3A_285 = arith.constant 0 : i32
        %dma_wait3A_286 = tpu.memref_slice %arg4[%add3A, %dma_wait3A_283, %dma_wait3A_285] : memref<32x80x128xi32, #tpu.memory_space<hbm>> -> memref<1x1x128xi32, #tpu.memory_space<hbm>>
        %dma_wait3A_287 = tpu.memref_squeeze %dma_wait3A_286 : memref<1x1x128xi32, #tpu.memory_space<hbm>> -> memref<128xi32, #tpu.memory_space<hbm>>
        %dma_wait3A_288 = tpu.memref_slice %arg18[%dma_wait3A_284] : memref<4x!tpu.dma_semaphore, #tpu.memory_space<semaphore_mem>> -> memref<1x!tpu.dma_semaphore, #tpu.memory_space<semaphore_mem>>
        %dma_wait3A_289 = tpu.memref_squeeze %dma_wait3A_288 : memref<1x!tpu.dma_semaphore, #tpu.memory_space<semaphore_mem>> -> memref<!tpu.dma_semaphore, #tpu.memory_space<semaphore_mem>>
        %dma_wait3A_290 = arith.constant 0 : i32
        %dma_wait3A_291 = tpu.memref_slice %arg4[%add3A, %dma_wait3A_283, %dma_wait3A_290] : memref<32x80x128xi32, #tpu.memory_space<hbm>> -> memref<1x1x128xi32, #tpu.memory_space<hbm>>
        %dma_wait3A_292 = tpu.memref_squeeze %dma_wait3A_291 : memref<1x1x128xi32, #tpu.memory_space<hbm>> -> memref<128xi32, #tpu.memory_space<hbm>>
        tpu.wait_dma2 semaphore(%dma_wait3A_289 : memref<!tpu.dma_semaphore, #tpu.memory_space<semaphore_mem>>) src(%dma_wait3A_292 : memref<128xi32, #tpu.memory_space<hbm>>) dst(%arg13 : memref<128xi32, #tpu.memory_space<vmem>>)
      } else {
      }
      %add3A_163 = arith.constant 1 : i32
      %add3A_164 = arith.addi %add3A_150, %add3A_163 : i32
      %lt3A_165 = arith.constant 80 : i32
      %lt3A_166 = arith.cmpi slt, %add3A_164, %lt3A_165 : i32
      %convert_element_type3A_167 = arith.extui %lt3A_166 : i1 to i32
      %cond3A_168 = arith.constant 0 : i32
      %cond3A_169 = arith.cmpi ne, %convert_element_type3A_167, %cond3A_168 : i32
      scf.if %cond3A_169 {
        %dma_start3A_273 = arith.constant 0 : i32
        %dma_start3A_274 = arith.constant 0 : i32
        %dma_start3A_275 = arith.constant 0 : i32
        %dma_start3A_276 = tpu.memref_slice %arg2[%dma_start3A_274, %dma_start3A_275] : memref<10112x128xf32, #tpu.memory_space<hbm>> -> memref<10112x128xf32, #tpu.memory_space<hbm>>
        %dma_start3A_277 = tpu.memref_slice %arg19[%dma_start3A_273] : memref<2x!tpu.dma_semaphore, #tpu.memory_space<semaphore_mem>> -> memref<1x!tpu.dma_semaphore, #tpu.memory_space<semaphore_mem>>
        %dma_start3A_278 = tpu.memref_squeeze %dma_start3A_277 : memref<1x!tpu.dma_semaphore, #tpu.memory_space<semaphore_mem>> -> memref<!tpu.dma_semaphore, #tpu.memory_space<semaphore_mem>>
        tpu.enqueue_indirect_dma source(%dma_start3A_276 : memref<10112x128xf32, #tpu.memory_space<hbm>>) target(%arg15 : memref<128x128xf32, #tpu.memory_space<vmem>>) offsets(%arg9 : memref<128xi32, #tpu.memory_space<vmem>>) semaphore(%dma_start3A_278 : memref<!tpu.dma_semaphore, #tpu.memory_space<semaphore_mem>>)
      } else {
      }
      %add3A_170 = arith.constant 3 : i32
      %add3A_171 = arith.addi %add3A_150, %add3A_170 : i32
      %lt3A_172 = arith.constant 80 : i32
      %lt3A_173 = arith.cmpi slt, %add3A_171, %lt3A_172 : i32
      %convert_element_type3A_174 = arith.extui %lt3A_173 : i1 to i32
      %cond3A_175 = arith.constant 0 : i32
      %cond3A_176 = arith.cmpi ne, %convert_element_type3A_174, %cond3A_175 : i32
      scf.if %cond3A_176 {
        %add3A_273 = arith.constant 3 : i32
        %add3A_274 = arith.addi %add3A_150, %add3A_273 : i32
        %dma_start3A_275 = arith.constant 0 : i32
        %dma_start3A_276 = arith.constant 0 : i32
        %dma_start3A_277 = tpu.memref_slice %arg3[%add3A, %add3A_274, %dma_start3A_276] : memref<32x80x128xi32, #tpu.memory_space<hbm>> -> memref<1x1x128xi32, #tpu.memory_space<hbm>>
        %dma_start3A_278 = tpu.memref_squeeze %dma_start3A_277 : memref<1x1x128xi32, #tpu.memory_space<hbm>> -> memref<128xi32, #tpu.memory_space<hbm>>
        %dma_start3A_279 = tpu.memref_slice %arg18[%dma_start3A_275] : memref<4x!tpu.dma_semaphore, #tpu.memory_space<semaphore_mem>> -> memref<1x!tpu.dma_semaphore, #tpu.memory_space<semaphore_mem>>
        %dma_start3A_280 = tpu.memref_squeeze %dma_start3A_279 : memref<1x!tpu.dma_semaphore, #tpu.memory_space<semaphore_mem>> -> memref<!tpu.dma_semaphore, #tpu.memory_space<semaphore_mem>>
        %dma_start3A_281 = arith.constant 0 : i32
        %dma_start3A_282 = tpu.memref_slice %arg3[%add3A, %add3A_274, %dma_start3A_281] : memref<32x80x128xi32, #tpu.memory_space<hbm>> -> memref<1x1x128xi32, #tpu.memory_space<hbm>>
        %dma_start3A_283 = tpu.memref_squeeze %dma_start3A_282 : memref<1x1x128xi32, #tpu.memory_space<hbm>> -> memref<128xi32, #tpu.memory_space<hbm>>
        tpu.enqueue_dma source(%dma_start3A_283 : memref<128xi32, #tpu.memory_space<hbm>>) target(%arg7 : memref<128xi32, #tpu.memory_space<vmem>>) target_semaphore(%dma_start3A_280 : memref<!tpu.dma_semaphore, #tpu.memory_space<semaphore_mem>>)
        %add3A_284 = arith.constant 3 : i32
        %add3A_285 = arith.addi %add3A_150, %add3A_284 : i32
        %dma_start3A_286 = arith.constant 0 : i32
        %dma_start3A_287 = arith.constant 0 : i32
        %dma_start3A_288 = tpu.memref_slice %arg4[%add3A, %add3A_285, %dma_start3A_287] : memref<32x80x128xi32, #tpu.memory_space<hbm>> -> memref<1x1x128xi32, #tpu.memory_space<hbm>>
        %dma_start3A_289 = tpu.memref_squeeze %dma_start3A_288 : memref<1x1x128xi32, #tpu.memory_space<hbm>> -> memref<128xi32, #tpu.memory_space<hbm>>
        %dma_start3A_290 = tpu.memref_slice %arg18[%dma_start3A_286] : memref<4x!tpu.dma_semaphore, #tpu.memory_space<semaphore_mem>> -> memref<1x!tpu.dma_semaphore, #tpu.memory_space<semaphore_mem>>
        %dma_start3A_291 = tpu.memref_squeeze %dma_start3A_290 : memref<1x!tpu.dma_semaphore, #tpu.memory_space<semaphore_mem>> -> memref<!tpu.dma_semaphore, #tpu.memory_space<semaphore_mem>>
        %dma_start3A_292 = arith.constant 0 : i32
        %dma_start3A_293 = tpu.memref_slice %arg4[%add3A, %add3A_285, %dma_start3A_292] : memref<32x80x128xi32, #tpu.memory_space<hbm>> -> memref<1x1x128xi32, #tpu.memory_space<hbm>>
        %dma_start3A_294 = tpu.memref_squeeze %dma_start3A_293 : memref<1x1x128xi32, #tpu.memory_space<hbm>> -> memref<128xi32, #tpu.memory_space<hbm>>
        tpu.enqueue_dma source(%dma_start3A_294 : memref<128xi32, #tpu.memory_space<hbm>>) target(%arg11 : memref<128xi32, #tpu.memory_space<vmem>>) target_semaphore(%dma_start3A_291 : memref<!tpu.dma_semaphore, #tpu.memory_space<semaphore_mem>>)
      } else {
      }
      %dma_wait3A_177 = arith.constant 1 : i32
      %dma_wait3A_178 = arith.constant 0 : i32
      %dma_wait3A_179 = arith.constant 0 : i32
      %dma_wait3A_180 = tpu.memref_slice %arg2[%dma_wait3A_178, %dma_wait3A_179] : memref<10112x128xf32, #tpu.memory_space<hbm>> -> memref<10112x128xf32, #tpu.memory_space<hbm>>
      %dma_wait3A_181 = tpu.memref_slice %arg19[%dma_wait3A_177] : memref<2x!tpu.dma_semaphore, #tpu.memory_space<semaphore_mem>> -> memref<1x!tpu.dma_semaphore, #tpu.memory_space<semaphore_mem>>
      %dma_wait3A_182 = tpu.memref_squeeze %dma_wait3A_181 : memref<1x!tpu.dma_semaphore, #tpu.memory_space<semaphore_mem>> -> memref<!tpu.dma_semaphore, #tpu.memory_space<semaphore_mem>>
      tpu.wait_indirect_dma semaphore(%dma_wait3A_182 : memref<!tpu.dma_semaphore, #tpu.memory_space<semaphore_mem>>) src(%dma_wait3A_180 : memref<10112x128xf32, #tpu.memory_space<hbm>>) dst(%arg16 : memref<128x128xf32, #tpu.memory_space<vmem>>)
      %dma_start3A_183 = arith.constant 1 : i32
      %dma_start3A_184 = arith.constant 0 : i32
      %dma_start3A_185 = arith.constant 0 : i32
      %dma_start3A_186 = tpu.memref_slice %arg17[%dma_start3A_184, %dma_start3A_185] : memref<10112x128xf32, #tpu.memory_space<vmem_shared>> -> memref<10112x128xf32, #tpu.memory_space<vmem_shared>>
      %dma_start3A_187 = tpu.memref_slice %arg20[%dma_start3A_183] : memref<2x!tpu.dma_semaphore, #tpu.memory_space<semaphore_mem>> -> memref<1x!tpu.dma_semaphore, #tpu.memory_space<semaphore_mem>>
      %dma_start3A_188 = tpu.memref_squeeze %dma_start3A_187 : memref<1x!tpu.dma_semaphore, #tpu.memory_space<semaphore_mem>> -> memref<!tpu.dma_semaphore, #tpu.memory_space<semaphore_mem>>
      tpu.enqueue_indirect_dma source(%arg16 : memref<128x128xf32, #tpu.memory_space<vmem>>) target(%dma_start3A_186 : memref<10112x128xf32, #tpu.memory_space<vmem_shared>>) offsets(%arg12 : memref<128xi32, #tpu.memory_space<vmem>>) semaphore(%dma_start3A_188 : memref<!tpu.dma_semaphore, #tpu.memory_space<semaphore_mem>>) {add = true}
      %mul3A_189 = arith.constant 4 : i32
      %mul3A_190 = arith.muli %scan3A_108, %mul3A_189 : i32
      %add3A_191 = arith.constant 2 : i32
      %add3A_192 = arith.addi %mul3A_190, %add3A_191 : i32
      %ge3A_193 = arith.constant 1 : i32
      %ge3A_194 = arith.cmpi sge, %add3A_192, %ge3A_193 : i32
      %convert_element_type3A_195 = arith.extui %ge3A_194 : i1 to i32
      %cond3A_196 = arith.constant 0 : i32
      %cond3A_197 = arith.cmpi ne, %convert_element_type3A_195, %cond3A_196 : i32
      scf.if %cond3A_197 {
        %dma_wait3A_273 = arith.constant 1 : i32
        %dma_wait3A_274 = arith.constant 0 : i32
        %dma_wait3A_275 = arith.constant 0 : i32
        %dma_wait3A_276 = tpu.memref_slice %arg17[%dma_wait3A_274, %dma_wait3A_275] : memref<10112x128xf32, #tpu.memory_space<vmem_shared>> -> memref<10112x128xf32, #tpu.memory_space<vmem_shared>>
        %dma_wait3A_277 = tpu.memref_slice %arg20[%dma_wait3A_273] : memref<2x!tpu.dma_semaphore, #tpu.memory_space<semaphore_mem>> -> memref<1x!tpu.dma_semaphore, #tpu.memory_space<semaphore_mem>>
        %dma_wait3A_278 = tpu.memref_squeeze %dma_wait3A_277 : memref<1x!tpu.dma_semaphore, #tpu.memory_space<semaphore_mem>> -> memref<!tpu.dma_semaphore, #tpu.memory_space<semaphore_mem>>
        tpu.wait_indirect_dma semaphore(%dma_wait3A_278 : memref<!tpu.dma_semaphore, #tpu.memory_space<semaphore_mem>>) src(%arg16 : memref<128x128xf32, #tpu.memory_space<vmem>>) dst(%dma_wait3A_276 : memref<10112x128xf32, #tpu.memory_space<vmem_shared>>)
      } else {
      }
      %add3A_198 = arith.constant 1 : i32
      %add3A_199 = arith.addi %add3A_192, %add3A_198 : i32
      %lt3A_200 = arith.constant 80 : i32
      %lt3A_201 = arith.cmpi slt, %add3A_199, %lt3A_200 : i32
      %convert_element_type3A_202 = arith.extui %lt3A_201 : i1 to i32
      %cond3A_203 = arith.constant 0 : i32
      %cond3A_204 = arith.cmpi ne, %convert_element_type3A_202, %cond3A_203 : i32
      scf.if %cond3A_204 {
        %dma_wait3A_273 = arith.constant 0 : i32
        %dma_wait3A_274 = arith.constant 3 : i32
        %dma_wait3A_275 = arith.constant 0 : i32
        %dma_wait3A_276 = tpu.memref_slice %arg3[%add3A, %dma_wait3A_273, %dma_wait3A_275] : memref<32x80x128xi32, #tpu.memory_space<hbm>> -> memref<1x1x128xi32, #tpu.memory_space<hbm>>
        %dma_wait3A_277 = tpu.memref_squeeze %dma_wait3A_276 : memref<1x1x128xi32, #tpu.memory_space<hbm>> -> memref<128xi32, #tpu.memory_space<hbm>>
        %dma_wait3A_278 = tpu.memref_slice %arg18[%dma_wait3A_274] : memref<4x!tpu.dma_semaphore, #tpu.memory_space<semaphore_mem>> -> memref<1x!tpu.dma_semaphore, #tpu.memory_space<semaphore_mem>>
        %dma_wait3A_279 = tpu.memref_squeeze %dma_wait3A_278 : memref<1x!tpu.dma_semaphore, #tpu.memory_space<semaphore_mem>> -> memref<!tpu.dma_semaphore, #tpu.memory_space<semaphore_mem>>
        %dma_wait3A_280 = arith.constant 0 : i32
        %dma_wait3A_281 = tpu.memref_slice %arg3[%add3A, %dma_wait3A_273, %dma_wait3A_280] : memref<32x80x128xi32, #tpu.memory_space<hbm>> -> memref<1x1x128xi32, #tpu.memory_space<hbm>>
        %dma_wait3A_282 = tpu.memref_squeeze %dma_wait3A_281 : memref<1x1x128xi32, #tpu.memory_space<hbm>> -> memref<128xi32, #tpu.memory_space<hbm>>
        tpu.wait_dma2 semaphore(%dma_wait3A_279 : memref<!tpu.dma_semaphore, #tpu.memory_space<semaphore_mem>>) src(%dma_wait3A_282 : memref<128xi32, #tpu.memory_space<hbm>>) dst(%arg10 : memref<128xi32, #tpu.memory_space<vmem>>)
        %dma_wait3A_283 = arith.constant 0 : i32
        %dma_wait3A_284 = arith.constant 3 : i32
        %dma_wait3A_285 = arith.constant 0 : i32
        %dma_wait3A_286 = tpu.memref_slice %arg4[%add3A, %dma_wait3A_283, %dma_wait3A_285] : memref<32x80x128xi32, #tpu.memory_space<hbm>> -> memref<1x1x128xi32, #tpu.memory_space<hbm>>
        %dma_wait3A_287 = tpu.memref_squeeze %dma_wait3A_286 : memref<1x1x128xi32, #tpu.memory_space<hbm>> -> memref<128xi32, #tpu.memory_space<hbm>>
        %dma_wait3A_288 = tpu.memref_slice %arg18[%dma_wait3A_284] : memref<4x!tpu.dma_semaphore, #tpu.memory_space<semaphore_mem>> -> memref<1x!tpu.dma_semaphore, #tpu.memory_space<semaphore_mem>>
        %dma_wait3A_289 = tpu.memref_squeeze %dma_wait3A_288 : memref<1x!tpu.dma_semaphore, #tpu.memory_space<semaphore_mem>> -> memref<!tpu.dma_semaphore, #tpu.memory_space<semaphore_mem>>
        %dma_wait3A_290 = arith.constant 0 : i32
        %dma_wait3A_291 = tpu.memref_slice %arg4[%add3A, %dma_wait3A_283, %dma_wait3A_290] : memref<32x80x128xi32, #tpu.memory_space<hbm>> -> memref<1x1x128xi32, #tpu.memory_space<hbm>>
        %dma_wait3A_292 = tpu.memref_squeeze %dma_wait3A_291 : memref<1x1x128xi32, #tpu.memory_space<hbm>> -> memref<128xi32, #tpu.memory_space<hbm>>
        tpu.wait_dma2 semaphore(%dma_wait3A_289 : memref<!tpu.dma_semaphore, #tpu.memory_space<semaphore_mem>>) src(%dma_wait3A_292 : memref<128xi32, #tpu.memory_space<hbm>>) dst(%arg14 : memref<128xi32, #tpu.memory_space<vmem>>)
      } else {
      }
      %add3A_205 = arith.constant 1 : i32
      %add3A_206 = arith.addi %add3A_192, %add3A_205 : i32
      %lt3A_207 = arith.constant 80 : i32
      %lt3A_208 = arith.cmpi slt, %add3A_206, %lt3A_207 : i32
      %convert_element_type3A_209 = arith.extui %lt3A_208 : i1 to i32
      %cond3A_210 = arith.constant 0 : i32
      %cond3A_211 = arith.cmpi ne, %convert_element_type3A_209, %cond3A_210 : i32
      scf.if %cond3A_211 {
        %dma_start3A_273 = arith.constant 1 : i32
        %dma_start3A_274 = arith.constant 0 : i32
        %dma_start3A_275 = arith.constant 0 : i32
        %dma_start3A_276 = tpu.memref_slice %arg2[%dma_start3A_274, %dma_start3A_275] : memref<10112x128xf32, #tpu.memory_space<hbm>> -> memref<10112x128xf32, #tpu.memory_space<hbm>>
        %dma_start3A_277 = tpu.memref_slice %arg19[%dma_start3A_273] : memref<2x!tpu.dma_semaphore, #tpu.memory_space<semaphore_mem>> -> memref<1x!tpu.dma_semaphore, #tpu.memory_space<semaphore_mem>>
        %dma_start3A_278 = tpu.memref_squeeze %dma_start3A_277 : memref<1x!tpu.dma_semaphore, #tpu.memory_space<semaphore_mem>> -> memref<!tpu.dma_semaphore, #tpu.memory_space<semaphore_mem>>
        tpu.enqueue_indirect_dma source(%dma_start3A_276 : memref<10112x128xf32, #tpu.memory_space<hbm>>) target(%arg16 : memref<128x128xf32, #tpu.memory_space<vmem>>) offsets(%arg10 : memref<128xi32, #tpu.memory_space<vmem>>) semaphore(%dma_start3A_278 : memref<!tpu.dma_semaphore, #tpu.memory_space<semaphore_mem>>)
      } else {
      }
      %add3A_212 = arith.constant 3 : i32
      %add3A_213 = arith.addi %add3A_192, %add3A_212 : i32
      %lt3A_214 = arith.constant 80 : i32
      %lt3A_215 = arith.cmpi slt, %add3A_213, %lt3A_214 : i32
      %convert_element_type3A_216 = arith.extui %lt3A_215 : i1 to i32
      %cond3A_217 = arith.constant 0 : i32
      %cond3A_218 = arith.cmpi ne, %convert_element_type3A_216, %cond3A_217 : i32
      scf.if %cond3A_218 {
        %add3A_273 = arith.constant 3 : i32
        %add3A_274 = arith.addi %add3A_192, %add3A_273 : i32
        %dma_start3A_275 = arith.constant 1 : i32
        %dma_start3A_276 = arith.constant 0 : i32
        %dma_start3A_277 = tpu.memref_slice %arg3[%add3A, %add3A_274, %dma_start3A_276] : memref<32x80x128xi32, #tpu.memory_space<hbm>> -> memref<1x1x128xi32, #tpu.memory_space<hbm>>
        %dma_start3A_278 = tpu.memref_squeeze %dma_start3A_277 : memref<1x1x128xi32, #tpu.memory_space<hbm>> -> memref<128xi32, #tpu.memory_space<hbm>>
        %dma_start3A_279 = tpu.memref_slice %arg18[%dma_start3A_275] : memref<4x!tpu.dma_semaphore, #tpu.memory_space<semaphore_mem>> -> memref<1x!tpu.dma_semaphore, #tpu.memory_space<semaphore_mem>>
        %dma_start3A_280 = tpu.memref_squeeze %dma_start3A_279 : memref<1x!tpu.dma_semaphore, #tpu.memory_space<semaphore_mem>> -> memref<!tpu.dma_semaphore, #tpu.memory_space<semaphore_mem>>
        %dma_start3A_281 = arith.constant 0 : i32
        %dma_start3A_282 = tpu.memref_slice %arg3[%add3A, %add3A_274, %dma_start3A_281] : memref<32x80x128xi32, #tpu.memory_space<hbm>> -> memref<1x1x128xi32, #tpu.memory_space<hbm>>
        %dma_start3A_283 = tpu.memref_squeeze %dma_start3A_282 : memref<1x1x128xi32, #tpu.memory_space<hbm>> -> memref<128xi32, #tpu.memory_space<hbm>>
        tpu.enqueue_dma source(%dma_start3A_283 : memref<128xi32, #tpu.memory_space<hbm>>) target(%arg8 : memref<128xi32, #tpu.memory_space<vmem>>) target_semaphore(%dma_start3A_280 : memref<!tpu.dma_semaphore, #tpu.memory_space<semaphore_mem>>)
        %add3A_284 = arith.constant 3 : i32
        %add3A_285 = arith.addi %add3A_192, %add3A_284 : i32
        %dma_start3A_286 = arith.constant 1 : i32
        %dma_start3A_287 = arith.constant 0 : i32
        %dma_start3A_288 = tpu.memref_slice %arg4[%add3A, %add3A_285, %dma_start3A_287] : memref<32x80x128xi32, #tpu.memory_space<hbm>> -> memref<1x1x128xi32, #tpu.memory_space<hbm>>
        %dma_start3A_289 = tpu.memref_squeeze %dma_start3A_288 : memref<1x1x128xi32, #tpu.memory_space<hbm>> -> memref<128xi32, #tpu.memory_space<hbm>>
        %dma_start3A_290 = tpu.memref_slice %arg18[%dma_start3A_286] : memref<4x!tpu.dma_semaphore, #tpu.memory_space<semaphore_mem>> -> memref<1x!tpu.dma_semaphore, #tpu.memory_space<semaphore_mem>>
        %dma_start3A_291 = tpu.memref_squeeze %dma_start3A_290 : memref<1x!tpu.dma_semaphore, #tpu.memory_space<semaphore_mem>> -> memref<!tpu.dma_semaphore, #tpu.memory_space<semaphore_mem>>
        %dma_start3A_292 = arith.constant 0 : i32
        %dma_start3A_293 = tpu.memref_slice %arg4[%add3A, %add3A_285, %dma_start3A_292] : memref<32x80x128xi32, #tpu.memory_space<hbm>> -> memref<1x1x128xi32, #tpu.memory_space<hbm>>
        %dma_start3A_294 = tpu.memref_squeeze %dma_start3A_293 : memref<1x1x128xi32, #tpu.memory_space<hbm>> -> memref<128xi32, #tpu.memory_space<hbm>>
        tpu.enqueue_dma source(%dma_start3A_294 : memref<128xi32, #tpu.memory_space<hbm>>) target(%arg12 : memref<128xi32, #tpu.memory_space<vmem>>) target_semaphore(%dma_start3A_291 : memref<!tpu.dma_semaphore, #tpu.memory_space<semaphore_mem>>)
      } else {
      }
      %dma_wait3A_219 = arith.constant 0 : i32
      %dma_wait3A_220 = arith.constant 0 : i32
      %dma_wait3A_221 = arith.constant 0 : i32
      %dma_wait3A_222 = tpu.memref_slice %arg2[%dma_wait3A_220, %dma_wait3A_221] : memref<10112x128xf32, #tpu.memory_space<hbm>> -> memref<10112x128xf32, #tpu.memory_space<hbm>>
      %dma_wait3A_223 = tpu.memref_slice %arg19[%dma_wait3A_219] : memref<2x!tpu.dma_semaphore, #tpu.memory_space<semaphore_mem>> -> memref<1x!tpu.dma_semaphore, #tpu.memory_space<semaphore_mem>>
      %dma_wait3A_224 = tpu.memref_squeeze %dma_wait3A_223 : memref<1x!tpu.dma_semaphore, #tpu.memory_space<semaphore_mem>> -> memref<!tpu.dma_semaphore, #tpu.memory_space<semaphore_mem>>
      tpu.wait_indirect_dma semaphore(%dma_wait3A_224 : memref<!tpu.dma_semaphore, #tpu.memory_space<semaphore_mem>>) src(%dma_wait3A_222 : memref<10112x128xf32, #tpu.memory_space<hbm>>) dst(%arg15 : memref<128x128xf32, #tpu.memory_space<vmem>>)
      %dma_start3A_225 = arith.constant 0 : i32
      %dma_start3A_226 = arith.constant 0 : i32
      %dma_start3A_227 = arith.constant 0 : i32
      %dma_start3A_228 = tpu.memref_slice %arg17[%dma_start3A_226, %dma_start3A_227] : memref<10112x128xf32, #tpu.memory_space<vmem_shared>> -> memref<10112x128xf32, #tpu.memory_space<vmem_shared>>
      %dma_start3A_229 = tpu.memref_slice %arg20[%dma_start3A_225] : memref<2x!tpu.dma_semaphore, #tpu.memory_space<semaphore_mem>> -> memref<1x!tpu.dma_semaphore, #tpu.memory_space<semaphore_mem>>
      %dma_start3A_230 = tpu.memref_squeeze %dma_start3A_229 : memref<1x!tpu.dma_semaphore, #tpu.memory_space<semaphore_mem>> -> memref<!tpu.dma_semaphore, #tpu.memory_space<semaphore_mem>>
      tpu.enqueue_indirect_dma source(%arg15 : memref<128x128xf32, #tpu.memory_space<vmem>>) target(%dma_start3A_228 : memref<10112x128xf32, #tpu.memory_space<vmem_shared>>) offsets(%arg13 : memref<128xi32, #tpu.memory_space<vmem>>) semaphore(%dma_start3A_230 : memref<!tpu.dma_semaphore, #tpu.memory_space<semaphore_mem>>) {add = true}
      %mul3A_231 = arith.constant 4 : i32
      %mul3A_232 = arith.muli %scan3A_108, %mul3A_231 : i32
      %add3A_233 = arith.constant 3 : i32
      %add3A_234 = arith.addi %mul3A_232, %add3A_233 : i32
      %ge3A_235 = arith.constant 1 : i32
      %ge3A_236 = arith.cmpi sge, %add3A_234, %ge3A_235 : i32
      %convert_element_type3A_237 = arith.extui %ge3A_236 : i1 to i32
      %cond3A_238 = arith.constant 0 : i32
      %cond3A_239 = arith.cmpi ne, %convert_element_type3A_237, %cond3A_238 : i32
      scf.if %cond3A_239 {
        %dma_wait3A_273 = arith.constant 0 : i32
        %dma_wait3A_274 = arith.constant 0 : i32
        %dma_wait3A_275 = arith.constant 0 : i32
        %dma_wait3A_276 = tpu.memref_slice %arg17[%dma_wait3A_274, %dma_wait3A_275] : memref<10112x128xf32, #tpu.memory_space<vmem_shared>> -> memref<10112x128xf32, #tpu.memory_space<vmem_shared>>
        %dma_wait3A_277 = tpu.memref_slice %arg20[%dma_wait3A_273] : memref<2x!tpu.dma_semaphore, #tpu.memory_space<semaphore_mem>> -> memref<1x!tpu.dma_semaphore, #tpu.memory_space<semaphore_mem>>
        %dma_wait3A_278 = tpu.memref_squeeze %dma_wait3A_277 : memref<1x!tpu.dma_semaphore, #tpu.memory_space<semaphore_mem>> -> memref<!tpu.dma_semaphore, #tpu.memory_space<semaphore_mem>>
        tpu.wait_indirect_dma semaphore(%dma_wait3A_278 : memref<!tpu.dma_semaphore, #tpu.memory_space<semaphore_mem>>) src(%arg15 : memref<128x128xf32, #tpu.memory_space<vmem>>) dst(%dma_wait3A_276 : memref<10112x128xf32, #tpu.memory_space<vmem_shared>>)
      } else {
      }
      %add3A_240 = arith.constant 1 : i32
      %add3A_241 = arith.addi %add3A_234, %add3A_240 : i32
      %lt3A_242 = arith.constant 80 : i32
      %lt3A_243 = arith.cmpi slt, %add3A_241, %lt3A_242 : i32
      %convert_element_type3A_244 = arith.extui %lt3A_243 : i1 to i32
      %cond3A_245 = arith.constant 0 : i32
      %cond3A_246 = arith.cmpi ne, %convert_element_type3A_244, %cond3A_245 : i32
      scf.if %cond3A_246 {
        %dma_wait3A_273 = arith.constant 0 : i32
        %dma_wait3A_274 = arith.constant 0 : i32
        %dma_wait3A_275 = arith.constant 0 : i32
        %dma_wait3A_276 = tpu.memref_slice %arg3[%add3A, %dma_wait3A_273, %dma_wait3A_275] : memref<32x80x128xi32, #tpu.memory_space<hbm>> -> memref<1x1x128xi32, #tpu.memory_space<hbm>>
        %dma_wait3A_277 = tpu.memref_squeeze %dma_wait3A_276 : memref<1x1x128xi32, #tpu.memory_space<hbm>> -> memref<128xi32, #tpu.memory_space<hbm>>
        %dma_wait3A_278 = tpu.memref_slice %arg18[%dma_wait3A_274] : memref<4x!tpu.dma_semaphore, #tpu.memory_space<semaphore_mem>> -> memref<1x!tpu.dma_semaphore, #tpu.memory_space<semaphore_mem>>
        %dma_wait3A_279 = tpu.memref_squeeze %dma_wait3A_278 : memref<1x!tpu.dma_semaphore, #tpu.memory_space<semaphore_mem>> -> memref<!tpu.dma_semaphore, #tpu.memory_space<semaphore_mem>>
        %dma_wait3A_280 = arith.constant 0 : i32
        %dma_wait3A_281 = tpu.memref_slice %arg3[%add3A, %dma_wait3A_273, %dma_wait3A_280] : memref<32x80x128xi32, #tpu.memory_space<hbm>> -> memref<1x1x128xi32, #tpu.memory_space<hbm>>
        %dma_wait3A_282 = tpu.memref_squeeze %dma_wait3A_281 : memref<1x1x128xi32, #tpu.memory_space<hbm>> -> memref<128xi32, #tpu.memory_space<hbm>>
        tpu.wait_dma2 semaphore(%dma_wait3A_279 : memref<!tpu.dma_semaphore, #tpu.memory_space<semaphore_mem>>) src(%dma_wait3A_282 : memref<128xi32, #tpu.memory_space<hbm>>) dst(%arg7 : memref<128xi32, #tpu.memory_space<vmem>>)
        %dma_wait3A_283 = arith.constant 0 : i32
        %dma_wait3A_284 = arith.constant 0 : i32
        %dma_wait3A_285 = arith.constant 0 : i32
        %dma_wait3A_286 = tpu.memref_slice %arg4[%add3A, %dma_wait3A_283, %dma_wait3A_285] : memref<32x80x128xi32, #tpu.memory_space<hbm>> -> memref<1x1x128xi32, #tpu.memory_space<hbm>>
        %dma_wait3A_287 = tpu.memref_squeeze %dma_wait3A_286 : memref<1x1x128xi32, #tpu.memory_space<hbm>> -> memref<128xi32, #tpu.memory_space<hbm>>
        %dma_wait3A_288 = tpu.memref_slice %arg18[%dma_wait3A_284] : memref<4x!tpu.dma_semaphore, #tpu.memory_space<semaphore_mem>> -> memref<1x!tpu.dma_semaphore, #tpu.memory_space<semaphore_mem>>
        %dma_wait3A_289 = tpu.memref_squeeze %dma_wait3A_288 : memref<1x!tpu.dma_semaphore, #tpu.memory_space<semaphore_mem>> -> memref<!tpu.dma_semaphore, #tpu.memory_space<semaphore_mem>>
        %dma_wait3A_290 = arith.constant 0 : i32
        %dma_wait3A_291 = tpu.memref_slice %arg4[%add3A, %dma_wait3A_283, %dma_wait3A_290] : memref<32x80x128xi32, #tpu.memory_space<hbm>> -> memref<1x1x128xi32, #tpu.memory_space<hbm>>
        %dma_wait3A_292 = tpu.memref_squeeze %dma_wait3A_291 : memref<1x1x128xi32, #tpu.memory_space<hbm>> -> memref<128xi32, #tpu.memory_space<hbm>>
        tpu.wait_dma2 semaphore(%dma_wait3A_289 : memref<!tpu.dma_semaphore, #tpu.memory_space<semaphore_mem>>) src(%dma_wait3A_292 : memref<128xi32, #tpu.memory_space<hbm>>) dst(%arg11 : memref<128xi32, #tpu.memory_space<vmem>>)
      } else {
      }
      %add3A_247 = arith.constant 1 : i32
      %add3A_248 = arith.addi %add3A_234, %add3A_247 : i32
      %lt3A_249 = arith.constant 80 : i32
      %lt3A_250 = arith.cmpi slt, %add3A_248, %lt3A_249 : i32
      %convert_element_type3A_251 = arith.extui %lt3A_250 : i1 to i32
      %cond3A_252 = arith.constant 0 : i32
      %cond3A_253 = arith.cmpi ne, %convert_element_type3A_251, %cond3A_252 : i32
      scf.if %cond3A_253 {
        %dma_start3A_273 = arith.constant 0 : i32
        %dma_start3A_274 = arith.constant 0 : i32
        %dma_start3A_275 = arith.constant 0 : i32
        %dma_start3A_276 = tpu.memref_slice %arg2[%dma_start3A_274, %dma_start3A_275] : memref<10112x128xf32, #tpu.memory_space<hbm>> -> memref<10112x128xf32, #tpu.memory_space<hbm>>
        %dma_start3A_277 = tpu.memref_slice %arg19[%dma_start3A_273] : memref<2x!tpu.dma_semaphore, #tpu.memory_space<semaphore_mem>> -> memref<1x!tpu.dma_semaphore, #tpu.memory_space<semaphore_mem>>
        %dma_start3A_278 = tpu.memref_squeeze %dma_start3A_277 : memref<1x!tpu.dma_semaphore, #tpu.memory_space<semaphore_mem>> -> memref<!tpu.dma_semaphore, #tpu.memory_space<semaphore_mem>>
        tpu.enqueue_indirect_dma source(%dma_start3A_276 : memref<10112x128xf32, #tpu.memory_space<hbm>>) target(%arg15 : memref<128x128xf32, #tpu.memory_space<vmem>>) offsets(%arg7 : memref<128xi32, #tpu.memory_space<vmem>>) semaphore(%dma_start3A_278 : memref<!tpu.dma_semaphore, #tpu.memory_space<semaphore_mem>>)
      } else {
      }
      %add3A_254 = arith.constant 3 : i32
      %add3A_255 = arith.addi %add3A_234, %add3A_254 : i32
      %lt3A_256 = arith.constant 80 : i32
      %lt3A_257 = arith.cmpi slt, %add3A_255, %lt3A_256 : i32
      %convert_element_type3A_258 = arith.extui %lt3A_257 : i1 to i32
      %cond3A_259 = arith.constant 0 : i32
      %cond3A_260 = arith.cmpi ne, %convert_element_type3A_258, %cond3A_259 : i32
      scf.if %cond3A_260 {
        %add3A_273 = arith.constant 3 : i32
        %add3A_274 = arith.addi %add3A_234, %add3A_273 : i32
        %dma_start3A_275 = arith.constant 2 : i32
        %dma_start3A_276 = arith.constant 0 : i32
        %dma_start3A_277 = tpu.memref_slice %arg3[%add3A, %add3A_274, %dma_start3A_276] : memref<32x80x128xi32, #tpu.memory_space<hbm>> -> memref<1x1x128xi32, #tpu.memory_space<hbm>>
        %dma_start3A_278 = tpu.memref_squeeze %dma_start3A_277 : memref<1x1x128xi32, #tpu.memory_space<hbm>> -> memref<128xi32, #tpu.memory_space<hbm>>
        %dma_start3A_279 = tpu.memref_slice %arg18[%dma_start3A_275] : memref<4x!tpu.dma_semaphore, #tpu.memory_space<semaphore_mem>> -> memref<1x!tpu.dma_semaphore, #tpu.memory_space<semaphore_mem>>
        %dma_start3A_280 = tpu.memref_squeeze %dma_start3A_279 : memref<1x!tpu.dma_semaphore, #tpu.memory_space<semaphore_mem>> -> memref<!tpu.dma_semaphore, #tpu.memory_space<semaphore_mem>>
        %dma_start3A_281 = arith.constant 0 : i32
        %dma_start3A_282 = tpu.memref_slice %arg3[%add3A, %add3A_274, %dma_start3A_281] : memref<32x80x128xi32, #tpu.memory_space<hbm>> -> memref<1x1x128xi32, #tpu.memory_space<hbm>>
        %dma_start3A_283 = tpu.memref_squeeze %dma_start3A_282 : memref<1x1x128xi32, #tpu.memory_space<hbm>> -> memref<128xi32, #tpu.memory_space<hbm>>
        tpu.enqueue_dma source(%dma_start3A_283 : memref<128xi32, #tpu.memory_space<hbm>>) target(%arg9 : memref<128xi32, #tpu.memory_space<vmem>>) target_semaphore(%dma_start3A_280 : memref<!tpu.dma_semaphore, #tpu.memory_space<semaphore_mem>>)
        %add3A_284 = arith.constant 3 : i32
        %add3A_285 = arith.addi %add3A_234, %add3A_284 : i32
        %dma_start3A_286 = arith.constant 2 : i32
        %dma_start3A_287 = arith.constant 0 : i32
        %dma_start3A_288 = tpu.memref_slice %arg4[%add3A, %add3A_285, %dma_start3A_287] : memref<32x80x128xi32, #tpu.memory_space<hbm>> -> memref<1x1x128xi32, #tpu.memory_space<hbm>>
        %dma_start3A_289 = tpu.memref_squeeze %dma_start3A_288 : memref<1x1x128xi32, #tpu.memory_space<hbm>> -> memref<128xi32, #tpu.memory_space<hbm>>
        %dma_start3A_290 = tpu.memref_slice %arg18[%dma_start3A_286] : memref<4x!tpu.dma_semaphore, #tpu.memory_space<semaphore_mem>> -> memref<1x!tpu.dma_semaphore, #tpu.memory_space<semaphore_mem>>
        %dma_start3A_291 = tpu.memref_squeeze %dma_start3A_290 : memref<1x!tpu.dma_semaphore, #tpu.memory_space<semaphore_mem>> -> memref<!tpu.dma_semaphore, #tpu.memory_space<semaphore_mem>>
        %dma_start3A_292 = arith.constant 0 : i32
        %dma_start3A_293 = tpu.memref_slice %arg4[%add3A, %add3A_285, %dma_start3A_292] : memref<32x80x128xi32, #tpu.memory_space<hbm>> -> memref<1x1x128xi32, #tpu.memory_space<hbm>>
        %dma_start3A_294 = tpu.memref_squeeze %dma_start3A_293 : memref<1x1x128xi32, #tpu.memory_space<hbm>> -> memref<128xi32, #tpu.memory_space<hbm>>
        tpu.enqueue_dma source(%dma_start3A_294 : memref<128xi32, #tpu.memory_space<hbm>>) target(%arg13 : memref<128xi32, #tpu.memory_space<vmem>>) target_semaphore(%dma_start3A_291 : memref<!tpu.dma_semaphore, #tpu.memory_space<semaphore_mem>>)
      } else {
      }
      %dma_wait3A_261 = arith.constant 1 : i32
      %dma_wait3A_262 = arith.constant 0 : i32
      %dma_wait3A_263 = arith.constant 0 : i32
      %dma_wait3A_264 = tpu.memref_slice %arg2[%dma_wait3A_262, %dma_wait3A_263] : memref<10112x128xf32, #tpu.memory_space<hbm>> -> memref<10112x128xf32, #tpu.memory_space<hbm>>
      %dma_wait3A_265 = tpu.memref_slice %arg19[%dma_wait3A_261] : memref<2x!tpu.dma_semaphore, #tpu.memory_space<semaphore_mem>> -> memref<1x!tpu.dma_semaphore, #tpu.memory_space<semaphore_mem>>
      %dma_wait3A_266 = tpu.memref_squeeze %dma_wait3A_265 : memref<1x!tpu.dma_semaphore, #tpu.memory_space<semaphore_mem>> -> memref<!tpu.dma_semaphore, #tpu.memory_space<semaphore_mem>>
      tpu.wait_indirect_dma semaphore(%dma_wait3A_266 : memref<!tpu.dma_semaphore, #tpu.memory_space<semaphore_mem>>) src(%dma_wait3A_264 : memref<10112x128xf32, #tpu.memory_space<hbm>>) dst(%arg16 : memref<128x128xf32, #tpu.memory_space<vmem>>)
      %dma_start3A_267 = arith.constant 1 : i32
      %dma_start3A_268 = arith.constant 0 : i32
      %dma_start3A_269 = arith.constant 0 : i32
      %dma_start3A_270 = tpu.memref_slice %arg17[%dma_start3A_268, %dma_start3A_269] : memref<10112x128xf32, #tpu.memory_space<vmem_shared>> -> memref<10112x128xf32, #tpu.memory_space<vmem_shared>>
      %dma_start3A_271 = tpu.memref_slice %arg20[%dma_start3A_267] : memref<2x!tpu.dma_semaphore, #tpu.memory_space<semaphore_mem>> -> memref<1x!tpu.dma_semaphore, #tpu.memory_space<semaphore_mem>>
      %dma_start3A_272 = tpu.memref_squeeze %dma_start3A_271 : memref<1x!tpu.dma_semaphore, #tpu.memory_space<semaphore_mem>> -> memref<!tpu.dma_semaphore, #tpu.memory_space<semaphore_mem>>
      tpu.enqueue_indirect_dma source(%arg16 : memref<128x128xf32, #tpu.memory_space<vmem>>) target(%dma_start3A_270 : memref<10112x128xf32, #tpu.memory_space<vmem_shared>>) offsets(%arg14 : memref<128xi32, #tpu.memory_space<vmem>>) semaphore(%dma_start3A_272 : memref<!tpu.dma_semaphore, #tpu.memory_space<semaphore_mem>>) {add = true}
    }
    %scan3A_93 = arith.constant 20 : i32
    %dma_wait3A_94 = arith.constant 1 : i32
    %dma_wait3A_95 = arith.constant 0 : i32
    %dma_wait3A_96 = arith.constant 0 : i32
    %dma_wait3A_97 = tpu.memref_slice %arg17[%dma_wait3A_95, %dma_wait3A_96] : memref<10112x128xf32, #tpu.memory_space<vmem_shared>> -> memref<10112x128xf32, #tpu.memory_space<vmem_shared>>
    %dma_wait3A_98 = tpu.memref_slice %arg20[%dma_wait3A_94] : memref<2x!tpu.dma_semaphore, #tpu.memory_space<semaphore_mem>> -> memref<1x!tpu.dma_semaphore, #tpu.memory_space<semaphore_mem>>
    %dma_wait3A_99 = tpu.memref_squeeze %dma_wait3A_98 : memref<1x!tpu.dma_semaphore, #tpu.memory_space<semaphore_mem>> -> memref<!tpu.dma_semaphore, #tpu.memory_space<semaphore_mem>>
    tpu.wait_indirect_dma semaphore(%dma_wait3A_99 : memref<!tpu.dma_semaphore, #tpu.memory_space<semaphore_mem>>) src(%arg16 : memref<128x128xf32, #tpu.memory_space<vmem>>) dst(%dma_wait3A_97 : memref<10112x128xf32, #tpu.memory_space<vmem_shared>>)
    %barrier3A_100 = arith.constant 0 : index
    tpu.barrier barrier_id(%barrier3A_100)
    %mul3A_101 = arith.constant 632 : i32
    %mul3A_102 = arith.muli %arg1, %mul3A_101 : i32
    %mul3A_103 = arith.constant 10112 : i32
    %mul3A_104 = arith.muli %arg0, %mul3A_103 : i32
    %mul3A_105 = arith.constant 632 : i32
    %mul3A_106 = arith.muli %arg1, %mul3A_105 : i32
    %add3A_107 = arith.addi %mul3A_104, %mul3A_106 : i32
    "tpu.region"() ({
      %run_scoped3A = tpu.sem_alloc : memref<!tpu.dma_semaphore, #tpu.memory_space<semaphore_mem>>
      %dma_start3A_108 = arith.constant 0 : i32
      %dma_start3A_109 = tpu.memref_slice %arg6[%add3A_107, %dma_start3A_108] : memref<20224x128xf32, #tpu.memory_space<hbm>> -> memref<632x128xf32, #tpu.memory_space<hbm>>
      %dma_start3A_110 = arith.constant 0 : i32
      %dma_start3A_111 = tpu.memref_slice %arg17[%mul3A_102, %dma_start3A_110] : memref<10112x128xf32, #tpu.memory_space<vmem_shared>> -> memref<632x128xf32, #tpu.memory_space<vmem_shared>>
      tpu.enqueue_dma source(%dma_start3A_111 : memref<632x128xf32, #tpu.memory_space<vmem_shared>>) target(%dma_start3A_109 : memref<632x128xf32, #tpu.memory_space<hbm>>) target_semaphore(%run_scoped3A : memref<!tpu.dma_semaphore, #tpu.memory_space<semaphore_mem>>)
      %dma_wait3A_112 = arith.constant 0 : i32
      %dma_wait3A_113 = tpu.memref_slice %arg6[%add3A_107, %dma_wait3A_112] : memref<20224x128xf32, #tpu.memory_space<hbm>> -> memref<632x128xf32, #tpu.memory_space<hbm>>
      %dma_wait3A_114 = arith.constant 0 : i32
      %dma_wait3A_115 = tpu.memref_slice %arg17[%mul3A_102, %dma_wait3A_114] : memref<10112x128xf32, #tpu.memory_space<vmem_shared>> -> memref<632x128xf32, #tpu.memory_space<vmem_shared>>
      tpu.wait_dma2 semaphore(%run_scoped3A : memref<!tpu.dma_semaphore, #tpu.memory_space<semaphore_mem>>) src(%dma_wait3A_115 : memref<632x128xf32, #tpu.memory_space<vmem_shared>>) dst(%dma_wait3A_113 : memref<632x128xf32, #tpu.memory_space<hbm>>)
      tpu.yield
    }) : () -> ()
    return
  }
}

#map = affine_map<(d0, d1) -> (0, 0)>
#map1 = affine_map<(d0, d1) -> (0, 0, 0)>
module attributes {stable_mosaic.version = 14 : i64} {
  func.func @_edge_kernel(%arg0: i32, %arg1: i32, %arg2: memref<10112x128xf32, #tpu.memory_space<hbm>>, %arg3: memref<32x80x128xi32, #tpu.memory_space<hbm>>, %arg4: memref<32x80x128xi32, #tpu.memory_space<hbm>>, %arg5: memref<10112x128xf32, #tpu.memory_space<hbm>>, %arg6: memref<20224x128xf32, #tpu.memory_space<hbm>>, %arg7: memref<128xi32, #tpu.memory_space<vmem>>, %arg8: memref<128xi32, #tpu.memory_space<vmem>>, %arg9: memref<128xi32, #tpu.memory_space<vmem>>, %arg10: memref<128xi32, #tpu.memory_space<vmem>>, %arg11: memref<128xi32, #tpu.memory_space<vmem>>, %arg12: memref<128xi32, #tpu.memory_space<vmem>>, %arg13: memref<128xi32, #tpu.memory_space<vmem>>, %arg14: memref<128xi32, #tpu.memory_space<vmem>>, %arg15: memref<128x128xf32, #tpu.memory_space<vmem>>, %arg16: memref<128x128xf32, #tpu.memory_space<vmem>>, %arg17: memref<10112x128xf32, #tpu.memory_space<vmem_shared>>, %arg18: memref<4x!tpu.dma_semaphore, #tpu.memory_space<semaphore_mem>>, %arg19: memref<2x!tpu.dma_semaphore, #tpu.memory_space<semaphore_mem>>, %arg20: memref<2x!tpu.dma_semaphore, #tpu.memory_space<semaphore_mem>>) attributes {dimension_semantics = [#tpu.dimension_semantics<core_parallel>, #tpu.dimension_semantics<subcore_parallel>], iteration_bounds = array<i64: 2, 16>, scalar_prefetch = 0 : i64, scratch_operands = 14 : i64, tpu.core_type = #tpu.core_type<sc_vector_subcore>, window_params = [{transform_indices = #map}, {transform_indices = #map1}, {transform_indices = #map1}, {transform_indices = #map}, {transform_indices = #map}]} {
    %mul3A = arith.constant 16 : i32
    %mul3A_0 = arith.muli %arg0, %mul3A : i32
    %add3A = arith.addi %mul3A_0, %arg1 : i32
    %mul3A_1 = arith.constant 632 : i32
    %mul3A_2 = arith.muli %arg1, %mul3A_1 : i32
    %mul3A_3 = arith.constant 632 : i32
    %mul3A_4 = arith.muli %arg1, %mul3A_3 : i32
    "tpu.region"() ({
      %run_scoped3A = tpu.sem_alloc : memref<!tpu.dma_semaphore, #tpu.memory_space<semaphore_mem>>
      %dma_start3A_108 = arith.constant 0 : i32
      %dma_start3A_109 = tpu.memref_slice %arg17[%mul3A_4, %dma_start3A_108] : memref<10112x128xf32, #tpu.memory_space<vmem_shared>> -> memref<632x128xf32, #tpu.memory_space<vmem_shared>>
      %dma_start3A_110 = arith.constant 0 : i32
      %dma_start3A_111 = tpu.memref_slice %arg5[%mul3A_2, %dma_start3A_110] : memref<10112x128xf32, #tpu.memory_space<hbm>> -> memref<632x128xf32, #tpu.memory_space<hbm>>
      tpu.enqueue_dma source(%dma_start3A_111 : memref<632x128xf32, #tpu.memory_space<hbm>>) target(%dma_start3A_109 : memref<632x128xf32, #tpu.memory_space<vmem_shared>>) target_semaphore(%run_scoped3A : memref<!tpu.dma_semaphore, #tpu.memory_space<semaphore_mem>>)
      %dma_wait3A_112 = arith.constant 0 : i32
      %dma_wait3A_113 = tpu.memref_slice %arg17[%mul3A_4, %dma_wait3A_112] : memref<10112x128xf32, #tpu.memory_space<vmem_shared>> -> memref<632x128xf32, #tpu.memory_space<vmem_shared>>
      %dma_wait3A_114 = arith.constant 0 : i32
      %dma_wait3A_115 = tpu.memref_slice %arg5[%mul3A_2, %dma_wait3A_114] : memref<10112x128xf32, #tpu.memory_space<hbm>> -> memref<632x128xf32, #tpu.memory_space<hbm>>
      tpu.wait_dma2 semaphore(%run_scoped3A : memref<!tpu.dma_semaphore, #tpu.memory_space<semaphore_mem>>) src(%dma_wait3A_115 : memref<632x128xf32, #tpu.memory_space<hbm>>) dst(%dma_wait3A_113 : memref<632x128xf32, #tpu.memory_space<vmem_shared>>)
      tpu.yield
    }) : () -> ()
    %dma_start3A = arith.constant 0 : i32
    %dma_start3A_5 = arith.constant 0 : i32
    %dma_start3A_6 = arith.constant 0 : i32
    %dma_start3A_7 = tpu.memref_slice %arg3[%add3A, %dma_start3A, %dma_start3A_6] : memref<32x80x128xi32, #tpu.memory_space<hbm>> -> memref<1x1x128xi32, #tpu.memory_space<hbm>>
    %dma_start3A_8 = tpu.memref_squeeze %dma_start3A_7 : memref<1x1x128xi32, #tpu.memory_space<hbm>> -> memref<128xi32, #tpu.memory_space<hbm>>
    %dma_start3A_9 = tpu.memref_slice %arg18[%dma_start3A_5] : memref<4x!tpu.dma_semaphore, #tpu.memory_space<semaphore_mem>> -> memref<1x!tpu.dma_semaphore, #tpu.memory_space<semaphore_mem>>
    %dma_start3A_10 = tpu.memref_squeeze %dma_start3A_9 : memref<1x!tpu.dma_semaphore, #tpu.memory_space<semaphore_mem>> -> memref<!tpu.dma_semaphore, #tpu.memory_space<semaphore_mem>>
    %dma_start3A_11 = arith.constant 0 : i32
    %dma_start3A_12 = tpu.memref_slice %arg3[%add3A, %dma_start3A, %dma_start3A_11] : memref<32x80x128xi32, #tpu.memory_space<hbm>> -> memref<1x1x128xi32, #tpu.memory_space<hbm>>
    %dma_start3A_13 = tpu.memref_squeeze %dma_start3A_12 : memref<1x1x128xi32, #tpu.memory_space<hbm>> -> memref<128xi32, #tpu.memory_space<hbm>>
    tpu.enqueue_dma source(%dma_start3A_13 : memref<128xi32, #tpu.memory_space<hbm>>) target(%arg7 : memref<128xi32, #tpu.memory_space<vmem>>) target_semaphore(%dma_start3A_10 : memref<!tpu.dma_semaphore, #tpu.memory_space<semaphore_mem>>)
    %dma_start3A_14 = arith.constant 0 : i32
    %dma_start3A_15 = arith.constant 0 : i32
    %dma_start3A_16 = arith.constant 0 : i32
    %dma_start3A_17 = tpu.memref_slice %arg4[%add3A, %dma_start3A_14, %dma_start3A_16] : memref<32x80x128xi32, #tpu.memory_space<hbm>> -> memref<1x1x128xi32, #tpu.memory_space<hbm>>
    %dma_start3A_18 = tpu.memref_squeeze %dma_start3A_17 : memref<1x1x128xi32, #tpu.memory_space<hbm>> -> memref<128xi32, #tpu.memory_space<hbm>>
    %dma_start3A_19 = tpu.memref_slice %arg18[%dma_start3A_15] : memref<4x!tpu.dma_semaphore, #tpu.memory_space<semaphore_mem>> -> memref<1x!tpu.dma_semaphore, #tpu.memory_space<semaphore_mem>>
    %dma_start3A_20 = tpu.memref_squeeze %dma_start3A_19 : memref<1x!tpu.dma_semaphore, #tpu.memory_space<semaphore_mem>> -> memref<!tpu.dma_semaphore, #tpu.memory_space<semaphore_mem>>
    %dma_start3A_21 = arith.constant 0 : i32
    %dma_start3A_22 = tpu.memref_slice %arg4[%add3A, %dma_start3A_14, %dma_start3A_21] : memref<32x80x128xi32, #tpu.memory_space<hbm>> -> memref<1x1x128xi32, #tpu.memory_space<hbm>>
    %dma_start3A_23 = tpu.memref_squeeze %dma_start3A_22 : memref<1x1x128xi32, #tpu.memory_space<hbm>> -> memref<128xi32, #tpu.memory_space<hbm>>
    tpu.enqueue_dma source(%dma_start3A_23 : memref<128xi32, #tpu.memory_space<hbm>>) target(%arg11 : memref<128xi32, #tpu.memory_space<vmem>>) target_semaphore(%dma_start3A_20 : memref<!tpu.dma_semaphore, #tpu.memory_space<semaphore_mem>>)
    %dma_start3A_24 = arith.constant 1 : i32
    %dma_start3A_25 = arith.constant 1 : i32
    %dma_start3A_26 = arith.constant 0 : i32
    %dma_start3A_27 = tpu.memref_slice %arg3[%add3A, %dma_start3A_24, %dma_start3A_26] : memref<32x80x128xi32, #tpu.memory_space<hbm>> -> memref<1x1x128xi32, #tpu.memory_space<hbm>>
    %dma_start3A_28 = tpu.memref_squeeze %dma_start3A_27 : memref<1x1x128xi32, #tpu.memory_space<hbm>> -> memref<128xi32, #tpu.memory_space<hbm>>
    %dma_start3A_29 = tpu.memref_slice %arg18[%dma_start3A_25] : memref<4x!tpu.dma_semaphore, #tpu.memory_space<semaphore_mem>> -> memref<1x!tpu.dma_semaphore, #tpu.memory_space<semaphore_mem>>
    %dma_start3A_30 = tpu.memref_squeeze %dma_start3A_29 : memref<1x!tpu.dma_semaphore, #tpu.memory_space<semaphore_mem>> -> memref<!tpu.dma_semaphore, #tpu.memory_space<semaphore_mem>>
    %dma_start3A_31 = arith.constant 0 : i32
    %dma_start3A_32 = tpu.memref_slice %arg3[%add3A, %dma_start3A_24, %dma_start3A_31] : memref<32x80x128xi32, #tpu.memory_space<hbm>> -> memref<1x1x128xi32, #tpu.memory_space<hbm>>
    %dma_start3A_33 = tpu.memref_squeeze %dma_start3A_32 : memref<1x1x128xi32, #tpu.memory_space<hbm>> -> memref<128xi32, #tpu.memory_space<hbm>>
    tpu.enqueue_dma source(%dma_start3A_33 : memref<128xi32, #tpu.memory_space<hbm>>) target(%arg8 : memref<128xi32, #tpu.memory_space<vmem>>) target_semaphore(%dma_start3A_30 : memref<!tpu.dma_semaphore, #tpu.memory_space<semaphore_mem>>)
    %dma_start3A_34 = arith.constant 1 : i32
    %dma_start3A_35 = arith.constant 1 : i32
    %dma_start3A_36 = arith.constant 0 : i32
    %dma_start3A_37 = tpu.memref_slice %arg4[%add3A, %dma_start3A_34, %dma_start3A_36] : memref<32x80x128xi32, #tpu.memory_space<hbm>> -> memref<1x1x128xi32, #tpu.memory_space<hbm>>
    %dma_start3A_38 = tpu.memref_squeeze %dma_start3A_37 : memref<1x1x128xi32, #tpu.memory_space<hbm>> -> memref<128xi32, #tpu.memory_space<hbm>>
    %dma_start3A_39 = tpu.memref_slice %arg18[%dma_start3A_35] : memref<4x!tpu.dma_semaphore, #tpu.memory_space<semaphore_mem>> -> memref<1x!tpu.dma_semaphore, #tpu.memory_space<semaphore_mem>>
    %dma_start3A_40 = tpu.memref_squeeze %dma_start3A_39 : memref<1x!tpu.dma_semaphore, #tpu.memory_space<semaphore_mem>> -> memref<!tpu.dma_semaphore, #tpu.memory_space<semaphore_mem>>
    %dma_start3A_41 = arith.constant 0 : i32
    %dma_start3A_42 = tpu.memref_slice %arg4[%add3A, %dma_start3A_34, %dma_start3A_41] : memref<32x80x128xi32, #tpu.memory_space<hbm>> -> memref<1x1x128xi32, #tpu.memory_space<hbm>>
    %dma_start3A_43 = tpu.memref_squeeze %dma_start3A_42 : memref<1x1x128xi32, #tpu.memory_space<hbm>> -> memref<128xi32, #tpu.memory_space<hbm>>
    tpu.enqueue_dma source(%dma_start3A_43 : memref<128xi32, #tpu.memory_space<hbm>>) target(%arg12 : memref<128xi32, #tpu.memory_space<vmem>>) target_semaphore(%dma_start3A_40 : memref<!tpu.dma_semaphore, #tpu.memory_space<semaphore_mem>>)
    %dma_start3A_44 = arith.constant 2 : i32
    %dma_start3A_45 = arith.constant 2 : i32
    %dma_start3A_46 = arith.constant 0 : i32
    %dma_start3A_47 = tpu.memref_slice %arg3[%add3A, %dma_start3A_44, %dma_start3A_46] : memref<32x80x128xi32, #tpu.memory_space<hbm>> -> memref<1x1x128xi32, #tpu.memory_space<hbm>>
    %dma_start3A_48 = tpu.memref_squeeze %dma_start3A_47 : memref<1x1x128xi32, #tpu.memory_space<hbm>> -> memref<128xi32, #tpu.memory_space<hbm>>
    %dma_start3A_49 = tpu.memref_slice %arg18[%dma_start3A_45] : memref<4x!tpu.dma_semaphore, #tpu.memory_space<semaphore_mem>> -> memref<1x!tpu.dma_semaphore, #tpu.memory_space<semaphore_mem>>
    %dma_start3A_50 = tpu.memref_squeeze %dma_start3A_49 : memref<1x!tpu.dma_semaphore, #tpu.memory_space<semaphore_mem>> -> memref<!tpu.dma_semaphore, #tpu.memory_space<semaphore_mem>>
    %dma_start3A_51 = arith.constant 0 : i32
    %dma_start3A_52 = tpu.memref_slice %arg3[%add3A, %dma_start3A_44, %dma_start3A_51] : memref<32x80x128xi32, #tpu.memory_space<hbm>> -> memref<1x1x128xi32, #tpu.memory_space<hbm>>
    %dma_start3A_53 = tpu.memref_squeeze %dma_start3A_52 : memref<1x1x128xi32, #tpu.memory_space<hbm>> -> memref<128xi32, #tpu.memory_space<hbm>>
    tpu.enqueue_dma source(%dma_start3A_53 : memref<128xi32, #tpu.memory_space<hbm>>) target(%arg9 : memref<128xi32, #tpu.memory_space<vmem>>) target_semaphore(%dma_start3A_50 : memref<!tpu.dma_semaphore, #tpu.memory_space<semaphore_mem>>)
    %dma_start3A_54 = arith.constant 2 : i32
    %dma_start3A_55 = arith.constant 2 : i32
    %dma_start3A_56 = arith.constant 0 : i32
    %dma_start3A_57 = tpu.memref_slice %arg4[%add3A, %dma_start3A_54, %dma_start3A_56] : memref<32x80x128xi32, #tpu.memory_space<hbm>> -> memref<1x1x128xi32, #tpu.memory_space<hbm>>
    %dma_start3A_58 = tpu.memref_squeeze %dma_start3A_57 : memref<1x1x128xi32, #tpu.memory_space<hbm>> -> memref<128xi32, #tpu.memory_space<hbm>>
    %dma_start3A_59 = tpu.memref_slice %arg18[%dma_start3A_55] : memref<4x!tpu.dma_semaphore, #tpu.memory_space<semaphore_mem>> -> memref<1x!tpu.dma_semaphore, #tpu.memory_space<semaphore_mem>>
    %dma_start3A_60 = tpu.memref_squeeze %dma_start3A_59 : memref<1x!tpu.dma_semaphore, #tpu.memory_space<semaphore_mem>> -> memref<!tpu.dma_semaphore, #tpu.memory_space<semaphore_mem>>
    %dma_start3A_61 = arith.constant 0 : i32
    %dma_start3A_62 = tpu.memref_slice %arg4[%add3A, %dma_start3A_54, %dma_start3A_61] : memref<32x80x128xi32, #tpu.memory_space<hbm>> -> memref<1x1x128xi32, #tpu.memory_space<hbm>>
    %dma_start3A_63 = tpu.memref_squeeze %dma_start3A_62 : memref<1x1x128xi32, #tpu.memory_space<hbm>> -> memref<128xi32, #tpu.memory_space<hbm>>
    tpu.enqueue_dma source(%dma_start3A_63 : memref<128xi32, #tpu.memory_space<hbm>>) target(%arg13 : memref<128xi32, #tpu.memory_space<vmem>>) target_semaphore(%dma_start3A_60 : memref<!tpu.dma_semaphore, #tpu.memory_space<semaphore_mem>>)
    %barrier3A = arith.constant 0 : index
    tpu.barrier barrier_id(%barrier3A)
    %dma_wait3A = arith.constant 0 : i32
    %dma_wait3A_64 = arith.constant 0 : i32
    %dma_wait3A_65 = arith.constant 0 : i32
    %dma_wait3A_66 = tpu.memref_slice %arg3[%add3A, %dma_wait3A, %dma_wait3A_65] : memref<32x80x128xi32, #tpu.memory_space<hbm>> -> memref<1x1x128xi32, #tpu.memory_space<hbm>>
    %dma_wait3A_67 = tpu.memref_squeeze %dma_wait3A_66 : memref<1x1x128xi32, #tpu.memory_space<hbm>> -> memref<128xi32, #tpu.memory_space<hbm>>
    %dma_wait3A_68 = tpu.memref_slice %arg18[%dma_wait3A_64] : memref<4x!tpu.dma_semaphore, #tpu.memory_space<semaphore_mem>> -> memref<1x!tpu.dma_semaphore, #tpu.memory_space<semaphore_mem>>
    %dma_wait3A_69 = tpu.memref_squeeze %dma_wait3A_68 : memref<1x!tpu.dma_semaphore, #tpu.memory_space<semaphore_mem>> -> memref<!tpu.dma_semaphore, #tpu.memory_space<semaphore_mem>>
    %dma_wait3A_70 = arith.constant 0 : i32
    %dma_wait3A_71 = tpu.memref_slice %arg3[%add3A, %dma_wait3A, %dma_wait3A_70] : memref<32x80x128xi32, #tpu.memory_space<hbm>> -> memref<1x1x128xi32, #tpu.memory_space<hbm>>
    %dma_wait3A_72 = tpu.memref_squeeze %dma_wait3A_71 : memref<1x1x128xi32, #tpu.memory_space<hbm>> -> memref<128xi32, #tpu.memory_space<hbm>>
    tpu.wait_dma2 semaphore(%dma_wait3A_69 : memref<!tpu.dma_semaphore, #tpu.memory_space<semaphore_mem>>) src(%dma_wait3A_72 : memref<128xi32, #tpu.memory_space<hbm>>) dst(%arg7 : memref<128xi32, #tpu.memory_space<vmem>>)
    %dma_wait3A_73 = arith.constant 0 : i32
    %dma_wait3A_74 = arith.constant 0 : i32
    %dma_wait3A_75 = arith.constant 0 : i32
    %dma_wait3A_76 = tpu.memref_slice %arg4[%add3A, %dma_wait3A_73, %dma_wait3A_75] : memref<32x80x128xi32, #tpu.memory_space<hbm>> -> memref<1x1x128xi32, #tpu.memory_space<hbm>>
    %dma_wait3A_77 = tpu.memref_squeeze %dma_wait3A_76 : memref<1x1x128xi32, #tpu.memory_space<hbm>> -> memref<128xi32, #tpu.memory_space<hbm>>
    %dma_wait3A_78 = tpu.memref_slice %arg18[%dma_wait3A_74] : memref<4x!tpu.dma_semaphore, #tpu.memory_space<semaphore_mem>> -> memref<1x!tpu.dma_semaphore, #tpu.memory_space<semaphore_mem>>
    %dma_wait3A_79 = tpu.memref_squeeze %dma_wait3A_78 : memref<1x!tpu.dma_semaphore, #tpu.memory_space<semaphore_mem>> -> memref<!tpu.dma_semaphore, #tpu.memory_space<semaphore_mem>>
    %dma_wait3A_80 = arith.constant 0 : i32
    %dma_wait3A_81 = tpu.memref_slice %arg4[%add3A, %dma_wait3A_73, %dma_wait3A_80] : memref<32x80x128xi32, #tpu.memory_space<hbm>> -> memref<1x1x128xi32, #tpu.memory_space<hbm>>
    %dma_wait3A_82 = tpu.memref_squeeze %dma_wait3A_81 : memref<1x1x128xi32, #tpu.memory_space<hbm>> -> memref<128xi32, #tpu.memory_space<hbm>>
    tpu.wait_dma2 semaphore(%dma_wait3A_79 : memref<!tpu.dma_semaphore, #tpu.memory_space<semaphore_mem>>) src(%dma_wait3A_82 : memref<128xi32, #tpu.memory_space<hbm>>) dst(%arg11 : memref<128xi32, #tpu.memory_space<vmem>>)
    %dma_start3A_83 = arith.constant 0 : i32
    %dma_start3A_84 = arith.constant 0 : i32
    %dma_start3A_85 = arith.constant 0 : i32
    %dma_start3A_86 = tpu.memref_slice %arg2[%dma_start3A_84, %dma_start3A_85] : memref<10112x128xf32, #tpu.memory_space<hbm>> -> memref<10112x128xf32, #tpu.memory_space<hbm>>
    %dma_start3A_87 = tpu.memref_slice %arg19[%dma_start3A_83] : memref<2x!tpu.dma_semaphore, #tpu.memory_space<semaphore_mem>> -> memref<1x!tpu.dma_semaphore, #tpu.memory_space<semaphore_mem>>
    %dma_start3A_88 = tpu.memref_squeeze %dma_start3A_87 : memref<1x!tpu.dma_semaphore, #tpu.memory_space<semaphore_mem>> -> memref<!tpu.dma_semaphore, #tpu.memory_space<semaphore_mem>>
    tpu.enqueue_indirect_dma source(%dma_start3A_86 : memref<10112x128xf32, #tpu.memory_space<hbm>>) target(%arg15 : memref<128x128xf32, #tpu.memory_space<vmem>>) offsets(%arg7 : memref<128xi32, #tpu.memory_space<vmem>>) semaphore(%dma_start3A_88 : memref<!tpu.dma_semaphore, #tpu.memory_space<semaphore_mem>>)
    %scan3A = arith.constant 0 : i32
    %scan3A_89 = arith.constant 0 : i32
    %scan3A_90 = arith.constant 20 : i32
    %scan3A_91 = arith.addi %scan3A_89, %scan3A_90 : i32
    %scan3A_92 = arith.constant 1 : i32
    scf.for %scan3A_108 = %scan3A_89 to %scan3A_91 step %scan3A_92  : i32 {
      %mul3A_109 = arith.constant 4 : i32
      %mul3A_110 = arith.muli %scan3A_108, %mul3A_109 : i32
      %add3A_111 = arith.constant 0 : i32
      %add3A_112 = arith.addi %mul3A_110, %add3A_111 : i32
      %ge3A = arith.constant 1 : i32
      %ge3A_113 = arith.cmpi sge, %add3A_112, %ge3A : i32
      %convert_element_type3A = arith.extui %ge3A_113 : i1 to i32
      %cond3A = arith.constant 0 : i32
      %cond3A_114 = arith.cmpi ne, %convert_element_type3A, %cond3A : i32
      scf.if %cond3A_114 {
        %dma_wait3A_273 = arith.constant 1 : i32
        %dma_wait3A_274 = arith.constant 0 : i32
        %dma_wait3A_275 = arith.constant 0 : i32
        %dma_wait3A_276 = tpu.memref_slice %arg17[%dma_wait3A_274, %dma_wait3A_275] : memref<10112x128xf32, #tpu.memory_space<vmem_shared>> -> memref<10112x128xf32, #tpu.memory_space<vmem_shared>>
        %dma_wait3A_277 = tpu.memref_slice %arg20[%dma_wait3A_273] : memref<2x!tpu.dma_semaphore, #tpu.memory_space<semaphore_mem>> -> memref<1x!tpu.dma_semaphore, #tpu.memory_space<semaphore_mem>>
        %dma_wait3A_278 = tpu.memref_squeeze %dma_wait3A_277 : memref<1x!tpu.dma_semaphore, #tpu.memory_space<semaphore_mem>> -> memref<!tpu.dma_semaphore, #tpu.memory_space<semaphore_mem>>
        tpu.wait_indirect_dma semaphore(%dma_wait3A_278 : memref<!tpu.dma_semaphore, #tpu.memory_space<semaphore_mem>>) src(%arg16 : memref<128x128xf32, #tpu.memory_space<vmem>>) dst(%dma_wait3A_276 : memref<10112x128xf32, #tpu.memory_space<vmem_shared>>)
      } else {
      }
      %add3A_115 = arith.constant 1 : i32
      %add3A_116 = arith.addi %add3A_112, %add3A_115 : i32
      %lt3A = arith.constant 80 : i32
      %lt3A_117 = arith.cmpi slt, %add3A_116, %lt3A : i32
      %convert_element_type3A_118 = arith.extui %lt3A_117 : i1 to i32
      %cond3A_119 = arith.constant 0 : i32
      %cond3A_120 = arith.cmpi ne, %convert_element_type3A_118, %cond3A_119 : i32
      scf.if %cond3A_120 {
        %dma_wait3A_273 = arith.constant 0 : i32
        %dma_wait3A_274 = arith.constant 1 : i32
        %dma_wait3A_275 = arith.constant 0 : i32
        %dma_wait3A_276 = tpu.memref_slice %arg3[%add3A, %dma_wait3A_273, %dma_wait3A_275] : memref<32x80x128xi32, #tpu.memory_space<hbm>> -> memref<1x1x128xi32, #tpu.memory_space<hbm>>
        %dma_wait3A_277 = tpu.memref_squeeze %dma_wait3A_276 : memref<1x1x128xi32, #tpu.memory_space<hbm>> -> memref<128xi32, #tpu.memory_space<hbm>>
        %dma_wait3A_278 = tpu.memref_slice %arg18[%dma_wait3A_274] : memref<4x!tpu.dma_semaphore, #tpu.memory_space<semaphore_mem>> -> memref<1x!tpu.dma_semaphore, #tpu.memory_space<semaphore_mem>>
        %dma_wait3A_279 = tpu.memref_squeeze %dma_wait3A_278 : memref<1x!tpu.dma_semaphore, #tpu.memory_space<semaphore_mem>> -> memref<!tpu.dma_semaphore, #tpu.memory_space<semaphore_mem>>
        %dma_wait3A_280 = arith.constant 0 : i32
        %dma_wait3A_281 = tpu.memref_slice %arg3[%add3A, %dma_wait3A_273, %dma_wait3A_280] : memref<32x80x128xi32, #tpu.memory_space<hbm>> -> memref<1x1x128xi32, #tpu.memory_space<hbm>>
        %dma_wait3A_282 = tpu.memref_squeeze %dma_wait3A_281 : memref<1x1x128xi32, #tpu.memory_space<hbm>> -> memref<128xi32, #tpu.memory_space<hbm>>
        tpu.wait_dma2 semaphore(%dma_wait3A_279 : memref<!tpu.dma_semaphore, #tpu.memory_space<semaphore_mem>>) src(%dma_wait3A_282 : memref<128xi32, #tpu.memory_space<hbm>>) dst(%arg8 : memref<128xi32, #tpu.memory_space<vmem>>)
        %dma_wait3A_283 = arith.constant 0 : i32
        %dma_wait3A_284 = arith.constant 1 : i32
        %dma_wait3A_285 = arith.constant 0 : i32
        %dma_wait3A_286 = tpu.memref_slice %arg4[%add3A, %dma_wait3A_283, %dma_wait3A_285] : memref<32x80x128xi32, #tpu.memory_space<hbm>> -> memref<1x1x128xi32, #tpu.memory_space<hbm>>
        %dma_wait3A_287 = tpu.memref_squeeze %dma_wait3A_286 : memref<1x1x128xi32, #tpu.memory_space<hbm>> -> memref<128xi32, #tpu.memory_space<hbm>>
        %dma_wait3A_288 = tpu.memref_slice %arg18[%dma_wait3A_284] : memref<4x!tpu.dma_semaphore, #tpu.memory_space<semaphore_mem>> -> memref<1x!tpu.dma_semaphore, #tpu.memory_space<semaphore_mem>>
        %dma_wait3A_289 = tpu.memref_squeeze %dma_wait3A_288 : memref<1x!tpu.dma_semaphore, #tpu.memory_space<semaphore_mem>> -> memref<!tpu.dma_semaphore, #tpu.memory_space<semaphore_mem>>
        %dma_wait3A_290 = arith.constant 0 : i32
        %dma_wait3A_291 = tpu.memref_slice %arg4[%add3A, %dma_wait3A_283, %dma_wait3A_290] : memref<32x80x128xi32, #tpu.memory_space<hbm>> -> memref<1x1x128xi32, #tpu.memory_space<hbm>>
        %dma_wait3A_292 = tpu.memref_squeeze %dma_wait3A_291 : memref<1x1x128xi32, #tpu.memory_space<hbm>> -> memref<128xi32, #tpu.memory_space<hbm>>
        tpu.wait_dma2 semaphore(%dma_wait3A_289 : memref<!tpu.dma_semaphore, #tpu.memory_space<semaphore_mem>>) src(%dma_wait3A_292 : memref<128xi32, #tpu.memory_space<hbm>>) dst(%arg12 : memref<128xi32, #tpu.memory_space<vmem>>)
      } else {
      }
      %add3A_121 = arith.constant 1 : i32
      %add3A_122 = arith.addi %add3A_112, %add3A_121 : i32
      %lt3A_123 = arith.constant 80 : i32
      %lt3A_124 = arith.cmpi slt, %add3A_122, %lt3A_123 : i32
      %convert_element_type3A_125 = arith.extui %lt3A_124 : i1 to i32
      %cond3A_126 = arith.constant 0 : i32
      %cond3A_127 = arith.cmpi ne, %convert_element_type3A_125, %cond3A_126 : i32
      scf.if %cond3A_127 {
        %dma_start3A_273 = arith.constant 1 : i32
        %dma_start3A_274 = arith.constant 0 : i32
        %dma_start3A_275 = arith.constant 0 : i32
        %dma_start3A_276 = tpu.memref_slice %arg2[%dma_start3A_274, %dma_start3A_275] : memref<10112x128xf32, #tpu.memory_space<hbm>> -> memref<10112x128xf32, #tpu.memory_space<hbm>>
        %dma_start3A_277 = tpu.memref_slice %arg19[%dma_start3A_273] : memref<2x!tpu.dma_semaphore, #tpu.memory_space<semaphore_mem>> -> memref<1x!tpu.dma_semaphore, #tpu.memory_space<semaphore_mem>>
        %dma_start3A_278 = tpu.memref_squeeze %dma_start3A_277 : memref<1x!tpu.dma_semaphore, #tpu.memory_space<semaphore_mem>> -> memref<!tpu.dma_semaphore, #tpu.memory_space<semaphore_mem>>
        tpu.enqueue_indirect_dma source(%dma_start3A_276 : memref<10112x128xf32, #tpu.memory_space<hbm>>) target(%arg16 : memref<128x128xf32, #tpu.memory_space<vmem>>) offsets(%arg8 : memref<128xi32, #tpu.memory_space<vmem>>) semaphore(%dma_start3A_278 : memref<!tpu.dma_semaphore, #tpu.memory_space<semaphore_mem>>)
      } else {
      }
      %add3A_128 = arith.constant 3 : i32
      %add3A_129 = arith.addi %add3A_112, %add3A_128 : i32
      %lt3A_130 = arith.constant 80 : i32
      %lt3A_131 = arith.cmpi slt, %add3A_129, %lt3A_130 : i32
      %convert_element_type3A_132 = arith.extui %lt3A_131 : i1 to i32
      %cond3A_133 = arith.constant 0 : i32
      %cond3A_134 = arith.cmpi ne, %convert_element_type3A_132, %cond3A_133 : i32
      scf.if %cond3A_134 {
        %add3A_273 = arith.constant 3 : i32
        %add3A_274 = arith.addi %add3A_112, %add3A_273 : i32
        %dma_start3A_275 = arith.constant 3 : i32
        %dma_start3A_276 = arith.constant 0 : i32
        %dma_start3A_277 = tpu.memref_slice %arg3[%add3A, %add3A_274, %dma_start3A_276] : memref<32x80x128xi32, #tpu.memory_space<hbm>> -> memref<1x1x128xi32, #tpu.memory_space<hbm>>
        %dma_start3A_278 = tpu.memref_squeeze %dma_start3A_277 : memref<1x1x128xi32, #tpu.memory_space<hbm>> -> memref<128xi32, #tpu.memory_space<hbm>>
        %dma_start3A_279 = tpu.memref_slice %arg18[%dma_start3A_275] : memref<4x!tpu.dma_semaphore, #tpu.memory_space<semaphore_mem>> -> memref<1x!tpu.dma_semaphore, #tpu.memory_space<semaphore_mem>>
        %dma_start3A_280 = tpu.memref_squeeze %dma_start3A_279 : memref<1x!tpu.dma_semaphore, #tpu.memory_space<semaphore_mem>> -> memref<!tpu.dma_semaphore, #tpu.memory_space<semaphore_mem>>
        %dma_start3A_281 = arith.constant 0 : i32
        %dma_start3A_282 = tpu.memref_slice %arg3[%add3A, %add3A_274, %dma_start3A_281] : memref<32x80x128xi32, #tpu.memory_space<hbm>> -> memref<1x1x128xi32, #tpu.memory_space<hbm>>
        %dma_start3A_283 = tpu.memref_squeeze %dma_start3A_282 : memref<1x1x128xi32, #tpu.memory_space<hbm>> -> memref<128xi32, #tpu.memory_space<hbm>>
        tpu.enqueue_dma source(%dma_start3A_283 : memref<128xi32, #tpu.memory_space<hbm>>) target(%arg10 : memref<128xi32, #tpu.memory_space<vmem>>) target_semaphore(%dma_start3A_280 : memref<!tpu.dma_semaphore, #tpu.memory_space<semaphore_mem>>)
        %add3A_284 = arith.constant 3 : i32
        %add3A_285 = arith.addi %add3A_112, %add3A_284 : i32
        %dma_start3A_286 = arith.constant 3 : i32
        %dma_start3A_287 = arith.constant 0 : i32
        %dma_start3A_288 = tpu.memref_slice %arg4[%add3A, %add3A_285, %dma_start3A_287] : memref<32x80x128xi32, #tpu.memory_space<hbm>> -> memref<1x1x128xi32, #tpu.memory_space<hbm>>
        %dma_start3A_289 = tpu.memref_squeeze %dma_start3A_288 : memref<1x1x128xi32, #tpu.memory_space<hbm>> -> memref<128xi32, #tpu.memory_space<hbm>>
        %dma_start3A_290 = tpu.memref_slice %arg18[%dma_start3A_286] : memref<4x!tpu.dma_semaphore, #tpu.memory_space<semaphore_mem>> -> memref<1x!tpu.dma_semaphore, #tpu.memory_space<semaphore_mem>>
        %dma_start3A_291 = tpu.memref_squeeze %dma_start3A_290 : memref<1x!tpu.dma_semaphore, #tpu.memory_space<semaphore_mem>> -> memref<!tpu.dma_semaphore, #tpu.memory_space<semaphore_mem>>
        %dma_start3A_292 = arith.constant 0 : i32
        %dma_start3A_293 = tpu.memref_slice %arg4[%add3A, %add3A_285, %dma_start3A_292] : memref<32x80x128xi32, #tpu.memory_space<hbm>> -> memref<1x1x128xi32, #tpu.memory_space<hbm>>
        %dma_start3A_294 = tpu.memref_squeeze %dma_start3A_293 : memref<1x1x128xi32, #tpu.memory_space<hbm>> -> memref<128xi32, #tpu.memory_space<hbm>>
        tpu.enqueue_dma source(%dma_start3A_294 : memref<128xi32, #tpu.memory_space<hbm>>) target(%arg14 : memref<128xi32, #tpu.memory_space<vmem>>) target_semaphore(%dma_start3A_291 : memref<!tpu.dma_semaphore, #tpu.memory_space<semaphore_mem>>)
      } else {
      }
      %dma_wait3A_135 = arith.constant 0 : i32
      %dma_wait3A_136 = arith.constant 0 : i32
      %dma_wait3A_137 = arith.constant 0 : i32
      %dma_wait3A_138 = tpu.memref_slice %arg2[%dma_wait3A_136, %dma_wait3A_137] : memref<10112x128xf32, #tpu.memory_space<hbm>> -> memref<10112x128xf32, #tpu.memory_space<hbm>>
      %dma_wait3A_139 = tpu.memref_slice %arg19[%dma_wait3A_135] : memref<2x!tpu.dma_semaphore, #tpu.memory_space<semaphore_mem>> -> memref<1x!tpu.dma_semaphore, #tpu.memory_space<semaphore_mem>>
      %dma_wait3A_140 = tpu.memref_squeeze %dma_wait3A_139 : memref<1x!tpu.dma_semaphore, #tpu.memory_space<semaphore_mem>> -> memref<!tpu.dma_semaphore, #tpu.memory_space<semaphore_mem>>
      tpu.wait_indirect_dma semaphore(%dma_wait3A_140 : memref<!tpu.dma_semaphore, #tpu.memory_space<semaphore_mem>>) src(%dma_wait3A_138 : memref<10112x128xf32, #tpu.memory_space<hbm>>) dst(%arg15 : memref<128x128xf32, #tpu.memory_space<vmem>>)
      %dma_start3A_141 = arith.constant 0 : i32
      %dma_start3A_142 = arith.constant 0 : i32
      %dma_start3A_143 = arith.constant 0 : i32
      %dma_start3A_144 = tpu.memref_slice %arg17[%dma_start3A_142, %dma_start3A_143] : memref<10112x128xf32, #tpu.memory_space<vmem_shared>> -> memref<10112x128xf32, #tpu.memory_space<vmem_shared>>
      %dma_start3A_145 = tpu.memref_slice %arg20[%dma_start3A_141] : memref<2x!tpu.dma_semaphore, #tpu.memory_space<semaphore_mem>> -> memref<1x!tpu.dma_semaphore, #tpu.memory_space<semaphore_mem>>
      %dma_start3A_146 = tpu.memref_squeeze %dma_start3A_145 : memref<1x!tpu.dma_semaphore, #tpu.memory_space<semaphore_mem>> -> memref<!tpu.dma_semaphore, #tpu.memory_space<semaphore_mem>>
      tpu.enqueue_indirect_dma source(%arg15 : memref<128x128xf32, #tpu.memory_space<vmem>>) target(%dma_start3A_144 : memref<10112x128xf32, #tpu.memory_space<vmem_shared>>) offsets(%arg11 : memref<128xi32, #tpu.memory_space<vmem>>) semaphore(%dma_start3A_146 : memref<!tpu.dma_semaphore, #tpu.memory_space<semaphore_mem>>) {add = true}
      %mul3A_147 = arith.constant 4 : i32
      %mul3A_148 = arith.muli %scan3A_108, %mul3A_147 : i32
      %add3A_149 = arith.constant 1 : i32
      %add3A_150 = arith.addi %mul3A_148, %add3A_149 : i32
      %ge3A_151 = arith.constant 1 : i32
      %ge3A_152 = arith.cmpi sge, %add3A_150, %ge3A_151 : i32
      %convert_element_type3A_153 = arith.extui %ge3A_152 : i1 to i32
      %cond3A_154 = arith.constant 0 : i32
      %cond3A_155 = arith.cmpi ne, %convert_element_type3A_153, %cond3A_154 : i32
      scf.if %cond3A_155 {
        %dma_wait3A_273 = arith.constant 0 : i32
        %dma_wait3A_274 = arith.constant 0 : i32
        %dma_wait3A_275 = arith.constant 0 : i32
        %dma_wait3A_276 = tpu.memref_slice %arg17[%dma_wait3A_274, %dma_wait3A_275] : memref<10112x128xf32, #tpu.memory_space<vmem_shared>> -> memref<10112x128xf32, #tpu.memory_space<vmem_shared>>
        %dma_wait3A_277 = tpu.memref_slice %arg20[%dma_wait3A_273] : memref<2x!tpu.dma_semaphore, #tpu.memory_space<semaphore_mem>> -> memref<1x!tpu.dma_semaphore, #tpu.memory_space<semaphore_mem>>
        %dma_wait3A_278 = tpu.memref_squeeze %dma_wait3A_277 : memref<1x!tpu.dma_semaphore, #tpu.memory_space<semaphore_mem>> -> memref<!tpu.dma_semaphore, #tpu.memory_space<semaphore_mem>>
        tpu.wait_indirect_dma semaphore(%dma_wait3A_278 : memref<!tpu.dma_semaphore, #tpu.memory_space<semaphore_mem>>) src(%arg15 : memref<128x128xf32, #tpu.memory_space<vmem>>) dst(%dma_wait3A_276 : memref<10112x128xf32, #tpu.memory_space<vmem_shared>>)
      } else {
      }
      %add3A_156 = arith.constant 1 : i32
      %add3A_157 = arith.addi %add3A_150, %add3A_156 : i32
      %lt3A_158 = arith.constant 80 : i32
      %lt3A_159 = arith.cmpi slt, %add3A_157, %lt3A_158 : i32
      %convert_element_type3A_160 = arith.extui %lt3A_159 : i1 to i32
      %cond3A_161 = arith.constant 0 : i32
      %cond3A_162 = arith.cmpi ne, %convert_element_type3A_160, %cond3A_161 : i32
      scf.if %cond3A_162 {
        %dma_wait3A_273 = arith.constant 0 : i32
        %dma_wait3A_274 = arith.constant 2 : i32
        %dma_wait3A_275 = arith.constant 0 : i32
        %dma_wait3A_276 = tpu.memref_slice %arg3[%add3A, %dma_wait3A_273, %dma_wait3A_275] : memref<32x80x128xi32, #tpu.memory_space<hbm>> -> memref<1x1x128xi32, #tpu.memory_space<hbm>>
        %dma_wait3A_277 = tpu.memref_squeeze %dma_wait3A_276 : memref<1x1x128xi32, #tpu.memory_space<hbm>> -> memref<128xi32, #tpu.memory_space<hbm>>
        %dma_wait3A_278 = tpu.memref_slice %arg18[%dma_wait3A_274] : memref<4x!tpu.dma_semaphore, #tpu.memory_space<semaphore_mem>> -> memref<1x!tpu.dma_semaphore, #tpu.memory_space<semaphore_mem>>
        %dma_wait3A_279 = tpu.memref_squeeze %dma_wait3A_278 : memref<1x!tpu.dma_semaphore, #tpu.memory_space<semaphore_mem>> -> memref<!tpu.dma_semaphore, #tpu.memory_space<semaphore_mem>>
        %dma_wait3A_280 = arith.constant 0 : i32
        %dma_wait3A_281 = tpu.memref_slice %arg3[%add3A, %dma_wait3A_273, %dma_wait3A_280] : memref<32x80x128xi32, #tpu.memory_space<hbm>> -> memref<1x1x128xi32, #tpu.memory_space<hbm>>
        %dma_wait3A_282 = tpu.memref_squeeze %dma_wait3A_281 : memref<1x1x128xi32, #tpu.memory_space<hbm>> -> memref<128xi32, #tpu.memory_space<hbm>>
        tpu.wait_dma2 semaphore(%dma_wait3A_279 : memref<!tpu.dma_semaphore, #tpu.memory_space<semaphore_mem>>) src(%dma_wait3A_282 : memref<128xi32, #tpu.memory_space<hbm>>) dst(%arg9 : memref<128xi32, #tpu.memory_space<vmem>>)
        %dma_wait3A_283 = arith.constant 0 : i32
        %dma_wait3A_284 = arith.constant 2 : i32
        %dma_wait3A_285 = arith.constant 0 : i32
        %dma_wait3A_286 = tpu.memref_slice %arg4[%add3A, %dma_wait3A_283, %dma_wait3A_285] : memref<32x80x128xi32, #tpu.memory_space<hbm>> -> memref<1x1x128xi32, #tpu.memory_space<hbm>>
        %dma_wait3A_287 = tpu.memref_squeeze %dma_wait3A_286 : memref<1x1x128xi32, #tpu.memory_space<hbm>> -> memref<128xi32, #tpu.memory_space<hbm>>
        %dma_wait3A_288 = tpu.memref_slice %arg18[%dma_wait3A_284] : memref<4x!tpu.dma_semaphore, #tpu.memory_space<semaphore_mem>> -> memref<1x!tpu.dma_semaphore, #tpu.memory_space<semaphore_mem>>
        %dma_wait3A_289 = tpu.memref_squeeze %dma_wait3A_288 : memref<1x!tpu.dma_semaphore, #tpu.memory_space<semaphore_mem>> -> memref<!tpu.dma_semaphore, #tpu.memory_space<semaphore_mem>>
        %dma_wait3A_290 = arith.constant 0 : i32
        %dma_wait3A_291 = tpu.memref_slice %arg4[%add3A, %dma_wait3A_283, %dma_wait3A_290] : memref<32x80x128xi32, #tpu.memory_space<hbm>> -> memref<1x1x128xi32, #tpu.memory_space<hbm>>
        %dma_wait3A_292 = tpu.memref_squeeze %dma_wait3A_291 : memref<1x1x128xi32, #tpu.memory_space<hbm>> -> memref<128xi32, #tpu.memory_space<hbm>>
        tpu.wait_dma2 semaphore(%dma_wait3A_289 : memref<!tpu.dma_semaphore, #tpu.memory_space<semaphore_mem>>) src(%dma_wait3A_292 : memref<128xi32, #tpu.memory_space<hbm>>) dst(%arg13 : memref<128xi32, #tpu.memory_space<vmem>>)
      } else {
      }
      %add3A_163 = arith.constant 1 : i32
      %add3A_164 = arith.addi %add3A_150, %add3A_163 : i32
      %lt3A_165 = arith.constant 80 : i32
      %lt3A_166 = arith.cmpi slt, %add3A_164, %lt3A_165 : i32
      %convert_element_type3A_167 = arith.extui %lt3A_166 : i1 to i32
      %cond3A_168 = arith.constant 0 : i32
      %cond3A_169 = arith.cmpi ne, %convert_element_type3A_167, %cond3A_168 : i32
      scf.if %cond3A_169 {
        %dma_start3A_273 = arith.constant 0 : i32
        %dma_start3A_274 = arith.constant 0 : i32
        %dma_start3A_275 = arith.constant 0 : i32
        %dma_start3A_276 = tpu.memref_slice %arg2[%dma_start3A_274, %dma_start3A_275] : memref<10112x128xf32, #tpu.memory_space<hbm>> -> memref<10112x128xf32, #tpu.memory_space<hbm>>
        %dma_start3A_277 = tpu.memref_slice %arg19[%dma_start3A_273] : memref<2x!tpu.dma_semaphore, #tpu.memory_space<semaphore_mem>> -> memref<1x!tpu.dma_semaphore, #tpu.memory_space<semaphore_mem>>
        %dma_start3A_278 = tpu.memref_squeeze %dma_start3A_277 : memref<1x!tpu.dma_semaphore, #tpu.memory_space<semaphore_mem>> -> memref<!tpu.dma_semaphore, #tpu.memory_space<semaphore_mem>>
        tpu.enqueue_indirect_dma source(%dma_start3A_276 : memref<10112x128xf32, #tpu.memory_space<hbm>>) target(%arg15 : memref<128x128xf32, #tpu.memory_space<vmem>>) offsets(%arg9 : memref<128xi32, #tpu.memory_space<vmem>>) semaphore(%dma_start3A_278 : memref<!tpu.dma_semaphore, #tpu.memory_space<semaphore_mem>>)
      } else {
      }
      %add3A_170 = arith.constant 3 : i32
      %add3A_171 = arith.addi %add3A_150, %add3A_170 : i32
      %lt3A_172 = arith.constant 80 : i32
      %lt3A_173 = arith.cmpi slt, %add3A_171, %lt3A_172 : i32
      %convert_element_type3A_174 = arith.extui %lt3A_173 : i1 to i32
      %cond3A_175 = arith.constant 0 : i32
      %cond3A_176 = arith.cmpi ne, %convert_element_type3A_174, %cond3A_175 : i32
      scf.if %cond3A_176 {
        %add3A_273 = arith.constant 3 : i32
        %add3A_274 = arith.addi %add3A_150, %add3A_273 : i32
        %dma_start3A_275 = arith.constant 0 : i32
        %dma_start3A_276 = arith.constant 0 : i32
        %dma_start3A_277 = tpu.memref_slice %arg3[%add3A, %add3A_274, %dma_start3A_276] : memref<32x80x128xi32, #tpu.memory_space<hbm>> -> memref<1x1x128xi32, #tpu.memory_space<hbm>>
        %dma_start3A_278 = tpu.memref_squeeze %dma_start3A_277 : memref<1x1x128xi32, #tpu.memory_space<hbm>> -> memref<128xi32, #tpu.memory_space<hbm>>
        %dma_start3A_279 = tpu.memref_slice %arg18[%dma_start3A_275] : memref<4x!tpu.dma_semaphore, #tpu.memory_space<semaphore_mem>> -> memref<1x!tpu.dma_semaphore, #tpu.memory_space<semaphore_mem>>
        %dma_start3A_280 = tpu.memref_squeeze %dma_start3A_279 : memref<1x!tpu.dma_semaphore, #tpu.memory_space<semaphore_mem>> -> memref<!tpu.dma_semaphore, #tpu.memory_space<semaphore_mem>>
        %dma_start3A_281 = arith.constant 0 : i32
        %dma_start3A_282 = tpu.memref_slice %arg3[%add3A, %add3A_274, %dma_start3A_281] : memref<32x80x128xi32, #tpu.memory_space<hbm>> -> memref<1x1x128xi32, #tpu.memory_space<hbm>>
        %dma_start3A_283 = tpu.memref_squeeze %dma_start3A_282 : memref<1x1x128xi32, #tpu.memory_space<hbm>> -> memref<128xi32, #tpu.memory_space<hbm>>
        tpu.enqueue_dma source(%dma_start3A_283 : memref<128xi32, #tpu.memory_space<hbm>>) target(%arg7 : memref<128xi32, #tpu.memory_space<vmem>>) target_semaphore(%dma_start3A_280 : memref<!tpu.dma_semaphore, #tpu.memory_space<semaphore_mem>>)
        %add3A_284 = arith.constant 3 : i32
        %add3A_285 = arith.addi %add3A_150, %add3A_284 : i32
        %dma_start3A_286 = arith.constant 0 : i32
        %dma_start3A_287 = arith.constant 0 : i32
        %dma_start3A_288 = tpu.memref_slice %arg4[%add3A, %add3A_285, %dma_start3A_287] : memref<32x80x128xi32, #tpu.memory_space<hbm>> -> memref<1x1x128xi32, #tpu.memory_space<hbm>>
        %dma_start3A_289 = tpu.memref_squeeze %dma_start3A_288 : memref<1x1x128xi32, #tpu.memory_space<hbm>> -> memref<128xi32, #tpu.memory_space<hbm>>
        %dma_start3A_290 = tpu.memref_slice %arg18[%dma_start3A_286] : memref<4x!tpu.dma_semaphore, #tpu.memory_space<semaphore_mem>> -> memref<1x!tpu.dma_semaphore, #tpu.memory_space<semaphore_mem>>
        %dma_start3A_291 = tpu.memref_squeeze %dma_start3A_290 : memref<1x!tpu.dma_semaphore, #tpu.memory_space<semaphore_mem>> -> memref<!tpu.dma_semaphore, #tpu.memory_space<semaphore_mem>>
        %dma_start3A_292 = arith.constant 0 : i32
        %dma_start3A_293 = tpu.memref_slice %arg4[%add3A, %add3A_285, %dma_start3A_292] : memref<32x80x128xi32, #tpu.memory_space<hbm>> -> memref<1x1x128xi32, #tpu.memory_space<hbm>>
        %dma_start3A_294 = tpu.memref_squeeze %dma_start3A_293 : memref<1x1x128xi32, #tpu.memory_space<hbm>> -> memref<128xi32, #tpu.memory_space<hbm>>
        tpu.enqueue_dma source(%dma_start3A_294 : memref<128xi32, #tpu.memory_space<hbm>>) target(%arg11 : memref<128xi32, #tpu.memory_space<vmem>>) target_semaphore(%dma_start3A_291 : memref<!tpu.dma_semaphore, #tpu.memory_space<semaphore_mem>>)
      } else {
      }
      %dma_wait3A_177 = arith.constant 1 : i32
      %dma_wait3A_178 = arith.constant 0 : i32
      %dma_wait3A_179 = arith.constant 0 : i32
      %dma_wait3A_180 = tpu.memref_slice %arg2[%dma_wait3A_178, %dma_wait3A_179] : memref<10112x128xf32, #tpu.memory_space<hbm>> -> memref<10112x128xf32, #tpu.memory_space<hbm>>
      %dma_wait3A_181 = tpu.memref_slice %arg19[%dma_wait3A_177] : memref<2x!tpu.dma_semaphore, #tpu.memory_space<semaphore_mem>> -> memref<1x!tpu.dma_semaphore, #tpu.memory_space<semaphore_mem>>
      %dma_wait3A_182 = tpu.memref_squeeze %dma_wait3A_181 : memref<1x!tpu.dma_semaphore, #tpu.memory_space<semaphore_mem>> -> memref<!tpu.dma_semaphore, #tpu.memory_space<semaphore_mem>>
      tpu.wait_indirect_dma semaphore(%dma_wait3A_182 : memref<!tpu.dma_semaphore, #tpu.memory_space<semaphore_mem>>) src(%dma_wait3A_180 : memref<10112x128xf32, #tpu.memory_space<hbm>>) dst(%arg16 : memref<128x128xf32, #tpu.memory_space<vmem>>)
      %dma_start3A_183 = arith.constant 1 : i32
      %dma_start3A_184 = arith.constant 0 : i32
      %dma_start3A_185 = arith.constant 0 : i32
      %dma_start3A_186 = tpu.memref_slice %arg17[%dma_start3A_184, %dma_start3A_185] : memref<10112x128xf32, #tpu.memory_space<vmem_shared>> -> memref<10112x128xf32, #tpu.memory_space<vmem_shared>>
      %dma_start3A_187 = tpu.memref_slice %arg20[%dma_start3A_183] : memref<2x!tpu.dma_semaphore, #tpu.memory_space<semaphore_mem>> -> memref<1x!tpu.dma_semaphore, #tpu.memory_space<semaphore_mem>>
      %dma_start3A_188 = tpu.memref_squeeze %dma_start3A_187 : memref<1x!tpu.dma_semaphore, #tpu.memory_space<semaphore_mem>> -> memref<!tpu.dma_semaphore, #tpu.memory_space<semaphore_mem>>
      tpu.enqueue_indirect_dma source(%arg16 : memref<128x128xf32, #tpu.memory_space<vmem>>) target(%dma_start3A_186 : memref<10112x128xf32, #tpu.memory_space<vmem_shared>>) offsets(%arg12 : memref<128xi32, #tpu.memory_space<vmem>>) semaphore(%dma_start3A_188 : memref<!tpu.dma_semaphore, #tpu.memory_space<semaphore_mem>>) {add = true}
      %mul3A_189 = arith.constant 4 : i32
      %mul3A_190 = arith.muli %scan3A_108, %mul3A_189 : i32
      %add3A_191 = arith.constant 2 : i32
      %add3A_192 = arith.addi %mul3A_190, %add3A_191 : i32
      %ge3A_193 = arith.constant 1 : i32
      %ge3A_194 = arith.cmpi sge, %add3A_192, %ge3A_193 : i32
      %convert_element_type3A_195 = arith.extui %ge3A_194 : i1 to i32
      %cond3A_196 = arith.constant 0 : i32
      %cond3A_197 = arith.cmpi ne, %convert_element_type3A_195, %cond3A_196 : i32
      scf.if %cond3A_197 {
        %dma_wait3A_273 = arith.constant 1 : i32
        %dma_wait3A_274 = arith.constant 0 : i32
        %dma_wait3A_275 = arith.constant 0 : i32
        %dma_wait3A_276 = tpu.memref_slice %arg17[%dma_wait3A_274, %dma_wait3A_275] : memref<10112x128xf32, #tpu.memory_space<vmem_shared>> -> memref<10112x128xf32, #tpu.memory_space<vmem_shared>>
        %dma_wait3A_277 = tpu.memref_slice %arg20[%dma_wait3A_273] : memref<2x!tpu.dma_semaphore, #tpu.memory_space<semaphore_mem>> -> memref<1x!tpu.dma_semaphore, #tpu.memory_space<semaphore_mem>>
        %dma_wait3A_278 = tpu.memref_squeeze %dma_wait3A_277 : memref<1x!tpu.dma_semaphore, #tpu.memory_space<semaphore_mem>> -> memref<!tpu.dma_semaphore, #tpu.memory_space<semaphore_mem>>
        tpu.wait_indirect_dma semaphore(%dma_wait3A_278 : memref<!tpu.dma_semaphore, #tpu.memory_space<semaphore_mem>>) src(%arg16 : memref<128x128xf32, #tpu.memory_space<vmem>>) dst(%dma_wait3A_276 : memref<10112x128xf32, #tpu.memory_space<vmem_shared>>)
      } else {
      }
      %add3A_198 = arith.constant 1 : i32
      %add3A_199 = arith.addi %add3A_192, %add3A_198 : i32
      %lt3A_200 = arith.constant 80 : i32
      %lt3A_201 = arith.cmpi slt, %add3A_199, %lt3A_200 : i32
      %convert_element_type3A_202 = arith.extui %lt3A_201 : i1 to i32
      %cond3A_203 = arith.constant 0 : i32
      %cond3A_204 = arith.cmpi ne, %convert_element_type3A_202, %cond3A_203 : i32
      scf.if %cond3A_204 {
        %dma_wait3A_273 = arith.constant 0 : i32
        %dma_wait3A_274 = arith.constant 3 : i32
        %dma_wait3A_275 = arith.constant 0 : i32
        %dma_wait3A_276 = tpu.memref_slice %arg3[%add3A, %dma_wait3A_273, %dma_wait3A_275] : memref<32x80x128xi32, #tpu.memory_space<hbm>> -> memref<1x1x128xi32, #tpu.memory_space<hbm>>
        %dma_wait3A_277 = tpu.memref_squeeze %dma_wait3A_276 : memref<1x1x128xi32, #tpu.memory_space<hbm>> -> memref<128xi32, #tpu.memory_space<hbm>>
        %dma_wait3A_278 = tpu.memref_slice %arg18[%dma_wait3A_274] : memref<4x!tpu.dma_semaphore, #tpu.memory_space<semaphore_mem>> -> memref<1x!tpu.dma_semaphore, #tpu.memory_space<semaphore_mem>>
        %dma_wait3A_279 = tpu.memref_squeeze %dma_wait3A_278 : memref<1x!tpu.dma_semaphore, #tpu.memory_space<semaphore_mem>> -> memref<!tpu.dma_semaphore, #tpu.memory_space<semaphore_mem>>
        %dma_wait3A_280 = arith.constant 0 : i32
        %dma_wait3A_281 = tpu.memref_slice %arg3[%add3A, %dma_wait3A_273, %dma_wait3A_280] : memref<32x80x128xi32, #tpu.memory_space<hbm>> -> memref<1x1x128xi32, #tpu.memory_space<hbm>>
        %dma_wait3A_282 = tpu.memref_squeeze %dma_wait3A_281 : memref<1x1x128xi32, #tpu.memory_space<hbm>> -> memref<128xi32, #tpu.memory_space<hbm>>
        tpu.wait_dma2 semaphore(%dma_wait3A_279 : memref<!tpu.dma_semaphore, #tpu.memory_space<semaphore_mem>>) src(%dma_wait3A_282 : memref<128xi32, #tpu.memory_space<hbm>>) dst(%arg10 : memref<128xi32, #tpu.memory_space<vmem>>)
        %dma_wait3A_283 = arith.constant 0 : i32
        %dma_wait3A_284 = arith.constant 3 : i32
        %dma_wait3A_285 = arith.constant 0 : i32
        %dma_wait3A_286 = tpu.memref_slice %arg4[%add3A, %dma_wait3A_283, %dma_wait3A_285] : memref<32x80x128xi32, #tpu.memory_space<hbm>> -> memref<1x1x128xi32, #tpu.memory_space<hbm>>
        %dma_wait3A_287 = tpu.memref_squeeze %dma_wait3A_286 : memref<1x1x128xi32, #tpu.memory_space<hbm>> -> memref<128xi32, #tpu.memory_space<hbm>>
        %dma_wait3A_288 = tpu.memref_slice %arg18[%dma_wait3A_284] : memref<4x!tpu.dma_semaphore, #tpu.memory_space<semaphore_mem>> -> memref<1x!tpu.dma_semaphore, #tpu.memory_space<semaphore_mem>>
        %dma_wait3A_289 = tpu.memref_squeeze %dma_wait3A_288 : memref<1x!tpu.dma_semaphore, #tpu.memory_space<semaphore_mem>> -> memref<!tpu.dma_semaphore, #tpu.memory_space<semaphore_mem>>
        %dma_wait3A_290 = arith.constant 0 : i32
        %dma_wait3A_291 = tpu.memref_slice %arg4[%add3A, %dma_wait3A_283, %dma_wait3A_290] : memref<32x80x128xi32, #tpu.memory_space<hbm>> -> memref<1x1x128xi32, #tpu.memory_space<hbm>>
        %dma_wait3A_292 = tpu.memref_squeeze %dma_wait3A_291 : memref<1x1x128xi32, #tpu.memory_space<hbm>> -> memref<128xi32, #tpu.memory_space<hbm>>
        tpu.wait_dma2 semaphore(%dma_wait3A_289 : memref<!tpu.dma_semaphore, #tpu.memory_space<semaphore_mem>>) src(%dma_wait3A_292 : memref<128xi32, #tpu.memory_space<hbm>>) dst(%arg14 : memref<128xi32, #tpu.memory_space<vmem>>)
      } else {
      }
      %add3A_205 = arith.constant 1 : i32
      %add3A_206 = arith.addi %add3A_192, %add3A_205 : i32
      %lt3A_207 = arith.constant 80 : i32
      %lt3A_208 = arith.cmpi slt, %add3A_206, %lt3A_207 : i32
      %convert_element_type3A_209 = arith.extui %lt3A_208 : i1 to i32
      %cond3A_210 = arith.constant 0 : i32
      %cond3A_211 = arith.cmpi ne, %convert_element_type3A_209, %cond3A_210 : i32
      scf.if %cond3A_211 {
        %dma_start3A_273 = arith.constant 1 : i32
        %dma_start3A_274 = arith.constant 0 : i32
        %dma_start3A_275 = arith.constant 0 : i32
        %dma_start3A_276 = tpu.memref_slice %arg2[%dma_start3A_274, %dma_start3A_275] : memref<10112x128xf32, #tpu.memory_space<hbm>> -> memref<10112x128xf32, #tpu.memory_space<hbm>>
        %dma_start3A_277 = tpu.memref_slice %arg19[%dma_start3A_273] : memref<2x!tpu.dma_semaphore, #tpu.memory_space<semaphore_mem>> -> memref<1x!tpu.dma_semaphore, #tpu.memory_space<semaphore_mem>>
        %dma_start3A_278 = tpu.memref_squeeze %dma_start3A_277 : memref<1x!tpu.dma_semaphore, #tpu.memory_space<semaphore_mem>> -> memref<!tpu.dma_semaphore, #tpu.memory_space<semaphore_mem>>
        tpu.enqueue_indirect_dma source(%dma_start3A_276 : memref<10112x128xf32, #tpu.memory_space<hbm>>) target(%arg16 : memref<128x128xf32, #tpu.memory_space<vmem>>) offsets(%arg10 : memref<128xi32, #tpu.memory_space<vmem>>) semaphore(%dma_start3A_278 : memref<!tpu.dma_semaphore, #tpu.memory_space<semaphore_mem>>)
      } else {
      }
      %add3A_212 = arith.constant 3 : i32
      %add3A_213 = arith.addi %add3A_192, %add3A_212 : i32
      %lt3A_214 = arith.constant 80 : i32
      %lt3A_215 = arith.cmpi slt, %add3A_213, %lt3A_214 : i32
      %convert_element_type3A_216 = arith.extui %lt3A_215 : i1 to i32
      %cond3A_217 = arith.constant 0 : i32
      %cond3A_218 = arith.cmpi ne, %convert_element_type3A_216, %cond3A_217 : i32
      scf.if %cond3A_218 {
        %add3A_273 = arith.constant 3 : i32
        %add3A_274 = arith.addi %add3A_192, %add3A_273 : i32
        %dma_start3A_275 = arith.constant 1 : i32
        %dma_start3A_276 = arith.constant 0 : i32
        %dma_start3A_277 = tpu.memref_slice %arg3[%add3A, %add3A_274, %dma_start3A_276] : memref<32x80x128xi32, #tpu.memory_space<hbm>> -> memref<1x1x128xi32, #tpu.memory_space<hbm>>
        %dma_start3A_278 = tpu.memref_squeeze %dma_start3A_277 : memref<1x1x128xi32, #tpu.memory_space<hbm>> -> memref<128xi32, #tpu.memory_space<hbm>>
        %dma_start3A_279 = tpu.memref_slice %arg18[%dma_start3A_275] : memref<4x!tpu.dma_semaphore, #tpu.memory_space<semaphore_mem>> -> memref<1x!tpu.dma_semaphore, #tpu.memory_space<semaphore_mem>>
        %dma_start3A_280 = tpu.memref_squeeze %dma_start3A_279 : memref<1x!tpu.dma_semaphore, #tpu.memory_space<semaphore_mem>> -> memref<!tpu.dma_semaphore, #tpu.memory_space<semaphore_mem>>
        %dma_start3A_281 = arith.constant 0 : i32
        %dma_start3A_282 = tpu.memref_slice %arg3[%add3A, %add3A_274, %dma_start3A_281] : memref<32x80x128xi32, #tpu.memory_space<hbm>> -> memref<1x1x128xi32, #tpu.memory_space<hbm>>
        %dma_start3A_283 = tpu.memref_squeeze %dma_start3A_282 : memref<1x1x128xi32, #tpu.memory_space<hbm>> -> memref<128xi32, #tpu.memory_space<hbm>>
        tpu.enqueue_dma source(%dma_start3A_283 : memref<128xi32, #tpu.memory_space<hbm>>) target(%arg8 : memref<128xi32, #tpu.memory_space<vmem>>) target_semaphore(%dma_start3A_280 : memref<!tpu.dma_semaphore, #tpu.memory_space<semaphore_mem>>)
        %add3A_284 = arith.constant 3 : i32
        %add3A_285 = arith.addi %add3A_192, %add3A_284 : i32
        %dma_start3A_286 = arith.constant 1 : i32
        %dma_start3A_287 = arith.constant 0 : i32
        %dma_start3A_288 = tpu.memref_slice %arg4[%add3A, %add3A_285, %dma_start3A_287] : memref<32x80x128xi32, #tpu.memory_space<hbm>> -> memref<1x1x128xi32, #tpu.memory_space<hbm>>
        %dma_start3A_289 = tpu.memref_squeeze %dma_start3A_288 : memref<1x1x128xi32, #tpu.memory_space<hbm>> -> memref<128xi32, #tpu.memory_space<hbm>>
        %dma_start3A_290 = tpu.memref_slice %arg18[%dma_start3A_286] : memref<4x!tpu.dma_semaphore, #tpu.memory_space<semaphore_mem>> -> memref<1x!tpu.dma_semaphore, #tpu.memory_space<semaphore_mem>>
        %dma_start3A_291 = tpu.memref_squeeze %dma_start3A_290 : memref<1x!tpu.dma_semaphore, #tpu.memory_space<semaphore_mem>> -> memref<!tpu.dma_semaphore, #tpu.memory_space<semaphore_mem>>
        %dma_start3A_292 = arith.constant 0 : i32
        %dma_start3A_293 = tpu.memref_slice %arg4[%add3A, %add3A_285, %dma_start3A_292] : memref<32x80x128xi32, #tpu.memory_space<hbm>> -> memref<1x1x128xi32, #tpu.memory_space<hbm>>
        %dma_start3A_294 = tpu.memref_squeeze %dma_start3A_293 : memref<1x1x128xi32, #tpu.memory_space<hbm>> -> memref<128xi32, #tpu.memory_space<hbm>>
        tpu.enqueue_dma source(%dma_start3A_294 : memref<128xi32, #tpu.memory_space<hbm>>) target(%arg12 : memref<128xi32, #tpu.memory_space<vmem>>) target_semaphore(%dma_start3A_291 : memref<!tpu.dma_semaphore, #tpu.memory_space<semaphore_mem>>)
      } else {
      }
      %dma_wait3A_219 = arith.constant 0 : i32
      %dma_wait3A_220 = arith.constant 0 : i32
      %dma_wait3A_221 = arith.constant 0 : i32
      %dma_wait3A_222 = tpu.memref_slice %arg2[%dma_wait3A_220, %dma_wait3A_221] : memref<10112x128xf32, #tpu.memory_space<hbm>> -> memref<10112x128xf32, #tpu.memory_space<hbm>>
      %dma_wait3A_223 = tpu.memref_slice %arg19[%dma_wait3A_219] : memref<2x!tpu.dma_semaphore, #tpu.memory_space<semaphore_mem>> -> memref<1x!tpu.dma_semaphore, #tpu.memory_space<semaphore_mem>>
      %dma_wait3A_224 = tpu.memref_squeeze %dma_wait3A_223 : memref<1x!tpu.dma_semaphore, #tpu.memory_space<semaphore_mem>> -> memref<!tpu.dma_semaphore, #tpu.memory_space<semaphore_mem>>
      tpu.wait_indirect_dma semaphore(%dma_wait3A_224 : memref<!tpu.dma_semaphore, #tpu.memory_space<semaphore_mem>>) src(%dma_wait3A_222 : memref<10112x128xf32, #tpu.memory_space<hbm>>) dst(%arg15 : memref<128x128xf32, #tpu.memory_space<vmem>>)
      %dma_start3A_225 = arith.constant 0 : i32
      %dma_start3A_226 = arith.constant 0 : i32
      %dma_start3A_227 = arith.constant 0 : i32
      %dma_start3A_228 = tpu.memref_slice %arg17[%dma_start3A_226, %dma_start3A_227] : memref<10112x128xf32, #tpu.memory_space<vmem_shared>> -> memref<10112x128xf32, #tpu.memory_space<vmem_shared>>
      %dma_start3A_229 = tpu.memref_slice %arg20[%dma_start3A_225] : memref<2x!tpu.dma_semaphore, #tpu.memory_space<semaphore_mem>> -> memref<1x!tpu.dma_semaphore, #tpu.memory_space<semaphore_mem>>
      %dma_start3A_230 = tpu.memref_squeeze %dma_start3A_229 : memref<1x!tpu.dma_semaphore, #tpu.memory_space<semaphore_mem>> -> memref<!tpu.dma_semaphore, #tpu.memory_space<semaphore_mem>>
      tpu.enqueue_indirect_dma source(%arg15 : memref<128x128xf32, #tpu.memory_space<vmem>>) target(%dma_start3A_228 : memref<10112x128xf32, #tpu.memory_space<vmem_shared>>) offsets(%arg13 : memref<128xi32, #tpu.memory_space<vmem>>) semaphore(%dma_start3A_230 : memref<!tpu.dma_semaphore, #tpu.memory_space<semaphore_mem>>) {add = true}
      %mul3A_231 = arith.constant 4 : i32
      %mul3A_232 = arith.muli %scan3A_108, %mul3A_231 : i32
      %add3A_233 = arith.constant 3 : i32
      %add3A_234 = arith.addi %mul3A_232, %add3A_233 : i32
      %ge3A_235 = arith.constant 1 : i32
      %ge3A_236 = arith.cmpi sge, %add3A_234, %ge3A_235 : i32
      %convert_element_type3A_237 = arith.extui %ge3A_236 : i1 to i32
      %cond3A_238 = arith.constant 0 : i32
      %cond3A_239 = arith.cmpi ne, %convert_element_type3A_237, %cond3A_238 : i32
      scf.if %cond3A_239 {
        %dma_wait3A_273 = arith.constant 0 : i32
        %dma_wait3A_274 = arith.constant 0 : i32
        %dma_wait3A_275 = arith.constant 0 : i32
        %dma_wait3A_276 = tpu.memref_slice %arg17[%dma_wait3A_274, %dma_wait3A_275] : memref<10112x128xf32, #tpu.memory_space<vmem_shared>> -> memref<10112x128xf32, #tpu.memory_space<vmem_shared>>
        %dma_wait3A_277 = tpu.memref_slice %arg20[%dma_wait3A_273] : memref<2x!tpu.dma_semaphore, #tpu.memory_space<semaphore_mem>> -> memref<1x!tpu.dma_semaphore, #tpu.memory_space<semaphore_mem>>
        %dma_wait3A_278 = tpu.memref_squeeze %dma_wait3A_277 : memref<1x!tpu.dma_semaphore, #tpu.memory_space<semaphore_mem>> -> memref<!tpu.dma_semaphore, #tpu.memory_space<semaphore_mem>>
        tpu.wait_indirect_dma semaphore(%dma_wait3A_278 : memref<!tpu.dma_semaphore, #tpu.memory_space<semaphore_mem>>) src(%arg15 : memref<128x128xf32, #tpu.memory_space<vmem>>) dst(%dma_wait3A_276 : memref<10112x128xf32, #tpu.memory_space<vmem_shared>>)
      } else {
      }
      %add3A_240 = arith.constant 1 : i32
      %add3A_241 = arith.addi %add3A_234, %add3A_240 : i32
      %lt3A_242 = arith.constant 80 : i32
      %lt3A_243 = arith.cmpi slt, %add3A_241, %lt3A_242 : i32
      %convert_element_type3A_244 = arith.extui %lt3A_243 : i1 to i32
      %cond3A_245 = arith.constant 0 : i32
      %cond3A_246 = arith.cmpi ne, %convert_element_type3A_244, %cond3A_245 : i32
      scf.if %cond3A_246 {
        %dma_wait3A_273 = arith.constant 0 : i32
        %dma_wait3A_274 = arith.constant 0 : i32
        %dma_wait3A_275 = arith.constant 0 : i32
        %dma_wait3A_276 = tpu.memref_slice %arg3[%add3A, %dma_wait3A_273, %dma_wait3A_275] : memref<32x80x128xi32, #tpu.memory_space<hbm>> -> memref<1x1x128xi32, #tpu.memory_space<hbm>>
        %dma_wait3A_277 = tpu.memref_squeeze %dma_wait3A_276 : memref<1x1x128xi32, #tpu.memory_space<hbm>> -> memref<128xi32, #tpu.memory_space<hbm>>
        %dma_wait3A_278 = tpu.memref_slice %arg18[%dma_wait3A_274] : memref<4x!tpu.dma_semaphore, #tpu.memory_space<semaphore_mem>> -> memref<1x!tpu.dma_semaphore, #tpu.memory_space<semaphore_mem>>
        %dma_wait3A_279 = tpu.memref_squeeze %dma_wait3A_278 : memref<1x!tpu.dma_semaphore, #tpu.memory_space<semaphore_mem>> -> memref<!tpu.dma_semaphore, #tpu.memory_space<semaphore_mem>>
        %dma_wait3A_280 = arith.constant 0 : i32
        %dma_wait3A_281 = tpu.memref_slice %arg3[%add3A, %dma_wait3A_273, %dma_wait3A_280] : memref<32x80x128xi32, #tpu.memory_space<hbm>> -> memref<1x1x128xi32, #tpu.memory_space<hbm>>
        %dma_wait3A_282 = tpu.memref_squeeze %dma_wait3A_281 : memref<1x1x128xi32, #tpu.memory_space<hbm>> -> memref<128xi32, #tpu.memory_space<hbm>>
        tpu.wait_dma2 semaphore(%dma_wait3A_279 : memref<!tpu.dma_semaphore, #tpu.memory_space<semaphore_mem>>) src(%dma_wait3A_282 : memref<128xi32, #tpu.memory_space<hbm>>) dst(%arg7 : memref<128xi32, #tpu.memory_space<vmem>>)
        %dma_wait3A_283 = arith.constant 0 : i32
        %dma_wait3A_284 = arith.constant 0 : i32
        %dma_wait3A_285 = arith.constant 0 : i32
        %dma_wait3A_286 = tpu.memref_slice %arg4[%add3A, %dma_wait3A_283, %dma_wait3A_285] : memref<32x80x128xi32, #tpu.memory_space<hbm>> -> memref<1x1x128xi32, #tpu.memory_space<hbm>>
        %dma_wait3A_287 = tpu.memref_squeeze %dma_wait3A_286 : memref<1x1x128xi32, #tpu.memory_space<hbm>> -> memref<128xi32, #tpu.memory_space<hbm>>
        %dma_wait3A_288 = tpu.memref_slice %arg18[%dma_wait3A_284] : memref<4x!tpu.dma_semaphore, #tpu.memory_space<semaphore_mem>> -> memref<1x!tpu.dma_semaphore, #tpu.memory_space<semaphore_mem>>
        %dma_wait3A_289 = tpu.memref_squeeze %dma_wait3A_288 : memref<1x!tpu.dma_semaphore, #tpu.memory_space<semaphore_mem>> -> memref<!tpu.dma_semaphore, #tpu.memory_space<semaphore_mem>>
        %dma_wait3A_290 = arith.constant 0 : i32
        %dma_wait3A_291 = tpu.memref_slice %arg4[%add3A, %dma_wait3A_283, %dma_wait3A_290] : memref<32x80x128xi32, #tpu.memory_space<hbm>> -> memref<1x1x128xi32, #tpu.memory_space<hbm>>
        %dma_wait3A_292 = tpu.memref_squeeze %dma_wait3A_291 : memref<1x1x128xi32, #tpu.memory_space<hbm>> -> memref<128xi32, #tpu.memory_space<hbm>>
        tpu.wait_dma2 semaphore(%dma_wait3A_289 : memref<!tpu.dma_semaphore, #tpu.memory_space<semaphore_mem>>) src(%dma_wait3A_292 : memref<128xi32, #tpu.memory_space<hbm>>) dst(%arg11 : memref<128xi32, #tpu.memory_space<vmem>>)
      } else {
      }
      %add3A_247 = arith.constant 1 : i32
      %add3A_248 = arith.addi %add3A_234, %add3A_247 : i32
      %lt3A_249 = arith.constant 80 : i32
      %lt3A_250 = arith.cmpi slt, %add3A_248, %lt3A_249 : i32
      %convert_element_type3A_251 = arith.extui %lt3A_250 : i1 to i32
      %cond3A_252 = arith.constant 0 : i32
      %cond3A_253 = arith.cmpi ne, %convert_element_type3A_251, %cond3A_252 : i32
      scf.if %cond3A_253 {
        %dma_start3A_273 = arith.constant 0 : i32
        %dma_start3A_274 = arith.constant 0 : i32
        %dma_start3A_275 = arith.constant 0 : i32
        %dma_start3A_276 = tpu.memref_slice %arg2[%dma_start3A_274, %dma_start3A_275] : memref<10112x128xf32, #tpu.memory_space<hbm>> -> memref<10112x128xf32, #tpu.memory_space<hbm>>
        %dma_start3A_277 = tpu.memref_slice %arg19[%dma_start3A_273] : memref<2x!tpu.dma_semaphore, #tpu.memory_space<semaphore_mem>> -> memref<1x!tpu.dma_semaphore, #tpu.memory_space<semaphore_mem>>
        %dma_start3A_278 = tpu.memref_squeeze %dma_start3A_277 : memref<1x!tpu.dma_semaphore, #tpu.memory_space<semaphore_mem>> -> memref<!tpu.dma_semaphore, #tpu.memory_space<semaphore_mem>>
        tpu.enqueue_indirect_dma source(%dma_start3A_276 : memref<10112x128xf32, #tpu.memory_space<hbm>>) target(%arg15 : memref<128x128xf32, #tpu.memory_space<vmem>>) offsets(%arg7 : memref<128xi32, #tpu.memory_space<vmem>>) semaphore(%dma_start3A_278 : memref<!tpu.dma_semaphore, #tpu.memory_space<semaphore_mem>>)
      } else {
      }
      %add3A_254 = arith.constant 3 : i32
      %add3A_255 = arith.addi %add3A_234, %add3A_254 : i32
      %lt3A_256 = arith.constant 80 : i32
      %lt3A_257 = arith.cmpi slt, %add3A_255, %lt3A_256 : i32
      %convert_element_type3A_258 = arith.extui %lt3A_257 : i1 to i32
      %cond3A_259 = arith.constant 0 : i32
      %cond3A_260 = arith.cmpi ne, %convert_element_type3A_258, %cond3A_259 : i32
      scf.if %cond3A_260 {
        %add3A_273 = arith.constant 3 : i32
        %add3A_274 = arith.addi %add3A_234, %add3A_273 : i32
        %dma_start3A_275 = arith.constant 2 : i32
        %dma_start3A_276 = arith.constant 0 : i32
        %dma_start3A_277 = tpu.memref_slice %arg3[%add3A, %add3A_274, %dma_start3A_276] : memref<32x80x128xi32, #tpu.memory_space<hbm>> -> memref<1x1x128xi32, #tpu.memory_space<hbm>>
        %dma_start3A_278 = tpu.memref_squeeze %dma_start3A_277 : memref<1x1x128xi32, #tpu.memory_space<hbm>> -> memref<128xi32, #tpu.memory_space<hbm>>
        %dma_start3A_279 = tpu.memref_slice %arg18[%dma_start3A_275] : memref<4x!tpu.dma_semaphore, #tpu.memory_space<semaphore_mem>> -> memref<1x!tpu.dma_semaphore, #tpu.memory_space<semaphore_mem>>
        %dma_start3A_280 = tpu.memref_squeeze %dma_start3A_279 : memref<1x!tpu.dma_semaphore, #tpu.memory_space<semaphore_mem>> -> memref<!tpu.dma_semaphore, #tpu.memory_space<semaphore_mem>>
        %dma_start3A_281 = arith.constant 0 : i32
        %dma_start3A_282 = tpu.memref_slice %arg3[%add3A, %add3A_274, %dma_start3A_281] : memref<32x80x128xi32, #tpu.memory_space<hbm>> -> memref<1x1x128xi32, #tpu.memory_space<hbm>>
        %dma_start3A_283 = tpu.memref_squeeze %dma_start3A_282 : memref<1x1x128xi32, #tpu.memory_space<hbm>> -> memref<128xi32, #tpu.memory_space<hbm>>
        tpu.enqueue_dma source(%dma_start3A_283 : memref<128xi32, #tpu.memory_space<hbm>>) target(%arg9 : memref<128xi32, #tpu.memory_space<vmem>>) target_semaphore(%dma_start3A_280 : memref<!tpu.dma_semaphore, #tpu.memory_space<semaphore_mem>>)
        %add3A_284 = arith.constant 3 : i32
        %add3A_285 = arith.addi %add3A_234, %add3A_284 : i32
        %dma_start3A_286 = arith.constant 2 : i32
        %dma_start3A_287 = arith.constant 0 : i32
        %dma_start3A_288 = tpu.memref_slice %arg4[%add3A, %add3A_285, %dma_start3A_287] : memref<32x80x128xi32, #tpu.memory_space<hbm>> -> memref<1x1x128xi32, #tpu.memory_space<hbm>>
        %dma_start3A_289 = tpu.memref_squeeze %dma_start3A_288 : memref<1x1x128xi32, #tpu.memory_space<hbm>> -> memref<128xi32, #tpu.memory_space<hbm>>
        %dma_start3A_290 = tpu.memref_slice %arg18[%dma_start3A_286] : memref<4x!tpu.dma_semaphore, #tpu.memory_space<semaphore_mem>> -> memref<1x!tpu.dma_semaphore, #tpu.memory_space<semaphore_mem>>
        %dma_start3A_291 = tpu.memref_squeeze %dma_start3A_290 : memref<1x!tpu.dma_semaphore, #tpu.memory_space<semaphore_mem>> -> memref<!tpu.dma_semaphore, #tpu.memory_space<semaphore_mem>>
        %dma_start3A_292 = arith.constant 0 : i32
        %dma_start3A_293 = tpu.memref_slice %arg4[%add3A, %add3A_285, %dma_start3A_292] : memref<32x80x128xi32, #tpu.memory_space<hbm>> -> memref<1x1x128xi32, #tpu.memory_space<hbm>>
        %dma_start3A_294 = tpu.memref_squeeze %dma_start3A_293 : memref<1x1x128xi32, #tpu.memory_space<hbm>> -> memref<128xi32, #tpu.memory_space<hbm>>
        tpu.enqueue_dma source(%dma_start3A_294 : memref<128xi32, #tpu.memory_space<hbm>>) target(%arg13 : memref<128xi32, #tpu.memory_space<vmem>>) target_semaphore(%dma_start3A_291 : memref<!tpu.dma_semaphore, #tpu.memory_space<semaphore_mem>>)
      } else {
      }
      %dma_wait3A_261 = arith.constant 1 : i32
      %dma_wait3A_262 = arith.constant 0 : i32
      %dma_wait3A_263 = arith.constant 0 : i32
      %dma_wait3A_264 = tpu.memref_slice %arg2[%dma_wait3A_262, %dma_wait3A_263] : memref<10112x128xf32, #tpu.memory_space<hbm>> -> memref<10112x128xf32, #tpu.memory_space<hbm>>
      %dma_wait3A_265 = tpu.memref_slice %arg19[%dma_wait3A_261] : memref<2x!tpu.dma_semaphore, #tpu.memory_space<semaphore_mem>> -> memref<1x!tpu.dma_semaphore, #tpu.memory_space<semaphore_mem>>
      %dma_wait3A_266 = tpu.memref_squeeze %dma_wait3A_265 : memref<1x!tpu.dma_semaphore, #tpu.memory_space<semaphore_mem>> -> memref<!tpu.dma_semaphore, #tpu.memory_space<semaphore_mem>>
      tpu.wait_indirect_dma semaphore(%dma_wait3A_266 : memref<!tpu.dma_semaphore, #tpu.memory_space<semaphore_mem>>) src(%dma_wait3A_264 : memref<10112x128xf32, #tpu.memory_space<hbm>>) dst(%arg16 : memref<128x128xf32, #tpu.memory_space<vmem>>)
      %dma_start3A_267 = arith.constant 1 : i32
      %dma_start3A_268 = arith.constant 0 : i32
      %dma_start3A_269 = arith.constant 0 : i32
      %dma_start3A_270 = tpu.memref_slice %arg17[%dma_start3A_268, %dma_start3A_269] : memref<10112x128xf32, #tpu.memory_space<vmem_shared>> -> memref<10112x128xf32, #tpu.memory_space<vmem_shared>>
      %dma_start3A_271 = tpu.memref_slice %arg20[%dma_start3A_267] : memref<2x!tpu.dma_semaphore, #tpu.memory_space<semaphore_mem>> -> memref<1x!tpu.dma_semaphore, #tpu.memory_space<semaphore_mem>>
      %dma_start3A_272 = tpu.memref_squeeze %dma_start3A_271 : memref<1x!tpu.dma_semaphore, #tpu.memory_space<semaphore_mem>> -> memref<!tpu.dma_semaphore, #tpu.memory_space<semaphore_mem>>
      tpu.enqueue_indirect_dma source(%arg16 : memref<128x128xf32, #tpu.memory_space<vmem>>) target(%dma_start3A_270 : memref<10112x128xf32, #tpu.memory_space<vmem_shared>>) offsets(%arg14 : memref<128xi32, #tpu.memory_space<vmem>>) semaphore(%dma_start3A_272 : memref<!tpu.dma_semaphore, #tpu.memory_space<semaphore_mem>>) {add = true}
    }
    %scan3A_93 = arith.constant 20 : i32
    %dma_wait3A_94 = arith.constant 1 : i32
    %dma_wait3A_95 = arith.constant 0 : i32
    %dma_wait3A_96 = arith.constant 0 : i32
    %dma_wait3A_97 = tpu.memref_slice %arg17[%dma_wait3A_95, %dma_wait3A_96] : memref<10112x128xf32, #tpu.memory_space<vmem_shared>> -> memref<10112x128xf32, #tpu.memory_space<vmem_shared>>
    %dma_wait3A_98 = tpu.memref_slice %arg20[%dma_wait3A_94] : memref<2x!tpu.dma_semaphore, #tpu.memory_space<semaphore_mem>> -> memref<1x!tpu.dma_semaphore, #tpu.memory_space<semaphore_mem>>
    %dma_wait3A_99 = tpu.memref_squeeze %dma_wait3A_98 : memref<1x!tpu.dma_semaphore, #tpu.memory_space<semaphore_mem>> -> memref<!tpu.dma_semaphore, #tpu.memory_space<semaphore_mem>>
    tpu.wait_indirect_dma semaphore(%dma_wait3A_99 : memref<!tpu.dma_semaphore, #tpu.memory_space<semaphore_mem>>) src(%arg16 : memref<128x128xf32, #tpu.memory_space<vmem>>) dst(%dma_wait3A_97 : memref<10112x128xf32, #tpu.memory_space<vmem_shared>>)
    %barrier3A_100 = arith.constant 0 : index
    tpu.barrier barrier_id(%barrier3A_100)
    %mul3A_101 = arith.constant 632 : i32
    %mul3A_102 = arith.muli %arg1, %mul3A_101 : i32
    %mul3A_103 = arith.constant 10112 : i32
    %mul3A_104 = arith.muli %arg0, %mul3A_103 : i32
    %mul3A_105 = arith.constant 632 : i32
    %mul3A_106 = arith.muli %arg1, %mul3A_105 : i32
    %add3A_107 = arith.addi %mul3A_104, %mul3A_106 : i32
    "tpu.region"() ({
      %run_scoped3A = tpu.sem_alloc : memref<!tpu.dma_semaphore, #tpu.memory_space<semaphore_mem>>
      %dma_start3A_108 = arith.constant 0 : i32
      %dma_start3A_109 = tpu.memref_slice %arg6[%add3A_107, %dma_start3A_108] : memref<20224x128xf32, #tpu.memory_space<hbm>> -> memref<632x128xf32, #tpu.memory_space<hbm>>
      %dma_start3A_110 = arith.constant 0 : i32
      %dma_start3A_111 = tpu.memref_slice %arg17[%mul3A_102, %dma_start3A_110] : memref<10112x128xf32, #tpu.memory_space<vmem_shared>> -> memref<632x128xf32, #tpu.memory_space<vmem_shared>>
      tpu.enqueue_dma source(%dma_start3A_111 : memref<632x128xf32, #tpu.memory_space<vmem_shared>>) target(%dma_start3A_109 : memref<632x128xf32, #tpu.memory_space<hbm>>) target_semaphore(%run_scoped3A : memref<!tpu.dma_semaphore, #tpu.memory_space<semaphore_mem>>)
      %dma_wait3A_112 = arith.constant 0 : i32
      %dma_wait3A_113 = tpu.memref_slice %arg6[%add3A_107, %dma_wait3A_112] : memref<20224x128xf32, #tpu.memory_space<hbm>> -> memref<632x128xf32, #tpu.memory_space<hbm>>
      %dma_wait3A_114 = arith.constant 0 : i32
      %dma_wait3A_115 = tpu.memref_slice %arg17[%mul3A_102, %dma_wait3A_114] : memref<10112x128xf32, #tpu.memory_space<vmem_shared>> -> memref<632x128xf32, #tpu.memory_space<vmem_shared>>
      tpu.wait_dma2 semaphore(%run_scoped3A : memref<!tpu.dma_semaphore, #tpu.memory_space<semaphore_mem>>) src(%dma_wait3A_115 : memref<632x128xf32, #tpu.memory_space<vmem_shared>>) dst(%dma_wait3A_113 : memref<632x128xf32, #tpu.memory_space<hbm>>)
      tpu.yield
    }) : () -> ()
    return
  }
}

#map = affine_map<(d0, d1) -> (0, 0)>
#map1 = affine_map<(d0, d1) -> (0, 0, 0)>
module attributes {stable_mosaic.version = 14 : i64} {
  func.func @_edge_kernel(%arg0: i32, %arg1: i32, %arg2: memref<10112x128xf32, #tpu.memory_space<hbm>>, %arg3: memref<32x80x128xi32, #tpu.memory_space<hbm>>, %arg4: memref<32x80x128xi32, #tpu.memory_space<hbm>>, %arg5: memref<10112x128xf32, #tpu.memory_space<hbm>>, %arg6: memref<20224x128xf32, #tpu.memory_space<hbm>>, %arg7: memref<128xi32, #tpu.memory_space<vmem>>, %arg8: memref<128xi32, #tpu.memory_space<vmem>>, %arg9: memref<128xi32, #tpu.memory_space<vmem>>, %arg10: memref<128xi32, #tpu.memory_space<vmem>>, %arg11: memref<128xi32, #tpu.memory_space<vmem>>, %arg12: memref<128xi32, #tpu.memory_space<vmem>>, %arg13: memref<128xi32, #tpu.memory_space<vmem>>, %arg14: memref<128xi32, #tpu.memory_space<vmem>>, %arg15: memref<128x128xf32, #tpu.memory_space<vmem>>, %arg16: memref<128x128xf32, #tpu.memory_space<vmem>>, %arg17: memref<10112x128xf32, #tpu.memory_space<vmem_shared>>, %arg18: memref<4x!tpu.dma_semaphore, #tpu.memory_space<semaphore_mem>>, %arg19: memref<2x!tpu.dma_semaphore, #tpu.memory_space<semaphore_mem>>, %arg20: memref<2x!tpu.dma_semaphore, #tpu.memory_space<semaphore_mem>>) attributes {dimension_semantics = [#tpu.dimension_semantics<core_parallel>, #tpu.dimension_semantics<subcore_parallel>], iteration_bounds = array<i64: 2, 16>, scalar_prefetch = 0 : i64, scratch_operands = 14 : i64, tpu.core_type = #tpu.core_type<sc_vector_subcore>, window_params = [{transform_indices = #map}, {transform_indices = #map1}, {transform_indices = #map1}, {transform_indices = #map}, {transform_indices = #map}]} {
    %mul3A = arith.constant 16 : i32
    %mul3A_0 = arith.muli %arg0, %mul3A : i32
    %add3A = arith.addi %mul3A_0, %arg1 : i32
    %mul3A_1 = arith.constant 632 : i32
    %mul3A_2 = arith.muli %arg1, %mul3A_1 : i32
    %mul3A_3 = arith.constant 632 : i32
    %mul3A_4 = arith.muli %arg1, %mul3A_3 : i32
    "tpu.region"() ({
      %run_scoped3A = tpu.sem_alloc : memref<!tpu.dma_semaphore, #tpu.memory_space<semaphore_mem>>
      %dma_start3A_108 = arith.constant 0 : i32
      %dma_start3A_109 = tpu.memref_slice %arg17[%mul3A_4, %dma_start3A_108] : memref<10112x128xf32, #tpu.memory_space<vmem_shared>> -> memref<632x128xf32, #tpu.memory_space<vmem_shared>>
      %dma_start3A_110 = arith.constant 0 : i32
      %dma_start3A_111 = tpu.memref_slice %arg5[%mul3A_2, %dma_start3A_110] : memref<10112x128xf32, #tpu.memory_space<hbm>> -> memref<632x128xf32, #tpu.memory_space<hbm>>
      tpu.enqueue_dma source(%dma_start3A_111 : memref<632x128xf32, #tpu.memory_space<hbm>>) target(%dma_start3A_109 : memref<632x128xf32, #tpu.memory_space<vmem_shared>>) target_semaphore(%run_scoped3A : memref<!tpu.dma_semaphore, #tpu.memory_space<semaphore_mem>>)
      %dma_wait3A_112 = arith.constant 0 : i32
      %dma_wait3A_113 = tpu.memref_slice %arg17[%mul3A_4, %dma_wait3A_112] : memref<10112x128xf32, #tpu.memory_space<vmem_shared>> -> memref<632x128xf32, #tpu.memory_space<vmem_shared>>
      %dma_wait3A_114 = arith.constant 0 : i32
      %dma_wait3A_115 = tpu.memref_slice %arg5[%mul3A_2, %dma_wait3A_114] : memref<10112x128xf32, #tpu.memory_space<hbm>> -> memref<632x128xf32, #tpu.memory_space<hbm>>
      tpu.wait_dma2 semaphore(%run_scoped3A : memref<!tpu.dma_semaphore, #tpu.memory_space<semaphore_mem>>) src(%dma_wait3A_115 : memref<632x128xf32, #tpu.memory_space<hbm>>) dst(%dma_wait3A_113 : memref<632x128xf32, #tpu.memory_space<vmem_shared>>)
      tpu.yield
    }) : () -> ()
    %dma_start3A = arith.constant 0 : i32
    %dma_start3A_5 = arith.constant 0 : i32
    %dma_start3A_6 = arith.constant 0 : i32
    %dma_start3A_7 = tpu.memref_slice %arg3[%add3A, %dma_start3A, %dma_start3A_6] : memref<32x80x128xi32, #tpu.memory_space<hbm>> -> memref<1x1x128xi32, #tpu.memory_space<hbm>>
    %dma_start3A_8 = tpu.memref_squeeze %dma_start3A_7 : memref<1x1x128xi32, #tpu.memory_space<hbm>> -> memref<128xi32, #tpu.memory_space<hbm>>
    %dma_start3A_9 = tpu.memref_slice %arg18[%dma_start3A_5] : memref<4x!tpu.dma_semaphore, #tpu.memory_space<semaphore_mem>> -> memref<1x!tpu.dma_semaphore, #tpu.memory_space<semaphore_mem>>
    %dma_start3A_10 = tpu.memref_squeeze %dma_start3A_9 : memref<1x!tpu.dma_semaphore, #tpu.memory_space<semaphore_mem>> -> memref<!tpu.dma_semaphore, #tpu.memory_space<semaphore_mem>>
    %dma_start3A_11 = arith.constant 0 : i32
    %dma_start3A_12 = tpu.memref_slice %arg3[%add3A, %dma_start3A, %dma_start3A_11] : memref<32x80x128xi32, #tpu.memory_space<hbm>> -> memref<1x1x128xi32, #tpu.memory_space<hbm>>
    %dma_start3A_13 = tpu.memref_squeeze %dma_start3A_12 : memref<1x1x128xi32, #tpu.memory_space<hbm>> -> memref<128xi32, #tpu.memory_space<hbm>>
    tpu.enqueue_dma source(%dma_start3A_13 : memref<128xi32, #tpu.memory_space<hbm>>) target(%arg7 : memref<128xi32, #tpu.memory_space<vmem>>) target_semaphore(%dma_start3A_10 : memref<!tpu.dma_semaphore, #tpu.memory_space<semaphore_mem>>)
    %dma_start3A_14 = arith.constant 0 : i32
    %dma_start3A_15 = arith.constant 0 : i32
    %dma_start3A_16 = arith.constant 0 : i32
    %dma_start3A_17 = tpu.memref_slice %arg4[%add3A, %dma_start3A_14, %dma_start3A_16] : memref<32x80x128xi32, #tpu.memory_space<hbm>> -> memref<1x1x128xi32, #tpu.memory_space<hbm>>
    %dma_start3A_18 = tpu.memref_squeeze %dma_start3A_17 : memref<1x1x128xi32, #tpu.memory_space<hbm>> -> memref<128xi32, #tpu.memory_space<hbm>>
    %dma_start3A_19 = tpu.memref_slice %arg18[%dma_start3A_15] : memref<4x!tpu.dma_semaphore, #tpu.memory_space<semaphore_mem>> -> memref<1x!tpu.dma_semaphore, #tpu.memory_space<semaphore_mem>>
    %dma_start3A_20 = tpu.memref_squeeze %dma_start3A_19 : memref<1x!tpu.dma_semaphore, #tpu.memory_space<semaphore_mem>> -> memref<!tpu.dma_semaphore, #tpu.memory_space<semaphore_mem>>
    %dma_start3A_21 = arith.constant 0 : i32
    %dma_start3A_22 = tpu.memref_slice %arg4[%add3A, %dma_start3A_14, %dma_start3A_21] : memref<32x80x128xi32, #tpu.memory_space<hbm>> -> memref<1x1x128xi32, #tpu.memory_space<hbm>>
    %dma_start3A_23 = tpu.memref_squeeze %dma_start3A_22 : memref<1x1x128xi32, #tpu.memory_space<hbm>> -> memref<128xi32, #tpu.memory_space<hbm>>
    tpu.enqueue_dma source(%dma_start3A_23 : memref<128xi32, #tpu.memory_space<hbm>>) target(%arg11 : memref<128xi32, #tpu.memory_space<vmem>>) target_semaphore(%dma_start3A_20 : memref<!tpu.dma_semaphore, #tpu.memory_space<semaphore_mem>>)
    %dma_start3A_24 = arith.constant 1 : i32
    %dma_start3A_25 = arith.constant 1 : i32
    %dma_start3A_26 = arith.constant 0 : i32
    %dma_start3A_27 = tpu.memref_slice %arg3[%add3A, %dma_start3A_24, %dma_start3A_26] : memref<32x80x128xi32, #tpu.memory_space<hbm>> -> memref<1x1x128xi32, #tpu.memory_space<hbm>>
    %dma_start3A_28 = tpu.memref_squeeze %dma_start3A_27 : memref<1x1x128xi32, #tpu.memory_space<hbm>> -> memref<128xi32, #tpu.memory_space<hbm>>
    %dma_start3A_29 = tpu.memref_slice %arg18[%dma_start3A_25] : memref<4x!tpu.dma_semaphore, #tpu.memory_space<semaphore_mem>> -> memref<1x!tpu.dma_semaphore, #tpu.memory_space<semaphore_mem>>
    %dma_start3A_30 = tpu.memref_squeeze %dma_start3A_29 : memref<1x!tpu.dma_semaphore, #tpu.memory_space<semaphore_mem>> -> memref<!tpu.dma_semaphore, #tpu.memory_space<semaphore_mem>>
    %dma_start3A_31 = arith.constant 0 : i32
    %dma_start3A_32 = tpu.memref_slice %arg3[%add3A, %dma_start3A_24, %dma_start3A_31] : memref<32x80x128xi32, #tpu.memory_space<hbm>> -> memref<1x1x128xi32, #tpu.memory_space<hbm>>
    %dma_start3A_33 = tpu.memref_squeeze %dma_start3A_32 : memref<1x1x128xi32, #tpu.memory_space<hbm>> -> memref<128xi32, #tpu.memory_space<hbm>>
    tpu.enqueue_dma source(%dma_start3A_33 : memref<128xi32, #tpu.memory_space<hbm>>) target(%arg8 : memref<128xi32, #tpu.memory_space<vmem>>) target_semaphore(%dma_start3A_30 : memref<!tpu.dma_semaphore, #tpu.memory_space<semaphore_mem>>)
    %dma_start3A_34 = arith.constant 1 : i32
    %dma_start3A_35 = arith.constant 1 : i32
    %dma_start3A_36 = arith.constant 0 : i32
    %dma_start3A_37 = tpu.memref_slice %arg4[%add3A, %dma_start3A_34, %dma_start3A_36] : memref<32x80x128xi32, #tpu.memory_space<hbm>> -> memref<1x1x128xi32, #tpu.memory_space<hbm>>
    %dma_start3A_38 = tpu.memref_squeeze %dma_start3A_37 : memref<1x1x128xi32, #tpu.memory_space<hbm>> -> memref<128xi32, #tpu.memory_space<hbm>>
    %dma_start3A_39 = tpu.memref_slice %arg18[%dma_start3A_35] : memref<4x!tpu.dma_semaphore, #tpu.memory_space<semaphore_mem>> -> memref<1x!tpu.dma_semaphore, #tpu.memory_space<semaphore_mem>>
    %dma_start3A_40 = tpu.memref_squeeze %dma_start3A_39 : memref<1x!tpu.dma_semaphore, #tpu.memory_space<semaphore_mem>> -> memref<!tpu.dma_semaphore, #tpu.memory_space<semaphore_mem>>
    %dma_start3A_41 = arith.constant 0 : i32
    %dma_start3A_42 = tpu.memref_slice %arg4[%add3A, %dma_start3A_34, %dma_start3A_41] : memref<32x80x128xi32, #tpu.memory_space<hbm>> -> memref<1x1x128xi32, #tpu.memory_space<hbm>>
    %dma_start3A_43 = tpu.memref_squeeze %dma_start3A_42 : memref<1x1x128xi32, #tpu.memory_space<hbm>> -> memref<128xi32, #tpu.memory_space<hbm>>
    tpu.enqueue_dma source(%dma_start3A_43 : memref<128xi32, #tpu.memory_space<hbm>>) target(%arg12 : memref<128xi32, #tpu.memory_space<vmem>>) target_semaphore(%dma_start3A_40 : memref<!tpu.dma_semaphore, #tpu.memory_space<semaphore_mem>>)
    %dma_start3A_44 = arith.constant 2 : i32
    %dma_start3A_45 = arith.constant 2 : i32
    %dma_start3A_46 = arith.constant 0 : i32
    %dma_start3A_47 = tpu.memref_slice %arg3[%add3A, %dma_start3A_44, %dma_start3A_46] : memref<32x80x128xi32, #tpu.memory_space<hbm>> -> memref<1x1x128xi32, #tpu.memory_space<hbm>>
    %dma_start3A_48 = tpu.memref_squeeze %dma_start3A_47 : memref<1x1x128xi32, #tpu.memory_space<hbm>> -> memref<128xi32, #tpu.memory_space<hbm>>
    %dma_start3A_49 = tpu.memref_slice %arg18[%dma_start3A_45] : memref<4x!tpu.dma_semaphore, #tpu.memory_space<semaphore_mem>> -> memref<1x!tpu.dma_semaphore, #tpu.memory_space<semaphore_mem>>
    %dma_start3A_50 = tpu.memref_squeeze %dma_start3A_49 : memref<1x!tpu.dma_semaphore, #tpu.memory_space<semaphore_mem>> -> memref<!tpu.dma_semaphore, #tpu.memory_space<semaphore_mem>>
    %dma_start3A_51 = arith.constant 0 : i32
    %dma_start3A_52 = tpu.memref_slice %arg3[%add3A, %dma_start3A_44, %dma_start3A_51] : memref<32x80x128xi32, #tpu.memory_space<hbm>> -> memref<1x1x128xi32, #tpu.memory_space<hbm>>
    %dma_start3A_53 = tpu.memref_squeeze %dma_start3A_52 : memref<1x1x128xi32, #tpu.memory_space<hbm>> -> memref<128xi32, #tpu.memory_space<hbm>>
    tpu.enqueue_dma source(%dma_start3A_53 : memref<128xi32, #tpu.memory_space<hbm>>) target(%arg9 : memref<128xi32, #tpu.memory_space<vmem>>) target_semaphore(%dma_start3A_50 : memref<!tpu.dma_semaphore, #tpu.memory_space<semaphore_mem>>)
    %dma_start3A_54 = arith.constant 2 : i32
    %dma_start3A_55 = arith.constant 2 : i32
    %dma_start3A_56 = arith.constant 0 : i32
    %dma_start3A_57 = tpu.memref_slice %arg4[%add3A, %dma_start3A_54, %dma_start3A_56] : memref<32x80x128xi32, #tpu.memory_space<hbm>> -> memref<1x1x128xi32, #tpu.memory_space<hbm>>
    %dma_start3A_58 = tpu.memref_squeeze %dma_start3A_57 : memref<1x1x128xi32, #tpu.memory_space<hbm>> -> memref<128xi32, #tpu.memory_space<hbm>>
    %dma_start3A_59 = tpu.memref_slice %arg18[%dma_start3A_55] : memref<4x!tpu.dma_semaphore, #tpu.memory_space<semaphore_mem>> -> memref<1x!tpu.dma_semaphore, #tpu.memory_space<semaphore_mem>>
    %dma_start3A_60 = tpu.memref_squeeze %dma_start3A_59 : memref<1x!tpu.dma_semaphore, #tpu.memory_space<semaphore_mem>> -> memref<!tpu.dma_semaphore, #tpu.memory_space<semaphore_mem>>
    %dma_start3A_61 = arith.constant 0 : i32
    %dma_start3A_62 = tpu.memref_slice %arg4[%add3A, %dma_start3A_54, %dma_start3A_61] : memref<32x80x128xi32, #tpu.memory_space<hbm>> -> memref<1x1x128xi32, #tpu.memory_space<hbm>>
    %dma_start3A_63 = tpu.memref_squeeze %dma_start3A_62 : memref<1x1x128xi32, #tpu.memory_space<hbm>> -> memref<128xi32, #tpu.memory_space<hbm>>
    tpu.enqueue_dma source(%dma_start3A_63 : memref<128xi32, #tpu.memory_space<hbm>>) target(%arg13 : memref<128xi32, #tpu.memory_space<vmem>>) target_semaphore(%dma_start3A_60 : memref<!tpu.dma_semaphore, #tpu.memory_space<semaphore_mem>>)
    %barrier3A = arith.constant 0 : index
    tpu.barrier barrier_id(%barrier3A)
    %dma_wait3A = arith.constant 0 : i32
    %dma_wait3A_64 = arith.constant 0 : i32
    %dma_wait3A_65 = arith.constant 0 : i32
    %dma_wait3A_66 = tpu.memref_slice %arg3[%add3A, %dma_wait3A, %dma_wait3A_65] : memref<32x80x128xi32, #tpu.memory_space<hbm>> -> memref<1x1x128xi32, #tpu.memory_space<hbm>>
    %dma_wait3A_67 = tpu.memref_squeeze %dma_wait3A_66 : memref<1x1x128xi32, #tpu.memory_space<hbm>> -> memref<128xi32, #tpu.memory_space<hbm>>
    %dma_wait3A_68 = tpu.memref_slice %arg18[%dma_wait3A_64] : memref<4x!tpu.dma_semaphore, #tpu.memory_space<semaphore_mem>> -> memref<1x!tpu.dma_semaphore, #tpu.memory_space<semaphore_mem>>
    %dma_wait3A_69 = tpu.memref_squeeze %dma_wait3A_68 : memref<1x!tpu.dma_semaphore, #tpu.memory_space<semaphore_mem>> -> memref<!tpu.dma_semaphore, #tpu.memory_space<semaphore_mem>>
    %dma_wait3A_70 = arith.constant 0 : i32
    %dma_wait3A_71 = tpu.memref_slice %arg3[%add3A, %dma_wait3A, %dma_wait3A_70] : memref<32x80x128xi32, #tpu.memory_space<hbm>> -> memref<1x1x128xi32, #tpu.memory_space<hbm>>
    %dma_wait3A_72 = tpu.memref_squeeze %dma_wait3A_71 : memref<1x1x128xi32, #tpu.memory_space<hbm>> -> memref<128xi32, #tpu.memory_space<hbm>>
    tpu.wait_dma2 semaphore(%dma_wait3A_69 : memref<!tpu.dma_semaphore, #tpu.memory_space<semaphore_mem>>) src(%dma_wait3A_72 : memref<128xi32, #tpu.memory_space<hbm>>) dst(%arg7 : memref<128xi32, #tpu.memory_space<vmem>>)
    %dma_wait3A_73 = arith.constant 0 : i32
    %dma_wait3A_74 = arith.constant 0 : i32
    %dma_wait3A_75 = arith.constant 0 : i32
    %dma_wait3A_76 = tpu.memref_slice %arg4[%add3A, %dma_wait3A_73, %dma_wait3A_75] : memref<32x80x128xi32, #tpu.memory_space<hbm>> -> memref<1x1x128xi32, #tpu.memory_space<hbm>>
    %dma_wait3A_77 = tpu.memref_squeeze %dma_wait3A_76 : memref<1x1x128xi32, #tpu.memory_space<hbm>> -> memref<128xi32, #tpu.memory_space<hbm>>
    %dma_wait3A_78 = tpu.memref_slice %arg18[%dma_wait3A_74] : memref<4x!tpu.dma_semaphore, #tpu.memory_space<semaphore_mem>> -> memref<1x!tpu.dma_semaphore, #tpu.memory_space<semaphore_mem>>
    %dma_wait3A_79 = tpu.memref_squeeze %dma_wait3A_78 : memref<1x!tpu.dma_semaphore, #tpu.memory_space<semaphore_mem>> -> memref<!tpu.dma_semaphore, #tpu.memory_space<semaphore_mem>>
    %dma_wait3A_80 = arith.constant 0 : i32
    %dma_wait3A_81 = tpu.memref_slice %arg4[%add3A, %dma_wait3A_73, %dma_wait3A_80] : memref<32x80x128xi32, #tpu.memory_space<hbm>> -> memref<1x1x128xi32, #tpu.memory_space<hbm>>
    %dma_wait3A_82 = tpu.memref_squeeze %dma_wait3A_81 : memref<1x1x128xi32, #tpu.memory_space<hbm>> -> memref<128xi32, #tpu.memory_space<hbm>>
    tpu.wait_dma2 semaphore(%dma_wait3A_79 : memref<!tpu.dma_semaphore, #tpu.memory_space<semaphore_mem>>) src(%dma_wait3A_82 : memref<128xi32, #tpu.memory_space<hbm>>) dst(%arg11 : memref<128xi32, #tpu.memory_space<vmem>>)
    %dma_start3A_83 = arith.constant 0 : i32
    %dma_start3A_84 = arith.constant 0 : i32
    %dma_start3A_85 = arith.constant 0 : i32
    %dma_start3A_86 = tpu.memref_slice %arg2[%dma_start3A_84, %dma_start3A_85] : memref<10112x128xf32, #tpu.memory_space<hbm>> -> memref<10112x128xf32, #tpu.memory_space<hbm>>
    %dma_start3A_87 = tpu.memref_slice %arg19[%dma_start3A_83] : memref<2x!tpu.dma_semaphore, #tpu.memory_space<semaphore_mem>> -> memref<1x!tpu.dma_semaphore, #tpu.memory_space<semaphore_mem>>
    %dma_start3A_88 = tpu.memref_squeeze %dma_start3A_87 : memref<1x!tpu.dma_semaphore, #tpu.memory_space<semaphore_mem>> -> memref<!tpu.dma_semaphore, #tpu.memory_space<semaphore_mem>>
    tpu.enqueue_indirect_dma source(%dma_start3A_86 : memref<10112x128xf32, #tpu.memory_space<hbm>>) target(%arg15 : memref<128x128xf32, #tpu.memory_space<vmem>>) offsets(%arg7 : memref<128xi32, #tpu.memory_space<vmem>>) semaphore(%dma_start3A_88 : memref<!tpu.dma_semaphore, #tpu.memory_space<semaphore_mem>>)
    %scan3A = arith.constant 0 : i32
    %scan3A_89 = arith.constant 0 : i32
    %scan3A_90 = arith.constant 20 : i32
    %scan3A_91 = arith.addi %scan3A_89, %scan3A_90 : i32
    %scan3A_92 = arith.constant 1 : i32
    scf.for %scan3A_108 = %scan3A_89 to %scan3A_91 step %scan3A_92  : i32 {
      %mul3A_109 = arith.constant 4 : i32
      %mul3A_110 = arith.muli %scan3A_108, %mul3A_109 : i32
      %add3A_111 = arith.constant 0 : i32
      %add3A_112 = arith.addi %mul3A_110, %add3A_111 : i32
      %ge3A = arith.constant 1 : i32
      %ge3A_113 = arith.cmpi sge, %add3A_112, %ge3A : i32
      %convert_element_type3A = arith.extui %ge3A_113 : i1 to i32
      %cond3A = arith.constant 0 : i32
      %cond3A_114 = arith.cmpi ne, %convert_element_type3A, %cond3A : i32
      scf.if %cond3A_114 {
        %dma_wait3A_273 = arith.constant 1 : i32
        %dma_wait3A_274 = arith.constant 0 : i32
        %dma_wait3A_275 = arith.constant 0 : i32
        %dma_wait3A_276 = tpu.memref_slice %arg17[%dma_wait3A_274, %dma_wait3A_275] : memref<10112x128xf32, #tpu.memory_space<vmem_shared>> -> memref<10112x128xf32, #tpu.memory_space<vmem_shared>>
        %dma_wait3A_277 = tpu.memref_slice %arg20[%dma_wait3A_273] : memref<2x!tpu.dma_semaphore, #tpu.memory_space<semaphore_mem>> -> memref<1x!tpu.dma_semaphore, #tpu.memory_space<semaphore_mem>>
        %dma_wait3A_278 = tpu.memref_squeeze %dma_wait3A_277 : memref<1x!tpu.dma_semaphore, #tpu.memory_space<semaphore_mem>> -> memref<!tpu.dma_semaphore, #tpu.memory_space<semaphore_mem>>
        tpu.wait_indirect_dma semaphore(%dma_wait3A_278 : memref<!tpu.dma_semaphore, #tpu.memory_space<semaphore_mem>>) src(%arg16 : memref<128x128xf32, #tpu.memory_space<vmem>>) dst(%dma_wait3A_276 : memref<10112x128xf32, #tpu.memory_space<vmem_shared>>)
      } else {
      }
      %add3A_115 = arith.constant 1 : i32
      %add3A_116 = arith.addi %add3A_112, %add3A_115 : i32
      %lt3A = arith.constant 80 : i32
      %lt3A_117 = arith.cmpi slt, %add3A_116, %lt3A : i32
      %convert_element_type3A_118 = arith.extui %lt3A_117 : i1 to i32
      %cond3A_119 = arith.constant 0 : i32
      %cond3A_120 = arith.cmpi ne, %convert_element_type3A_118, %cond3A_119 : i32
      scf.if %cond3A_120 {
        %dma_wait3A_273 = arith.constant 0 : i32
        %dma_wait3A_274 = arith.constant 1 : i32
        %dma_wait3A_275 = arith.constant 0 : i32
        %dma_wait3A_276 = tpu.memref_slice %arg3[%add3A, %dma_wait3A_273, %dma_wait3A_275] : memref<32x80x128xi32, #tpu.memory_space<hbm>> -> memref<1x1x128xi32, #tpu.memory_space<hbm>>
        %dma_wait3A_277 = tpu.memref_squeeze %dma_wait3A_276 : memref<1x1x128xi32, #tpu.memory_space<hbm>> -> memref<128xi32, #tpu.memory_space<hbm>>
        %dma_wait3A_278 = tpu.memref_slice %arg18[%dma_wait3A_274] : memref<4x!tpu.dma_semaphore, #tpu.memory_space<semaphore_mem>> -> memref<1x!tpu.dma_semaphore, #tpu.memory_space<semaphore_mem>>
        %dma_wait3A_279 = tpu.memref_squeeze %dma_wait3A_278 : memref<1x!tpu.dma_semaphore, #tpu.memory_space<semaphore_mem>> -> memref<!tpu.dma_semaphore, #tpu.memory_space<semaphore_mem>>
        %dma_wait3A_280 = arith.constant 0 : i32
        %dma_wait3A_281 = tpu.memref_slice %arg3[%add3A, %dma_wait3A_273, %dma_wait3A_280] : memref<32x80x128xi32, #tpu.memory_space<hbm>> -> memref<1x1x128xi32, #tpu.memory_space<hbm>>
        %dma_wait3A_282 = tpu.memref_squeeze %dma_wait3A_281 : memref<1x1x128xi32, #tpu.memory_space<hbm>> -> memref<128xi32, #tpu.memory_space<hbm>>
        tpu.wait_dma2 semaphore(%dma_wait3A_279 : memref<!tpu.dma_semaphore, #tpu.memory_space<semaphore_mem>>) src(%dma_wait3A_282 : memref<128xi32, #tpu.memory_space<hbm>>) dst(%arg8 : memref<128xi32, #tpu.memory_space<vmem>>)
        %dma_wait3A_283 = arith.constant 0 : i32
        %dma_wait3A_284 = arith.constant 1 : i32
        %dma_wait3A_285 = arith.constant 0 : i32
        %dma_wait3A_286 = tpu.memref_slice %arg4[%add3A, %dma_wait3A_283, %dma_wait3A_285] : memref<32x80x128xi32, #tpu.memory_space<hbm>> -> memref<1x1x128xi32, #tpu.memory_space<hbm>>
        %dma_wait3A_287 = tpu.memref_squeeze %dma_wait3A_286 : memref<1x1x128xi32, #tpu.memory_space<hbm>> -> memref<128xi32, #tpu.memory_space<hbm>>
        %dma_wait3A_288 = tpu.memref_slice %arg18[%dma_wait3A_284] : memref<4x!tpu.dma_semaphore, #tpu.memory_space<semaphore_mem>> -> memref<1x!tpu.dma_semaphore, #tpu.memory_space<semaphore_mem>>
        %dma_wait3A_289 = tpu.memref_squeeze %dma_wait3A_288 : memref<1x!tpu.dma_semaphore, #tpu.memory_space<semaphore_mem>> -> memref<!tpu.dma_semaphore, #tpu.memory_space<semaphore_mem>>
        %dma_wait3A_290 = arith.constant 0 : i32
        %dma_wait3A_291 = tpu.memref_slice %arg4[%add3A, %dma_wait3A_283, %dma_wait3A_290] : memref<32x80x128xi32, #tpu.memory_space<hbm>> -> memref<1x1x128xi32, #tpu.memory_space<hbm>>
        %dma_wait3A_292 = tpu.memref_squeeze %dma_wait3A_291 : memref<1x1x128xi32, #tpu.memory_space<hbm>> -> memref<128xi32, #tpu.memory_space<hbm>>
        tpu.wait_dma2 semaphore(%dma_wait3A_289 : memref<!tpu.dma_semaphore, #tpu.memory_space<semaphore_mem>>) src(%dma_wait3A_292 : memref<128xi32, #tpu.memory_space<hbm>>) dst(%arg12 : memref<128xi32, #tpu.memory_space<vmem>>)
      } else {
      }
      %add3A_121 = arith.constant 1 : i32
      %add3A_122 = arith.addi %add3A_112, %add3A_121 : i32
      %lt3A_123 = arith.constant 80 : i32
      %lt3A_124 = arith.cmpi slt, %add3A_122, %lt3A_123 : i32
      %convert_element_type3A_125 = arith.extui %lt3A_124 : i1 to i32
      %cond3A_126 = arith.constant 0 : i32
      %cond3A_127 = arith.cmpi ne, %convert_element_type3A_125, %cond3A_126 : i32
      scf.if %cond3A_127 {
        %dma_start3A_273 = arith.constant 1 : i32
        %dma_start3A_274 = arith.constant 0 : i32
        %dma_start3A_275 = arith.constant 0 : i32
        %dma_start3A_276 = tpu.memref_slice %arg2[%dma_start3A_274, %dma_start3A_275] : memref<10112x128xf32, #tpu.memory_space<hbm>> -> memref<10112x128xf32, #tpu.memory_space<hbm>>
        %dma_start3A_277 = tpu.memref_slice %arg19[%dma_start3A_273] : memref<2x!tpu.dma_semaphore, #tpu.memory_space<semaphore_mem>> -> memref<1x!tpu.dma_semaphore, #tpu.memory_space<semaphore_mem>>
        %dma_start3A_278 = tpu.memref_squeeze %dma_start3A_277 : memref<1x!tpu.dma_semaphore, #tpu.memory_space<semaphore_mem>> -> memref<!tpu.dma_semaphore, #tpu.memory_space<semaphore_mem>>
        tpu.enqueue_indirect_dma source(%dma_start3A_276 : memref<10112x128xf32, #tpu.memory_space<hbm>>) target(%arg16 : memref<128x128xf32, #tpu.memory_space<vmem>>) offsets(%arg8 : memref<128xi32, #tpu.memory_space<vmem>>) semaphore(%dma_start3A_278 : memref<!tpu.dma_semaphore, #tpu.memory_space<semaphore_mem>>)
      } else {
      }
      %add3A_128 = arith.constant 3 : i32
      %add3A_129 = arith.addi %add3A_112, %add3A_128 : i32
      %lt3A_130 = arith.constant 80 : i32
      %lt3A_131 = arith.cmpi slt, %add3A_129, %lt3A_130 : i32
      %convert_element_type3A_132 = arith.extui %lt3A_131 : i1 to i32
      %cond3A_133 = arith.constant 0 : i32
      %cond3A_134 = arith.cmpi ne, %convert_element_type3A_132, %cond3A_133 : i32
      scf.if %cond3A_134 {
        %add3A_273 = arith.constant 3 : i32
        %add3A_274 = arith.addi %add3A_112, %add3A_273 : i32
        %dma_start3A_275 = arith.constant 3 : i32
        %dma_start3A_276 = arith.constant 0 : i32
        %dma_start3A_277 = tpu.memref_slice %arg3[%add3A, %add3A_274, %dma_start3A_276] : memref<32x80x128xi32, #tpu.memory_space<hbm>> -> memref<1x1x128xi32, #tpu.memory_space<hbm>>
        %dma_start3A_278 = tpu.memref_squeeze %dma_start3A_277 : memref<1x1x128xi32, #tpu.memory_space<hbm>> -> memref<128xi32, #tpu.memory_space<hbm>>
        %dma_start3A_279 = tpu.memref_slice %arg18[%dma_start3A_275] : memref<4x!tpu.dma_semaphore, #tpu.memory_space<semaphore_mem>> -> memref<1x!tpu.dma_semaphore, #tpu.memory_space<semaphore_mem>>
        %dma_start3A_280 = tpu.memref_squeeze %dma_start3A_279 : memref<1x!tpu.dma_semaphore, #tpu.memory_space<semaphore_mem>> -> memref<!tpu.dma_semaphore, #tpu.memory_space<semaphore_mem>>
        %dma_start3A_281 = arith.constant 0 : i32
        %dma_start3A_282 = tpu.memref_slice %arg3[%add3A, %add3A_274, %dma_start3A_281] : memref<32x80x128xi32, #tpu.memory_space<hbm>> -> memref<1x1x128xi32, #tpu.memory_space<hbm>>
        %dma_start3A_283 = tpu.memref_squeeze %dma_start3A_282 : memref<1x1x128xi32, #tpu.memory_space<hbm>> -> memref<128xi32, #tpu.memory_space<hbm>>
        tpu.enqueue_dma source(%dma_start3A_283 : memref<128xi32, #tpu.memory_space<hbm>>) target(%arg10 : memref<128xi32, #tpu.memory_space<vmem>>) target_semaphore(%dma_start3A_280 : memref<!tpu.dma_semaphore, #tpu.memory_space<semaphore_mem>>)
        %add3A_284 = arith.constant 3 : i32
        %add3A_285 = arith.addi %add3A_112, %add3A_284 : i32
        %dma_start3A_286 = arith.constant 3 : i32
        %dma_start3A_287 = arith.constant 0 : i32
        %dma_start3A_288 = tpu.memref_slice %arg4[%add3A, %add3A_285, %dma_start3A_287] : memref<32x80x128xi32, #tpu.memory_space<hbm>> -> memref<1x1x128xi32, #tpu.memory_space<hbm>>
        %dma_start3A_289 = tpu.memref_squeeze %dma_start3A_288 : memref<1x1x128xi32, #tpu.memory_space<hbm>> -> memref<128xi32, #tpu.memory_space<hbm>>
        %dma_start3A_290 = tpu.memref_slice %arg18[%dma_start3A_286] : memref<4x!tpu.dma_semaphore, #tpu.memory_space<semaphore_mem>> -> memref<1x!tpu.dma_semaphore, #tpu.memory_space<semaphore_mem>>
        %dma_start3A_291 = tpu.memref_squeeze %dma_start3A_290 : memref<1x!tpu.dma_semaphore, #tpu.memory_space<semaphore_mem>> -> memref<!tpu.dma_semaphore, #tpu.memory_space<semaphore_mem>>
        %dma_start3A_292 = arith.constant 0 : i32
        %dma_start3A_293 = tpu.memref_slice %arg4[%add3A, %add3A_285, %dma_start3A_292] : memref<32x80x128xi32, #tpu.memory_space<hbm>> -> memref<1x1x128xi32, #tpu.memory_space<hbm>>
        %dma_start3A_294 = tpu.memref_squeeze %dma_start3A_293 : memref<1x1x128xi32, #tpu.memory_space<hbm>> -> memref<128xi32, #tpu.memory_space<hbm>>
        tpu.enqueue_dma source(%dma_start3A_294 : memref<128xi32, #tpu.memory_space<hbm>>) target(%arg14 : memref<128xi32, #tpu.memory_space<vmem>>) target_semaphore(%dma_start3A_291 : memref<!tpu.dma_semaphore, #tpu.memory_space<semaphore_mem>>)
      } else {
      }
      %dma_wait3A_135 = arith.constant 0 : i32
      %dma_wait3A_136 = arith.constant 0 : i32
      %dma_wait3A_137 = arith.constant 0 : i32
      %dma_wait3A_138 = tpu.memref_slice %arg2[%dma_wait3A_136, %dma_wait3A_137] : memref<10112x128xf32, #tpu.memory_space<hbm>> -> memref<10112x128xf32, #tpu.memory_space<hbm>>
      %dma_wait3A_139 = tpu.memref_slice %arg19[%dma_wait3A_135] : memref<2x!tpu.dma_semaphore, #tpu.memory_space<semaphore_mem>> -> memref<1x!tpu.dma_semaphore, #tpu.memory_space<semaphore_mem>>
      %dma_wait3A_140 = tpu.memref_squeeze %dma_wait3A_139 : memref<1x!tpu.dma_semaphore, #tpu.memory_space<semaphore_mem>> -> memref<!tpu.dma_semaphore, #tpu.memory_space<semaphore_mem>>
      tpu.wait_indirect_dma semaphore(%dma_wait3A_140 : memref<!tpu.dma_semaphore, #tpu.memory_space<semaphore_mem>>) src(%dma_wait3A_138 : memref<10112x128xf32, #tpu.memory_space<hbm>>) dst(%arg15 : memref<128x128xf32, #tpu.memory_space<vmem>>)
      %dma_start3A_141 = arith.constant 0 : i32
      %dma_start3A_142 = arith.constant 0 : i32
      %dma_start3A_143 = arith.constant 0 : i32
      %dma_start3A_144 = tpu.memref_slice %arg17[%dma_start3A_142, %dma_start3A_143] : memref<10112x128xf32, #tpu.memory_space<vmem_shared>> -> memref<10112x128xf32, #tpu.memory_space<vmem_shared>>
      %dma_start3A_145 = tpu.memref_slice %arg20[%dma_start3A_141] : memref<2x!tpu.dma_semaphore, #tpu.memory_space<semaphore_mem>> -> memref<1x!tpu.dma_semaphore, #tpu.memory_space<semaphore_mem>>
      %dma_start3A_146 = tpu.memref_squeeze %dma_start3A_145 : memref<1x!tpu.dma_semaphore, #tpu.memory_space<semaphore_mem>> -> memref<!tpu.dma_semaphore, #tpu.memory_space<semaphore_mem>>
      tpu.enqueue_indirect_dma source(%arg15 : memref<128x128xf32, #tpu.memory_space<vmem>>) target(%dma_start3A_144 : memref<10112x128xf32, #tpu.memory_space<vmem_shared>>) offsets(%arg11 : memref<128xi32, #tpu.memory_space<vmem>>) semaphore(%dma_start3A_146 : memref<!tpu.dma_semaphore, #tpu.memory_space<semaphore_mem>>) {add = true}
      %mul3A_147 = arith.constant 4 : i32
      %mul3A_148 = arith.muli %scan3A_108, %mul3A_147 : i32
      %add3A_149 = arith.constant 1 : i32
      %add3A_150 = arith.addi %mul3A_148, %add3A_149 : i32
      %ge3A_151 = arith.constant 1 : i32
      %ge3A_152 = arith.cmpi sge, %add3A_150, %ge3A_151 : i32
      %convert_element_type3A_153 = arith.extui %ge3A_152 : i1 to i32
      %cond3A_154 = arith.constant 0 : i32
      %cond3A_155 = arith.cmpi ne, %convert_element_type3A_153, %cond3A_154 : i32
      scf.if %cond3A_155 {
        %dma_wait3A_273 = arith.constant 0 : i32
        %dma_wait3A_274 = arith.constant 0 : i32
        %dma_wait3A_275 = arith.constant 0 : i32
        %dma_wait3A_276 = tpu.memref_slice %arg17[%dma_wait3A_274, %dma_wait3A_275] : memref<10112x128xf32, #tpu.memory_space<vmem_shared>> -> memref<10112x128xf32, #tpu.memory_space<vmem_shared>>
        %dma_wait3A_277 = tpu.memref_slice %arg20[%dma_wait3A_273] : memref<2x!tpu.dma_semaphore, #tpu.memory_space<semaphore_mem>> -> memref<1x!tpu.dma_semaphore, #tpu.memory_space<semaphore_mem>>
        %dma_wait3A_278 = tpu.memref_squeeze %dma_wait3A_277 : memref<1x!tpu.dma_semaphore, #tpu.memory_space<semaphore_mem>> -> memref<!tpu.dma_semaphore, #tpu.memory_space<semaphore_mem>>
        tpu.wait_indirect_dma semaphore(%dma_wait3A_278 : memref<!tpu.dma_semaphore, #tpu.memory_space<semaphore_mem>>) src(%arg15 : memref<128x128xf32, #tpu.memory_space<vmem>>) dst(%dma_wait3A_276 : memref<10112x128xf32, #tpu.memory_space<vmem_shared>>)
      } else {
      }
      %add3A_156 = arith.constant 1 : i32
      %add3A_157 = arith.addi %add3A_150, %add3A_156 : i32
      %lt3A_158 = arith.constant 80 : i32
      %lt3A_159 = arith.cmpi slt, %add3A_157, %lt3A_158 : i32
      %convert_element_type3A_160 = arith.extui %lt3A_159 : i1 to i32
      %cond3A_161 = arith.constant 0 : i32
      %cond3A_162 = arith.cmpi ne, %convert_element_type3A_160, %cond3A_161 : i32
      scf.if %cond3A_162 {
        %dma_wait3A_273 = arith.constant 0 : i32
        %dma_wait3A_274 = arith.constant 2 : i32
        %dma_wait3A_275 = arith.constant 0 : i32
        %dma_wait3A_276 = tpu.memref_slice %arg3[%add3A, %dma_wait3A_273, %dma_wait3A_275] : memref<32x80x128xi32, #tpu.memory_space<hbm>> -> memref<1x1x128xi32, #tpu.memory_space<hbm>>
        %dma_wait3A_277 = tpu.memref_squeeze %dma_wait3A_276 : memref<1x1x128xi32, #tpu.memory_space<hbm>> -> memref<128xi32, #tpu.memory_space<hbm>>
        %dma_wait3A_278 = tpu.memref_slice %arg18[%dma_wait3A_274] : memref<4x!tpu.dma_semaphore, #tpu.memory_space<semaphore_mem>> -> memref<1x!tpu.dma_semaphore, #tpu.memory_space<semaphore_mem>>
        %dma_wait3A_279 = tpu.memref_squeeze %dma_wait3A_278 : memref<1x!tpu.dma_semaphore, #tpu.memory_space<semaphore_mem>> -> memref<!tpu.dma_semaphore, #tpu.memory_space<semaphore_mem>>
        %dma_wait3A_280 = arith.constant 0 : i32
        %dma_wait3A_281 = tpu.memref_slice %arg3[%add3A, %dma_wait3A_273, %dma_wait3A_280] : memref<32x80x128xi32, #tpu.memory_space<hbm>> -> memref<1x1x128xi32, #tpu.memory_space<hbm>>
        %dma_wait3A_282 = tpu.memref_squeeze %dma_wait3A_281 : memref<1x1x128xi32, #tpu.memory_space<hbm>> -> memref<128xi32, #tpu.memory_space<hbm>>
        tpu.wait_dma2 semaphore(%dma_wait3A_279 : memref<!tpu.dma_semaphore, #tpu.memory_space<semaphore_mem>>) src(%dma_wait3A_282 : memref<128xi32, #tpu.memory_space<hbm>>) dst(%arg9 : memref<128xi32, #tpu.memory_space<vmem>>)
        %dma_wait3A_283 = arith.constant 0 : i32
        %dma_wait3A_284 = arith.constant 2 : i32
        %dma_wait3A_285 = arith.constant 0 : i32
        %dma_wait3A_286 = tpu.memref_slice %arg4[%add3A, %dma_wait3A_283, %dma_wait3A_285] : memref<32x80x128xi32, #tpu.memory_space<hbm>> -> memref<1x1x128xi32, #tpu.memory_space<hbm>>
        %dma_wait3A_287 = tpu.memref_squeeze %dma_wait3A_286 : memref<1x1x128xi32, #tpu.memory_space<hbm>> -> memref<128xi32, #tpu.memory_space<hbm>>
        %dma_wait3A_288 = tpu.memref_slice %arg18[%dma_wait3A_284] : memref<4x!tpu.dma_semaphore, #tpu.memory_space<semaphore_mem>> -> memref<1x!tpu.dma_semaphore, #tpu.memory_space<semaphore_mem>>
        %dma_wait3A_289 = tpu.memref_squeeze %dma_wait3A_288 : memref<1x!tpu.dma_semaphore, #tpu.memory_space<semaphore_mem>> -> memref<!tpu.dma_semaphore, #tpu.memory_space<semaphore_mem>>
        %dma_wait3A_290 = arith.constant 0 : i32
        %dma_wait3A_291 = tpu.memref_slice %arg4[%add3A, %dma_wait3A_283, %dma_wait3A_290] : memref<32x80x128xi32, #tpu.memory_space<hbm>> -> memref<1x1x128xi32, #tpu.memory_space<hbm>>
        %dma_wait3A_292 = tpu.memref_squeeze %dma_wait3A_291 : memref<1x1x128xi32, #tpu.memory_space<hbm>> -> memref<128xi32, #tpu.memory_space<hbm>>
        tpu.wait_dma2 semaphore(%dma_wait3A_289 : memref<!tpu.dma_semaphore, #tpu.memory_space<semaphore_mem>>) src(%dma_wait3A_292 : memref<128xi32, #tpu.memory_space<hbm>>) dst(%arg13 : memref<128xi32, #tpu.memory_space<vmem>>)
      } else {
      }
      %add3A_163 = arith.constant 1 : i32
      %add3A_164 = arith.addi %add3A_150, %add3A_163 : i32
      %lt3A_165 = arith.constant 80 : i32
      %lt3A_166 = arith.cmpi slt, %add3A_164, %lt3A_165 : i32
      %convert_element_type3A_167 = arith.extui %lt3A_166 : i1 to i32
      %cond3A_168 = arith.constant 0 : i32
      %cond3A_169 = arith.cmpi ne, %convert_element_type3A_167, %cond3A_168 : i32
      scf.if %cond3A_169 {
        %dma_start3A_273 = arith.constant 0 : i32
        %dma_start3A_274 = arith.constant 0 : i32
        %dma_start3A_275 = arith.constant 0 : i32
        %dma_start3A_276 = tpu.memref_slice %arg2[%dma_start3A_274, %dma_start3A_275] : memref<10112x128xf32, #tpu.memory_space<hbm>> -> memref<10112x128xf32, #tpu.memory_space<hbm>>
        %dma_start3A_277 = tpu.memref_slice %arg19[%dma_start3A_273] : memref<2x!tpu.dma_semaphore, #tpu.memory_space<semaphore_mem>> -> memref<1x!tpu.dma_semaphore, #tpu.memory_space<semaphore_mem>>
        %dma_start3A_278 = tpu.memref_squeeze %dma_start3A_277 : memref<1x!tpu.dma_semaphore, #tpu.memory_space<semaphore_mem>> -> memref<!tpu.dma_semaphore, #tpu.memory_space<semaphore_mem>>
        tpu.enqueue_indirect_dma source(%dma_start3A_276 : memref<10112x128xf32, #tpu.memory_space<hbm>>) target(%arg15 : memref<128x128xf32, #tpu.memory_space<vmem>>) offsets(%arg9 : memref<128xi32, #tpu.memory_space<vmem>>) semaphore(%dma_start3A_278 : memref<!tpu.dma_semaphore, #tpu.memory_space<semaphore_mem>>)
      } else {
      }
      %add3A_170 = arith.constant 3 : i32
      %add3A_171 = arith.addi %add3A_150, %add3A_170 : i32
      %lt3A_172 = arith.constant 80 : i32
      %lt3A_173 = arith.cmpi slt, %add3A_171, %lt3A_172 : i32
      %convert_element_type3A_174 = arith.extui %lt3A_173 : i1 to i32
      %cond3A_175 = arith.constant 0 : i32
      %cond3A_176 = arith.cmpi ne, %convert_element_type3A_174, %cond3A_175 : i32
      scf.if %cond3A_176 {
        %add3A_273 = arith.constant 3 : i32
        %add3A_274 = arith.addi %add3A_150, %add3A_273 : i32
        %dma_start3A_275 = arith.constant 0 : i32
        %dma_start3A_276 = arith.constant 0 : i32
        %dma_start3A_277 = tpu.memref_slice %arg3[%add3A, %add3A_274, %dma_start3A_276] : memref<32x80x128xi32, #tpu.memory_space<hbm>> -> memref<1x1x128xi32, #tpu.memory_space<hbm>>
        %dma_start3A_278 = tpu.memref_squeeze %dma_start3A_277 : memref<1x1x128xi32, #tpu.memory_space<hbm>> -> memref<128xi32, #tpu.memory_space<hbm>>
        %dma_start3A_279 = tpu.memref_slice %arg18[%dma_start3A_275] : memref<4x!tpu.dma_semaphore, #tpu.memory_space<semaphore_mem>> -> memref<1x!tpu.dma_semaphore, #tpu.memory_space<semaphore_mem>>
        %dma_start3A_280 = tpu.memref_squeeze %dma_start3A_279 : memref<1x!tpu.dma_semaphore, #tpu.memory_space<semaphore_mem>> -> memref<!tpu.dma_semaphore, #tpu.memory_space<semaphore_mem>>
        %dma_start3A_281 = arith.constant 0 : i32
        %dma_start3A_282 = tpu.memref_slice %arg3[%add3A, %add3A_274, %dma_start3A_281] : memref<32x80x128xi32, #tpu.memory_space<hbm>> -> memref<1x1x128xi32, #tpu.memory_space<hbm>>
        %dma_start3A_283 = tpu.memref_squeeze %dma_start3A_282 : memref<1x1x128xi32, #tpu.memory_space<hbm>> -> memref<128xi32, #tpu.memory_space<hbm>>
        tpu.enqueue_dma source(%dma_start3A_283 : memref<128xi32, #tpu.memory_space<hbm>>) target(%arg7 : memref<128xi32, #tpu.memory_space<vmem>>) target_semaphore(%dma_start3A_280 : memref<!tpu.dma_semaphore, #tpu.memory_space<semaphore_mem>>)
        %add3A_284 = arith.constant 3 : i32
        %add3A_285 = arith.addi %add3A_150, %add3A_284 : i32
        %dma_start3A_286 = arith.constant 0 : i32
        %dma_start3A_287 = arith.constant 0 : i32
        %dma_start3A_288 = tpu.memref_slice %arg4[%add3A, %add3A_285, %dma_start3A_287] : memref<32x80x128xi32, #tpu.memory_space<hbm>> -> memref<1x1x128xi32, #tpu.memory_space<hbm>>
        %dma_start3A_289 = tpu.memref_squeeze %dma_start3A_288 : memref<1x1x128xi32, #tpu.memory_space<hbm>> -> memref<128xi32, #tpu.memory_space<hbm>>
        %dma_start3A_290 = tpu.memref_slice %arg18[%dma_start3A_286] : memref<4x!tpu.dma_semaphore, #tpu.memory_space<semaphore_mem>> -> memref<1x!tpu.dma_semaphore, #tpu.memory_space<semaphore_mem>>
        %dma_start3A_291 = tpu.memref_squeeze %dma_start3A_290 : memref<1x!tpu.dma_semaphore, #tpu.memory_space<semaphore_mem>> -> memref<!tpu.dma_semaphore, #tpu.memory_space<semaphore_mem>>
        %dma_start3A_292 = arith.constant 0 : i32
        %dma_start3A_293 = tpu.memref_slice %arg4[%add3A, %add3A_285, %dma_start3A_292] : memref<32x80x128xi32, #tpu.memory_space<hbm>> -> memref<1x1x128xi32, #tpu.memory_space<hbm>>
        %dma_start3A_294 = tpu.memref_squeeze %dma_start3A_293 : memref<1x1x128xi32, #tpu.memory_space<hbm>> -> memref<128xi32, #tpu.memory_space<hbm>>
        tpu.enqueue_dma source(%dma_start3A_294 : memref<128xi32, #tpu.memory_space<hbm>>) target(%arg11 : memref<128xi32, #tpu.memory_space<vmem>>) target_semaphore(%dma_start3A_291 : memref<!tpu.dma_semaphore, #tpu.memory_space<semaphore_mem>>)
      } else {
      }
      %dma_wait3A_177 = arith.constant 1 : i32
      %dma_wait3A_178 = arith.constant 0 : i32
      %dma_wait3A_179 = arith.constant 0 : i32
      %dma_wait3A_180 = tpu.memref_slice %arg2[%dma_wait3A_178, %dma_wait3A_179] : memref<10112x128xf32, #tpu.memory_space<hbm>> -> memref<10112x128xf32, #tpu.memory_space<hbm>>
      %dma_wait3A_181 = tpu.memref_slice %arg19[%dma_wait3A_177] : memref<2x!tpu.dma_semaphore, #tpu.memory_space<semaphore_mem>> -> memref<1x!tpu.dma_semaphore, #tpu.memory_space<semaphore_mem>>
      %dma_wait3A_182 = tpu.memref_squeeze %dma_wait3A_181 : memref<1x!tpu.dma_semaphore, #tpu.memory_space<semaphore_mem>> -> memref<!tpu.dma_semaphore, #tpu.memory_space<semaphore_mem>>
      tpu.wait_indirect_dma semaphore(%dma_wait3A_182 : memref<!tpu.dma_semaphore, #tpu.memory_space<semaphore_mem>>) src(%dma_wait3A_180 : memref<10112x128xf32, #tpu.memory_space<hbm>>) dst(%arg16 : memref<128x128xf32, #tpu.memory_space<vmem>>)
      %dma_start3A_183 = arith.constant 1 : i32
      %dma_start3A_184 = arith.constant 0 : i32
      %dma_start3A_185 = arith.constant 0 : i32
      %dma_start3A_186 = tpu.memref_slice %arg17[%dma_start3A_184, %dma_start3A_185] : memref<10112x128xf32, #tpu.memory_space<vmem_shared>> -> memref<10112x128xf32, #tpu.memory_space<vmem_shared>>
      %dma_start3A_187 = tpu.memref_slice %arg20[%dma_start3A_183] : memref<2x!tpu.dma_semaphore, #tpu.memory_space<semaphore_mem>> -> memref<1x!tpu.dma_semaphore, #tpu.memory_space<semaphore_mem>>
      %dma_start3A_188 = tpu.memref_squeeze %dma_start3A_187 : memref<1x!tpu.dma_semaphore, #tpu.memory_space<semaphore_mem>> -> memref<!tpu.dma_semaphore, #tpu.memory_space<semaphore_mem>>
      tpu.enqueue_indirect_dma source(%arg16 : memref<128x128xf32, #tpu.memory_space<vmem>>) target(%dma_start3A_186 : memref<10112x128xf32, #tpu.memory_space<vmem_shared>>) offsets(%arg12 : memref<128xi32, #tpu.memory_space<vmem>>) semaphore(%dma_start3A_188 : memref<!tpu.dma_semaphore, #tpu.memory_space<semaphore_mem>>) {add = true}
      %mul3A_189 = arith.constant 4 : i32
      %mul3A_190 = arith.muli %scan3A_108, %mul3A_189 : i32
      %add3A_191 = arith.constant 2 : i32
      %add3A_192 = arith.addi %mul3A_190, %add3A_191 : i32
      %ge3A_193 = arith.constant 1 : i32
      %ge3A_194 = arith.cmpi sge, %add3A_192, %ge3A_193 : i32
      %convert_element_type3A_195 = arith.extui %ge3A_194 : i1 to i32
      %cond3A_196 = arith.constant 0 : i32
      %cond3A_197 = arith.cmpi ne, %convert_element_type3A_195, %cond3A_196 : i32
      scf.if %cond3A_197 {
        %dma_wait3A_273 = arith.constant 1 : i32
        %dma_wait3A_274 = arith.constant 0 : i32
        %dma_wait3A_275 = arith.constant 0 : i32
        %dma_wait3A_276 = tpu.memref_slice %arg17[%dma_wait3A_274, %dma_wait3A_275] : memref<10112x128xf32, #tpu.memory_space<vmem_shared>> -> memref<10112x128xf32, #tpu.memory_space<vmem_shared>>
        %dma_wait3A_277 = tpu.memref_slice %arg20[%dma_wait3A_273] : memref<2x!tpu.dma_semaphore, #tpu.memory_space<semaphore_mem>> -> memref<1x!tpu.dma_semaphore, #tpu.memory_space<semaphore_mem>>
        %dma_wait3A_278 = tpu.memref_squeeze %dma_wait3A_277 : memref<1x!tpu.dma_semaphore, #tpu.memory_space<semaphore_mem>> -> memref<!tpu.dma_semaphore, #tpu.memory_space<semaphore_mem>>
        tpu.wait_indirect_dma semaphore(%dma_wait3A_278 : memref<!tpu.dma_semaphore, #tpu.memory_space<semaphore_mem>>) src(%arg16 : memref<128x128xf32, #tpu.memory_space<vmem>>) dst(%dma_wait3A_276 : memref<10112x128xf32, #tpu.memory_space<vmem_shared>>)
      } else {
      }
      %add3A_198 = arith.constant 1 : i32
      %add3A_199 = arith.addi %add3A_192, %add3A_198 : i32
      %lt3A_200 = arith.constant 80 : i32
      %lt3A_201 = arith.cmpi slt, %add3A_199, %lt3A_200 : i32
      %convert_element_type3A_202 = arith.extui %lt3A_201 : i1 to i32
      %cond3A_203 = arith.constant 0 : i32
      %cond3A_204 = arith.cmpi ne, %convert_element_type3A_202, %cond3A_203 : i32
      scf.if %cond3A_204 {
        %dma_wait3A_273 = arith.constant 0 : i32
        %dma_wait3A_274 = arith.constant 3 : i32
        %dma_wait3A_275 = arith.constant 0 : i32
        %dma_wait3A_276 = tpu.memref_slice %arg3[%add3A, %dma_wait3A_273, %dma_wait3A_275] : memref<32x80x128xi32, #tpu.memory_space<hbm>> -> memref<1x1x128xi32, #tpu.memory_space<hbm>>
        %dma_wait3A_277 = tpu.memref_squeeze %dma_wait3A_276 : memref<1x1x128xi32, #tpu.memory_space<hbm>> -> memref<128xi32, #tpu.memory_space<hbm>>
        %dma_wait3A_278 = tpu.memref_slice %arg18[%dma_wait3A_274] : memref<4x!tpu.dma_semaphore, #tpu.memory_space<semaphore_mem>> -> memref<1x!tpu.dma_semaphore, #tpu.memory_space<semaphore_mem>>
        %dma_wait3A_279 = tpu.memref_squeeze %dma_wait3A_278 : memref<1x!tpu.dma_semaphore, #tpu.memory_space<semaphore_mem>> -> memref<!tpu.dma_semaphore, #tpu.memory_space<semaphore_mem>>
        %dma_wait3A_280 = arith.constant 0 : i32
        %dma_wait3A_281 = tpu.memref_slice %arg3[%add3A, %dma_wait3A_273, %dma_wait3A_280] : memref<32x80x128xi32, #tpu.memory_space<hbm>> -> memref<1x1x128xi32, #tpu.memory_space<hbm>>
        %dma_wait3A_282 = tpu.memref_squeeze %dma_wait3A_281 : memref<1x1x128xi32, #tpu.memory_space<hbm>> -> memref<128xi32, #tpu.memory_space<hbm>>
        tpu.wait_dma2 semaphore(%dma_wait3A_279 : memref<!tpu.dma_semaphore, #tpu.memory_space<semaphore_mem>>) src(%dma_wait3A_282 : memref<128xi32, #tpu.memory_space<hbm>>) dst(%arg10 : memref<128xi32, #tpu.memory_space<vmem>>)
        %dma_wait3A_283 = arith.constant 0 : i32
        %dma_wait3A_284 = arith.constant 3 : i32
        %dma_wait3A_285 = arith.constant 0 : i32
        %dma_wait3A_286 = tpu.memref_slice %arg4[%add3A, %dma_wait3A_283, %dma_wait3A_285] : memref<32x80x128xi32, #tpu.memory_space<hbm>> -> memref<1x1x128xi32, #tpu.memory_space<hbm>>
        %dma_wait3A_287 = tpu.memref_squeeze %dma_wait3A_286 : memref<1x1x128xi32, #tpu.memory_space<hbm>> -> memref<128xi32, #tpu.memory_space<hbm>>
        %dma_wait3A_288 = tpu.memref_slice %arg18[%dma_wait3A_284] : memref<4x!tpu.dma_semaphore, #tpu.memory_space<semaphore_mem>> -> memref<1x!tpu.dma_semaphore, #tpu.memory_space<semaphore_mem>>
        %dma_wait3A_289 = tpu.memref_squeeze %dma_wait3A_288 : memref<1x!tpu.dma_semaphore, #tpu.memory_space<semaphore_mem>> -> memref<!tpu.dma_semaphore, #tpu.memory_space<semaphore_mem>>
        %dma_wait3A_290 = arith.constant 0 : i32
        %dma_wait3A_291 = tpu.memref_slice %arg4[%add3A, %dma_wait3A_283, %dma_wait3A_290] : memref<32x80x128xi32, #tpu.memory_space<hbm>> -> memref<1x1x128xi32, #tpu.memory_space<hbm>>
        %dma_wait3A_292 = tpu.memref_squeeze %dma_wait3A_291 : memref<1x1x128xi32, #tpu.memory_space<hbm>> -> memref<128xi32, #tpu.memory_space<hbm>>
        tpu.wait_dma2 semaphore(%dma_wait3A_289 : memref<!tpu.dma_semaphore, #tpu.memory_space<semaphore_mem>>) src(%dma_wait3A_292 : memref<128xi32, #tpu.memory_space<hbm>>) dst(%arg14 : memref<128xi32, #tpu.memory_space<vmem>>)
      } else {
      }
      %add3A_205 = arith.constant 1 : i32
      %add3A_206 = arith.addi %add3A_192, %add3A_205 : i32
      %lt3A_207 = arith.constant 80 : i32
      %lt3A_208 = arith.cmpi slt, %add3A_206, %lt3A_207 : i32
      %convert_element_type3A_209 = arith.extui %lt3A_208 : i1 to i32
      %cond3A_210 = arith.constant 0 : i32
      %cond3A_211 = arith.cmpi ne, %convert_element_type3A_209, %cond3A_210 : i32
      scf.if %cond3A_211 {
        %dma_start3A_273 = arith.constant 1 : i32
        %dma_start3A_274 = arith.constant 0 : i32
        %dma_start3A_275 = arith.constant 0 : i32
        %dma_start3A_276 = tpu.memref_slice %arg2[%dma_start3A_274, %dma_start3A_275] : memref<10112x128xf32, #tpu.memory_space<hbm>> -> memref<10112x128xf32, #tpu.memory_space<hbm>>
        %dma_start3A_277 = tpu.memref_slice %arg19[%dma_start3A_273] : memref<2x!tpu.dma_semaphore, #tpu.memory_space<semaphore_mem>> -> memref<1x!tpu.dma_semaphore, #tpu.memory_space<semaphore_mem>>
        %dma_start3A_278 = tpu.memref_squeeze %dma_start3A_277 : memref<1x!tpu.dma_semaphore, #tpu.memory_space<semaphore_mem>> -> memref<!tpu.dma_semaphore, #tpu.memory_space<semaphore_mem>>
        tpu.enqueue_indirect_dma source(%dma_start3A_276 : memref<10112x128xf32, #tpu.memory_space<hbm>>) target(%arg16 : memref<128x128xf32, #tpu.memory_space<vmem>>) offsets(%arg10 : memref<128xi32, #tpu.memory_space<vmem>>) semaphore(%dma_start3A_278 : memref<!tpu.dma_semaphore, #tpu.memory_space<semaphore_mem>>)
      } else {
      }
      %add3A_212 = arith.constant 3 : i32
      %add3A_213 = arith.addi %add3A_192, %add3A_212 : i32
      %lt3A_214 = arith.constant 80 : i32
      %lt3A_215 = arith.cmpi slt, %add3A_213, %lt3A_214 : i32
      %convert_element_type3A_216 = arith.extui %lt3A_215 : i1 to i32
      %cond3A_217 = arith.constant 0 : i32
      %cond3A_218 = arith.cmpi ne, %convert_element_type3A_216, %cond3A_217 : i32
      scf.if %cond3A_218 {
        %add3A_273 = arith.constant 3 : i32
        %add3A_274 = arith.addi %add3A_192, %add3A_273 : i32
        %dma_start3A_275 = arith.constant 1 : i32
        %dma_start3A_276 = arith.constant 0 : i32
        %dma_start3A_277 = tpu.memref_slice %arg3[%add3A, %add3A_274, %dma_start3A_276] : memref<32x80x128xi32, #tpu.memory_space<hbm>> -> memref<1x1x128xi32, #tpu.memory_space<hbm>>
        %dma_start3A_278 = tpu.memref_squeeze %dma_start3A_277 : memref<1x1x128xi32, #tpu.memory_space<hbm>> -> memref<128xi32, #tpu.memory_space<hbm>>
        %dma_start3A_279 = tpu.memref_slice %arg18[%dma_start3A_275] : memref<4x!tpu.dma_semaphore, #tpu.memory_space<semaphore_mem>> -> memref<1x!tpu.dma_semaphore, #tpu.memory_space<semaphore_mem>>
        %dma_start3A_280 = tpu.memref_squeeze %dma_start3A_279 : memref<1x!tpu.dma_semaphore, #tpu.memory_space<semaphore_mem>> -> memref<!tpu.dma_semaphore, #tpu.memory_space<semaphore_mem>>
        %dma_start3A_281 = arith.constant 0 : i32
        %dma_start3A_282 = tpu.memref_slice %arg3[%add3A, %add3A_274, %dma_start3A_281] : memref<32x80x128xi32, #tpu.memory_space<hbm>> -> memref<1x1x128xi32, #tpu.memory_space<hbm>>
        %dma_start3A_283 = tpu.memref_squeeze %dma_start3A_282 : memref<1x1x128xi32, #tpu.memory_space<hbm>> -> memref<128xi32, #tpu.memory_space<hbm>>
        tpu.enqueue_dma source(%dma_start3A_283 : memref<128xi32, #tpu.memory_space<hbm>>) target(%arg8 : memref<128xi32, #tpu.memory_space<vmem>>) target_semaphore(%dma_start3A_280 : memref<!tpu.dma_semaphore, #tpu.memory_space<semaphore_mem>>)
        %add3A_284 = arith.constant 3 : i32
        %add3A_285 = arith.addi %add3A_192, %add3A_284 : i32
        %dma_start3A_286 = arith.constant 1 : i32
        %dma_start3A_287 = arith.constant 0 : i32
        %dma_start3A_288 = tpu.memref_slice %arg4[%add3A, %add3A_285, %dma_start3A_287] : memref<32x80x128xi32, #tpu.memory_space<hbm>> -> memref<1x1x128xi32, #tpu.memory_space<hbm>>
        %dma_start3A_289 = tpu.memref_squeeze %dma_start3A_288 : memref<1x1x128xi32, #tpu.memory_space<hbm>> -> memref<128xi32, #tpu.memory_space<hbm>>
        %dma_start3A_290 = tpu.memref_slice %arg18[%dma_start3A_286] : memref<4x!tpu.dma_semaphore, #tpu.memory_space<semaphore_mem>> -> memref<1x!tpu.dma_semaphore, #tpu.memory_space<semaphore_mem>>
        %dma_start3A_291 = tpu.memref_squeeze %dma_start3A_290 : memref<1x!tpu.dma_semaphore, #tpu.memory_space<semaphore_mem>> -> memref<!tpu.dma_semaphore, #tpu.memory_space<semaphore_mem>>
        %dma_start3A_292 = arith.constant 0 : i32
        %dma_start3A_293 = tpu.memref_slice %arg4[%add3A, %add3A_285, %dma_start3A_292] : memref<32x80x128xi32, #tpu.memory_space<hbm>> -> memref<1x1x128xi32, #tpu.memory_space<hbm>>
        %dma_start3A_294 = tpu.memref_squeeze %dma_start3A_293 : memref<1x1x128xi32, #tpu.memory_space<hbm>> -> memref<128xi32, #tpu.memory_space<hbm>>
        tpu.enqueue_dma source(%dma_start3A_294 : memref<128xi32, #tpu.memory_space<hbm>>) target(%arg12 : memref<128xi32, #tpu.memory_space<vmem>>) target_semaphore(%dma_start3A_291 : memref<!tpu.dma_semaphore, #tpu.memory_space<semaphore_mem>>)
      } else {
      }
      %dma_wait3A_219 = arith.constant 0 : i32
      %dma_wait3A_220 = arith.constant 0 : i32
      %dma_wait3A_221 = arith.constant 0 : i32
      %dma_wait3A_222 = tpu.memref_slice %arg2[%dma_wait3A_220, %dma_wait3A_221] : memref<10112x128xf32, #tpu.memory_space<hbm>> -> memref<10112x128xf32, #tpu.memory_space<hbm>>
      %dma_wait3A_223 = tpu.memref_slice %arg19[%dma_wait3A_219] : memref<2x!tpu.dma_semaphore, #tpu.memory_space<semaphore_mem>> -> memref<1x!tpu.dma_semaphore, #tpu.memory_space<semaphore_mem>>
      %dma_wait3A_224 = tpu.memref_squeeze %dma_wait3A_223 : memref<1x!tpu.dma_semaphore, #tpu.memory_space<semaphore_mem>> -> memref<!tpu.dma_semaphore, #tpu.memory_space<semaphore_mem>>
      tpu.wait_indirect_dma semaphore(%dma_wait3A_224 : memref<!tpu.dma_semaphore, #tpu.memory_space<semaphore_mem>>) src(%dma_wait3A_222 : memref<10112x128xf32, #tpu.memory_space<hbm>>) dst(%arg15 : memref<128x128xf32, #tpu.memory_space<vmem>>)
      %dma_start3A_225 = arith.constant 0 : i32
      %dma_start3A_226 = arith.constant 0 : i32
      %dma_start3A_227 = arith.constant 0 : i32
      %dma_start3A_228 = tpu.memref_slice %arg17[%dma_start3A_226, %dma_start3A_227] : memref<10112x128xf32, #tpu.memory_space<vmem_shared>> -> memref<10112x128xf32, #tpu.memory_space<vmem_shared>>
      %dma_start3A_229 = tpu.memref_slice %arg20[%dma_start3A_225] : memref<2x!tpu.dma_semaphore, #tpu.memory_space<semaphore_mem>> -> memref<1x!tpu.dma_semaphore, #tpu.memory_space<semaphore_mem>>
      %dma_start3A_230 = tpu.memref_squeeze %dma_start3A_229 : memref<1x!tpu.dma_semaphore, #tpu.memory_space<semaphore_mem>> -> memref<!tpu.dma_semaphore, #tpu.memory_space<semaphore_mem>>
      tpu.enqueue_indirect_dma source(%arg15 : memref<128x128xf32, #tpu.memory_space<vmem>>) target(%dma_start3A_228 : memref<10112x128xf32, #tpu.memory_space<vmem_shared>>) offsets(%arg13 : memref<128xi32, #tpu.memory_space<vmem>>) semaphore(%dma_start3A_230 : memref<!tpu.dma_semaphore, #tpu.memory_space<semaphore_mem>>) {add = true}
      %mul3A_231 = arith.constant 4 : i32
      %mul3A_232 = arith.muli %scan3A_108, %mul3A_231 : i32
      %add3A_233 = arith.constant 3 : i32
      %add3A_234 = arith.addi %mul3A_232, %add3A_233 : i32
      %ge3A_235 = arith.constant 1 : i32
      %ge3A_236 = arith.cmpi sge, %add3A_234, %ge3A_235 : i32
      %convert_element_type3A_237 = arith.extui %ge3A_236 : i1 to i32
      %cond3A_238 = arith.constant 0 : i32
      %cond3A_239 = arith.cmpi ne, %convert_element_type3A_237, %cond3A_238 : i32
      scf.if %cond3A_239 {
        %dma_wait3A_273 = arith.constant 0 : i32
        %dma_wait3A_274 = arith.constant 0 : i32
        %dma_wait3A_275 = arith.constant 0 : i32
        %dma_wait3A_276 = tpu.memref_slice %arg17[%dma_wait3A_274, %dma_wait3A_275] : memref<10112x128xf32, #tpu.memory_space<vmem_shared>> -> memref<10112x128xf32, #tpu.memory_space<vmem_shared>>
        %dma_wait3A_277 = tpu.memref_slice %arg20[%dma_wait3A_273] : memref<2x!tpu.dma_semaphore, #tpu.memory_space<semaphore_mem>> -> memref<1x!tpu.dma_semaphore, #tpu.memory_space<semaphore_mem>>
        %dma_wait3A_278 = tpu.memref_squeeze %dma_wait3A_277 : memref<1x!tpu.dma_semaphore, #tpu.memory_space<semaphore_mem>> -> memref<!tpu.dma_semaphore, #tpu.memory_space<semaphore_mem>>
        tpu.wait_indirect_dma semaphore(%dma_wait3A_278 : memref<!tpu.dma_semaphore, #tpu.memory_space<semaphore_mem>>) src(%arg15 : memref<128x128xf32, #tpu.memory_space<vmem>>) dst(%dma_wait3A_276 : memref<10112x128xf32, #tpu.memory_space<vmem_shared>>)
      } else {
      }
      %add3A_240 = arith.constant 1 : i32
      %add3A_241 = arith.addi %add3A_234, %add3A_240 : i32
      %lt3A_242 = arith.constant 80 : i32
      %lt3A_243 = arith.cmpi slt, %add3A_241, %lt3A_242 : i32
      %convert_element_type3A_244 = arith.extui %lt3A_243 : i1 to i32
      %cond3A_245 = arith.constant 0 : i32
      %cond3A_246 = arith.cmpi ne, %convert_element_type3A_244, %cond3A_245 : i32
      scf.if %cond3A_246 {
        %dma_wait3A_273 = arith.constant 0 : i32
        %dma_wait3A_274 = arith.constant 0 : i32
        %dma_wait3A_275 = arith.constant 0 : i32
        %dma_wait3A_276 = tpu.memref_slice %arg3[%add3A, %dma_wait3A_273, %dma_wait3A_275] : memref<32x80x128xi32, #tpu.memory_space<hbm>> -> memref<1x1x128xi32, #tpu.memory_space<hbm>>
        %dma_wait3A_277 = tpu.memref_squeeze %dma_wait3A_276 : memref<1x1x128xi32, #tpu.memory_space<hbm>> -> memref<128xi32, #tpu.memory_space<hbm>>
        %dma_wait3A_278 = tpu.memref_slice %arg18[%dma_wait3A_274] : memref<4x!tpu.dma_semaphore, #tpu.memory_space<semaphore_mem>> -> memref<1x!tpu.dma_semaphore, #tpu.memory_space<semaphore_mem>>
        %dma_wait3A_279 = tpu.memref_squeeze %dma_wait3A_278 : memref<1x!tpu.dma_semaphore, #tpu.memory_space<semaphore_mem>> -> memref<!tpu.dma_semaphore, #tpu.memory_space<semaphore_mem>>
        %dma_wait3A_280 = arith.constant 0 : i32
        %dma_wait3A_281 = tpu.memref_slice %arg3[%add3A, %dma_wait3A_273, %dma_wait3A_280] : memref<32x80x128xi32, #tpu.memory_space<hbm>> -> memref<1x1x128xi32, #tpu.memory_space<hbm>>
        %dma_wait3A_282 = tpu.memref_squeeze %dma_wait3A_281 : memref<1x1x128xi32, #tpu.memory_space<hbm>> -> memref<128xi32, #tpu.memory_space<hbm>>
        tpu.wait_dma2 semaphore(%dma_wait3A_279 : memref<!tpu.dma_semaphore, #tpu.memory_space<semaphore_mem>>) src(%dma_wait3A_282 : memref<128xi32, #tpu.memory_space<hbm>>) dst(%arg7 : memref<128xi32, #tpu.memory_space<vmem>>)
        %dma_wait3A_283 = arith.constant 0 : i32
        %dma_wait3A_284 = arith.constant 0 : i32
        %dma_wait3A_285 = arith.constant 0 : i32
        %dma_wait3A_286 = tpu.memref_slice %arg4[%add3A, %dma_wait3A_283, %dma_wait3A_285] : memref<32x80x128xi32, #tpu.memory_space<hbm>> -> memref<1x1x128xi32, #tpu.memory_space<hbm>>
        %dma_wait3A_287 = tpu.memref_squeeze %dma_wait3A_286 : memref<1x1x128xi32, #tpu.memory_space<hbm>> -> memref<128xi32, #tpu.memory_space<hbm>>
        %dma_wait3A_288 = tpu.memref_slice %arg18[%dma_wait3A_284] : memref<4x!tpu.dma_semaphore, #tpu.memory_space<semaphore_mem>> -> memref<1x!tpu.dma_semaphore, #tpu.memory_space<semaphore_mem>>
        %dma_wait3A_289 = tpu.memref_squeeze %dma_wait3A_288 : memref<1x!tpu.dma_semaphore, #tpu.memory_space<semaphore_mem>> -> memref<!tpu.dma_semaphore, #tpu.memory_space<semaphore_mem>>
        %dma_wait3A_290 = arith.constant 0 : i32
        %dma_wait3A_291 = tpu.memref_slice %arg4[%add3A, %dma_wait3A_283, %dma_wait3A_290] : memref<32x80x128xi32, #tpu.memory_space<hbm>> -> memref<1x1x128xi32, #tpu.memory_space<hbm>>
        %dma_wait3A_292 = tpu.memref_squeeze %dma_wait3A_291 : memref<1x1x128xi32, #tpu.memory_space<hbm>> -> memref<128xi32, #tpu.memory_space<hbm>>
        tpu.wait_dma2 semaphore(%dma_wait3A_289 : memref<!tpu.dma_semaphore, #tpu.memory_space<semaphore_mem>>) src(%dma_wait3A_292 : memref<128xi32, #tpu.memory_space<hbm>>) dst(%arg11 : memref<128xi32, #tpu.memory_space<vmem>>)
      } else {
      }
      %add3A_247 = arith.constant 1 : i32
      %add3A_248 = arith.addi %add3A_234, %add3A_247 : i32
      %lt3A_249 = arith.constant 80 : i32
      %lt3A_250 = arith.cmpi slt, %add3A_248, %lt3A_249 : i32
      %convert_element_type3A_251 = arith.extui %lt3A_250 : i1 to i32
      %cond3A_252 = arith.constant 0 : i32
      %cond3A_253 = arith.cmpi ne, %convert_element_type3A_251, %cond3A_252 : i32
      scf.if %cond3A_253 {
        %dma_start3A_273 = arith.constant 0 : i32
        %dma_start3A_274 = arith.constant 0 : i32
        %dma_start3A_275 = arith.constant 0 : i32
        %dma_start3A_276 = tpu.memref_slice %arg2[%dma_start3A_274, %dma_start3A_275] : memref<10112x128xf32, #tpu.memory_space<hbm>> -> memref<10112x128xf32, #tpu.memory_space<hbm>>
        %dma_start3A_277 = tpu.memref_slice %arg19[%dma_start3A_273] : memref<2x!tpu.dma_semaphore, #tpu.memory_space<semaphore_mem>> -> memref<1x!tpu.dma_semaphore, #tpu.memory_space<semaphore_mem>>
        %dma_start3A_278 = tpu.memref_squeeze %dma_start3A_277 : memref<1x!tpu.dma_semaphore, #tpu.memory_space<semaphore_mem>> -> memref<!tpu.dma_semaphore, #tpu.memory_space<semaphore_mem>>
        tpu.enqueue_indirect_dma source(%dma_start3A_276 : memref<10112x128xf32, #tpu.memory_space<hbm>>) target(%arg15 : memref<128x128xf32, #tpu.memory_space<vmem>>) offsets(%arg7 : memref<128xi32, #tpu.memory_space<vmem>>) semaphore(%dma_start3A_278 : memref<!tpu.dma_semaphore, #tpu.memory_space<semaphore_mem>>)
      } else {
      }
      %add3A_254 = arith.constant 3 : i32
      %add3A_255 = arith.addi %add3A_234, %add3A_254 : i32
      %lt3A_256 = arith.constant 80 : i32
      %lt3A_257 = arith.cmpi slt, %add3A_255, %lt3A_256 : i32
      %convert_element_type3A_258 = arith.extui %lt3A_257 : i1 to i32
      %cond3A_259 = arith.constant 0 : i32
      %cond3A_260 = arith.cmpi ne, %convert_element_type3A_258, %cond3A_259 : i32
      scf.if %cond3A_260 {
        %add3A_273 = arith.constant 3 : i32
        %add3A_274 = arith.addi %add3A_234, %add3A_273 : i32
        %dma_start3A_275 = arith.constant 2 : i32
        %dma_start3A_276 = arith.constant 0 : i32
        %dma_start3A_277 = tpu.memref_slice %arg3[%add3A, %add3A_274, %dma_start3A_276] : memref<32x80x128xi32, #tpu.memory_space<hbm>> -> memref<1x1x128xi32, #tpu.memory_space<hbm>>
        %dma_start3A_278 = tpu.memref_squeeze %dma_start3A_277 : memref<1x1x128xi32, #tpu.memory_space<hbm>> -> memref<128xi32, #tpu.memory_space<hbm>>
        %dma_start3A_279 = tpu.memref_slice %arg18[%dma_start3A_275] : memref<4x!tpu.dma_semaphore, #tpu.memory_space<semaphore_mem>> -> memref<1x!tpu.dma_semaphore, #tpu.memory_space<semaphore_mem>>
        %dma_start3A_280 = tpu.memref_squeeze %dma_start3A_279 : memref<1x!tpu.dma_semaphore, #tpu.memory_space<semaphore_mem>> -> memref<!tpu.dma_semaphore, #tpu.memory_space<semaphore_mem>>
        %dma_start3A_281 = arith.constant 0 : i32
        %dma_start3A_282 = tpu.memref_slice %arg3[%add3A, %add3A_274, %dma_start3A_281] : memref<32x80x128xi32, #tpu.memory_space<hbm>> -> memref<1x1x128xi32, #tpu.memory_space<hbm>>
        %dma_start3A_283 = tpu.memref_squeeze %dma_start3A_282 : memref<1x1x128xi32, #tpu.memory_space<hbm>> -> memref<128xi32, #tpu.memory_space<hbm>>
        tpu.enqueue_dma source(%dma_start3A_283 : memref<128xi32, #tpu.memory_space<hbm>>) target(%arg9 : memref<128xi32, #tpu.memory_space<vmem>>) target_semaphore(%dma_start3A_280 : memref<!tpu.dma_semaphore, #tpu.memory_space<semaphore_mem>>)
        %add3A_284 = arith.constant 3 : i32
        %add3A_285 = arith.addi %add3A_234, %add3A_284 : i32
        %dma_start3A_286 = arith.constant 2 : i32
        %dma_start3A_287 = arith.constant 0 : i32
        %dma_start3A_288 = tpu.memref_slice %arg4[%add3A, %add3A_285, %dma_start3A_287] : memref<32x80x128xi32, #tpu.memory_space<hbm>> -> memref<1x1x128xi32, #tpu.memory_space<hbm>>
        %dma_start3A_289 = tpu.memref_squeeze %dma_start3A_288 : memref<1x1x128xi32, #tpu.memory_space<hbm>> -> memref<128xi32, #tpu.memory_space<hbm>>
        %dma_start3A_290 = tpu.memref_slice %arg18[%dma_start3A_286] : memref<4x!tpu.dma_semaphore, #tpu.memory_space<semaphore_mem>> -> memref<1x!tpu.dma_semaphore, #tpu.memory_space<semaphore_mem>>
        %dma_start3A_291 = tpu.memref_squeeze %dma_start3A_290 : memref<1x!tpu.dma_semaphore, #tpu.memory_space<semaphore_mem>> -> memref<!tpu.dma_semaphore, #tpu.memory_space<semaphore_mem>>
        %dma_start3A_292 = arith.constant 0 : i32
        %dma_start3A_293 = tpu.memref_slice %arg4[%add3A, %add3A_285, %dma_start3A_292] : memref<32x80x128xi32, #tpu.memory_space<hbm>> -> memref<1x1x128xi32, #tpu.memory_space<hbm>>
        %dma_start3A_294 = tpu.memref_squeeze %dma_start3A_293 : memref<1x1x128xi32, #tpu.memory_space<hbm>> -> memref<128xi32, #tpu.memory_space<hbm>>
        tpu.enqueue_dma source(%dma_start3A_294 : memref<128xi32, #tpu.memory_space<hbm>>) target(%arg13 : memref<128xi32, #tpu.memory_space<vmem>>) target_semaphore(%dma_start3A_291 : memref<!tpu.dma_semaphore, #tpu.memory_space<semaphore_mem>>)
      } else {
      }
      %dma_wait3A_261 = arith.constant 1 : i32
      %dma_wait3A_262 = arith.constant 0 : i32
      %dma_wait3A_263 = arith.constant 0 : i32
      %dma_wait3A_264 = tpu.memref_slice %arg2[%dma_wait3A_262, %dma_wait3A_263] : memref<10112x128xf32, #tpu.memory_space<hbm>> -> memref<10112x128xf32, #tpu.memory_space<hbm>>
      %dma_wait3A_265 = tpu.memref_slice %arg19[%dma_wait3A_261] : memref<2x!tpu.dma_semaphore, #tpu.memory_space<semaphore_mem>> -> memref<1x!tpu.dma_semaphore, #tpu.memory_space<semaphore_mem>>
      %dma_wait3A_266 = tpu.memref_squeeze %dma_wait3A_265 : memref<1x!tpu.dma_semaphore, #tpu.memory_space<semaphore_mem>> -> memref<!tpu.dma_semaphore, #tpu.memory_space<semaphore_mem>>
      tpu.wait_indirect_dma semaphore(%dma_wait3A_266 : memref<!tpu.dma_semaphore, #tpu.memory_space<semaphore_mem>>) src(%dma_wait3A_264 : memref<10112x128xf32, #tpu.memory_space<hbm>>) dst(%arg16 : memref<128x128xf32, #tpu.memory_space<vmem>>)
      %dma_start3A_267 = arith.constant 1 : i32
      %dma_start3A_268 = arith.constant 0 : i32
      %dma_start3A_269 = arith.constant 0 : i32
      %dma_start3A_270 = tpu.memref_slice %arg17[%dma_start3A_268, %dma_start3A_269] : memref<10112x128xf32, #tpu.memory_space<vmem_shared>> -> memref<10112x128xf32, #tpu.memory_space<vmem_shared>>
      %dma_start3A_271 = tpu.memref_slice %arg20[%dma_start3A_267] : memref<2x!tpu.dma_semaphore, #tpu.memory_space<semaphore_mem>> -> memref<1x!tpu.dma_semaphore, #tpu.memory_space<semaphore_mem>>
      %dma_start3A_272 = tpu.memref_squeeze %dma_start3A_271 : memref<1x!tpu.dma_semaphore, #tpu.memory_space<semaphore_mem>> -> memref<!tpu.dma_semaphore, #tpu.memory_space<semaphore_mem>>
      tpu.enqueue_indirect_dma source(%arg16 : memref<128x128xf32, #tpu.memory_space<vmem>>) target(%dma_start3A_270 : memref<10112x128xf32, #tpu.memory_space<vmem_shared>>) offsets(%arg14 : memref<128xi32, #tpu.memory_space<vmem>>) semaphore(%dma_start3A_272 : memref<!tpu.dma_semaphore, #tpu.memory_space<semaphore_mem>>) {add = true}
    }
    %scan3A_93 = arith.constant 20 : i32
    %dma_wait3A_94 = arith.constant 1 : i32
    %dma_wait3A_95 = arith.constant 0 : i32
    %dma_wait3A_96 = arith.constant 0 : i32
    %dma_wait3A_97 = tpu.memref_slice %arg17[%dma_wait3A_95, %dma_wait3A_96] : memref<10112x128xf32, #tpu.memory_space<vmem_shared>> -> memref<10112x128xf32, #tpu.memory_space<vmem_shared>>
    %dma_wait3A_98 = tpu.memref_slice %arg20[%dma_wait3A_94] : memref<2x!tpu.dma_semaphore, #tpu.memory_space<semaphore_mem>> -> memref<1x!tpu.dma_semaphore, #tpu.memory_space<semaphore_mem>>
    %dma_wait3A_99 = tpu.memref_squeeze %dma_wait3A_98 : memref<1x!tpu.dma_semaphore, #tpu.memory_space<semaphore_mem>> -> memref<!tpu.dma_semaphore, #tpu.memory_space<semaphore_mem>>
    tpu.wait_indirect_dma semaphore(%dma_wait3A_99 : memref<!tpu.dma_semaphore, #tpu.memory_space<semaphore_mem>>) src(%arg16 : memref<128x128xf32, #tpu.memory_space<vmem>>) dst(%dma_wait3A_97 : memref<10112x128xf32, #tpu.memory_space<vmem_shared>>)
    %barrier3A_100 = arith.constant 0 : index
    tpu.barrier barrier_id(%barrier3A_100)
    %mul3A_101 = arith.constant 632 : i32
    %mul3A_102 = arith.muli %arg1, %mul3A_101 : i32
    %mul3A_103 = arith.constant 10112 : i32
    %mul3A_104 = arith.muli %arg0, %mul3A_103 : i32
    %mul3A_105 = arith.constant 632 : i32
    %mul3A_106 = arith.muli %arg1, %mul3A_105 : i32
    %add3A_107 = arith.addi %mul3A_104, %mul3A_106 : i32
    "tpu.region"() ({
      %run_scoped3A = tpu.sem_alloc : memref<!tpu.dma_semaphore, #tpu.memory_space<semaphore_mem>>
      %dma_start3A_108 = arith.constant 0 : i32
      %dma_start3A_109 = tpu.memref_slice %arg6[%add3A_107, %dma_start3A_108] : memref<20224x128xf32, #tpu.memory_space<hbm>> -> memref<632x128xf32, #tpu.memory_space<hbm>>
      %dma_start3A_110 = arith.constant 0 : i32
      %dma_start3A_111 = tpu.memref_slice %arg17[%mul3A_102, %dma_start3A_110] : memref<10112x128xf32, #tpu.memory_space<vmem_shared>> -> memref<632x128xf32, #tpu.memory_space<vmem_shared>>
      tpu.enqueue_dma source(%dma_start3A_111 : memref<632x128xf32, #tpu.memory_space<vmem_shared>>) target(%dma_start3A_109 : memref<632x128xf32, #tpu.memory_space<hbm>>) target_semaphore(%run_scoped3A : memref<!tpu.dma_semaphore, #tpu.memory_space<semaphore_mem>>)
      %dma_wait3A_112 = arith.constant 0 : i32
      %dma_wait3A_113 = tpu.memref_slice %arg6[%add3A_107, %dma_wait3A_112] : memref<20224x128xf32, #tpu.memory_space<hbm>> -> memref<632x128xf32, #tpu.memory_space<hbm>>
      %dma_wait3A_114 = arith.constant 0 : i32
      %dma_wait3A_115 = tpu.memref_slice %arg17[%mul3A_102, %dma_wait3A_114] : memref<10112x128xf32, #tpu.memory_space<vmem_shared>> -> memref<632x128xf32, #tpu.memory_space<vmem_shared>>
      tpu.wait_dma2 semaphore(%run_scoped3A : memref<!tpu.dma_semaphore, #tpu.memory_space<semaphore_mem>>) src(%dma_wait3A_115 : memref<632x128xf32, #tpu.memory_space<vmem_shared>>) dst(%dma_wait3A_113 : memref<632x128xf32, #tpu.memory_space<hbm>>)
      tpu.yield
    }) : () -> ()
    return
  }
}

module attributes {stable_mosaic.version = 14 : i64} {
  func.func @_first_body(%arg0: i32, %arg1: memref<632x128xf32, #tpu.memory_space<vmem>>, %arg2: memref<632x128xf32, #tpu.memory_space<vmem>>, %arg3: memref<632x128xf32, #tpu.memory_space<vmem>>, %arg4: memref<128x128xf32, #tpu.memory_space<vmem>>, %arg5: memref<632x16xf32, #tpu.memory_space<vmem>>, %arg6: memref<632x128xf32, #tpu.memory_space<vmem>>) attributes {dimension_semantics = [#tpu.dimension_semantics<arbitrary>], iteration_bounds = array<i64: 16>, scalar_prefetch = 0 : i64, scratch_operands = 0 : i64, tpu.core_type = #tpu.core_type<tc>, window_params = [{transform_indices = @transform_0, window_bounds = array<i64: 632, 128>}, {transform_indices = @transform_1, window_bounds = array<i64: 632, 128>}, {transform_indices = @transform_2, window_bounds = array<i64: 632, 128>}, {pipeline_mode = #tpu.pipeline_mode<synchronous>, transform_indices = @transform_3, window_bounds = array<i64: 128, 128>}, {transform_indices = @transform_4, window_bounds = array<i64: 632, 16>}, {transform_indices = @transform_5, window_bounds = array<i64: 632, 128>}]} {
    %get3A = arith.constant 0 : index
    %get3A_0 = arith.constant 0 : index
    %get3A_1 = vector.load %arg1[%get3A, %get3A_0] : memref<632x128xf32, #tpu.memory_space<vmem>>, vector<632x128xf32>
    %get3A_2 = arith.constant 0 : index
    %get3A_3 = arith.constant 0 : index
    %get3A_4 = vector.load %arg2[%get3A_2, %get3A_3] : memref<632x128xf32, #tpu.memory_space<vmem>>, vector<632x128xf32>
    %add3A = arith.addf %get3A_1, %get3A_4 : vector<632x128xf32>
    %add3A_5 = arith.constant 1.000000e+00 : f32
    %add3A_6 = vector.broadcast %add3A_5 : f32 to vector<632x128xf32>
    %add3A_7 = arith.addf %add3A, %add3A_6 : vector<632x128xf32>
    %jit3A = arith.constant 1.000000e+00 : f32
    %max3A = vector.broadcast %jit3A : f32 to vector<632x128xf32>
    %max3A_8 = arith.maximumf %max3A, %add3A_7 : vector<632x128xf32>
    %rsqrt3A = math.rsqrt %max3A_8 : vector<632x128xf32>
    %slice3A = vector.extract_strided_slice %rsqrt3A {offsets = [0, 0], sizes = [632, 16], strides = [1, 1]} : vector<632x128xf32> to vector<632x16xf32>
    %swap3A = arith.constant 0 : index
    %swap3A_9 = arith.constant 0 : index
    %swap3A_10 = vector.load %arg5[%swap3A, %swap3A_9] : memref<632x16xf32, #tpu.memory_space<vmem>>, vector<632x16xf32>
    tpu.vector_store %arg5[%swap3A, %swap3A_9], %slice3A {strides = array<i32>} : memref<632x16xf32, #tpu.memory_space<vmem>>, vector<632x16xf32>,
    %get3A_11 = arith.constant 0 : index
    %get3A_12 = arith.constant 0 : index
    %get3A_13 = vector.load %arg3[%get3A_11, %get3A_12] : memref<632x128xf32, #tpu.memory_space<vmem>>, vector<632x128xf32>
    %get3A_14 = arith.constant 0 : index
    %get3A_15 = arith.constant 0 : index
    %get3A_16 = vector.load %arg4[%get3A_14, %get3A_15] : memref<128x128xf32, #tpu.memory_space<vmem>>, vector<128x128xf32>
    %dot_general3A = arith.constant dense<0.000000e+00> : vector<632x128xf32>
    %dot_general3A_17 = tpu.matmul %get3A_13, %get3A_16, %dot_general3A {dimension_numbers = #tpu.dot_dimension_numbers<[1], [0], [0], [1], [0, 0, 1, 1], [], []>, transpose_lhs_hint = false} : vector<632x128xf32>, vector<128x128xf32>, vector<632x128xf32> -> vector<632x128xf32>
    %slice3A_18 = vector.extract_strided_slice %rsqrt3A {offsets = [0, 0], sizes = [632, 1], strides = [1, 1]} : vector<632x128xf32> to vector<632x1xf32>
    %mul3A = vector.broadcast %slice3A_18 : vector<632x1xf32> to vector<632x128xf32>
    %mul3A_19 = arith.mulf %mul3A, %dot_general3A_17 : vector<632x128xf32>
    %swap3A_20 = arith.constant 0 : index
    %swap3A_21 = arith.constant 0 : index
    %swap3A_22 = vector.load %arg6[%swap3A_20, %swap3A_21] : memref<632x128xf32, #tpu.memory_space<vmem>>, vector<632x128xf32>
    tpu.vector_store %arg6[%swap3A_20, %swap3A_21], %mul3A_19 {strides = array<i32>} : memref<632x128xf32, #tpu.memory_space<vmem>>, vector<632x128xf32>,
    return
  }
  func.func @transform_0(%arg0: i32) -> (i32, i32) {
    %c0_i32 = arith.constant 0 : i32
    %c0_i32_0 = arith.constant 0 : i32
    return %arg0, %c0_i32 : i32, i32
  }
  func.func @transform_1(%arg0: i32) -> (i32, i32) {
    %add3A = arith.constant 16 : i32
    %add3A_0 = arith.addi %add3A, %arg0 : i32
    %c0_i32 = arith.constant 0 : i32
    %c0_i32_1 = arith.constant 0 : i32
    return %add3A_0, %c0_i32 : i32, i32
  }
  func.func @transform_2(%arg0: i32) -> (i32, i32) {
    %c0_i32 = arith.constant 0 : i32
    %c0_i32_0 = arith.constant 0 : i32
    return %arg0, %c0_i32 : i32, i32
  }
  func.func @transform_3(%arg0: i32) -> (i32, i32) {
    %c0_i32 = arith.constant 0 : i32
    %c0_i32_0 = arith.constant 0 : i32
    %c0_i32_1 = arith.constant 0 : i32
    return %c0_i32, %c0_i32_0 : i32, i32
  }
  func.func @transform_4(%arg0: i32) -> (i32, i32) {
    %c0_i32 = arith.constant 0 : i32
    %c0_i32_0 = arith.constant 0 : i32
    return %arg0, %c0_i32 : i32, i32
  }
  func.func @transform_5(%arg0: i32) -> (i32, i32) {
    %c0_i32 = arith.constant 0 : i32
    %c0_i32_0 = arith.constant 0 : i32
    return %arg0, %c0_i32 : i32, i32
  }
}

module attributes {stable_mosaic.version = 14 : i64} {
  func.func @_mid_body(%arg0: i32, %arg1: memref<632x128xf32, #tpu.memory_space<vmem>>, %arg2: memref<632x128xf32, #tpu.memory_space<vmem>>, %arg3: memref<632x128xf32, #tpu.memory_space<vmem>>, %arg4: memref<632x16xf32, #tpu.memory_space<vmem>>, %arg5: memref<1x128xf32, #tpu.memory_space<vmem>>, %arg6: memref<128x128xf32, #tpu.memory_space<vmem>>, %arg7: memref<632x128xf32, #tpu.memory_space<vmem>>) attributes {dimension_semantics = [#tpu.dimension_semantics<arbitrary>], iteration_bounds = array<i64: 16>, scalar_prefetch = 0 : i64, scratch_operands = 0 : i64, tpu.core_type = #tpu.core_type<tc>, window_params = [{transform_indices = @transform_0, window_bounds = array<i64: 632, 128>}, {transform_indices = @transform_1, window_bounds = array<i64: 632, 128>}, {transform_indices = @transform_2, window_bounds = array<i64: 632, 128>}, {transform_indices = @transform_3, window_bounds = array<i64: 632, 16>}, {pipeline_mode = #tpu.pipeline_mode<synchronous>, transform_indices = @transform_4, window_bounds = array<i64: 1, 128>}, {pipeline_mode = #tpu.pipeline_mode<synchronous>, transform_indices = @transform_5, window_bounds = array<i64: 128, 128>}, {transform_indices = @transform_6, window_bounds = array<i64: 632, 128>}]} {
    %get3A = arith.constant 0 : index
    %get3A_0 = arith.constant 0 : index
    %get3A_1 = vector.load %arg4[%get3A, %get3A_0] : memref<632x16xf32, #tpu.memory_space<vmem>>, vector<632x16xf32>
    %slice3A = vector.extract_strided_slice %get3A_1 {offsets = [0, 0], sizes = [632, 1], strides = [1, 1]} : vector<632x16xf32> to vector<632x1xf32>
    %get3A_2 = arith.constant 0 : index
    %get3A_3 = arith.constant 0 : index
    %get3A_4 = vector.load %arg1[%get3A_2, %get3A_3] : memref<632x128xf32, #tpu.memory_space<vmem>>, vector<632x128xf32>
    %get3A_5 = arith.constant 0 : index
    %get3A_6 = arith.constant 0 : index
    %get3A_7 = vector.load %arg2[%get3A_5, %get3A_6] : memref<632x128xf32, #tpu.memory_space<vmem>>, vector<632x128xf32>
    %add3A = arith.addf %get3A_4, %get3A_7 : vector<632x128xf32>
    %get3A_8 = arith.constant 0 : index
    %get3A_9 = arith.constant 0 : index
    %get3A_10 = vector.load %arg3[%get3A_8, %get3A_9] : memref<632x128xf32, #tpu.memory_space<vmem>>, vector<632x128xf32>
    %add3A_11 = arith.addf %add3A, %get3A_10 : vector<632x128xf32>
    %mul3A = vector.broadcast %slice3A : vector<632x1xf32> to vector<632x128xf32>
    %mul3A_12 = arith.mulf %add3A_11, %mul3A : vector<632x128xf32>
    %get3A_13 = arith.constant 0 : index
    %get3A_14 = arith.constant 0 : index
    %get3A_15 = vector.load %arg5[%get3A_13, %get3A_14] : memref<1x128xf32, #tpu.memory_space<vmem>>, vector<1x128xf32>
    %add3A_16 = vector.broadcast %get3A_15 : vector<1x128xf32> to vector<632x128xf32>
    %add3A_17 = arith.addf %mul3A_12, %add3A_16 : vector<632x128xf32>
    %max3A = arith.constant 0.000000e+00 : f32
    %max3A_18 = vector.broadcast %max3A : f32 to vector<632x128xf32>
    %max3A_19 = arith.maximumf %add3A_17, %max3A_18 : vector<632x128xf32>
    %get3A_20 = arith.constant 0 : index
    %get3A_21 = arith.constant 0 : index
    %get3A_22 = vector.load %arg6[%get3A_20, %get3A_21] : memref<128x128xf32, #tpu.memory_space<vmem>>, vector<128x128xf32>
    %dot_general3A = arith.constant dense<0.000000e+00> : vector<632x128xf32>
    %dot_general3A_23 = tpu.matmul %max3A_19, %get3A_22, %dot_general3A {dimension_numbers = #tpu.dot_dimension_numbers<[1], [0], [0], [1], [0, 0, 1, 1], [], []>, transpose_lhs_hint = false} : vector<632x128xf32>, vector<128x128xf32>, vector<632x128xf32> -> vector<632x128xf32>
    %mul3A_24 = vector.broadcast %slice3A : vector<632x1xf32> to vector<632x128xf32>
    %mul3A_25 = arith.mulf %mul3A_24, %dot_general3A_23 : vector<632x128xf32>
    %swap3A = arith.constant 0 : index
    %swap3A_26 = arith.constant 0 : index
    %swap3A_27 = vector.load %arg7[%swap3A, %swap3A_26] : memref<632x128xf32, #tpu.memory_space<vmem>>, vector<632x128xf32>
    tpu.vector_store %arg7[%swap3A, %swap3A_26], %mul3A_25 {strides = array<i32>} : memref<632x128xf32, #tpu.memory_space<vmem>>, vector<632x128xf32>,
    return
  }
  func.func @transform_0(%arg0: i32) -> (i32, i32) {
    %c0_i32 = arith.constant 0 : i32
    %c0_i32_0 = arith.constant 0 : i32
    return %arg0, %c0_i32 : i32, i32
  }
  func.func @transform_1(%arg0: i32) -> (i32, i32) {
    %add3A = arith.constant 16 : i32
    %add3A_0 = arith.addi %add3A, %arg0 : i32
    %c0_i32 = arith.constant 0 : i32
    %c0_i32_1 = arith.constant 0 : i32
    return %add3A_0, %c0_i32 : i32, i32
  }
  func.func @transform_2(%arg0: i32) -> (i32, i32) {
    %c0_i32 = arith.constant 0 : i32
    %c0_i32_0 = arith.constant 0 : i32
    return %arg0, %c0_i32 : i32, i32
  }
  func.func @transform_3(%arg0: i32) -> (i32, i32) {
    %c0_i32 = arith.constant 0 : i32
    %c0_i32_0 = arith.constant 0 : i32
    return %arg0, %c0_i32 : i32, i32
  }
  func.func @transform_4(%arg0: i32) -> (i32, i32) {
    %c0_i32 = arith.constant 0 : i32
    %c0_i32_0 = arith.constant 0 : i32
    %c0_i32_1 = arith.constant 0 : i32
    return %c0_i32, %c0_i32_0 : i32, i32
  }
  func.func @transform_5(%arg0: i32) -> (i32, i32) {
    %c0_i32 = arith.constant 0 : i32
    %c0_i32_0 = arith.constant 0 : i32
    %c0_i32_1 = arith.constant 0 : i32
    return %c0_i32, %c0_i32_0 : i32, i32
  }
  func.func @transform_6(%arg0: i32) -> (i32, i32) {
    %c0_i32 = arith.constant 0 : i32
    %c0_i32_0 = arith.constant 0 : i32
    return %arg0, %c0_i32 : i32, i32
  }
}

module attributes {stable_mosaic.version = 14 : i64} {
  func.func @_final_body(%arg0: i32, %arg1: memref<632x128xf32, #tpu.memory_space<vmem>>, %arg2: memref<632x128xf32, #tpu.memory_space<vmem>>, %arg3: memref<632x128xf32, #tpu.memory_space<vmem>>, %arg4: memref<632x16xf32, #tpu.memory_space<vmem>>, %arg5: memref<1x128xf32, #tpu.memory_space<vmem>>, %arg6: memref<128x64xf32, #tpu.memory_space<vmem>>, %arg7: memref<1x64xf32, #tpu.memory_space<vmem>>, %arg8: memref<64x128xf32, #tpu.memory_space<vmem>>, %arg9: memref<1x128xf32, #tpu.memory_space<vmem>>, %arg10: memref<632x128xf32, #tpu.memory_space<vmem>>) attributes {dimension_semantics = [#tpu.dimension_semantics<arbitrary>], iteration_bounds = array<i64: 16>, scalar_prefetch = 0 : i64, scratch_operands = 0 : i64, tpu.core_type = #tpu.core_type<tc>, window_params = [{transform_indices = @transform_0, window_bounds = array<i64: 632, 128>}, {transform_indices = @transform_1, window_bounds = array<i64: 632, 128>}, {transform_indices = @transform_2, window_bounds = array<i64: 632, 128>}, {transform_indices = @transform_3, window_bounds = array<i64: 632, 16>}, {pipeline_mode = #tpu.pipeline_mode<synchronous>, transform_indices = @transform_4, window_bounds = array<i64: 1, 128>}, {pipeline_mode = #tpu.pipeline_mode<synchronous>, transform_indices = @transform_5, window_bounds = array<i64: 128, 64>}, {pipeline_mode = #tpu.pipeline_mode<synchronous>, transform_indices = @transform_6, window_bounds = array<i64: 1, 64>}, {pipeline_mode = #tpu.pipeline_mode<synchronous>, transform_indices = @transform_7, window_bounds = array<i64: 64, 128>}, {pipeline_mode = #tpu.pipeline_mode<synchronous>, transform_indices = @transform_8, window_bounds = array<i64: 1, 128>}, {transform_indices = @transform_9, window_bounds = array<i64: 632, 128>}]} {
    %get3A = arith.constant 0 : index
    %get3A_0 = arith.constant 0 : index
    %get3A_1 = vector.load %arg4[%get3A, %get3A_0] : memref<632x16xf32, #tpu.memory_space<vmem>>, vector<632x16xf32>
    %slice3A = vector.extract_strided_slice %get3A_1 {offsets = [0, 0], sizes = [632, 1], strides = [1, 1]} : vector<632x16xf32> to vector<632x1xf32>
    %get3A_2 = arith.constant 0 : index
    %get3A_3 = arith.constant 0 : index
    %get3A_4 = vector.load %arg1[%get3A_2, %get3A_3] : memref<632x128xf32, #tpu.memory_space<vmem>>, vector<632x128xf32>
    %get3A_5 = arith.constant 0 : index
    %get3A_6 = arith.constant 0 : index
    %get3A_7 = vector.load %arg2[%get3A_5, %get3A_6] : memref<632x128xf32, #tpu.memory_space<vmem>>, vector<632x128xf32>
    %add3A = arith.addf %get3A_4, %get3A_7 : vector<632x128xf32>
    %get3A_8 = arith.constant 0 : index
    %get3A_9 = arith.constant 0 : index
    %get3A_10 = vector.load %arg3[%get3A_8, %get3A_9] : memref<632x128xf32, #tpu.memory_space<vmem>>, vector<632x128xf32>
    %add3A_11 = arith.addf %add3A, %get3A_10 : vector<632x128xf32>
    %mul3A = vector.broadcast %slice3A : vector<632x1xf32> to vector<632x128xf32>
    %mul3A_12 = arith.mulf %add3A_11, %mul3A : vector<632x128xf32>
    %get3A_13 = arith.constant 0 : index
    %get3A_14 = arith.constant 0 : index
    %get3A_15 = vector.load %arg5[%get3A_13, %get3A_14] : memref<1x128xf32, #tpu.memory_space<vmem>>, vector<1x128xf32>
    %add3A_16 = vector.broadcast %get3A_15 : vector<1x128xf32> to vector<632x128xf32>
    %add3A_17 = arith.addf %mul3A_12, %add3A_16 : vector<632x128xf32>
    %max3A = arith.constant 0.000000e+00 : f32
    %max3A_18 = vector.broadcast %max3A : f32 to vector<632x128xf32>
    %max3A_19 = arith.maximumf %add3A_17, %max3A_18 : vector<632x128xf32>
    %get3A_20 = arith.constant 0 : index
    %get3A_21 = arith.constant 0 : index
    %get3A_22 = vector.load %arg6[%get3A_20, %get3A_21] : memref<128x64xf32, #tpu.memory_space<vmem>>, vector<128x64xf32>
    %dot_general3A = arith.constant dense<0.000000e+00> : vector<632x64xf32>
    %dot_general3A_23 = tpu.matmul %max3A_19, %get3A_22, %dot_general3A {dimension_numbers = #tpu.dot_dimension_numbers<[1], [0], [0], [1], [0, 0, 1, 1], [], []>, transpose_lhs_hint = false} : vector<632x128xf32>, vector<128x64xf32>, vector<632x64xf32> -> vector<632x64xf32>
    %get3A_24 = arith.constant 0 : index
    %get3A_25 = arith.constant 0 : index
    %get3A_26 = vector.load %arg7[%get3A_24, %get3A_25] : memref<1x64xf32, #tpu.memory_space<vmem>>, vector<1x64xf32>
    %add3A_27 = vector.broadcast %get3A_26 : vector<1x64xf32> to vector<632x64xf32>
    %add3A_28 = arith.addf %dot_general3A_23, %add3A_27 : vector<632x64xf32>
    %max3A_29 = arith.constant 0.000000e+00 : f32
    %max3A_30 = vector.broadcast %max3A_29 : f32 to vector<632x64xf32>
    %max3A_31 = arith.maximumf %add3A_28, %max3A_30 : vector<632x64xf32>
    %get3A_32 = arith.constant 0 : index
    %get3A_33 = arith.constant 0 : index
    %get3A_34 = vector.load %arg8[%get3A_32, %get3A_33] : memref<64x128xf32, #tpu.memory_space<vmem>>, vector<64x128xf32>
    %dot_general3A_35 = arith.constant dense<0.000000e+00> : vector<632x128xf32>
    %dot_general3A_36 = tpu.matmul %max3A_31, %get3A_34, %dot_general3A_35 {dimension_numbers = #tpu.dot_dimension_numbers<[1], [0], [0], [1], [0, 0, 1, 1], [], []>, transpose_lhs_hint = false} : vector<632x64xf32>, vector<64x128xf32>, vector<632x128xf32> -> vector<632x128xf32>
    %get3A_37 = arith.constant 0 : index
    %get3A_38 = arith.constant 0 : index
    %get3A_39 = vector.load %arg9[%get3A_37, %get3A_38] : memref<1x128xf32, #tpu.memory_space<vmem>>, vector<1x128xf32>
    %add3A_40 = vector.broadcast %get3A_39 : vector<1x128xf32> to vector<632x128xf32>
    %add3A_41 = arith.addf %dot_general3A_36, %add3A_40 : vector<632x128xf32>
    %slice3A_42 = vector.extract_strided_slice %add3A_41 {offsets = [0, 0], sizes = [632, 1], strides = [1, 1]} : vector<632x128xf32> to vector<632x1xf32>
    %slice3A_43 = vector.extract_strided_slice %add3A_41 {offsets = [0, 1], sizes = [632, 1], strides = [1, 1]} : vector<632x128xf32> to vector<632x1xf32>
    %max3A_44 = arith.maximumf %slice3A_42, %slice3A_43 : vector<632x1xf32>
    %sub3A = arith.subf %slice3A_42, %max3A_44 : vector<632x1xf32>
    %exp3A = math.exp %sub3A : vector<632x1xf32>
    %sub3A_45 = arith.subf %slice3A_43, %max3A_44 : vector<632x1xf32>
    %exp3A_46 = math.exp %sub3A_45 : vector<632x1xf32>
    %add3A_47 = arith.addf %exp3A, %exp3A_46 : vector<632x1xf32>
    %log3A = math.log %add3A_47 : vector<632x1xf32>
    %add3A_48 = arith.addf %max3A_44, %log3A : vector<632x1xf32>
    %sub3A_49 = vector.broadcast %add3A_48 : vector<632x1xf32> to vector<632x128xf32>
    %sub3A_50 = arith.subf %add3A_41, %sub3A_49 : vector<632x128xf32>
    %swap3A = arith.constant 0 : index
    %swap3A_51 = arith.constant 0 : index
    %swap3A_52 = vector.load %arg10[%swap3A, %swap3A_51] : memref<632x128xf32, #tpu.memory_space<vmem>>, vector<632x128xf32>
    tpu.vector_store %arg10[%swap3A, %swap3A_51], %sub3A_50 {strides = array<i32>} : memref<632x128xf32, #tpu.memory_space<vmem>>, vector<632x128xf32>,
    return
  }
  func.func @transform_0(%arg0: i32) -> (i32, i32) {
    %c0_i32 = arith.constant 0 : i32
    %c0_i32_0 = arith.constant 0 : i32
    return %arg0, %c0_i32 : i32, i32
  }
  func.func @transform_1(%arg0: i32) -> (i32, i32) {
    %add3A = arith.constant 16 : i32
    %add3A_0 = arith.addi %add3A, %arg0 : i32
    %c0_i32 = arith.constant 0 : i32
    %c0_i32_1 = arith.constant 0 : i32
    return %add3A_0, %c0_i32 : i32, i32
  }
  func.func @transform_2(%arg0: i32) -> (i32, i32) {
    %c0_i32 = arith.constant 0 : i32
    %c0_i32_0 = arith.constant 0 : i32
    return %arg0, %c0_i32 : i32, i32
  }
  func.func @transform_3(%arg0: i32) -> (i32, i32) {
    %c0_i32 = arith.constant 0 : i32
    %c0_i32_0 = arith.constant 0 : i32
    return %arg0, %c0_i32 : i32, i32
  }
  func.func @transform_4(%arg0: i32) -> (i32, i32) {
    %c0_i32 = arith.constant 0 : i32
    %c0_i32_0 = arith.constant 0 : i32
    %c0_i32_1 = arith.constant 0 : i32
    return %c0_i32, %c0_i32_0 : i32, i32
  }
  func.func @transform_5(%arg0: i32) -> (i32, i32) {
    %c0_i32 = arith.constant 0 : i32
    %c0_i32_0 = arith.constant 0 : i32
    %c0_i32_1 = arith.constant 0 : i32
    return %c0_i32, %c0_i32_0 : i32, i32
  }
  func.func @transform_6(%arg0: i32) -> (i32, i32) {
    %c0_i32 = arith.constant 0 : i32
    %c0_i32_0 = arith.constant 0 : i32
    %c0_i32_1 = arith.constant 0 : i32
    return %c0_i32, %c0_i32_0 : i32, i32
  }
  func.func @transform_7(%arg0: i32) -> (i32, i32) {
    %c0_i32 = arith.constant 0 : i32
    %c0_i32_0 = arith.constant 0 : i32
    %c0_i32_1 = arith.constant 0 : i32
    return %c0_i32, %c0_i32_0 : i32, i32
  }
  func.func @transform_8(%arg0: i32) -> (i32, i32) {
    %c0_i32 = arith.constant 0 : i32
    %c0_i32_0 = arith.constant 0 : i32
    %c0_i32_1 = arith.constant 0 : i32
    return %c0_i32, %c0_i32_0 : i32, i32
  }
  func.func @transform_9(%arg0: i32) -> (i32, i32) {
    %c0_i32 = arith.constant 0 : i32
    %c0_i32_0 = arith.constant 0 : i32
    return %arg0, %c0_i32 : i32, i32
  }
}

</mosaic_0001>

<sc_bundles>
// kernel: kernel.10.cloned.1.call-start
scs
__scs_entry_jumppad:
0x0: {  	(pc) =	sbr.rel $0x88, $3  }
0x1: {  	(tag) =	ssettag $0x0;
	lr =	simm.s32 $0x1  }
0x2: {  	[smem:$0x3F95] =	sst lr;
	_ =	strace $0xD0000000  }
0x3: {  	_ = 	snop  }
0x4: {  	_ = 	snop  }
0x5: {  	_ = 	snop  }
0x6: {  	_ = 	snop  }
0x7: {  	_ = 	snop  }
__scs_overlays_trampoline_lowered:
0x8: {  	[smem:$0x3FA4] =	sst s0  }
0x9: {  	[smem:$0x3FA5] =	sst s1  }
0xa: {  	[smem:$0x3FA6] =	sst s2  }
0xb: {  	[smem:$0x3FA7] =	sst s3  }
0xc: {  	[smem:$0x3FA8] =	sst s4  }
0xd: {  	[smem:$0x3FA9] =	sst s5  }
0xe: {  	[smem:$0x3FAA] =	sst s6  }
0xf: {  	[smem:$0x3FAB] =	sst s7  }
0x10: {  	[smem:$0x3FAC] =	sst s8  }
0x11: {  	[smem:$0x3FAD] =	sst s9;
	s0 =	simm.s32 @!p0 $0x0  }
0x12: {  	s1 =	sld [smem:$0x3F93];
	s0 =	simm.s32 @p0 $0x1  }
0x13: {  	[smem:$0x3FAE] =	sst s0;
	s0 =	simm.s32 @!p1 $0x0  }
0x14: {  	s2 =	sld [smem:$0x3F92];
	s0 =	simm.s32 @p1 $0x1  }
0x15: {  	[smem:$0x3FAF] =	sst s0;
	s0 =	simm.s32 @!p2 $0x0  }
0x16: {  	s3 =	sld [smem:$0x3FDB];
	s0 =	simm.s32 @p2 $0x1  }
0x17: {  	s4 =	simm.s32 $0x1BF5;
	[smem:$0x3FB1] =	sst s0  }
0x18: {  	s0 =	sld [smem:$0x3F94];
	_ =	swait.ge [sflag:s4], $0x0  }
0x19: {  	s7 =	sld [smem:$0x3F95]  }
0x1a: {  	s8 =	sadd.s32 $0xFFFFE003, lr  }
0x1b: {  	s9 =	sadd.s32 $0xFFFFFEF7, lr;
	s5 =	simm.s32 $0xFFFFFFFF;
	p2 =	slt.u32 s8, $0xFFFFF086  }
0x1c: {  	p1 =	slt.u32 s9, $0xF7A;
	s5 =	simm.s32 @!p2 $0x0  }
0x1d: {  	s5 =	simm.s32 @p1 $0x1;
	p0 =	seq.s32 s7, s2  }
0x1e: {  	s7 =	smul.u32 @!p0 $0xF7A, s2;
	p2 =	seq.s32 @!p0 s5, $0x0  }
0x1f: {  	s9 =	smul.u32 $0xF7A, s1;
	s8 =	simm.s32 @!p0 $0x1BF5;
	p2 =	por !p2, p0  }
0x20: {  	[sflag:s8] =	ssyncset.s32 @!p0 $0xFFFFF086;
	s6 =	sadd.s32 @!p0 s3, s7;
	s7 =	simm.s32 @!p0 $0x108  }
0x21: {  	s3 =	sadd.s32 s3, s9;
	s6 =	sadd.s32 @!p0 $0x88, s6;
	s7 =	simm.s32 @p2 $0x1082  }
0x22: {  	[simem:s7], [sflag:s8] =	dma.local @!p0 [hbm:s6], $0xF7A  }
0x23: {  	s9 =	sor.u32 $0xD0000000, s2;
	s6 =	simm.s32 $0x108;
	_ =	swait.ge @!p0 [sflag:s8], $0x0  }
0x24: {  	s3 =	sadd.s32 $0x88, s3;
	s6 =	simm.s32 @!p1 $0x1082;
	[sflag:s4] =	ssyncset.s32 $0xFFFFF086  }
0x25: {  	[simem:s6], [sflag:s4] =	dma.local [hbm:s3], $0xF7A  }
0x26: {  	[smem:$0x3F95] =	sst s1;
	(tag) =	ssettag s2;
	_ =	strace s9  }
0x27: {  	s1 =	sld [smem:$0x3FA5]  }
0x28: {  	s2 =	sld [smem:$0x3FA6]  }
0x29: {  	s4 =	sld [smem:$0x3FA8]  }
0x2a: {  	p0 =	seq.s32 s5, $0x0;
	s5 =	sld [smem:$0x3FA9]  }
0x2b: {  	s6 =	sld [smem:$0x3FAA]  }
0x2c: {  	s7 =	sld [smem:$0x3FAB]  }
0x2d: {  	s3 =	simm.s32 $0x108;
	s8 =	sld [smem:$0x3FAC]  }
0x2e: {  	s3 =	simm.s32 @!p0 $0x1082;
	s9 =	sld [smem:$0x3FAD]  }
0x2f: {  	lr =	sadd.s32 s0, s3;
	s0 =	sld [smem:$0x3FA4]  }
0x30: {  	s3 =	sld [smem:$0x3FA7]  }
0x31: {  	[smem:$0x3FB0] =	sst s10  }
0x32: {  	s10 =	sld [smem:$0x3FAE];
	_ =	sdelay $0x3  }
0x33: {  	p0 =	seq.s32 s10, $0x1;
	s10 =	sld [smem:$0x3FB0];
	_ =	sdelay $0x3  }
0x34: {  	[smem:$0x3FB0] =	sst s10  }
0x35: {  	s10 =	sld [smem:$0x3FAF];
	_ =	sdelay $0x3  }
0x36: {  	p1 =	seq.s32 s10, $0x1;
	s10 =	sld [smem:$0x3FB0];
	_ =	sdelay $0x3  }
0x37: {  	[smem:$0x3FB0] =	sst s10  }
0x38: {  	s10 =	sld [smem:$0x3FB1]  }
0x39: {  	_ = 	snop;
	(pc) =	sbr.ind lr, $3  }
0x3a: {  	_ = 	snop  }
0x3b: {  	_ = 	snop  }
0x3c: {  	p2 =	seq.s32 s10, $0x1;
	s10 =	sld [smem:$0x3FB0]  }
0x3d: {  	_ =	shalt  }
0x3e: {  	_ =	shalt  }
0x3f: {  	_ =	shalt  }
0x40: {  	_ =	shalt  }
0x41: {  	_ =	shalt  }
0x42: {  	_ =	shalt  }
0x43: {  	_ =	shalt  }
0x44: {  	_ =	shalt  }
0x45: {  	_ =	shalt  }
0x46: {  	_ =	shalt  }
0x47: {  	_ =	shalt  }
0x48: {  	_ =	shalt  }
0x49: {  	_ =	shalt  }
0x4a: {  	_ =	shalt  }
0x4b: {  	_ =	shalt  }
0x4c: {  	_ =	shalt  }
0x4d: {  	_ =	shalt  }
0x4e: {  	_ =	shalt  }
0x4f: {  	_ =	shalt  }
0x50: {  	_ =	shalt  }
0x51: {  	_ =	shalt  }
0x52: {  	_ =	shalt  }
0x53: {  	_ =	shalt  }
0x54: {  	_ =	shalt  }
0x55: {  	_ =	shalt  }
0x56: {  	_ =	shalt  }
0x57: {  	_ =	shalt  }
0x58: {  	_ =	shalt  }
0x59: {  	_ =	shalt  }
0x5a: {  	_ =	shalt  }
0x5b: {  	_ =	shalt  }
0x5c: {  	_ =	shalt  }
0x5d: {  	_ =	shalt  }
0x5e: {  	_ =	shalt  }
0x5f: {  	_ =	shalt  }
0x60: {  	_ =	shalt  }
0x61: {  	_ =	shalt  }
0x62: {  	_ =	shalt  }
0x63: {  	_ =	shalt  }
0x64: {  	_ =	shalt  }
0x65: {  	_ =	shalt  }
0x66: {  	_ =	shalt  }
0x67: {  	_ =	shalt  }
0x68: {  	_ =	shalt  }
0x69: {  	_ =	shalt  }
0x6a: {  	_ =	shalt  }
0x6b: {  	_ =	shalt  }
0x6c: {  	_ =	shalt  }
0x6d: {  	_ =	shalt  }
0x6e: {  	_ =	shalt  }
0x6f: {  	_ =	shalt  }
0x70: {  	_ =	shalt  }
0x71: {  	_ =	shalt  }
0x72: {  	_ =	shalt  }
0x73: {  	_ =	shalt  }
0x74: {  	_ =	shalt  }
0x75: {  	_ =	shalt  }
0x76: {  	_ =	shalt  }
0x77: {  	_ =	shalt  }
0x78: {  	_ =	shalt  }
0x79: {  	_ =	shalt  }
0x7a: {  	_ =	shalt  }
0x7b: {  	_ =	shalt  }
0x7c: {  	_ =	shalt  }
0x7d: {  	_ =	shalt  }
0x7e: {  	_ =	shalt  }
0x7f: {  	_ =	shalt  }
0x80: {  	_ =	shalt  }
0x81: {  	_ =	shalt  }
0x82: {  	_ =	shalt  }
0x83: {  	_ =	shalt  }
0x84: {  	_ =	shalt  }
0x85: {  	_ =	shalt  }
0x86: {  	_ =	shalt  }
0x87: {  	_ =	shalt  }
.Lfunc_end0:
.L_simem_size_0:
called_computation_lowered:
.L_overlay_start_0:
0x88: {  	s2 =	sld [smem:$0x3FD9]  }
0x89: {  	s3 =	sld [smem:$0x3FFE];
	_ =	sdelay $0x1  }
0x8a: {  	s1 =	srdreg.scid  }
0x8b: {  	s0 =	sand.u32 $0x1, s1  }
0x8c: {  	s16 =	sshll.u32 s0, $0xA;
	s2 =	sadd.s32 s3, s2  }
0x8d: {  	s2 =	sadd.s32 s2, s16  }
0x8e: {  	[smem:$0x3FBC] =	sst s2  }
0x8f: {  	_ = 	snop  }
0x90: {  	(tm) =	ssettm $0x1  }
0x91: {  	s17 =	sld [smem:$0x3FFB];
	_ =	sdelay $0x3  }
0x92: {  	_ =	strace s17  }
0x93: {  	s2 =	sld [smem:$0x3FFC];
	_ =	sdelay $0x3  }
0x94: {  	_ =	strace s2  }
0x95: {  	s2 =	sld [smem:$0x3FFD];
	_ =	sdelay $0x3  }
0x96: {  	_ =	strace s2  }
0x97: {  	_ =	strace $0x8FFFFFFF  }
0x98: {  	s18 =	sld [smem:$0x3FDB];
	_ =	sdelay $0x1  }
0x99: {  	s19 =	simm.s32 $_scs_section_size  }
0x9a: {  	s4 =	simm.s32 $_size__tile_overlayer_lowered;
	s5 =	simm.s32 $_tile_overlayer_lowered  }
0x9b: {  	s22 =	simm.s32 $0x1BFF;
	s21 =	sshll.u32 s5, $0x1;
	s2 =	sadd.s32 s19, s18  }
0x9c: {  	s6 =	simm.s32 $0x0;
	s20 =	sshll.u32 s4, $0x1;
	s4 =	sadd.s32 s21, s2  }
0x9d: {  	[timem:s6], [sflag:s22] =	dma.local [hbm:s4], s20  }
0x9e: {  	_ =	swait.ge [sflag:s22], s20  }
0x9f: {  	s3 =	ssub.s32 $0x0, s20;
	[sflag:s22] =	ssyncset.done $0x0  }
0xa0: {  	[sflag:s22] =	ssyncadd.s32 s3;
	_ =	sdelay $0x1  }
0xa1: {  	s23 =	simm.s32 $0x1B8B  }
0xa2: {  	_ =	swait.ge [sflag:s23], $0x1  }
0xa3: {  	[sflag:s23] =	ssyncset.done $0x0  }
0xa4: {  	s25 =	simm.s32 $0x1B8E;
	s24 =	sld [smem:$0x3FFE];
	[sflag:s23] =	ssyncadd.s32 $0xFFFFFFFF  }
0xa5: {  	s26 =	simm.s32 $execute0_lowered;
	[smem:$0x3FD2] =	sst s25  }
0xa6: {  	s4 =	sshll.u32 s26, $0x1;
	_ =	strace $0x80000046;
	[dreg:$0x1] =	wrdreg $0xFFFFFFFF  }
0xa7: {  	s28 =	simm.s32 $_size_execute0_lowered;
	s2 =	sadd.s32 s2, s4;
	[dreg:$0x0] =	wrdreg $0x0  }
0xa8: {  	s4 =	sshll.u32 s28, $0x1;
	[dreg:$0x2] =	wrdreg s2  }
0xa9: {  	[dreg:$0x3] =	wrdreg s4  }
0xaa: {  	[dreg:$0x4] =	wrdreg $0xC0  }
0xab: {  	_ =	task [dreg:s6], $0x5FFFF  }
0xac: {  	[dreg:$0x1] =	wrdreg $0xFFFFFFFF  }
0xad: {  	[dreg:$0x0] =	wrdreg $0x60  }
0xae: {  	[dreg:$0x2] =	wrdreg s24  }
0xaf: {  	[dreg:$0x3] =	wrdreg $0x84000  }
0xb0: {  	[dreg:$0x4] =	wrdreg $0x9  }
0xb1: {  	_ =	task.clear_ibuf [dreg:s6], $0x5FFFF;
	_ =	strace $0x90000046  }
0xb2: {  	s29 =	simm.s32 $0x9;
	_ =	strace $0x80000048  }
0xb3: {  	_ =	swait.ge [sflag:s29], $0x1  }
0xb4: {  	[sflag:s29] =	ssyncadd.s32 $0xFFFFFFFF  }
0xb5: {  	_ =	strace $0x90000048  }
0xb6: {  	_ =	sfence  }
0xb7: {  	s30 =	sld [smem:$0x0];
	_ =	sdelay $0x2  }
0xb8: {  	s31 =	sshll.u32 s1, $0xD;
	s1 =	sshrl.u32 s1, $0x2  }
0xb9: {  	s3 =	sand.u32 $0x4000, s31;
	s1 =	sadd.s32 s1, s30  }
0xba: {  	s0 =	sor.u32 s3, s0;
	s1 =	sshll.u32 s1, $0x11  }
0xbb: {  	s0 =	sor.u32 s1, s0  }
0xbc: {  	s0 =	sadd.s32 $0x8F2B, s0  }
0xbd: {  	[sflag:s0] =	ssyncadd.remote.s32 $0x1  }
0xbe: {  	_ =	sfence.sel $0xFFFF  }
0xbf: {  	[dreg:$0x0] =	wrdreg $0xFFFFFFFF;
	(pc) =	sbr.abs _section_cstart, $3  }
0xc0: {  	[dreg:$0x1] =	wrdreg $0xFFFFFFFF  }
0xc1: {  	_ =	task.clear_ibuf [dreg:s6], $0x2FFFF;
	_ =	strace $0x9FFFFFFF  }
0xc2: {  	(tm) =	ssettm $0x7FFFFFFF  }
0xc3: {  	_ =	shalt  }
tec
execute0_lowered:
.L_overlay_start_1:
0x0: {  	(tag) =	ssettag $0x1  }
0x1: {  	s0 =	rddreg [dreg:$0x0]  }
0x2: {  	s2 =	rddreg [dreg:$0x1];
	s3 =	simm.s32 $0x0;
	s11 =	stileid.u32  }
0x3: {  	s1 =	srdreg.scid;
	s28 =	simm.s32 $0x2;
	s29 =	simm.s32 $0x4400  }
0x4: {  	s30 =	simm.s32 $0x180;
	s31 =	simm.s32 $0x380;
	[smem:$0x7FF] =	sst s3  }
0x5: {  	s7 =	smul.u32 $0x2780, s11;
	s1 =	sand.u32 $0x1, s1;
	s4 =	sadd.s32 $0x49200, s0  }
0x6: {  	s5 =	sadd.s32 $0x3A00, s0;
	s6 =	sadd.s32 $0x17A00, s0;
	s14 =	smul.u32 $0x4F000, s11  }
0x7: {  	s17 =	sshll.u32 s11, $0x6;
	_ =	strace $0x80000047;
	s8 =	smul.u32 $0x27800, s1  }
0x8: {  	s10 =	sshll.u32 s1, $0x4;
	s1 =	ssub.s32 $0x2, s1;
	s12 =	sor.u32 $0x1C09, s17  }
0x9: {  	s9 =	sadd.s32 s7, s0;
	s15 =	sor.u32 s11, s10;
	s16 =	sshrl.u32 s1, $0x1  }
0xa: {  	s11 =	simm.s32 $0x4;
	[dreg:$0x4] =	wrdreg s12;
	s7 =	sadd.s32 s7, s8  }
0xb: {  	s8 =	sshrl.u32 s14, $0x2;
	s1 =	ssub.s32 s1, s16;
	s9 =	sadd.s32 $0x21A00, s9  }
0xc: {  	s14 =	simm.s32 $0x9;
	s0 =	sadd.s32 s7, s0;
	s7 =	smul.u32 $0x2800, s15  }
0xd: {  	s8 =	sadd.s32 s8, s2;
	[dreg:$0x3] =	wrdreg s9;
	s26 =	smax.u32 s1, $0x1  }
0xe: {  	s1 =	simm.s32 $0x7;
	s0 =	sadd.s32 $0x70A00, s0;
	[dreg:$0xc] =	wrdreg s26  }
0xf: {  	s13 =	sshrl.u32 s8, $0x3;
	s18 =	sshrl.u32 s7, $0x3;
	[dreg:$0xb] =	wrdreg s0  }
0x10: {  	s15 =	simm.s32 $0x0;
	[dreg:$0xd] =	wrdreg s13;
	s19 =	sadd.s32 s5, s18  }
0x11: {  	s20 =	sadd.s32 s6, s18;
	s21 =	sor.u32 $0x10, s18;
	[dreg:$0x5] =	wrdreg s19  }
0x12: {  	s26 =	simm.s32 $0x400;
	[dreg:$0x6] =	wrdreg s20;
	s22 =	sadd.s32 s5, s21  }
0x13: {  	s10 =	sor.u32 $0x20, s18;
	s23 =	sadd.s32 s6, s21;
	[dreg:$0x7] =	wrdreg s22  }
0x14: {  	s8 =	simm.s32 $0x6;
	s24 =	sadd.s32 s5, s10;
	[dreg:$0x8] =	wrdreg s23  }
0x15: {  	s0 =	simm.s32 $0x5;
	s25 =	sadd.s32 s6, s10;
	[dreg:$0x9] =	wrdreg s24  }
0x16: {  	s21 =	simm.s32 $0x80;
	s10 =	simm.s32 $0x8;
	[dreg:$0xa] =	wrdreg s25  }
0x17: {  	s24 =	simm.s32 $0x3;
	s22 =	simm.s32 $0x200;
	s23 =	simm.s32 $0x280  }
.LBB2_1:
0x18: {  	[dreg:$0xe] =	wrdreg s15  }
0x19: {  	s9 =	rddreg [dreg:$0x3]  }
0x1a: {  	[spmem:s13], [sflag:s12] =	dma.local [hbm:s9], $0x2780  }
0x1b: {  	_ =	swait.ge [sflag:s14], $0x2780  }
0x1c: {  	[sflag:s14] =	ssyncset.done $0x0  }
0x1d: {  	s18 =	rddreg [dreg:$0x5];
	[sflag:s14] =	ssyncadd.s32 $0xFFFFD880  }
0x1e: {  	[tilespmem:s3], [sflag:$0x1] =	stream.linear.gather [hbm4b:s18+s3], $0x80, $0x38;
	[tilespmem:$0x1C000] =	vst v63  }
0x1f: {  	s12 =	simm.s32 $0x200;
	s19 =	rddreg [dreg:$0x6]  }
0x20: {  	[tilespmem:s12], [sflag:$0x1] =	stream.linear.gather [hbm4b:s19+s3], $0x80, $0x38;
	[tilespmem:$0x1C000] =	vst v63  }
0x21: {  	s20 =	rddreg [dreg:$0x7]  }
0x22: {  	[tilespmem:s21], [sflag:$0x2] =	stream.linear.gather [hbm4b:s20+s3], $0x80, $0x38;
	[tilespmem:$0x1C000] =	vst v63  }
0x23: {  	s16 =	simm.s32 $0x280;
	s25 =	rddreg [dreg:$0x8]  }
0x24: {  	[tilespmem:s16], [sflag:$0x2] =	stream.linear.gather [hbm4b:s25+s3], $0x80, $0x38;
	[tilespmem:$0x1C000] =	vst v63  }
0x25: {  	s15 =	simm.s32 $0x100;
	s13 =	rddreg [dreg:$0x9]  }
0x26: {  	[tilespmem:s15], [sflag:$0x3] =	stream.linear.gather [hbm4b:s13+s3], $0x80, $0x38;
	[tilespmem:$0x1C000] =	vst v63  }
0x27: {  	s17 =	simm.s32 $0x300;
	s14 =	rddreg [dreg:$0xa]  }
0x28: {  	[tilespmem:s17], [sflag:$0x3] =	stream.linear.gather [hbm4b:s14+s3], $0x80, $0x38;
	[tilespmem:$0x1C000] =	vst v63  }
0x29: {  	s18 =	simm.s32 $0x1;
	[bflag:$0x0] =	sbarrier.arrive $0xFFFF  }
0x2a: {  	_ =	swait.ge [sflag:s18], $0x80  }
0x2b: {  	[sflag:s18] =	ssyncset.done $0x0  }
0x2c: {  	[sflag:s18] =	ssyncadd.s32 $0xFFFFFF80  }
0x2d: {  	p0 =	por $0x1, $0x1;
	_ =	swait.ge [sflag:s18], $0x80  }
0x2e: {  	p0 =	por p0, p0;
	[sflag:s18] =	ssyncset.done $0x0  }
0x2f: {  	s13 =	simm.s32 @!p0 $0x8;
	[sflag:s18] =	ssyncadd.s32 $0xFFFFFF80  }
0x30: {  	[tilespmem:s26], [sflag:$0x5] =	stream.indirect.gather [hbm4b:s4+s21], $0x80, s3, s21, $0xb8;
	[tilespmem:$0x1C000] =	vst v63  }
0x31: {  	_ =	swait.ge @!p0 [sflag:s13], $0x4000  }
0x32: {  	[sflag:s13] =	ssyncset.done @!p0 $0x0  }
0x33: {  	[sflag:s13] =	ssyncadd.s32 @!p0 $0xFFFFC000  }
0x34: {  	_ =	swait.ge [sflag:s28], $0x80  }
0x35: {  	s19 =	sand.u32 $0x3C00, s3;
	[sflag:s28] =	ssyncset.done $0x0  }
0x36: {  	s20 =	sand.u32 $0x200, s3;
	s13 =	sadd.s32 s7, s19;
	[sflag:s28] =	ssyncadd.s32 $0xFFFFFF80  }
0x37: {  	s13 =	sor.u32 s13, s20;
	_ =	swait.ge [sflag:s28], $0x80  }
0x38: {  	s13 =	sor.u32 $0x180, s13;
	[sflag:s28] =	ssyncset.done $0x0  }
0x39: {  	s13 =	sshrl.u32 s13, $0x3;
	[sflag:s28] =	ssyncadd.s32 $0xFFFFFF80  }
0x3a: {  	[tilespmem:s29], [sflag:$0x6] =	stream.indirect.gather [hbm4b:s4+s21], $0x80, s21, s21, $0xb8;
	[tilespmem:$0x1C000] =	vst v63  }
0x3b: {  	s25 =	sadd.s32 s5, s13  }
0x3c: {  	[tilespmem:s30], [sflag:$0x4] =	stream.linear.gather [hbm4b:s25+s3], $0x80, $0x38;
	[tilespmem:$0x1C000] =	vst v63  }
0x3d: {  	s13 =	sadd.s32 s6, s13  }
0x3e: {  	[tilespmem:s31], [sflag:$0x4] =	stream.linear.gather [hbm4b:s13+s3], $0x80, $0x38;
	[tilespmem:$0x1C000] =	vst v63  }
0x3f: {  	_ =	swait.ge [sflag:s0], $0x4000  }
0x40: {  	[sflag:s0] =	ssyncset.done $0x0  }
0x41: {  	[sflag:s0] =	ssyncadd.s32 $0xFFFFC000  }
0x42: {  	[spmem:s2] =	stream.indirect.scatter.add.f32 [tilespmem:s26], [sflag:$0x7], $0x80, s12, s21, $0xb8;
	[tilespmem:$0x1C000] =	vst v63  }
0x43: {  	_ =	swait.ge [sflag:s1], $0x4000  }
0x44: {  	[sflag:s1] =	ssyncset.done $0x0  }
0x45: {  	[sflag:s1] =	ssyncadd.s32 $0xFFFFC000  }
0x46: {  	p0 =	por $0x0, $0x0;
	_ =	swait.ge [sflag:s24], $0x80  }
0x47: {  	s13 =	simm.s32 @!p0 $0x200;
	[sflag:s24] =	ssyncset.done $0x0  }
0x48: {  	s14 =	sand.u32 @!p0 $0x7C00, s13;
	[sflag:s24] =	ssyncadd.s32 $0xFFFFFF80  }
0x49: {  	s13 =	sand.u32 @!p0 $0x200, s13;
	s14 =	sadd.s32 @!p0 s7, s14;
	_ =	swait.ge [sflag:s24], $0x80  }
0x4a: {  	s13 =	sor.u32 @!p0 s13, s14;
	[sflag:s24] =	ssyncset.done $0x0  }
0x4b: {  	s14 =	sshrl.u32 @!p0 s13, $0x3;
	[sflag:s24] =	ssyncadd.s32 $0xFFFFFF80  }
0x4c: {  	[tilespmem:s26], [sflag:$0x5] =	stream.indirect.gather [hbm4b:s4+s21], $0x80, s15, s21, $0xb8;
	[tilespmem:$0x1C000] =	vst v63  }
0x4d: {  	s13 =	simm.s32 @!p0 $0x0;
	s15 =	sadd.s32 @!p0 s5, s14  }
0x4e: {  	[tilespmem:s13], [sflag:$0x1] =	stream.linear.gather @!p0 [hbm4b:s15+s13], $0x80, $0x38;
	[tilespmem:$0x1C000] =	vst v63  }
0x4f: {  	s14 =	sadd.s32 @!p0 s6, s14;
	s15 =	simm.s32 @!p0 $0x200  }
0x50: {  	[tilespmem:s15], [sflag:$0x1] =	stream.linear.gather @!p0 [hbm4b:s14+s13], $0x80, $0x38;
	[tilespmem:$0x1C000] =	vst v63  }
0x51: {  	_ =	swait.ge [sflag:s8], $0x4000  }
0x52: {  	[sflag:s8] =	ssyncset.done $0x0  }
0x53: {  	[sflag:s8] =	ssyncadd.s32 $0xFFFFC000  }
0x54: {  	[spmem:s2] =	stream.indirect.scatter.add.f32 [tilespmem:s29], [sflag:$0x8], $0x80, s16, s21, $0xb8;
	[tilespmem:$0x1C000] =	vst v63  }
0x55: {  	_ =	swait.ge [sflag:s10], $0x4000  }
0x56: {  	[sflag:s10] =	ssyncset.done $0x0  }
0x57: {  	[sflag:s10] =	ssyncadd.s32 $0xFFFFC000  }
0x58: {  	_ =	swait.ge [sflag:s11], $0x80  }
0x59: {  	[sflag:s11] =	ssyncset.done $0x0  }
0x5a: {  	[sflag:s11] =	ssyncadd.s32 $0xFFFFFF80  }
0x5b: {  	_ =	swait.ge [sflag:s11], $0x80  }
0x5c: {  	s17 =	simm.s32 @p0 $0x300;
	[sflag:s11] =	ssyncset.done $0x0  }
0x5d: {  	s9 =	simm.s32 @p0 $0x400;
	s16 =	simm.s32 @p0 $0x5;
	[sflag:s11] =	ssyncadd.s32 $0xFFFFFF80  }
0x5e: {  	[tilespmem:s29], [sflag:$0x6] =	stream.indirect.gather [hbm4b:s4+s21], $0x80, s30, s21, $0xb8;
	[tilespmem:$0x1C000] =	vst v63  }
0x5f: {  	s18 =	simm.s32 @p0 $0x7;
	s14 =	simm.s32 @!p0 $0x280;
	_ =	swait.ge @p0 [sflag:s16], $0x4000  }
0x60: {  	s15 =	sand.u32 @!p0 $0x7C00, s14;
	s14 =	sand.u32 @!p0 $0x280, s14;
	[sflag:s16] =	ssyncset.done @p0 $0x0  }
0x61: {  	s15 =	sadd.s32 @!p0 s7, s15;
	[sflag:s16] =	ssyncadd.s32 @p0 $0xFFFFC000;
	s16 =	simm.s32 @p0 $0x80  }
0x62: {  	[spmem:s2] =	stream.indirect.scatter.add.f32 @p0 [tilespmem:s9], [sflag:$0x7], $0x80, s17, s16, $0xb8;
	[tilespmem:$0x1C000] =	vst v63  }
0x63: {  	s9 =	sor.u32 @!p0 s14, s15;
	_ =	swait.ge @p0 [sflag:s18], $0x4000  }
0x64: {  	s9 =	sshrl.u32 @!p0 s9, $0x3;
	[sflag:s18] =	ssyncset.done @p0 $0x0  }
0x65: {  	s15 =	simm.s32 @!p0 $0x80;
	s14 =	sadd.s32 @!p0 s5, s9;
	[sflag:s18] =	ssyncadd.s32 @p0 $0xFFFFC000  }
0x66: {  	[tilespmem:s15], [sflag:$0x2] =	stream.linear.gather @!p0 [hbm4b:s14+s13], $0x80, $0x38;
	[tilespmem:$0x1C000] =	vst v63  }
0x67: {  	s16 =	simm.s32 @!p0 $0x5;
	s9 =	sadd.s32 @!p0 s6, s9;
	s14 =	simm.s32 @!p0 $0x280  }
0x68: {  	[tilespmem:s14], [sflag:$0x2] =	stream.linear.gather @!p0 [hbm4b:s9+s13], $0x80, $0x38;
	[tilespmem:$0x1C000] =	vst v63  }
0x69: {  	_ =	swait.ge @!p0 [sflag:s16], $0x4000  }
0x6a: {  	s17 =	simm.s32 @!p0 $0x7;
	[sflag:s16] =	ssyncset.done @!p0 $0x0  }
0x6b: {  	s9 =	simm.s32 @!p0 $0x300;
	s14 =	simm.s32 @!p0 $0x400;
	[sflag:s16] =	ssyncadd.s32 @!p0 $0xFFFFC000  }
0x6c: {  	[spmem:s2] =	stream.indirect.scatter.add.f32 @!p0 [tilespmem:s14], [sflag:$0x7], $0x80, s9, s15, $0xb8;
	[tilespmem:$0x1C000] =	vst v63  }
0x6d: {  	_ =	swait.ge @!p0 [sflag:s17], $0x4000  }
0x6e: {  	[sflag:s17] =	ssyncset.done @!p0 $0x0  }
0x6f: {  	s16 =	simm.s32 @!p0 $0x1;
	[sflag:s17] =	ssyncadd.s32 @!p0 $0xFFFFC000  }
0x70: {  	_ =	swait.ge @!p0 [sflag:s16], $0x80  }
0x71: {  	s17 =	simm.s32 @!p0 $0x300;
	[sflag:s16] =	ssyncset.done @!p0 $0x0  }
0x72: {  	s18 =	sand.u32 @!p0 $0x7C00, s17;
	[sflag:s16] =	ssyncadd.s32 @!p0 $0xFFFFFF80  }
0x73: {  	s17 =	sand.u32 @!p0 $0x300, s17;
	s18 =	sadd.s32 @!p0 s7, s18;
	_ =	swait.ge @!p0 [sflag:s16], $0x80  }
0x74: {  	s17 =	sor.u32 @!p0 s17, s18;
	[sflag:s16] =	ssyncset.done @!p0 $0x0  }
0x75: {  	[sflag:s16] =	ssyncadd.s32 @!p0 $0xFFFFFF80;
	s16 =	sshrl.u32 @!p0 s17, $0x3  }
0x76: {  	[tilespmem:s14], [sflag:$0x5] =	stream.indirect.gather @!p0 [hbm4b:s4+s15], $0x80, s13, s15, $0xb8;
	[tilespmem:$0x1C000] =	vst v63  }
0x77: {  	s14 =	sadd.s32 @!p0 s5, s16;
	s15 =	simm.s32 @!p0 $0x100  }
0x78: {  	[tilespmem:s15], [sflag:$0x3] =	stream.linear.gather @!p0 [hbm4b:s14+s13], $0x80, $0x38;
	[tilespmem:$0x1C000] =	vst v63  }
0x79: {  	p6 =	por $0x0, $0x0;
	s14 =	sadd.s32 @!p0 s6, s16  }
0x7a: {  	[tilespmem:s9], [sflag:$0x3] =	stream.linear.gather @!p0 [hbm4b:s14+s13], $0x80, $0x38;
	[tilespmem:$0x1C000] =	vst v63  }
0x7b: {  	s13 =	simm.s32 $0x200;
	s14 =	simm.s32 $0x400;
	p0 =	por p6, p6  }
.LBB2_2:
0x7c: {  	p2 =	seq.s32 s14, $0x0  }
0x7d: {  	_ =	swait.ge [sflag:s8], $0x4000;
	s16 =	smov.u32 s14;
	s14 =	sadd.s32 $0x200, s14  }
0x7e: {  	p1 =	sne.s32 s14, $0x2800;
	[sflag:s8] =	ssyncset.done $0x0  }
0x7f: {  	s9 =	simm.s32 @!p0 $0x8;
	[sflag:s8] =	ssyncadd.s32 $0xFFFFC000  }
0x80: {  	[spmem:s2] =	stream.indirect.scatter.add.f32 [tilespmem:s29], [sflag:$0x8], $0x80, s31, s21, $0xb8;
	[tilespmem:$0x1C000] =	vst v63  }
0x81: {  	_ =	swait.ge @!p0 [sflag:s9], $0x4000  }
0x82: {  	[sflag:s9] =	ssyncset.done @!p0 $0x0  }
0x83: {  	[sflag:s9] =	ssyncadd.s32 @!p0 $0xFFFFC000;
	p0 =	por p2, p2  }
0x84: {  	s9 =	sand.u32 $0x3C00, s13;
	_ =	swait.ge [sflag:s28], $0x80  }
0x85: {  	s15 =	sand.u32 $0x200, s13;
	s9 =	sadd.s32 s7, s9;
	[sflag:s28] =	ssyncset.done $0x0  }
0x86: {  	s9 =	sor.u32 s9, s15;
	[sflag:s28] =	ssyncadd.s32 $0xFFFFFF80  }
0x87: {  	s9 =	sor.u32 $0x180, s9;
	_ =	swait.ge [sflag:s28], $0x80  }
0x88: {  	s9 =	sshrl.u32 s9, $0x3;
	[sflag:s28] =	ssyncset.done $0x0  }
0x89: {  	[sflag:s28] =	ssyncadd.s32 $0xFFFFFF80  }
0x8a: {  	s15 =	sadd.s32 s5, s9;
	s9 =	sadd.s32 s6, s9  }
0x8b: {  	[tilespmem:s29], [sflag:$0x6] =	stream.indirect.gather [hbm4b:s4+s21], $0x80, s21, s21, $0xb8;
	[tilespmem:$0x1C000] =	vst v63  }
0x8c: {  	_ = 	snop  }
0x8d: {  	[tilespmem:s30], [sflag:$0x4] =	stream.linear.gather [hbm4b:s15+s3], $0x80, $0x38;
	[tilespmem:$0x1C000] =	vst v63  }
0x8e: {  	_ = 	snop  }
0x8f: {  	[tilespmem:s31], [sflag:$0x4] =	stream.linear.gather [hbm4b:s9+s3], $0x80, $0x38;
	[tilespmem:$0x1C000] =	vst v63  }
0x90: {  	_ =	swait.ge [sflag:s0], $0x4000  }
0x91: {  	[sflag:s0] =	ssyncset.done $0x0  }
0x92: {  	[sflag:s0] =	ssyncadd.s32 $0xFFFFC000  }
0x93: {  	[spmem:s2] =	stream.indirect.scatter.add.f32 [tilespmem:s26], [sflag:$0x7], $0x80, s22, s21, $0xb8;
	[tilespmem:$0x1C000] =	vst v63  }
0x94: {  	_ =	swait.ge [sflag:s1], $0x4000  }
0x95: {  	s12 =	simm.s32 $0x100;
	p2 =	seq.s32 s13, $0x2600;
	[sflag:s1] =	ssyncset.done $0x0  }
0x96: {  	s15 =	sadd.s32 @!p2 $0x280, s13;
	s9 =	sadd.s32 @!p2 $0x200, s13;
	[sflag:s1] =	ssyncadd.s32 $0xFFFFC000  }
0x97: {  	s18 =	sand.u32 @!p2 $0x7C00, s15;
	s17 =	sand.u32 @!p2 $0x7C00, s9;
	_ =	swait.ge [sflag:s24], $0x80  }
0x98: {  	s18 =	sadd.s32 @!p2 s7, s18;
	s17 =	sadd.s32 @!p2 s7, s17;
	[sflag:s24] =	ssyncset.done $0x0  }
0x99: {  	s19 =	sand.u32 @!p2 $0x280, s15;
	s9 =	sand.u32 @!p2 $0x200, s9;
	[sflag:s24] =	ssyncadd.s32 $0xFFFFFF80  }
0x9a: {  	s15 =	simm.s32 @!p2 $0x0;
	s9 =	sor.u32 @!p2 s9, s17;
	_ =	swait.ge [sflag:s24], $0x80  }
0x9b: {  	s13 =	sadd.s32 @!p2 $0x300, s13;
	s9 =	sshrl.u32 @!p2 s9, $0x3;
	[sflag:s24] =	ssyncset.done $0x0  }
0x9c: {  	s17 =	sadd.s32 @!p2 s5, s9;
	s9 =	sadd.s32 @!p2 s6, s9;
	[sflag:s24] =	ssyncadd.s32 $0xFFFFFF80  }
0x9d: {  	[tilespmem:s26], [sflag:$0x5] =	stream.indirect.gather [hbm4b:s4+s21], $0x80, s12, s21, $0xb8;
	[tilespmem:$0x1C000] =	vst v63  }
0x9e: {  	s25 =	simm.s32 @!p2 $0x200;
	s18 =	sor.u32 @!p2 s19, s18;
	s19 =	sand.u32 @!p2 $0x7C00, s13  }
0x9f: {  	[tilespmem:s15], [sflag:$0x1] =	stream.linear.gather @!p2 [hbm4b:s17+s15], $0x80, $0x38;
	[tilespmem:$0x1C000] =	vst v63  }
0xa0: {  	s13 =	sand.u32 @!p2 $0x300, s13;
	s17 =	sshrl.u32 @!p2 s18, $0x3;
	s18 =	sadd.s32 @!p2 s7, s19  }
0xa1: {  	[tilespmem:s25], [sflag:$0x1] =	stream.linear.gather @!p2 [hbm4b:s9+s15], $0x80, $0x38;
	[tilespmem:$0x1C000] =	vst v63  }
0xa2: {  	s19 =	sadd.s32 @!p2 s6, s17;
	s9 =	sadd.s32 @!p2 s5, s17;
	_ =	swait.ge [sflag:s8], $0x4000  }
0xa3: {  	s17 =	sor.u32 @!p2 s13, s18;
	s13 =	smov.u32 s16;
	[sflag:s8] =	ssyncset.done $0x0  }
0xa4: {  	s16 =	sshrl.u32 @!p2 s17, $0x3;
	[sflag:s8] =	ssyncadd.s32 $0xFFFFC000  }
0xa5: {  	[spmem:s2] =	stream.indirect.scatter.add.f32 [tilespmem:s29], [sflag:$0x8], $0x80, s23, s21, $0xb8;
	[tilespmem:$0x1C000] =	vst v63  }
0xa6: {  	s17 =	sadd.s32 @!p2 s5, s16;
	s16 =	sadd.s32 @!p2 s6, s16;
	_ =	swait.ge [sflag:s10], $0x4000  }
0xa7: {  	[sflag:s10] =	ssyncset.done $0x0  }
0xa8: {  	[sflag:s10] =	ssyncadd.s32 $0xFFFFC000  }
0xa9: {  	_ =	swait.ge [sflag:s11], $0x80  }
0xaa: {  	[sflag:s11] =	ssyncset.done $0x0  }
0xab: {  	[sflag:s11] =	ssyncadd.s32 $0xFFFFFF80  }
0xac: {  	s18 =	simm.s32 @p2 $0x5;
	_ =	swait.ge [sflag:s11], $0x80  }
0xad: {  	[sflag:s11] =	ssyncset.done $0x0  }
0xae: {  	[sflag:s11] =	ssyncadd.s32 $0xFFFFFF80  }
0xaf: {  	[tilespmem:s29], [sflag:$0x6] =	stream.indirect.gather [hbm4b:s4+s21], $0x80, s30, s21, $0xb8;
	[tilespmem:$0x1C000] =	vst v63  }
0xb0: {  	s12 =	simm.s32 @p2 $0x400;
	s25 =	simm.s32 @p2 $0x300;
	_ =	swait.ge @p2 [sflag:s18], $0x4000  }
0xb1: {  	s20 =	simm.s32 @p2 $0x7;
	[sflag:s18] =	ssyncset.done @p2 $0x0  }
0xb2: {  	[sflag:s18] =	ssyncadd.s32 @p2 $0xFFFFC000;
	s18 =	simm.s32 @p2 $0x80  }
0xb3: {  	[spmem:s2] =	stream.indirect.scatter.add.f32 @p2 [tilespmem:s12], [sflag:$0x7], $0x80, s25, s18, $0xb8;
	[tilespmem:$0x1C000] =	vst v63  }
0xb4: {  	s12 =	simm.s32 @!p2 $0x80;
	_ =	swait.ge @p2 [sflag:s20], $0x4000  }
0xb5: {  	[sflag:s20] =	ssyncset.done @p2 $0x0  }
0xb6: {  	s18 =	simm.s32 @!p2 $0x280;
	[sflag:s20] =	ssyncadd.s32 @p2 $0xFFFFC000;
	s20 =	simm.s32 @!p2 $0x5  }
0xb7: {  	[tilespmem:s12], [sflag:$0x2] =	stream.linear.gather @!p2 [hbm4b:s9+s15], $0x80, $0x38;
	[tilespmem:$0x1C000] =	vst v63  }
0xb8: {  	_ = 	snop  }
0xb9: {  	[tilespmem:s18], [sflag:$0x2] =	stream.linear.gather @!p2 [hbm4b:s19+s15], $0x80, $0x38;
	[tilespmem:$0x1C000] =	vst v63  }
0xba: {  	s9 =	simm.s32 @!p2 $0x300;
	s18 =	simm.s32 @!p2 $0x400;
	_ =	swait.ge @!p2 [sflag:s20], $0x4000  }
0xbb: {  	s19 =	simm.s32 @!p2 $0x7;
	[sflag:s20] =	ssyncset.done @!p2 $0x0  }
0xbc: {  	[sflag:s20] =	ssyncadd.s32 @!p2 $0xFFFFC000  }
0xbd: {  	[spmem:s2] =	stream.indirect.scatter.add.f32 @!p2 [tilespmem:s18], [sflag:$0x7], $0x80, s9, s12, $0xb8;
	[tilespmem:$0x1C000] =	vst v63  }
0xbe: {  	s20 =	simm.s32 @!p2 $0x1;
	_ =	swait.ge @!p2 [sflag:s19], $0x4000  }
0xbf: {  	[sflag:s19] =	ssyncset.done @!p2 $0x0  }
0xc0: {  	[sflag:s19] =	ssyncadd.s32 @!p2 $0xFFFFC000  }
0xc1: {  	_ =	swait.ge @!p2 [sflag:s20], $0x80  }
0xc2: {  	[sflag:s20] =	ssyncset.done @!p2 $0x0  }
0xc3: {  	[sflag:s20] =	ssyncadd.s32 @!p2 $0xFFFFFF80  }
0xc4: {  	_ =	swait.ge @!p2 [sflag:s20], $0x80  }
0xc5: {  	[sflag:s20] =	ssyncset.done @!p2 $0x0  }
0xc6: {  	s19 =	simm.s32 @!p2 $0x100;
	[sflag:s20] =	ssyncadd.s32 @!p2 $0xFFFFFF80  }
0xc7: {  	[tilespmem:s18], [sflag:$0x5] =	stream.indirect.gather @!p2 [hbm4b:s4+s12], $0x80, s15, s12, $0xb8;
	[tilespmem:$0x1C000] =	vst v63  }
.Ltmp0:
0xc8: {  	_ = 	snop;
	(pc) =	sbr.rel @p1 .LBB2_2-.Ltmp0, $4  }
0xc9: {  	_ = 	snop  }
0xca: {  	[tilespmem:s19], [sflag:$0x3] =	stream.linear.gather @!p2 [hbm4b:s17+s15], $0x80, $0x38;
	[tilespmem:$0x1C000] =	vst v63  }
0xcb: {  	_ = 	snop  }
0xcc: {  	[tilespmem:s9], [sflag:$0x3] =	stream.linear.gather @!p2 [hbm4b:s16+s15], $0x80, $0x38;
	[tilespmem:$0x1C000] =	vst v63  }
0xcd: {  	_ =	swait.ge [sflag:s8], $0x4000  }
0xce: {  	[sflag:s8] =	ssyncset.done $0x0  }
0xcf: {  	s9 =	simm.s32 @!p0 $0x8;
	[sflag:s8] =	ssyncadd.s32 $0xFFFFC000  }
0xd0: {  	[spmem:s2] =	stream.indirect.scatter.add.f32 [tilespmem:s29], [sflag:$0x8], $0x80, s31, s21, $0xb8;
	[tilespmem:$0x1C000] =	vst v63  }
0xd1: {  	_ =	swait.ge @!p0 [sflag:s9], $0x4000  }
0xd2: {  	[sflag:s9] =	ssyncset.done @!p0 $0x0  }
0xd3: {  	[sflag:s9] =	ssyncadd.s32 @!p0 $0xFFFFC000  }
0xd4: {  	_ =	swait.ge [sflag:s28], $0x80  }
0xd5: {  	s16 =	sand.u32 $0x3C00, s13;
	[sflag:s28] =	ssyncset.done $0x0  }
0xd6: {  	s12 =	sand.u32 $0x200, s13;
	s9 =	sadd.s32 s7, s16;
	[sflag:s28] =	ssyncadd.s32 $0xFFFFFF80  }
0xd7: {  	s9 =	sor.u32 s9, s12;
	_ =	swait.ge [sflag:s28], $0x80  }
0xd8: {  	s9 =	sor.u32 $0x180, s9;
	[sflag:s28] =	ssyncset.done $0x0  }
0xd9: {  	s9 =	sshrl.u32 s9, $0x3;
	[sflag:s28] =	ssyncadd.s32 $0xFFFFFF80  }
0xda: {  	[tilespmem:s29], [sflag:$0x6] =	stream.indirect.gather [hbm4b:s4+s21], $0x80, s21, s21, $0xb8;
	[tilespmem:$0x1C000] =	vst v63  }
0xdb: {  	s17 =	sadd.s32 s5, s9  }
0xdc: {  	[tilespmem:s30], [sflag:$0x4] =	stream.linear.gather [hbm4b:s17+s3], $0x80, $0x38;
	[tilespmem:$0x1C000] =	vst v63  }
0xdd: {  	s9 =	sadd.s32 s6, s9  }
0xde: {  	[tilespmem:s31], [sflag:$0x4] =	stream.linear.gather [hbm4b:s9+s3], $0x80, $0x38;
	[tilespmem:$0x1C000] =	vst v63  }
0xdf: {  	_ =	swait.ge [sflag:s0], $0x4000  }
0xe0: {  	[sflag:s0] =	ssyncset.done $0x0  }
0xe1: {  	[sflag:s0] =	ssyncadd.s32 $0xFFFFC000  }
0xe2: {  	[spmem:s2] =	stream.indirect.scatter.add.f32 [tilespmem:s26], [sflag:$0x7], $0x80, s22, s21, $0xb8;
	[tilespmem:$0x1C000] =	vst v63  }
0xe3: {  	_ =	swait.ge [sflag:s1], $0x4000  }
0xe4: {  	[sflag:s1] =	ssyncset.done $0x0  }
0xe5: {  	[sflag:s1] =	ssyncadd.s32 $0xFFFFC000  }
0xe6: {  	p0 =	seq.s32 s13, $0x2600;
	_ =	swait.ge [sflag:s24], $0x80  }
0xe7: {  	s9 =	sadd.s32 @!p0 $0x200, s13;
	[sflag:s24] =	ssyncset.done $0x0  }
0xe8: {  	s12 =	sand.u32 @!p0 $0x7C00, s9;
	[sflag:s24] =	ssyncadd.s32 $0xFFFFFF80  }
0xe9: {  	s9 =	sand.u32 @!p0 $0x200, s9;
	s12 =	sadd.s32 @!p0 s7, s12;
	_ =	swait.ge [sflag:s24], $0x80  }
0xea: {  	s9 =	sor.u32 @!p0 s9, s12;
	[sflag:s24] =	ssyncset.done $0x0  }
0xeb: {  	s18 =	simm.s32 $0x100;
	s9 =	sshrl.u32 @!p0 s9, $0x3;
	[sflag:s24] =	ssyncadd.s32 $0xFFFFFF80  }
0xec: {  	[tilespmem:s26], [sflag:$0x5] =	stream.indirect.gather [hbm4b:s4+s21], $0x80, s18, s21, $0xb8;
	[tilespmem:$0x1C000] =	vst v63  }
0xed: {  	s14 =	simm.s32 @!p0 $0x0;
	s12 =	sadd.s32 @!p0 s5, s9  }
0xee: {  	[tilespmem:s14], [sflag:$0x1] =	stream.linear.gather @!p0 [hbm4b:s12+s14], $0x80, $0x38;
	[tilespmem:$0x1C000] =	vst v63  }
0xef: {  	s9 =	sadd.s32 @!p0 s6, s9;
	s12 =	simm.s32 @!p0 $0x200  }
0xf0: {  	[tilespmem:s12], [sflag:$0x1] =	stream.linear.gather @!p0 [hbm4b:s9+s14], $0x80, $0x38;
	[tilespmem:$0x1C000] =	vst v63  }
0xf1: {  	_ =	swait.ge [sflag:s8], $0x4000  }
0xf2: {  	[sflag:s8] =	ssyncset.done $0x0  }
0xf3: {  	[sflag:s8] =	ssyncadd.s32 $0xFFFFC000  }
0xf4: {  	[spmem:s2] =	stream.indirect.scatter.add.f32 [tilespmem:s29], [sflag:$0x8], $0x80, s23, s21, $0xb8;
	[tilespmem:$0x1C000] =	vst v63  }
0xf5: {  	_ =	swait.ge [sflag:s10], $0x4000  }
0xf6: {  	[sflag:s10] =	ssyncset.done $0x0  }
0xf7: {  	[sflag:s10] =	ssyncadd.s32 $0xFFFFC000  }
0xf8: {  	_ =	swait.ge [sflag:s11], $0x80  }
0xf9: {  	[sflag:s11] =	ssyncset.done $0x0  }
0xfa: {  	[sflag:s11] =	ssyncadd.s32 $0xFFFFFF80  }
0xfb: {  	_ =	swait.ge [sflag:s11], $0x80  }
0xfc: {  	[sflag:s11] =	ssyncset.done $0x0  }
0xfd: {  	s9 =	simm.s32 @p0 $0x5;
	[sflag:s11] =	ssyncadd.s32 $0xFFFFFF80  }
0xfe: {  	[tilespmem:s29], [sflag:$0x6] =	stream.indirect.gather [hbm4b:s4+s21], $0x80, s30, s21, $0xb8;
	[tilespmem:$0x1C000] =	vst v63  }
0xff: {  	s16 =	simm.s32 @p0 $0x300;
	_ =	swait.ge @p0 [sflag:s9], $0x4000  }
0x100: {  	s17 =	simm.s32 @p0 $0x400;
	s12 =	sadd.s32 @!p0 $0x280, s13;
	[sflag:s9] =	ssyncset.done @p0 $0x0  }
0x101: {  	s15 =	sand.u32 @!p0 $0x7C00, s12;
	[sflag:s9] =	ssyncadd.s32 @p0 $0xFFFFC000;
	s9 =	simm.s32 @p0 $0x80  }
0x102: {  	[spmem:s2] =	stream.indirect.scatter.add.f32 @p0 [tilespmem:s17], [sflag:$0x7], $0x80, s16, s9, $0xb8;
	[tilespmem:$0x1C000] =	vst v63  }
0x103: {  	s12 =	sand.u32 @!p0 $0x280, s12;
	s9 =	sadd.s32 @!p0 s7, s15;
	s15 =	simm.s32 @p0 $0x7  }
0x104: {  	s9 =	sor.u32 @!p0 s12, s9;
	_ =	swait.ge @p0 [sflag:s15], $0x4000  }
0x105: {  	s9 =	sshrl.u32 @!p0 s9, $0x3;
	[sflag:s15] =	ssyncset.done @p0 $0x0  }
0x106: {  	s16 =	simm.s32 @!p0 $0x80;
	s12 =	sadd.s32 @!p0 s5, s9;
	[sflag:s15] =	ssyncadd.s32 @p0 $0xFFFFC000  }
0x107: {  	[tilespmem:s16], [sflag:$0x2] =	stream.linear.gather @!p0 [hbm4b:s12+s14], $0x80, $0x38;
	[tilespmem:$0x1C000] =	vst v63  }
0x108: {  	s9 =	sadd.s32 @!p0 s6, s9;
	s15 =	simm.s32 @!p0 $0x5;
	s12 =	simm.s32 @!p0 $0x280  }
0x109: {  	[tilespmem:s12], [sflag:$0x2] =	stream.linear.gather @!p0 [hbm4b:s9+s14], $0x80, $0x38;
	[tilespmem:$0x1C000] =	vst v63  }
0x10a: {  	_ =	swait.ge @!p0 [sflag:s15], $0x4000  }
0x10b: {  	s17 =	simm.s32 @!p0 $0x7;
	[sflag:s15] =	ssyncset.done @!p0 $0x0  }
0x10c: {  	s9 =	simm.s32 @!p0 $0x300;
	s12 =	simm.s32 @!p0 $0x400;
	[sflag:s15] =	ssyncadd.s32 @!p0 $0xFFFFC000  }
0x10d: {  	[spmem:s2] =	stream.indirect.scatter.add.f32 @!p0 [tilespmem:s12], [sflag:$0x7], $0x80, s9, s16, $0xb8;
	[tilespmem:$0x1C000] =	vst v63  }
0x10e: {  	_ =	swait.ge @!p0 [sflag:s17], $0x4000  }
0x10f: {  	[sflag:s17] =	ssyncset.done @!p0 $0x0  }
0x110: {  	s15 =	simm.s32 @!p0 $0x1;
	[sflag:s17] =	ssyncadd.s32 @!p0 $0xFFFFC000  }
0x111: {  	_ =	swait.ge @!p0 [sflag:s15], $0x80  }
0x112: {  	s13 =	sadd.s32 @!p0 $0x300, s13;
	[sflag:s15] =	ssyncset.done @!p0 $0x0  }
0x113: {  	s17 =	sand.u32 @!p0 $0x7C00, s13;
	[sflag:s15] =	ssyncadd.s32 @!p0 $0xFFFFFF80  }
0x114: {  	s13 =	sand.u32 @!p0 $0x300, s13;
	s17 =	sadd.s32 @!p0 s7, s17;
	_ =	swait.ge @!p0 [sflag:s15], $0x80  }
0x115: {  	s13 =	sor.u32 @!p0 s13, s17;
	[sflag:s15] =	ssyncset.done @!p0 $0x0  }
0x116: {  	s13 =	sshrl.u32 @!p0 s13, $0x3;
	[sflag:s15] =	ssyncadd.s32 @!p0 $0xFFFFFF80  }
0x117: {  	[tilespmem:s12], [sflag:$0x5] =	stream.indirect.gather @!p0 [hbm4b:s4+s16], $0x80, s14, s16, $0xb8;
	[tilespmem:$0x1C000] =	vst v63  }
0x118: {  	s15 =	simm.s32 @!p0 $0x100;
	s12 =	sadd.s32 @!p0 s5, s13  }
0x119: {  	[tilespmem:s15], [sflag:$0x3] =	stream.linear.gather @!p0 [hbm4b:s12+s14], $0x80, $0x38;
	[tilespmem:$0x1C000] =	vst v63  }
0x11a: {  	s12 =	sadd.s32 @!p0 s6, s13  }
0x11b: {  	[tilespmem:s9], [sflag:$0x3] =	stream.linear.gather @!p0 [hbm4b:s12+s14], $0x80, $0x38;
	[tilespmem:$0x1C000] =	vst v63  }
0x11c: {  	_ =	swait.ge [sflag:s8], $0x4000  }
0x11d: {  	[sflag:s8] =	ssyncset.done $0x0  }
0x11e: {  	[sflag:s8] =	ssyncadd.s32 $0xFFFFC000  }
0x11f: {  	[spmem:s2] =	stream.indirect.scatter.add.f32 [tilespmem:s29], [sflag:$0x8], $0x80, s31, s21, $0xb8;
	[tilespmem:$0x1C000] =	vst v63  }
0x120: {  	_ =	swait.ge [sflag:s10], $0x4000  }
0x121: {  	[sflag:s10] =	ssyncset.done $0x0  }
0x122: {  	[sflag:s10] =	ssyncadd.s32 $0xFFFFC000  }
0x123: {  	[bflag:$0x0] =	sbarrier.arrive $0xFFFF  }
0x124: {  	s12 =	rddreg [dreg:$0x4]  }
0x125: {  	s19 =	rddreg [dreg:$0xb]  }
0x126: {  	s14 =	simm.s32 $0x9;
	s13 =	rddreg [dreg:$0xd]  }
0x127: {  	[hbm:s19], [sflag:s12] =	dma.local [spmem:s13], $0x2780  }
0x128: {  	_ =	swait.ge [sflag:s14], $0x2780  }
0x129: {  	s20 =	rddreg [dreg:$0xe]  }
0x12a: {  	s25 =	rddreg [dreg:$0xc];
	s15 =	sadd.s32 $0x1, s20  }
0x12b: {  	p0 =	sne.s32 s15, s25  }
.Ltmp1:
0x12c: {  	_ = 	snop;
	(pc) =	sbr.rel @p0 .LBB2_1-.Ltmp1, $3  }
0x12d: {  	_ =	sdelay $0x1  }
0x12e: {  	[sflag:s14] =	ssyncset.done $0x0  }
0x12f: {  	[sflag:s14] =	ssyncadd.s32 $0xFFFFD880  }
0x130: {  	_ =	sfence.sel $0x180000  }
0x131: {  	[bflag:$0x0] =	sbarrier.arrive $0xFFFF  }
0x132: {  	_ =	strace $0x90000047  }
0x133: {  	s0 =	stileid.u32;
	[bflag:$0x2] =	sbarrier.arrive $0xFFFF  }
0x134: {  	p0 =	sne.s32 s0, $0x0;
	s0 =	rddreg [dreg:$0x2]  }
0x135: {  	s0 =	sadd.s32 @!p0 $0x100000, s0  }
0x136: {  	[sflag:s0] =	ssyncadd.tile.s32 @!p0 $0x1;
	_ =	shalt  }
.Lfunc_end2:
_tile_overlayer_lowered:
.L_overlay_start_2:
0x137: {  	(tag) =	ssettag $0x2  }
0x138: {  	s0 =	rddreg [dreg:$0x0];
	s2 =	stileid.u32  }
0x139: {  	s1 =	rddreg [dreg:$0x1];
	p0 =	sne.s32 s2, $0x0  }
0x13a: {  	s3 =	rddreg [dreg:$0x2];
	[bflag:$0x3] =	sbarrier.arrive $0xFFFF;
	s2 =	simm.s32 @!p0 $0x1C09  }
0x13b: {  	[timem:s3], [sflag:s2] =	dma.local @!p0 [hbm:s0], s1  }
0x13c: {  	s0 =	simm.s32 @!p0 $0x9  }
0x13d: {  	_ =	swait.ge @!p0 [sflag:s0], s1  }
0x13e: {  	s1 =	ssub.s32 @!p0 $0x0, s1;
	[sflag:s0] =	ssyncset.done @!p0 $0x0  }
0x13f: {  	[sflag:s0] =	ssyncadd.s32 @!p0 s1  }
0x140: {  	[bflag:$0x3] =	sbarrier.arrive $0xFFFF  }
0x141: {  	_ =	shalt  }

// kernel: kernel.13.cloned.1.call-start
scs
__scs_entry_jumppad:
0x0: {  	(pc) =	sbr.rel $0x88, $3  }
0x1: {  	(tag) =	ssettag $0x0;
	lr =	simm.s32 $0x1  }
0x2: {  	[smem:$0x3F95] =	sst lr;
	_ =	strace $0xD0000000  }
0x3: {  	_ = 	snop  }
0x4: {  	_ = 	snop  }
0x5: {  	_ = 	snop  }
0x6: {  	_ = 	snop  }
0x7: {  	_ = 	snop  }
__scs_overlays_trampoline_lowered:
0x8: {  	[smem:$0x3FA4] =	sst s0  }
0x9: {  	[smem:$0x3FA5] =	sst s1  }
0xa: {  	[smem:$0x3FA6] =	sst s2  }
0xb: {  	[smem:$0x3FA7] =	sst s3  }
0xc: {  	[smem:$0x3FA8] =	sst s4  }
0xd: {  	[smem:$0x3FA9] =	sst s5  }
0xe: {  	[smem:$0x3FAA] =	sst s6  }
0xf: {  	[smem:$0x3FAB] =	sst s7  }
0x10: {  	[smem:$0x3FAC] =	sst s8  }
0x11: {  	[smem:$0x3FAD] =	sst s9;
	s0 =	simm.s32 @!p0 $0x0  }
0x12: {  	s1 =	sld [smem:$0x3F93];
	s0 =	simm.s32 @p0 $0x1  }
0x13: {  	[smem:$0x3FAE] =	sst s0;
	s0 =	simm.s32 @!p1 $0x0  }
0x14: {  	s2 =	sld [smem:$0x3F92];
	s0 =	simm.s32 @p1 $0x1  }
0x15: {  	[smem:$0x3FAF] =	sst s0;
	s0 =	simm.s32 @!p2 $0x0  }
0x16: {  	s3 =	sld [smem:$0x3FDB];
	s0 =	simm.s32 @p2 $0x1  }
0x17: {  	s4 =	simm.s32 $0x1BF5;
	[smem:$0x3FB1] =	sst s0  }
0x18: {  	s0 =	sld [smem:$0x3F94];
	_ =	swait.ge [sflag:s4], $0x0  }
0x19: {  	s7 =	sld [smem:$0x3F95]  }
0x1a: {  	s8 =	sadd.s32 $0xFFFFE003, lr  }
0x1b: {  	s9 =	sadd.s32 $0xFFFFFEF7, lr;
	s5 =	simm.s32 $0xFFFFFFFF;
	p2 =	slt.u32 s8, $0xFFFFF086  }
0x1c: {  	p1 =	slt.u32 s9, $0xF7A;
	s5 =	simm.s32 @!p2 $0x0  }
0x1d: {  	s5 =	simm.s32 @p1 $0x1;
	p0 =	seq.s32 s7, s2  }
0x1e: {  	s7 =	smul.u32 @!p0 $0xF7A, s2;
	p2 =	seq.s32 @!p0 s5, $0x0  }
0x1f: {  	s9 =	smul.u32 $0xF7A, s1;
	s8 =	simm.s32 @!p0 $0x1BF5;
	p2 =	por !p2, p0  }
0x20: {  	[sflag:s8] =	ssyncset.s32 @!p0 $0xFFFFF086;
	s6 =	sadd.s32 @!p0 s3, s7;
	s7 =	simm.s32 @!p0 $0x108  }
0x21: {  	s3 =	sadd.s32 s3, s9;
	s6 =	sadd.s32 @!p0 $0x88, s6;
	s7 =	simm.s32 @p2 $0x1082  }
0x22: {  	[simem:s7], [sflag:s8] =	dma.local @!p0 [hbm:s6], $0xF7A  }
0x23: {  	s9 =	sor.u32 $0xD0000000, s2;
	s6 =	simm.s32 $0x108;
	_ =	swait.ge @!p0 [sflag:s8], $0x0  }
0x24: {  	s3 =	sadd.s32 $0x88, s3;
	s6 =	simm.s32 @!p1 $0x1082;
	[sflag:s4] =	ssyncset.s32 $0xFFFFF086  }
0x25: {  	[simem:s6], [sflag:s4] =	dma.local [hbm:s3], $0xF7A  }
0x26: {  	[smem:$0x3F95] =	sst s1;
	(tag) =	ssettag s2;
	_ =	strace s9  }
0x27: {  	s1 =	sld [smem:$0x3FA5]  }
0x28: {  	s2 =	sld [smem:$0x3FA6]  }
0x29: {  	s4 =	sld [smem:$0x3FA8]  }
0x2a: {  	p0 =	seq.s32 s5, $0x0;
	s5 =	sld [smem:$0x3FA9]  }
0x2b: {  	s6 =	sld [smem:$0x3FAA]  }
0x2c: {  	s7 =	sld [smem:$0x3FAB]  }
0x2d: {  	s3 =	simm.s32 $0x108;
	s8 =	sld [smem:$0x3FAC]  }
0x2e: {  	s3 =	simm.s32 @!p0 $0x1082;
	s9 =	sld [smem:$0x3FAD]  }
0x2f: {  	lr =	sadd.s32 s0, s3;
	s0 =	sld [smem:$0x3FA4]  }
0x30: {  	s3 =	sld [smem:$0x3FA7]  }
0x31: {  	[smem:$0x3FB0] =	sst s10  }
0x32: {  	s10 =	sld [smem:$0x3FAE];
	_ =	sdelay $0x3  }
0x33: {  	p0 =	seq.s32 s10, $0x1;
	s10 =	sld [smem:$0x3FB0];
	_ =	sdelay $0x3  }
0x34: {  	[smem:$0x3FB0] =	sst s10  }
0x35: {  	s10 =	sld [smem:$0x3FAF];
	_ =	sdelay $0x3  }
0x36: {  	p1 =	seq.s32 s10, $0x1;
	s10 =	sld [smem:$0x3FB0];
	_ =	sdelay $0x3  }
0x37: {  	[smem:$0x3FB0] =	sst s10  }
0x38: {  	s10 =	sld [smem:$0x3FB1]  }
0x39: {  	_ = 	snop;
	(pc) =	sbr.ind lr, $3  }
0x3a: {  	_ = 	snop  }
0x3b: {  	_ = 	snop  }
0x3c: {  	p2 =	seq.s32 s10, $0x1;
	s10 =	sld [smem:$0x3FB0]  }
0x3d: {  	_ =	shalt  }
0x3e: {  	_ =	shalt  }
0x3f: {  	_ =	shalt  }
0x40: {  	_ =	shalt  }
0x41: {  	_ =	shalt  }
0x42: {  	_ =	shalt  }
0x43: {  	_ =	shalt  }
0x44: {  	_ =	shalt  }
0x45: {  	_ =	shalt  }
0x46: {  	_ =	shalt  }
0x47: {  	_ =	shalt  }
0x48: {  	_ =	shalt  }
0x49: {  	_ =	shalt  }
0x4a: {  	_ =	shalt  }
0x4b: {  	_ =	shalt  }
0x4c: {  	_ =	shalt  }
0x4d: {  	_ =	shalt  }
0x4e: {  	_ =	shalt  }
0x4f: {  	_ =	shalt  }
0x50: {  	_ =	shalt  }
0x51: {  	_ =	shalt  }
0x52: {  	_ =	shalt  }
0x53: {  	_ =	shalt  }
0x54: {  	_ =	shalt  }
0x55: {  	_ =	shalt  }
0x56: {  	_ =	shalt  }
0x57: {  	_ =	shalt  }
0x58: {  	_ =	shalt  }
0x59: {  	_ =	shalt  }
0x5a: {  	_ =	shalt  }
0x5b: {  	_ =	shalt  }
0x5c: {  	_ =	shalt  }
0x5d: {  	_ =	shalt  }
0x5e: {  	_ =	shalt  }
0x5f: {  	_ =	shalt  }
0x60: {  	_ =	shalt  }
0x61: {  	_ =	shalt  }
0x62: {  	_ =	shalt  }
0x63: {  	_ =	shalt  }
0x64: {  	_ =	shalt  }
0x65: {  	_ =	shalt  }
0x66: {  	_ =	shalt  }
0x67: {  	_ =	shalt  }
0x68: {  	_ =	shalt  }
0x69: {  	_ =	shalt  }
0x6a: {  	_ =	shalt  }
0x6b: {  	_ =	shalt  }
0x6c: {  	_ =	shalt  }
0x6d: {  	_ =	shalt  }
0x6e: {  	_ =	shalt  }
0x6f: {  	_ =	shalt  }
0x70: {  	_ =	shalt  }
0x71: {  	_ =	shalt  }
0x72: {  	_ =	shalt  }
0x73: {  	_ =	shalt  }
0x74: {  	_ =	shalt  }
0x75: {  	_ =	shalt  }
0x76: {  	_ =	shalt  }
0x77: {  	_ =	shalt  }
0x78: {  	_ =	shalt  }
0x79: {  	_ =	shalt  }
0x7a: {  	_ =	shalt  }
0x7b: {  	_ =	shalt  }
0x7c: {  	_ =	shalt  }
0x7d: {  	_ =	shalt  }
0x7e: {  	_ =	shalt  }
0x7f: {  	_ =	shalt  }
0x80: {  	_ =	shalt  }
0x81: {  	_ =	shalt  }
0x82: {  	_ =	shalt  }
0x83: {  	_ =	shalt  }
0x84: {  	_ =	shalt  }
0x85: {  	_ =	shalt  }
0x86: {  	_ =	shalt  }
0x87: {  	_ =	shalt  }
.Lfunc_end0:
.L_simem_size_0:
called_computation.1_lowered:
.L_overlay_start_0:
0x88: {  	s2 =	sld [smem:$0x3FD9]  }
0x89: {  	s3 =	sld [smem:$0x3FFE];
	_ =	sdelay $0x1  }
0x8a: {  	s1 =	srdreg.scid  }
0x8b: {  	s0 =	sand.u32 $0x1, s1  }
0x8c: {  	s16 =	sshll.u32 s0, $0xA;
	s2 =	sadd.s32 s3, s2  }
0x8d: {  	s2 =	sadd.s32 s2, s16  }
0x8e: {  	[smem:$0x3FBC] =	sst s2  }
0x8f: {  	_ = 	snop  }
0x90: {  	(tm) =	ssettm $0x1  }
0x91: {  	s17 =	sld [smem:$0x3FFB];
	_ =	sdelay $0x3  }
0x92: {  	_ =	strace s17  }
0x93: {  	s2 =	sld [smem:$0x3FFC];
	_ =	sdelay $0x3  }
0x94: {  	_ =	strace s2  }
0x95: {  	s2 =	sld [smem:$0x3FFD];
	_ =	sdelay $0x3  }
0x96: {  	_ =	strace s2  }
0x97: {  	_ =	strace $0x8FFFFFFF  }
0x98: {  	s18 =	sld [smem:$0x3FDB];
	_ =	sdelay $0x1  }
0x99: {  	s19 =	simm.s32 $_scs_section_size  }
0x9a: {  	s4 =	simm.s32 $_size__tile_overlayer_lowered;
	s5 =	simm.s32 $_tile_overlayer_lowered  }
0x9b: {  	s22 =	simm.s32 $0x1BFF;
	s21 =	sshll.u32 s5, $0x1;
	s2 =	sadd.s32 s19, s18  }
0x9c: {  	s6 =	simm.s32 $0x0;
	s20 =	sshll.u32 s4, $0x1;
	s4 =	sadd.s32 s21, s2  }
0x9d: {  	[timem:s6], [sflag:s22] =	dma.local [hbm:s4], s20  }
0x9e: {  	_ =	swait.ge [sflag:s22], s20  }
0x9f: {  	s3 =	ssub.s32 $0x0, s20;
	[sflag:s22] =	ssyncset.done $0x0  }
0xa0: {  	[sflag:s22] =	ssyncadd.s32 s3;
	_ =	sdelay $0x1  }
0xa1: {  	s23 =	simm.s32 $0x1B8B  }
0xa2: {  	_ =	swait.ge [sflag:s23], $0x1  }
0xa3: {  	[sflag:s23] =	ssyncset.done $0x0  }
0xa4: {  	s25 =	simm.s32 $0x1B8E;
	s24 =	sld [smem:$0x3FFE];
	[sflag:s23] =	ssyncadd.s32 $0xFFFFFFFF  }
0xa5: {  	s26 =	simm.s32 $execute0_lowered;
	[smem:$0x3FD2] =	sst s25  }
0xa6: {  	s4 =	sshll.u32 s26, $0x1;
	_ =	strace $0x80000049;
	[dreg:$0x1] =	wrdreg $0xFFFFFFFF  }
0xa7: {  	s28 =	simm.s32 $_size_execute0_lowered;
	s2 =	sadd.s32 s2, s4;
	[dreg:$0x0] =	wrdreg $0x0  }
0xa8: {  	s4 =	sshll.u32 s28, $0x1;
	[dreg:$0x2] =	wrdreg s2  }
0xa9: {  	[dreg:$0x3] =	wrdreg s4  }
0xaa: {  	[dreg:$0x4] =	wrdreg $0xC0  }
0xab: {  	_ =	task [dreg:s6], $0x5FFFF  }
0xac: {  	[dreg:$0x1] =	wrdreg $0xFFFFFFFF  }
0xad: {  	[dreg:$0x0] =	wrdreg $0x60  }
0xae: {  	[dreg:$0x2] =	wrdreg s24  }
0xaf: {  	[dreg:$0x3] =	wrdreg $0x84000  }
0xb0: {  	[dreg:$0x4] =	wrdreg $0x9  }
0xb1: {  	_ =	task.clear_ibuf [dreg:s6], $0x5FFFF;
	_ =	strace $0x90000049  }
0xb2: {  	s29 =	simm.s32 $0x9;
	_ =	strace $0x8000004B  }
0xb3: {  	_ =	swait.ge [sflag:s29], $0x1  }
0xb4: {  	[sflag:s29] =	ssyncadd.s32 $0xFFFFFFFF  }
0xb5: {  	_ =	strace $0x9000004B  }
0xb6: {  	_ =	sfence  }
0xb7: {  	s30 =	sld [smem:$0x0];
	_ =	sdelay $0x2  }
0xb8: {  	s31 =	sshll.u32 s1, $0xD;
	s1 =	sshrl.u32 s1, $0x2  }
0xb9: {  	s3 =	sand.u32 $0x4000, s31;
	s1 =	sadd.s32 s1, s30  }
0xba: {  	s0 =	sor.u32 s3, s0;
	s1 =	sshll.u32 s1, $0x11  }
0xbb: {  	s0 =	sor.u32 s1, s0  }
0xbc: {  	s0 =	sadd.s32 $0x8F2B, s0  }
0xbd: {  	[sflag:s0] =	ssyncadd.remote.s32 $0x1  }
0xbe: {  	_ =	sfence.sel $0xFFFF  }
0xbf: {  	[dreg:$0x0] =	wrdreg $0xFFFFFFFF;
	(pc) =	sbr.abs _section_cstart, $3  }
0xc0: {  	[dreg:$0x1] =	wrdreg $0xFFFFFFFF  }
0xc1: {  	_ =	task.clear_ibuf [dreg:s6], $0x2FFFF;
	_ =	strace $0x9FFFFFFF  }
0xc2: {  	(tm) =	ssettm $0x7FFFFFFF  }
0xc3: {  	_ =	shalt  }
tec
execute0_lowered:
.L_overlay_start_1:
0x0: {  	(tag) =	ssettag $0x1  }
0x1: {  	s0 =	rddreg [dreg:$0x0]  }
0x2: {  	s2 =	rddreg [dreg:$0x1];
	s3 =	simm.s32 $0x0;
	s11 =	stileid.u32  }
0x3: {  	s1 =	srdreg.scid;
	s28 =	simm.s32 $0x2;
	s29 =	simm.s32 $0x4400  }
0x4: {  	s30 =	simm.s32 $0x180;
	s31 =	simm.s32 $0x380;
	[smem:$0x7FF] =	sst s3  }
0x5: {  	s7 =	smul.u32 $0x2780, s11;
	s1 =	sand.u32 $0x1, s1;
	s4 =	sadd.s32 $0x49200, s0  }
0x6: {  	s5 =	sadd.s32 $0xDA00, s0;
	s6 =	sadd.s32 $0x17A00, s0;
	s14 =	smul.u32 $0x4F000, s11  }
0x7: {  	s17 =	sshll.u32 s11, $0x6;
	_ =	strace $0x8000004A;
	s8 =	smul.u32 $0x27800, s1  }
0x8: {  	s10 =	sshll.u32 s1, $0x4;
	s1 =	ssub.s32 $0x2, s1;
	s12 =	sor.u32 $0x1C09, s17  }
0x9: {  	s9 =	sadd.s32 s7, s0;
	s15 =	sor.u32 s11, s10;
	s16 =	sshrl.u32 s1, $0x1  }
0xa: {  	s11 =	simm.s32 $0x4;
	[dreg:$0x4] =	wrdreg s12;
	s7 =	sadd.s32 s7, s8  }
0xb: {  	s8 =	sshrl.u32 s14, $0x2;
	s1 =	ssub.s32 s1, s16;
	s9 =	sadd.s32 $0x21A00, s9  }
0xc: {  	s14 =	simm.s32 $0x9;
	s0 =	sadd.s32 s7, s0;
	s7 =	smul.u32 $0x2800, s15  }
0xd: {  	s8 =	sadd.s32 s8, s2;
	[dreg:$0x3] =	wrdreg s9;
	s26 =	smax.u32 s1, $0x1  }
0xe: {  	s1 =	simm.s32 $0x7;
	s0 =	sadd.s32 $0x70A00, s0;
	[dreg:$0xc] =	wrdreg s26  }
0xf: {  	s13 =	sshrl.u32 s8, $0x3;
	s18 =	sshrl.u32 s7, $0x3;
	[dreg:$0xb] =	wrdreg s0  }
0x10: {  	s15 =	simm.s32 $0x0;
	[dreg:$0xd] =	wrdreg s13;
	s19 =	sadd.s32 s5, s18  }
0x11: {  	s20 =	sadd.s32 s6, s18;
	s21 =	sor.u32 $0x10, s18;
	[dreg:$0x5] =	wrdreg s19  }
0x12: {  	s26 =	simm.s32 $0x400;
	[dreg:$0x6] =	wrdreg s20;
	s22 =	sadd.s32 s5, s21  }
0x13: {  	s10 =	sor.u32 $0x20, s18;
	s23 =	sadd.s32 s6, s21;
	[dreg:$0x7] =	wrdreg s22  }
0x14: {  	s8 =	simm.s32 $0x6;
	s24 =	sadd.s32 s5, s10;
	[dreg:$0x8] =	wrdreg s23  }
0x15: {  	s0 =	simm.s32 $0x5;
	s25 =	sadd.s32 s6, s10;
	[dreg:$0x9] =	wrdreg s24  }
0x16: {  	s21 =	simm.s32 $0x80;
	s10 =	simm.s32 $0x8;
	[dreg:$0xa] =	wrdreg s25  }
0x17: {  	s24 =	simm.s32 $0x3;
	s22 =	simm.s32 $0x200;
	s23 =	simm.s32 $0x280  }
.LBB2_1:
0x18: {  	[dreg:$0xe] =	wrdreg s15  }
0x19: {  	s9 =	rddreg [dreg:$0x3]  }
0x1a: {  	[spmem:s13], [sflag:s12] =	dma.local [hbm:s9], $0x2780  }
0x1b: {  	_ =	swait.ge [sflag:s14], $0x2780  }
0x1c: {  	[sflag:s14] =	ssyncset.done $0x0  }
0x1d: {  	s18 =	rddreg [dreg:$0x5];
	[sflag:s14] =	ssyncadd.s32 $0xFFFFD880  }
0x1e: {  	[tilespmem:s3], [sflag:$0x1] =	stream.linear.gather [hbm4b:s18+s3], $0x80, $0x38;
	[tilespmem:$0x1C000] =	vst v63  }
0x1f: {  	s12 =	simm.s32 $0x200;
	s19 =	rddreg [dreg:$0x6]  }
0x20: {  	[tilespmem:s12], [sflag:$0x1] =	stream.linear.gather [hbm4b:s19+s3], $0x80, $0x38;
	[tilespmem:$0x1C000] =	vst v63  }
0x21: {  	s20 =	rddreg [dreg:$0x7]  }
0x22: {  	[tilespmem:s21], [sflag:$0x2] =	stream.linear.gather [hbm4b:s20+s3], $0x80, $0x38;
	[tilespmem:$0x1C000] =	vst v63  }
0x23: {  	s16 =	simm.s32 $0x280;
	s25 =	rddreg [dreg:$0x8]  }
0x24: {  	[tilespmem:s16], [sflag:$0x2] =	stream.linear.gather [hbm4b:s25+s3], $0x80, $0x38;
	[tilespmem:$0x1C000] =	vst v63  }
0x25: {  	s15 =	simm.s32 $0x100;
	s13 =	rddreg [dreg:$0x9]  }
0x26: {  	[tilespmem:s15], [sflag:$0x3] =	stream.linear.gather [hbm4b:s13+s3], $0x80, $0x38;
	[tilespmem:$0x1C000] =	vst v63  }
0x27: {  	s17 =	simm.s32 $0x300;
	s14 =	rddreg [dreg:$0xa]  }
0x28: {  	[tilespmem:s17], [sflag:$0x3] =	stream.linear.gather [hbm4b:s14+s3], $0x80, $0x38;
	[tilespmem:$0x1C000] =	vst v63  }
0x29: {  	s18 =	simm.s32 $0x1;
	[bflag:$0x0] =	sbarrier.arrive $0xFFFF  }
0x2a: {  	_ =	swait.ge [sflag:s18], $0x80  }
0x2b: {  	[sflag:s18] =	ssyncset.done $0x0  }
0x2c: {  	[sflag:s18] =	ssyncadd.s32 $0xFFFFFF80  }
0x2d: {  	p0 =	por $0x1, $0x1;
	_ =	swait.ge [sflag:s18], $0x80  }
0x2e: {  	p0 =	por p0, p0;
	[sflag:s18] =	ssyncset.done $0x0  }
0x2f: {  	s13 =	simm.s32 @!p0 $0x8;
	[sflag:s18] =	ssyncadd.s32 $0xFFFFFF80  }
0x30: {  	[tilespmem:s26], [sflag:$0x5] =	stream.indirect.gather [hbm4b:s4+s21], $0x80, s3, s21, $0xb8;
	[tilespmem:$0x1C000] =	vst v63  }
0x31: {  	_ =	swait.ge @!p0 [sflag:s13], $0x4000  }
0x32: {  	[sflag:s13] =	ssyncset.done @!p0 $0x0  }
0x33: {  	[sflag:s13] =	ssyncadd.s32 @!p0 $0xFFFFC000  }
0x34: {  	_ =	swait.ge [sflag:s28], $0x80  }
0x35: {  	s19 =	sand.u32 $0x3C00, s3;
	[sflag:s28] =	ssyncset.done $0x0  }
0x36: {  	s20 =	sand.u32 $0x200, s3;
	s13 =	sadd.s32 s7, s19;
	[sflag:s28] =	ssyncadd.s32 $0xFFFFFF80  }
0x37: {  	s13 =	sor.u32 s13, s20;
	_ =	swait.ge [sflag:s28], $0x80  }
0x38: {  	s13 =	sor.u32 $0x180, s13;
	[sflag:s28] =	ssyncset.done $0x0  }
0x39: {  	s13 =	sshrl.u32 s13, $0x3;
	[sflag:s28] =	ssyncadd.s32 $0xFFFFFF80  }
0x3a: {  	[tilespmem:s29], [sflag:$0x6] =	stream.indirect.gather [hbm4b:s4+s21], $0x80, s21, s21, $0xb8;
	[tilespmem:$0x1C000] =	vst v63  }
0x3b: {  	s25 =	sadd.s32 s5, s13  }
0x3c: {  	[tilespmem:s30], [sflag:$0x4] =	stream.linear.gather [hbm4b:s25+s3], $0x80, $0x38;
	[tilespmem:$0x1C000] =	vst v63  }
0x3d: {  	s13 =	sadd.s32 s6, s13  }
0x3e: {  	[tilespmem:s31], [sflag:$0x4] =	stream.linear.gather [hbm4b:s13+s3], $0x80, $0x38;
	[tilespmem:$0x1C000] =	vst v63  }
0x3f: {  	_ =	swait.ge [sflag:s0], $0x4000  }
0x40: {  	[sflag:s0] =	ssyncset.done $0x0  }
0x41: {  	[sflag:s0] =	ssyncadd.s32 $0xFFFFC000  }
0x42: {  	[spmem:s2] =	stream.indirect.scatter.add.f32 [tilespmem:s26], [sflag:$0x7], $0x80, s12, s21, $0xb8;
	[tilespmem:$0x1C000] =	vst v63  }
0x43: {  	_ =	swait.ge [sflag:s1], $0x4000  }
0x44: {  	[sflag:s1] =	ssyncset.done $0x0  }
0x45: {  	[sflag:s1] =	ssyncadd.s32 $0xFFFFC000  }
0x46: {  	p0 =	por $0x0, $0x0;
	_ =	swait.ge [sflag:s24], $0x80  }
0x47: {  	s13 =	simm.s32 @!p0 $0x200;
	[sflag:s24] =	ssyncset.done $0x0  }
0x48: {  	s14 =	sand.u32 @!p0 $0x7C00, s13;
	[sflag:s24] =	ssyncadd.s32 $0xFFFFFF80  }
0x49: {  	s13 =	sand.u32 @!p0 $0x200, s13;
	s14 =	sadd.s32 @!p0 s7, s14;
	_ =	swait.ge [sflag:s24], $0x80  }
0x4a: {  	s13 =	sor.u32 @!p0 s13, s14;
	[sflag:s24] =	ssyncset.done $0x0  }
0x4b: {  	s14 =	sshrl.u32 @!p0 s13, $0x3;
	[sflag:s24] =	ssyncadd.s32 $0xFFFFFF80  }
0x4c: {  	[tilespmem:s26], [sflag:$0x5] =	stream.indirect.gather [hbm4b:s4+s21], $0x80, s15, s21, $0xb8;
	[tilespmem:$0x1C000] =	vst v63  }
0x4d: {  	s13 =	simm.s32 @!p0 $0x0;
	s15 =	sadd.s32 @!p0 s5, s14  }
0x4e: {  	[tilespmem:s13], [sflag:$0x1] =	stream.linear.gather @!p0 [hbm4b:s15+s13], $0x80, $0x38;
	[tilespmem:$0x1C000] =	vst v63  }
0x4f: {  	s14 =	sadd.s32 @!p0 s6, s14;
	s15 =	simm.s32 @!p0 $0x200  }
0x50: {  	[tilespmem:s15], [sflag:$0x1] =	stream.linear.gather @!p0 [hbm4b:s14+s13], $0x80, $0x38;
	[tilespmem:$0x1C000] =	vst v63  }
0x51: {  	_ =	swait.ge [sflag:s8], $0x4000  }
0x52: {  	[sflag:s8] =	ssyncset.done $0x0  }
0x53: {  	[sflag:s8] =	ssyncadd.s32 $0xFFFFC000  }
0x54: {  	[spmem:s2] =	stream.indirect.scatter.add.f32 [tilespmem:s29], [sflag:$0x8], $0x80, s16, s21, $0xb8;
	[tilespmem:$0x1C000] =	vst v63  }
0x55: {  	_ =	swait.ge [sflag:s10], $0x4000  }
0x56: {  	[sflag:s10] =	ssyncset.done $0x0  }
0x57: {  	[sflag:s10] =	ssyncadd.s32 $0xFFFFC000  }
0x58: {  	_ =	swait.ge [sflag:s11], $0x80  }
0x59: {  	[sflag:s11] =	ssyncset.done $0x0  }
0x5a: {  	[sflag:s11] =	ssyncadd.s32 $0xFFFFFF80  }
0x5b: {  	_ =	swait.ge [sflag:s11], $0x80  }
0x5c: {  	s17 =	simm.s32 @p0 $0x300;
	[sflag:s11] =	ssyncset.done $0x0  }
0x5d: {  	s9 =	simm.s32 @p0 $0x400;
	s16 =	simm.s32 @p0 $0x5;
	[sflag:s11] =	ssyncadd.s32 $0xFFFFFF80  }
0x5e: {  	[tilespmem:s29], [sflag:$0x6] =	stream.indirect.gather [hbm4b:s4+s21], $0x80, s30, s21, $0xb8;
	[tilespmem:$0x1C000] =	vst v63  }
0x5f: {  	s18 =	simm.s32 @p0 $0x7;
	s14 =	simm.s32 @!p0 $0x280;
	_ =	swait.ge @p0 [sflag:s16], $0x4000  }
0x60: {  	s15 =	sand.u32 @!p0 $0x7C00, s14;
	s14 =	sand.u32 @!p0 $0x280, s14;
	[sflag:s16] =	ssyncset.done @p0 $0x0  }
0x61: {  	s15 =	sadd.s32 @!p0 s7, s15;
	[sflag:s16] =	ssyncadd.s32 @p0 $0xFFFFC000;
	s16 =	simm.s32 @p0 $0x80  }
0x62: {  	[spmem:s2] =	stream.indirect.scatter.add.f32 @p0 [tilespmem:s9], [sflag:$0x7], $0x80, s17, s16, $0xb8;
	[tilespmem:$0x1C000] =	vst v63  }
0x63: {  	s9 =	sor.u32 @!p0 s14, s15;
	_ =	swait.ge @p0 [sflag:s18], $0x4000  }
0x64: {  	s9 =	sshrl.u32 @!p0 s9, $0x3;
	[sflag:s18] =	ssyncset.done @p0 $0x0  }
0x65: {  	s15 =	simm.s32 @!p0 $0x80;
	s14 =	sadd.s32 @!p0 s5, s9;
	[sflag:s18] =	ssyncadd.s32 @p0 $0xFFFFC000  }
0x66: {  	[tilespmem:s15], [sflag:$0x2] =	stream.linear.gather @!p0 [hbm4b:s14+s13], $0x80, $0x38;
	[tilespmem:$0x1C000] =	vst v63  }
0x67: {  	s16 =	simm.s32 @!p0 $0x5;
	s9 =	sadd.s32 @!p0 s6, s9;
	s14 =	simm.s32 @!p0 $0x280  }
0x68: {  	[tilespmem:s14], [sflag:$0x2] =	stream.linear.gather @!p0 [hbm4b:s9+s13], $0x80, $0x38;
	[tilespmem:$0x1C000] =	vst v63  }
0x69: {  	_ =	swait.ge @!p0 [sflag:s16], $0x4000  }
0x6a: {  	s17 =	simm.s32 @!p0 $0x7;
	[sflag:s16] =	ssyncset.done @!p0 $0x0  }
0x6b: {  	s9 =	simm.s32 @!p0 $0x300;
	s14 =	simm.s32 @!p0 $0x400;
	[sflag:s16] =	ssyncadd.s32 @!p0 $0xFFFFC000  }
0x6c: {  	[spmem:s2] =	stream.indirect.scatter.add.f32 @!p0 [tilespmem:s14], [sflag:$0x7], $0x80, s9, s15, $0xb8;
	[tilespmem:$0x1C000] =	vst v63  }
0x6d: {  	_ =	swait.ge @!p0 [sflag:s17], $0x4000  }
0x6e: {  	[sflag:s17] =	ssyncset.done @!p0 $0x0  }
0x6f: {  	s16 =	simm.s32 @!p0 $0x1;
	[sflag:s17] =	ssyncadd.s32 @!p0 $0xFFFFC000  }
0x70: {  	_ =	swait.ge @!p0 [sflag:s16], $0x80  }
0x71: {  	s17 =	simm.s32 @!p0 $0x300;
	[sflag:s16] =	ssyncset.done @!p0 $0x0  }
0x72: {  	s18 =	sand.u32 @!p0 $0x7C00, s17;
	[sflag:s16] =	ssyncadd.s32 @!p0 $0xFFFFFF80  }
0x73: {  	s17 =	sand.u32 @!p0 $0x300, s17;
	s18 =	sadd.s32 @!p0 s7, s18;
	_ =	swait.ge @!p0 [sflag:s16], $0x80  }
0x74: {  	s17 =	sor.u32 @!p0 s17, s18;
	[sflag:s16] =	ssyncset.done @!p0 $0x0  }
0x75: {  	[sflag:s16] =	ssyncadd.s32 @!p0 $0xFFFFFF80;
	s16 =	sshrl.u32 @!p0 s17, $0x3  }
0x76: {  	[tilespmem:s14], [sflag:$0x5] =	stream.indirect.gather @!p0 [hbm4b:s4+s15], $0x80, s13, s15, $0xb8;
	[tilespmem:$0x1C000] =	vst v63  }
0x77: {  	s14 =	sadd.s32 @!p0 s5, s16;
	s15 =	simm.s32 @!p0 $0x100  }
0x78: {  	[tilespmem:s15], [sflag:$0x3] =	stream.linear.gather @!p0 [hbm4b:s14+s13], $0x80, $0x38;
	[tilespmem:$0x1C000] =	vst v63  }
0x79: {  	p6 =	por $0x0, $0x0;
	s14 =	sadd.s32 @!p0 s6, s16  }
0x7a: {  	[tilespmem:s9], [sflag:$0x3] =	stream.linear.gather @!p0 [hbm4b:s14+s13], $0x80, $0x38;
	[tilespmem:$0x1C000] =	vst v63  }
0x7b: {  	s13 =	simm.s32 $0x200;
	s14 =	simm.s32 $0x400;
	p0 =	por p6, p6  }
.LBB2_2:
0x7c: {  	p2 =	seq.s32 s14, $0x0  }
0x7d: {  	_ =	swait.ge [sflag:s8], $0x4000;
	s16 =	smov.u32 s14;
	s14 =	sadd.s32 $0x200, s14  }
0x7e: {  	p1 =	sne.s32 s14, $0x2800;
	[sflag:s8] =	ssyncset.done $0x0  }
0x7f: {  	s9 =	simm.s32 @!p0 $0x8;
	[sflag:s8] =	ssyncadd.s32 $0xFFFFC000  }
0x80: {  	[spmem:s2] =	stream.indirect.scatter.add.f32 [tilespmem:s29], [sflag:$0x8], $0x80, s31, s21, $0xb8;
	[tilespmem:$0x1C000] =	vst v63  }
0x81: {  	_ =	swait.ge @!p0 [sflag:s9], $0x4000  }
0x82: {  	[sflag:s9] =	ssyncset.done @!p0 $0x0  }
0x83: {  	[sflag:s9] =	ssyncadd.s32 @!p0 $0xFFFFC000;
	p0 =	por p2, p2  }
0x84: {  	s9 =	sand.u32 $0x3C00, s13;
	_ =	swait.ge [sflag:s28], $0x80  }
0x85: {  	s15 =	sand.u32 $0x200, s13;
	s9 =	sadd.s32 s7, s9;
	[sflag:s28] =	ssyncset.done $0x0  }
0x86: {  	s9 =	sor.u32 s9, s15;
	[sflag:s28] =	ssyncadd.s32 $0xFFFFFF80  }
0x87: {  	s9 =	sor.u32 $0x180, s9;
	_ =	swait.ge [sflag:s28], $0x80  }
0x88: {  	s9 =	sshrl.u32 s9, $0x3;
	[sflag:s28] =	ssyncset.done $0x0  }
0x89: {  	[sflag:s28] =	ssyncadd.s32 $0xFFFFFF80  }
0x8a: {  	s15 =	sadd.s32 s5, s9;
	s9 =	sadd.s32 s6, s9  }
0x8b: {  	[tilespmem:s29], [sflag:$0x6] =	stream.indirect.gather [hbm4b:s4+s21], $0x80, s21, s21, $0xb8;
	[tilespmem:$0x1C000] =	vst v63  }
0x8c: {  	_ = 	snop  }
0x8d: {  	[tilespmem:s30], [sflag:$0x4] =	stream.linear.gather [hbm4b:s15+s3], $0x80, $0x38;
	[tilespmem:$0x1C000] =	vst v63  }
0x8e: {  	_ = 	snop  }
0x8f: {  	[tilespmem:s31], [sflag:$0x4] =	stream.linear.gather [hbm4b:s9+s3], $0x80, $0x38;
	[tilespmem:$0x1C000] =	vst v63  }
0x90: {  	_ =	swait.ge [sflag:s0], $0x4000  }
0x91: {  	[sflag:s0] =	ssyncset.done $0x0  }
0x92: {  	[sflag:s0] =	ssyncadd.s32 $0xFFFFC000  }
0x93: {  	[spmem:s2] =	stream.indirect.scatter.add.f32 [tilespmem:s26], [sflag:$0x7], $0x80, s22, s21, $0xb8;
	[tilespmem:$0x1C000] =	vst v63  }
0x94: {  	_ =	swait.ge [sflag:s1], $0x4000  }
0x95: {  	s12 =	simm.s32 $0x100;
	p2 =	seq.s32 s13, $0x2600;
	[sflag:s1] =	ssyncset.done $0x0  }
0x96: {  	s15 =	sadd.s32 @!p2 $0x280, s13;
	s9 =	sadd.s32 @!p2 $0x200, s13;
	[sflag:s1] =	ssyncadd.s32 $0xFFFFC000  }
0x97: {  	s18 =	sand.u32 @!p2 $0x7C00, s15;
	s17 =	sand.u32 @!p2 $0x7C00, s9;
	_ =	swait.ge [sflag:s24], $0x80  }
0x98: {  	s18 =	sadd.s32 @!p2 s7, s18;
	s17 =	sadd.s32 @!p2 s7, s17;
	[sflag:s24] =	ssyncset.done $0x0  }
0x99: {  	s19 =	sand.u32 @!p2 $0x280, s15;
	s9 =	sand.u32 @!p2 $0x200, s9;
	[sflag:s24] =	ssyncadd.s32 $0xFFFFFF80  }
0x9a: {  	s15 =	simm.s32 @!p2 $0x0;
	s9 =	sor.u32 @!p2 s9, s17;
	_ =	swait.ge [sflag:s24], $0x80  }
0x9b: {  	s13 =	sadd.s32 @!p2 $0x300, s13;
	s9 =	sshrl.u32 @!p2 s9, $0x3;
	[sflag:s24] =	ssyncset.done $0x0  }
0x9c: {  	s17 =	sadd.s32 @!p2 s5, s9;
	s9 =	sadd.s32 @!p2 s6, s9;
	[sflag:s24] =	ssyncadd.s32 $0xFFFFFF80  }
0x9d: {  	[tilespmem:s26], [sflag:$0x5] =	stream.indirect.gather [hbm4b:s4+s21], $0x80, s12, s21, $0xb8;
	[tilespmem:$0x1C000] =	vst v63  }
0x9e: {  	s25 =	simm.s32 @!p2 $0x200;
	s18 =	sor.u32 @!p2 s19, s18;
	s19 =	sand.u32 @!p2 $0x7C00, s13  }
0x9f: {  	[tilespmem:s15], [sflag:$0x1] =	stream.linear.gather @!p2 [hbm4b:s17+s15], $0x80, $0x38;
	[tilespmem:$0x1C000] =	vst v63  }
0xa0: {  	s13 =	sand.u32 @!p2 $0x300, s13;
	s17 =	sshrl.u32 @!p2 s18, $0x3;
	s18 =	sadd.s32 @!p2 s7, s19  }
0xa1: {  	[tilespmem:s25], [sflag:$0x1] =	stream.linear.gather @!p2 [hbm4b:s9+s15], $0x80, $0x38;
	[tilespmem:$0x1C000] =	vst v63  }
0xa2: {  	s19 =	sadd.s32 @!p2 s6, s17;
	s9 =	sadd.s32 @!p2 s5, s17;
	_ =	swait.ge [sflag:s8], $0x4000  }
0xa3: {  	s17 =	sor.u32 @!p2 s13, s18;
	s13 =	smov.u32 s16;
	[sflag:s8] =	ssyncset.done $0x0  }
0xa4: {  	s16 =	sshrl.u32 @!p2 s17, $0x3;
	[sflag:s8] =	ssyncadd.s32 $0xFFFFC000  }
0xa5: {  	[spmem:s2] =	stream.indirect.scatter.add.f32 [tilespmem:s29], [sflag:$0x8], $0x80, s23, s21, $0xb8;
	[tilespmem:$0x1C000] =	vst v63  }
0xa6: {  	s17 =	sadd.s32 @!p2 s5, s16;
	s16 =	sadd.s32 @!p2 s6, s16;
	_ =	swait.ge [sflag:s10], $0x4000  }
0xa7: {  	[sflag:s10] =	ssyncset.done $0x0  }
0xa8: {  	[sflag:s10] =	ssyncadd.s32 $0xFFFFC000  }
0xa9: {  	_ =	swait.ge [sflag:s11], $0x80  }
0xaa: {  	[sflag:s11] =	ssyncset.done $0x0  }
0xab: {  	[sflag:s11] =	ssyncadd.s32 $0xFFFFFF80  }
0xac: {  	s18 =	simm.s32 @p2 $0x5;
	_ =	swait.ge [sflag:s11], $0x80  }
0xad: {  	[sflag:s11] =	ssyncset.done $0x0  }
0xae: {  	[sflag:s11] =	ssyncadd.s32 $0xFFFFFF80  }
0xaf: {  	[tilespmem:s29], [sflag:$0x6] =	stream.indirect.gather [hbm4b:s4+s21], $0x80, s30, s21, $0xb8;
	[tilespmem:$0x1C000] =	vst v63  }
0xb0: {  	s12 =	simm.s32 @p2 $0x400;
	s25 =	simm.s32 @p2 $0x300;
	_ =	swait.ge @p2 [sflag:s18], $0x4000  }
0xb1: {  	s20 =	simm.s32 @p2 $0x7;
	[sflag:s18] =	ssyncset.done @p2 $0x0  }
0xb2: {  	[sflag:s18] =	ssyncadd.s32 @p2 $0xFFFFC000;
	s18 =	simm.s32 @p2 $0x80  }
0xb3: {  	[spmem:s2] =	stream.indirect.scatter.add.f32 @p2 [tilespmem:s12], [sflag:$0x7], $0x80, s25, s18, $0xb8;
	[tilespmem:$0x1C000] =	vst v63  }
0xb4: {  	s12 =	simm.s32 @!p2 $0x80;
	_ =	swait.ge @p2 [sflag:s20], $0x4000  }
0xb5: {  	[sflag:s20] =	ssyncset.done @p2 $0x0  }
0xb6: {  	s18 =	simm.s32 @!p2 $0x280;
	[sflag:s20] =	ssyncadd.s32 @p2 $0xFFFFC000;
	s20 =	simm.s32 @!p2 $0x5  }
0xb7: {  	[tilespmem:s12], [sflag:$0x2] =	stream.linear.gather @!p2 [hbm4b:s9+s15], $0x80, $0x38;
	[tilespmem:$0x1C000] =	vst v63  }
0xb8: {  	_ = 	snop  }
0xb9: {  	[tilespmem:s18], [sflag:$0x2] =	stream.linear.gather @!p2 [hbm4b:s19+s15], $0x80, $0x38;
	[tilespmem:$0x1C000] =	vst v63  }
0xba: {  	s9 =	simm.s32 @!p2 $0x300;
	s18 =	simm.s32 @!p2 $0x400;
	_ =	swait.ge @!p2 [sflag:s20], $0x4000  }
0xbb: {  	s19 =	simm.s32 @!p2 $0x7;
	[sflag:s20] =	ssyncset.done @!p2 $0x0  }
0xbc: {  	[sflag:s20] =	ssyncadd.s32 @!p2 $0xFFFFC000  }
0xbd: {  	[spmem:s2] =	stream.indirect.scatter.add.f32 @!p2 [tilespmem:s18], [sflag:$0x7], $0x80, s9, s12, $0xb8;
	[tilespmem:$0x1C000] =	vst v63  }
0xbe: {  	s20 =	simm.s32 @!p2 $0x1;
	_ =	swait.ge @!p2 [sflag:s19], $0x4000  }
0xbf: {  	[sflag:s19] =	ssyncset.done @!p2 $0x0  }
0xc0: {  	[sflag:s19] =	ssyncadd.s32 @!p2 $0xFFFFC000  }
0xc1: {  	_ =	swait.ge @!p2 [sflag:s20], $0x80  }
0xc2: {  	[sflag:s20] =	ssyncset.done @!p2 $0x0  }
0xc3: {  	[sflag:s20] =	ssyncadd.s32 @!p2 $0xFFFFFF80  }
0xc4: {  	_ =	swait.ge @!p2 [sflag:s20], $0x80  }
0xc5: {  	[sflag:s20] =	ssyncset.done @!p2 $0x0  }
0xc6: {  	s19 =	simm.s32 @!p2 $0x100;
	[sflag:s20] =	ssyncadd.s32 @!p2 $0xFFFFFF80  }
0xc7: {  	[tilespmem:s18], [sflag:$0x5] =	stream.indirect.gather @!p2 [hbm4b:s4+s12], $0x80, s15, s12, $0xb8;
	[tilespmem:$0x1C000] =	vst v63  }
.Ltmp0:
0xc8: {  	_ = 	snop;
	(pc) =	sbr.rel @p1 .LBB2_2-.Ltmp0, $4  }
0xc9: {  	_ = 	snop  }
0xca: {  	[tilespmem:s19], [sflag:$0x3] =	stream.linear.gather @!p2 [hbm4b:s17+s15], $0x80, $0x38;
	[tilespmem:$0x1C000] =	vst v63  }
0xcb: {  	_ = 	snop  }
0xcc: {  	[tilespmem:s9], [sflag:$0x3] =	stream.linear.gather @!p2 [hbm4b:s16+s15], $0x80, $0x38;
	[tilespmem:$0x1C000] =	vst v63  }
0xcd: {  	_ =	swait.ge [sflag:s8], $0x4000  }
0xce: {  	[sflag:s8] =	ssyncset.done $0x0  }
0xcf: {  	s9 =	simm.s32 @!p0 $0x8;
	[sflag:s8] =	ssyncadd.s32 $0xFFFFC000  }
0xd0: {  	[spmem:s2] =	stream.indirect.scatter.add.f32 [tilespmem:s29], [sflag:$0x8], $0x80, s31, s21, $0xb8;
	[tilespmem:$0x1C000] =	vst v63  }
0xd1: {  	_ =	swait.ge @!p0 [sflag:s9], $0x4000  }
0xd2: {  	[sflag:s9] =	ssyncset.done @!p0 $0x0  }
0xd3: {  	[sflag:s9] =	ssyncadd.s32 @!p0 $0xFFFFC000  }
0xd4: {  	_ =	swait.ge [sflag:s28], $0x80  }
0xd5: {  	s16 =	sand.u32 $0x3C00, s13;
	[sflag:s28] =	ssyncset.done $0x0  }
0xd6: {  	s12 =	sand.u32 $0x200, s13;
	s9 =	sadd.s32 s7, s16;
	[sflag:s28] =	ssyncadd.s32 $0xFFFFFF80  }
0xd7: {  	s9 =	sor.u32 s9, s12;
	_ =	swait.ge [sflag:s28], $0x80  }
0xd8: {  	s9 =	sor.u32 $0x180, s9;
	[sflag:s28] =	ssyncset.done $0x0  }
0xd9: {  	s9 =	sshrl.u32 s9, $0x3;
	[sflag:s28] =	ssyncadd.s32 $0xFFFFFF80  }
0xda: {  	[tilespmem:s29], [sflag:$0x6] =	stream.indirect.gather [hbm4b:s4+s21], $0x80, s21, s21, $0xb8;
	[tilespmem:$0x1C000] =	vst v63  }
0xdb: {  	s17 =	sadd.s32 s5, s9  }
0xdc: {  	[tilespmem:s30], [sflag:$0x4] =	stream.linear.gather [hbm4b:s17+s3], $0x80, $0x38;
	[tilespmem:$0x1C000] =	vst v63  }
0xdd: {  	s9 =	sadd.s32 s6, s9  }
0xde: {  	[tilespmem:s31], [sflag:$0x4] =	stream.linear.gather [hbm4b:s9+s3], $0x80, $0x38;
	[tilespmem:$0x1C000] =	vst v63  }
0xdf: {  	_ =	swait.ge [sflag:s0], $0x4000  }
0xe0: {  	[sflag:s0] =	ssyncset.done $0x0  }
0xe1: {  	[sflag:s0] =	ssyncadd.s32 $0xFFFFC000  }
0xe2: {  	[spmem:s2] =	stream.indirect.scatter.add.f32 [tilespmem:s26], [sflag:$0x7], $0x80, s22, s21, $0xb8;
	[tilespmem:$0x1C000] =	vst v63  }
0xe3: {  	_ =	swait.ge [sflag:s1], $0x4000  }
0xe4: {  	[sflag:s1] =	ssyncset.done $0x0  }
0xe5: {  	[sflag:s1] =	ssyncadd.s32 $0xFFFFC000  }
0xe6: {  	p0 =	seq.s32 s13, $0x2600;
	_ =	swait.ge [sflag:s24], $0x80  }
0xe7: {  	s9 =	sadd.s32 @!p0 $0x200, s13;
	[sflag:s24] =	ssyncset.done $0x0  }
0xe8: {  	s12 =	sand.u32 @!p0 $0x7C00, s9;
	[sflag:s24] =	ssyncadd.s32 $0xFFFFFF80  }
0xe9: {  	s9 =	sand.u32 @!p0 $0x200, s9;
	s12 =	sadd.s32 @!p0 s7, s12;
	_ =	swait.ge [sflag:s24], $0x80  }
0xea: {  	s9 =	sor.u32 @!p0 s9, s12;
	[sflag:s24] =	ssyncset.done $0x0  }
0xeb: {  	s18 =	simm.s32 $0x100;
	s9 =	sshrl.u32 @!p0 s9, $0x3;
	[sflag:s24] =	ssyncadd.s32 $0xFFFFFF80  }
0xec: {  	[tilespmem:s26], [sflag:$0x5] =	stream.indirect.gather [hbm4b:s4+s21], $0x80, s18, s21, $0xb8;
	[tilespmem:$0x1C000] =	vst v63  }
0xed: {  	s14 =	simm.s32 @!p0 $0x0;
	s12 =	sadd.s32 @!p0 s5, s9  }
0xee: {  	[tilespmem:s14], [sflag:$0x1] =	stream.linear.gather @!p0 [hbm4b:s12+s14], $0x80, $0x38;
	[tilespmem:$0x1C000] =	vst v63  }
0xef: {  	s9 =	sadd.s32 @!p0 s6, s9;
	s12 =	simm.s32 @!p0 $0x200  }
0xf0: {  	[tilespmem:s12], [sflag:$0x1] =	stream.linear.gather @!p0 [hbm4b:s9+s14], $0x80, $0x38;
	[tilespmem:$0x1C000] =	vst v63  }
0xf1: {  	_ =	swait.ge [sflag:s8], $0x4000  }
0xf2: {  	[sflag:s8] =	ssyncset.done $0x0  }
0xf3: {  	[sflag:s8] =	ssyncadd.s32 $0xFFFFC000  }
0xf4: {  	[spmem:s2] =	stream.indirect.scatter.add.f32 [tilespmem:s29], [sflag:$0x8], $0x80, s23, s21, $0xb8;
	[tilespmem:$0x1C000] =	vst v63  }
0xf5: {  	_ =	swait.ge [sflag:s10], $0x4000  }
0xf6: {  	[sflag:s10] =	ssyncset.done $0x0  }
0xf7: {  	[sflag:s10] =	ssyncadd.s32 $0xFFFFC000  }
0xf8: {  	_ =	swait.ge [sflag:s11], $0x80  }
0xf9: {  	[sflag:s11] =	ssyncset.done $0x0  }
0xfa: {  	[sflag:s11] =	ssyncadd.s32 $0xFFFFFF80  }
0xfb: {  	_ =	swait.ge [sflag:s11], $0x80  }
0xfc: {  	[sflag:s11] =	ssyncset.done $0x0  }
0xfd: {  	s9 =	simm.s32 @p0 $0x5;
	[sflag:s11] =	ssyncadd.s32 $0xFFFFFF80  }
0xfe: {  	[tilespmem:s29], [sflag:$0x6] =	stream.indirect.gather [hbm4b:s4+s21], $0x80, s30, s21, $0xb8;
	[tilespmem:$0x1C000] =	vst v63  }
0xff: {  	s16 =	simm.s32 @p0 $0x300;
	_ =	swait.ge @p0 [sflag:s9], $0x4000  }
0x100: {  	s17 =	simm.s32 @p0 $0x400;
	s12 =	sadd.s32 @!p0 $0x280, s13;
	[sflag:s9] =	ssyncset.done @p0 $0x0  }
0x101: {  	s15 =	sand.u32 @!p0 $0x7C00, s12;
	[sflag:s9] =	ssyncadd.s32 @p0 $0xFFFFC000;
	s9 =	simm.s32 @p0 $0x80  }
0x102: {  	[spmem:s2] =	stream.indirect.scatter.add.f32 @p0 [tilespmem:s17], [sflag:$0x7], $0x80, s16, s9, $0xb8;
	[tilespmem:$0x1C000] =	vst v63  }
0x103: {  	s12 =	sand.u32 @!p0 $0x280, s12;
	s9 =	sadd.s32 @!p0 s7, s15;
	s15 =	simm.s32 @p0 $0x7  }
0x104: {  	s9 =	sor.u32 @!p0 s12, s9;
	_ =	swait.ge @p0 [sflag:s15], $0x4000  }
0x105: {  	s9 =	sshrl.u32 @!p0 s9, $0x3;
	[sflag:s15] =	ssyncset.done @p0 $0x0  }
0x106: {  	s16 =	simm.s32 @!p0 $0x80;
	s12 =	sadd.s32 @!p0 s5, s9;
	[sflag:s15] =	ssyncadd.s32 @p0 $0xFFFFC000  }
0x107: {  	[tilespmem:s16], [sflag:$0x2] =	stream.linear.gather @!p0 [hbm4b:s12+s14], $0x80, $0x38;
	[tilespmem:$0x1C000] =	vst v63  }
0x108: {  	s9 =	sadd.s32 @!p0 s6, s9;
	s15 =	simm.s32 @!p0 $0x5;
	s12 =	simm.s32 @!p0 $0x280  }
0x109: {  	[tilespmem:s12], [sflag:$0x2] =	stream.linear.gather @!p0 [hbm4b:s9+s14], $0x80, $0x38;
	[tilespmem:$0x1C000] =	vst v63  }
0x10a: {  	_ =	swait.ge @!p0 [sflag:s15], $0x4000  }
0x10b: {  	s17 =	simm.s32 @!p0 $0x7;
	[sflag:s15] =	ssyncset.done @!p0 $0x0  }
0x10c: {  	s9 =	simm.s32 @!p0 $0x300;
	s12 =	simm.s32 @!p0 $0x400;
	[sflag:s15] =	ssyncadd.s32 @!p0 $0xFFFFC000  }
0x10d: {  	[spmem:s2] =	stream.indirect.scatter.add.f32 @!p0 [tilespmem:s12], [sflag:$0x7], $0x80, s9, s16, $0xb8;
	[tilespmem:$0x1C000] =	vst v63  }
0x10e: {  	_ =	swait.ge @!p0 [sflag:s17], $0x4000  }
0x10f: {  	[sflag:s17] =	ssyncset.done @!p0 $0x0  }
0x110: {  	s15 =	simm.s32 @!p0 $0x1;
	[sflag:s17] =	ssyncadd.s32 @!p0 $0xFFFFC000  }
0x111: {  	_ =	swait.ge @!p0 [sflag:s15], $0x80  }
0x112: {  	s13 =	sadd.s32 @!p0 $0x300, s13;
	[sflag:s15] =	ssyncset.done @!p0 $0x0  }
0x113: {  	s17 =	sand.u32 @!p0 $0x7C00, s13;
	[sflag:s15] =	ssyncadd.s32 @!p0 $0xFFFFFF80  }
0x114: {  	s13 =	sand.u32 @!p0 $0x300, s13;
	s17 =	sadd.s32 @!p0 s7, s17;
	_ =	swait.ge @!p0 [sflag:s15], $0x80  }
0x115: {  	s13 =	sor.u32 @!p0 s13, s17;
	[sflag:s15] =	ssyncset.done @!p0 $0x0  }
0x116: {  	s13 =	sshrl.u32 @!p0 s13, $0x3;
	[sflag:s15] =	ssyncadd.s32 @!p0 $0xFFFFFF80  }
0x117: {  	[tilespmem:s12], [sflag:$0x5] =	stream.indirect.gather @!p0 [hbm4b:s4+s16], $0x80, s14, s16, $0xb8;
	[tilespmem:$0x1C000] =	vst v63  }
0x118: {  	s15 =	simm.s32 @!p0 $0x100;
	s12 =	sadd.s32 @!p0 s5, s13  }
0x119: {  	[tilespmem:s15], [sflag:$0x3] =	stream.linear.gather @!p0 [hbm4b:s12+s14], $0x80, $0x38;
	[tilespmem:$0x1C000] =	vst v63  }
0x11a: {  	s12 =	sadd.s32 @!p0 s6, s13  }
0x11b: {  	[tilespmem:s9], [sflag:$0x3] =	stream.linear.gather @!p0 [hbm4b:s12+s14], $0x80, $0x38;
	[tilespmem:$0x1C000] =	vst v63  }
0x11c: {  	_ =	swait.ge [sflag:s8], $0x4000  }
0x11d: {  	[sflag:s8] =	ssyncset.done $0x0  }
0x11e: {  	[sflag:s8] =	ssyncadd.s32 $0xFFFFC000  }
0x11f: {  	[spmem:s2] =	stream.indirect.scatter.add.f32 [tilespmem:s29], [sflag:$0x8], $0x80, s31, s21, $0xb8;
	[tilespmem:$0x1C000] =	vst v63  }
0x120: {  	_ =	swait.ge [sflag:s10], $0x4000  }
0x121: {  	[sflag:s10] =	ssyncset.done $0x0  }
0x122: {  	[sflag:s10] =	ssyncadd.s32 $0xFFFFC000  }
0x123: {  	[bflag:$0x0] =	sbarrier.arrive $0xFFFF  }
0x124: {  	s12 =	rddreg [dreg:$0x4]  }
0x125: {  	s19 =	rddreg [dreg:$0xb]  }
0x126: {  	s14 =	simm.s32 $0x9;
	s13 =	rddreg [dreg:$0xd]  }
0x127: {  	[hbm:s19], [sflag:s12] =	dma.local [spmem:s13], $0x2780  }
0x128: {  	_ =	swait.ge [sflag:s14], $0x2780  }
0x129: {  	s20 =	rddreg [dreg:$0xe]  }
0x12a: {  	s25 =	rddreg [dreg:$0xc];
	s15 =	sadd.s32 $0x1, s20  }
0x12b: {  	p0 =	sne.s32 s15, s25  }
.Ltmp1:
0x12c: {  	_ = 	snop;
	(pc) =	sbr.rel @p0 .LBB2_1-.Ltmp1, $3  }
0x12d: {  	_ =	sdelay $0x1  }
0x12e: {  	[sflag:s14] =	ssyncset.done $0x0  }
0x12f: {  	[sflag:s14] =	ssyncadd.s32 $0xFFFFD880  }
0x130: {  	_ =	sfence.sel $0x180000  }
0x131: {  	[bflag:$0x0] =	sbarrier.arrive $0xFFFF  }
0x132: {  	_ =	strace $0x9000004A  }
0x133: {  	s0 =	stileid.u32;
	[bflag:$0x2] =	sbarrier.arrive $0xFFFF  }
0x134: {  	p0 =	sne.s32 s0, $0x0;
	s0 =	rddreg [dreg:$0x2]  }
0x135: {  	s0 =	sadd.s32 @!p0 $0x100000, s0  }
0x136: {  	[sflag:s0] =	ssyncadd.tile.s32 @!p0 $0x1;
	_ =	shalt  }
.Lfunc_end2:
_tile_overlayer_lowered:
.L_overlay_start_2:
0x137: {  	(tag) =	ssettag $0x2  }
0x138: {  	s0 =	rddreg [dreg:$0x0];
	s2 =	stileid.u32  }
0x139: {  	s1 =	rddreg [dreg:$0x1];
	p0 =	sne.s32 s2, $0x0  }
0x13a: {  	s3 =	rddreg [dreg:$0x2];
	[bflag:$0x3] =	sbarrier.arrive $0xFFFF;
	s2 =	simm.s32 @!p0 $0x1C09  }
0x13b: {  	[timem:s3], [sflag:s2] =	dma.local @!p0 [hbm:s0], s1  }
0x13c: {  	s0 =	simm.s32 @!p0 $0x9  }
0x13d: {  	_ =	swait.ge @!p0 [sflag:s0], s1  }
0x13e: {  	s1 =	ssub.s32 @!p0 $0x0, s1;
	[sflag:s0] =	ssyncset.done @!p0 $0x0  }
0x13f: {  	[sflag:s0] =	ssyncadd.s32 @!p0 s1  }
0x140: {  	[bflag:$0x3] =	sbarrier.arrive $0xFFFF  }
0x141: {  	_ =	shalt  }

// kernel: kernel.16.cloned.1.call-start
scs
__scs_entry_jumppad:
0x0: {  	(pc) =	sbr.rel $0x88, $3  }
0x1: {  	(tag) =	ssettag $0x0;
	lr =	simm.s32 $0x1  }
0x2: {  	[smem:$0x3F95] =	sst lr;
	_ =	strace $0xD0000000  }
0x3: {  	_ = 	snop  }
0x4: {  	_ = 	snop  }
0x5: {  	_ = 	snop  }
0x6: {  	_ = 	snop  }
0x7: {  	_ = 	snop  }
__scs_overlays_trampoline_lowered:
0x8: {  	[smem:$0x3FA4] =	sst s0  }
0x9: {  	[smem:$0x3FA5] =	sst s1  }
0xa: {  	[smem:$0x3FA6] =	sst s2  }
0xb: {  	[smem:$0x3FA7] =	sst s3  }
0xc: {  	[smem:$0x3FA8] =	sst s4  }
0xd: {  	[smem:$0x3FA9] =	sst s5  }
0xe: {  	[smem:$0x3FAA] =	sst s6  }
0xf: {  	[smem:$0x3FAB] =	sst s7  }
0x10: {  	[smem:$0x3FAC] =	sst s8  }
0x11: {  	[smem:$0x3FAD] =	sst s9;
	s0 =	simm.s32 @!p0 $0x0  }
0x12: {  	s1 =	sld [smem:$0x3F93];
	s0 =	simm.s32 @p0 $0x1  }
0x13: {  	[smem:$0x3FAE] =	sst s0;
	s0 =	simm.s32 @!p1 $0x0  }
0x14: {  	s2 =	sld [smem:$0x3F92];
	s0 =	simm.s32 @p1 $0x1  }
0x15: {  	[smem:$0x3FAF] =	sst s0;
	s0 =	simm.s32 @!p2 $0x0  }
0x16: {  	s3 =	sld [smem:$0x3FDB];
	s0 =	simm.s32 @p2 $0x1  }
0x17: {  	s4 =	simm.s32 $0x1BF5;
	[smem:$0x3FB1] =	sst s0  }
0x18: {  	s0 =	sld [smem:$0x3F94];
	_ =	swait.ge [sflag:s4], $0x0  }
0x19: {  	s7 =	sld [smem:$0x3F95]  }
0x1a: {  	s8 =	sadd.s32 $0xFFFFE003, lr  }
0x1b: {  	s9 =	sadd.s32 $0xFFFFFEF7, lr;
	s5 =	simm.s32 $0xFFFFFFFF;
	p2 =	slt.u32 s8, $0xFFFFF086  }
0x1c: {  	p1 =	slt.u32 s9, $0xF7A;
	s5 =	simm.s32 @!p2 $0x0  }
0x1d: {  	s5 =	simm.s32 @p1 $0x1;
	p0 =	seq.s32 s7, s2  }
0x1e: {  	s7 =	smul.u32 @!p0 $0xF7A, s2;
	p2 =	seq.s32 @!p0 s5, $0x0  }
0x1f: {  	s9 =	smul.u32 $0xF7A, s1;
	s8 =	simm.s32 @!p0 $0x1BF5;
	p2 =	por !p2, p0  }
0x20: {  	[sflag:s8] =	ssyncset.s32 @!p0 $0xFFFFF086;
	s6 =	sadd.s32 @!p0 s3, s7;
	s7 =	simm.s32 @!p0 $0x108  }
0x21: {  	s3 =	sadd.s32 s3, s9;
	s6 =	sadd.s32 @!p0 $0x88, s6;
	s7 =	simm.s32 @p2 $0x1082  }
0x22: {  	[simem:s7], [sflag:s8] =	dma.local @!p0 [hbm:s6], $0xF7A  }
0x23: {  	s9 =	sor.u32 $0xD0000000, s2;
	s6 =	simm.s32 $0x108;
	_ =	swait.ge @!p0 [sflag:s8], $0x0  }
0x24: {  	s3 =	sadd.s32 $0x88, s3;
	s6 =	simm.s32 @!p1 $0x1082;
	[sflag:s4] =	ssyncset.s32 $0xFFFFF086  }
0x25: {  	[simem:s6], [sflag:s4] =	dma.local [hbm:s3], $0xF7A  }
0x26: {  	[smem:$0x3F95] =	sst s1;
	(tag) =	ssettag s2;
	_ =	strace s9  }
0x27: {  	s1 =	sld [smem:$0x3FA5]  }
0x28: {  	s2 =	sld [smem:$0x3FA6]  }
0x29: {  	s4 =	sld [smem:$0x3FA8]  }
0x2a: {  	p0 =	seq.s32 s5, $0x0;
	s5 =	sld [smem:$0x3FA9]  }
0x2b: {  	s6 =	sld [smem:$0x3FAA]  }
0x2c: {  	s7 =	sld [smem:$0x3FAB]  }
0x2d: {  	s3 =	simm.s32 $0x108;
	s8 =	sld [smem:$0x3FAC]  }
0x2e: {  	s3 =	simm.s32 @!p0 $0x1082;
	s9 =	sld [smem:$0x3FAD]  }
0x2f: {  	lr =	sadd.s32 s0, s3;
	s0 =	sld [smem:$0x3FA4]  }
0x30: {  	s3 =	sld [smem:$0x3FA7]  }
0x31: {  	[smem:$0x3FB0] =	sst s10  }
0x32: {  	s10 =	sld [smem:$0x3FAE];
	_ =	sdelay $0x3  }
0x33: {  	p0 =	seq.s32 s10, $0x1;
	s10 =	sld [smem:$0x3FB0];
	_ =	sdelay $0x3  }
0x34: {  	[smem:$0x3FB0] =	sst s10  }
0x35: {  	s10 =	sld [smem:$0x3FAF];
	_ =	sdelay $0x3  }
0x36: {  	p1 =	seq.s32 s10, $0x1;
	s10 =	sld [smem:$0x3FB0];
	_ =	sdelay $0x3  }
0x37: {  	[smem:$0x3FB0] =	sst s10  }
0x38: {  	s10 =	sld [smem:$0x3FB1]  }
0x39: {  	_ = 	snop;
	(pc) =	sbr.ind lr, $3  }
0x3a: {  	_ = 	snop  }
0x3b: {  	_ = 	snop  }
0x3c: {  	p2 =	seq.s32 s10, $0x1;
	s10 =	sld [smem:$0x3FB0]  }
0x3d: {  	_ =	shalt  }
0x3e: {  	_ =	shalt  }
0x3f: {  	_ =	shalt  }
0x40: {  	_ =	shalt  }
0x41: {  	_ =	shalt  }
0x42: {  	_ =	shalt  }
0x43: {  	_ =	shalt  }
0x44: {  	_ =	shalt  }
0x45: {  	_ =	shalt  }
0x46: {  	_ =	shalt  }
0x47: {  	_ =	shalt  }
0x48: {  	_ =	shalt  }
0x49: {  	_ =	shalt  }
0x4a: {  	_ =	shalt  }
0x4b: {  	_ =	shalt  }
0x4c: {  	_ =	shalt  }
0x4d: {  	_ =	shalt  }
0x4e: {  	_ =	shalt  }
0x4f: {  	_ =	shalt  }
0x50: {  	_ =	shalt  }
0x51: {  	_ =	shalt  }
0x52: {  	_ =	shalt  }
0x53: {  	_ =	shalt  }
0x54: {  	_ =	shalt  }
0x55: {  	_ =	shalt  }
0x56: {  	_ =	shalt  }
0x57: {  	_ =	shalt  }
0x58: {  	_ =	shalt  }
0x59: {  	_ =	shalt  }
0x5a: {  	_ =	shalt  }
0x5b: {  	_ =	shalt  }
0x5c: {  	_ =	shalt  }
0x5d: {  	_ =	shalt  }
0x5e: {  	_ =	shalt  }
0x5f: {  	_ =	shalt  }
0x60: {  	_ =	shalt  }
0x61: {  	_ =	shalt  }
0x62: {  	_ =	shalt  }
0x63: {  	_ =	shalt  }
0x64: {  	_ =	shalt  }
0x65: {  	_ =	shalt  }
0x66: {  	_ =	shalt  }
0x67: {  	_ =	shalt  }
0x68: {  	_ =	shalt  }
0x69: {  	_ =	shalt  }
0x6a: {  	_ =	shalt  }
0x6b: {  	_ =	shalt  }
0x6c: {  	_ =	shalt  }
0x6d: {  	_ =	shalt  }
0x6e: {  	_ =	shalt  }
0x6f: {  	_ =	shalt  }
0x70: {  	_ =	shalt  }
0x71: {  	_ =	shalt  }
0x72: {  	_ =	shalt  }
0x73: {  	_ =	shalt  }
0x74: {  	_ =	shalt  }
0x75: {  	_ =	shalt  }
0x76: {  	_ =	shalt  }
0x77: {  	_ =	shalt  }
0x78: {  	_ =	shalt  }
0x79: {  	_ =	shalt  }
0x7a: {  	_ =	shalt  }
0x7b: {  	_ =	shalt  }
0x7c: {  	_ =	shalt  }
0x7d: {  	_ =	shalt  }
0x7e: {  	_ =	shalt  }
0x7f: {  	_ =	shalt  }
0x80: {  	_ =	shalt  }
0x81: {  	_ =	shalt  }
0x82: {  	_ =	shalt  }
0x83: {  	_ =	shalt  }
0x84: {  	_ =	shalt  }
0x85: {  	_ =	shalt  }
0x86: {  	_ =	shalt  }
0x87: {  	_ =	shalt  }
.Lfunc_end0:
.L_simem_size_0:
called_computation.2_lowered:
.L_overlay_start_0:
0x88: {  	s2 =	sld [smem:$0x3FD9]  }
0x89: {  	s3 =	sld [smem:$0x3FFE];
	_ =	sdelay $0x1  }
0x8a: {  	s1 =	srdreg.scid  }
0x8b: {  	s0 =	sand.u32 $0x1, s1  }
0x8c: {  	s16 =	sshll.u32 s0, $0xA;
	s2 =	sadd.s32 s3, s2  }
0x8d: {  	s2 =	sadd.s32 s2, s16  }
0x8e: {  	[smem:$0x3FBC] =	sst s2  }
0x8f: {  	_ = 	snop  }
0x90: {  	(tm) =	ssettm $0x1  }
0x91: {  	s17 =	sld [smem:$0x3FFB];
	_ =	sdelay $0x3  }
0x92: {  	_ =	strace s17  }
0x93: {  	s2 =	sld [smem:$0x3FFC];
	_ =	sdelay $0x3  }
0x94: {  	_ =	strace s2  }
0x95: {  	s2 =	sld [smem:$0x3FFD];
	_ =	sdelay $0x3  }
0x96: {  	_ =	strace s2  }
0x97: {  	_ =	strace $0x8FFFFFFF  }
0x98: {  	s18 =	sld [smem:$0x3FDB];
	_ =	sdelay $0x1  }
0x99: {  	s19 =	simm.s32 $_scs_section_size  }
0x9a: {  	s4 =	simm.s32 $_size__tile_overlayer_lowered;
	s5 =	simm.s32 $_tile_overlayer_lowered  }
0x9b: {  	s22 =	simm.s32 $0x1BFF;
	s21 =	sshll.u32 s5, $0x1;
	s2 =	sadd.s32 s19, s18  }
0x9c: {  	s6 =	simm.s32 $0x0;
	s20 =	sshll.u32 s4, $0x1;
	s4 =	sadd.s32 s21, s2  }
0x9d: {  	[timem:s6], [sflag:s22] =	dma.local [hbm:s4], s20  }
0x9e: {  	_ =	swait.ge [sflag:s22], s20  }
0x9f: {  	s3 =	ssub.s32 $0x0, s20;
	[sflag:s22] =	ssyncset.done $0x0  }
0xa0: {  	[sflag:s22] =	ssyncadd.s32 s3;
	_ =	sdelay $0x1  }
0xa1: {  	s23 =	simm.s32 $0x1B8B  }
0xa2: {  	_ =	swait.ge [sflag:s23], $0x1  }
0xa3: {  	[sflag:s23] =	ssyncset.done $0x0  }
0xa4: {  	s25 =	simm.s32 $0x1B8E;
	s24 =	sld [smem:$0x3FFE];
	[sflag:s23] =	ssyncadd.s32 $0xFFFFFFFF  }
0xa5: {  	s26 =	simm.s32 $execute0_lowered;
	[smem:$0x3FD2] =	sst s25  }
0xa6: {  	s4 =	sshll.u32 s26, $0x1;
	_ =	strace $0x8000004C;
	[dreg:$0x1] =	wrdreg $0xFFFFFFFF  }
0xa7: {  	s28 =	simm.s32 $_size_execute0_lowered;
	s2 =	sadd.s32 s2, s4;
	[dreg:$0x0] =	wrdreg $0x0  }
0xa8: {  	s4 =	sshll.u32 s28, $0x1;
	[dreg:$0x2] =	wrdreg s2  }
0xa9: {  	[dreg:$0x3] =	wrdreg s4  }
0xaa: {  	[dreg:$0x4] =	wrdreg $0xC0  }
0xab: {  	_ =	task [dreg:s6], $0x5FFFF  }
0xac: {  	[dreg:$0x1] =	wrdreg $0xFFFFFFFF  }
0xad: {  	[dreg:$0x0] =	wrdreg $0x60  }
0xae: {  	[dreg:$0x2] =	wrdreg s24  }
0xaf: {  	[dreg:$0x3] =	wrdreg $0x84000  }
0xb0: {  	[dreg:$0x4] =	wrdreg $0x9  }
0xb1: {  	_ =	task.clear_ibuf [dreg:s6], $0x5FFFF;
	_ =	strace $0x9000004C  }
0xb2: {  	s29 =	simm.s32 $0x9;
	_ =	strace $0x8000004E  }
0xb3: {  	_ =	swait.ge [sflag:s29], $0x1  }
0xb4: {  	[sflag:s29] =	ssyncadd.s32 $0xFFFFFFFF  }
0xb5: {  	_ =	strace $0x9000004E  }
0xb6: {  	_ =	sfence  }
0xb7: {  	s30 =	sld [smem:$0x0];
	_ =	sdelay $0x2  }
0xb8: {  	s31 =	sshll.u32 s1, $0xD;
	s1 =	sshrl.u32 s1, $0x2  }
0xb9: {  	s3 =	sand.u32 $0x4000, s31;
	s1 =	sadd.s32 s1, s30  }
0xba: {  	s0 =	sor.u32 s3, s0;
	s1 =	sshll.u32 s1, $0x11  }
0xbb: {  	s0 =	sor.u32 s1, s0  }
0xbc: {  	s0 =	sadd.s32 $0x8F2B, s0  }
0xbd: {  	[sflag:s0] =	ssyncadd.remote.s32 $0x1  }
0xbe: {  	_ =	sfence.sel $0xFFFF  }
0xbf: {  	[dreg:$0x0] =	wrdreg $0xFFFFFFFF;
	(pc) =	sbr.abs _section_cstart, $3  }
0xc0: {  	[dreg:$0x1] =	wrdreg $0xFFFFFFFF  }
0xc1: {  	_ =	task.clear_ibuf [dreg:s6], $0x2FFFF;
	_ =	strace $0x9FFFFFFF  }
0xc2: {  	(tm) =	ssettm $0x7FFFFFFF  }
0xc3: {  	_ =	shalt  }
tec
execute0_lowered:
.L_overlay_start_1:
0x0: {  	(tag) =	ssettag $0x1  }
0x1: {  	s0 =	rddreg [dreg:$0x0]  }
0x2: {  	s2 =	rddreg [dreg:$0x1];
	s3 =	simm.s32 $0x0;
	s11 =	stileid.u32  }
0x3: {  	s1 =	srdreg.scid;
	s28 =	simm.s32 $0x2;
	s29 =	simm.s32 $0x4400  }
0x4: {  	s30 =	simm.s32 $0x180;
	s31 =	simm.s32 $0x380;
	[smem:$0x7FF] =	sst s3  }
0x5: {  	s7 =	smul.u32 $0x2780, s11;
	s1 =	sand.u32 $0x1, s1;
	s4 =	sadd.s32 $0x49200, s0  }
0x6: {  	s5 =	sadd.s32 $0xDA00, s0;
	s6 =	sadd.s32 $0x17A00, s0;
	s14 =	smul.u32 $0x4F000, s11  }
0x7: {  	s17 =	sshll.u32 s11, $0x6;
	_ =	strace $0x8000004D;
	s8 =	smul.u32 $0x27800, s1  }
0x8: {  	s10 =	sshll.u32 s1, $0x4;
	s1 =	ssub.s32 $0x2, s1;
	s12 =	sor.u32 $0x1C09, s17  }
0x9: {  	s9 =	sadd.s32 s7, s0;
	s15 =	sor.u32 s11, s10;
	s16 =	sshrl.u32 s1, $0x1  }
0xa: {  	s11 =	simm.s32 $0x4;
	[dreg:$0x4] =	wrdreg s12;
	s7 =	sadd.s32 s7, s8  }
0xb: {  	s8 =	sshrl.u32 s14, $0x2;
	s1 =	ssub.s32 s1, s16;
	s9 =	sadd.s32 $0x21A00, s9  }
0xc: {  	s14 =	simm.s32 $0x9;
	s0 =	sadd.s32 s7, s0;
	s7 =	smul.u32 $0x2800, s15  }
0xd: {  	s8 =	sadd.s32 s8, s2;
	[dreg:$0x3] =	wrdreg s9;
	s26 =	smax.u32 s1, $0x1  }
0xe: {  	s1 =	simm.s32 $0x7;
	s0 =	sadd.s32 $0x70A00, s0;
	[dreg:$0xc] =	wrdreg s26  }
0xf: {  	s13 =	sshrl.u32 s8, $0x3;
	s18 =	sshrl.u32 s7, $0x3;
	[dreg:$0xb] =	wrdreg s0  }
0x10: {  	s15 =	simm.s32 $0x0;
	[dreg:$0xd] =	wrdreg s13;
	s19 =	sadd.s32 s5, s18  }
0x11: {  	s20 =	sadd.s32 s6, s18;
	s21 =	sor.u32 $0x10, s18;
	[dreg:$0x5] =	wrdreg s19  }
0x12: {  	s26 =	simm.s32 $0x400;
	[dreg:$0x6] =	wrdreg s20;
	s22 =	sadd.s32 s5, s21  }
0x13: {  	s10 =	sor.u32 $0x20, s18;
	s23 =	sadd.s32 s6, s21;
	[dreg:$0x7] =	wrdreg s22  }
0x14: {  	s8 =	simm.s32 $0x6;
	s24 =	sadd.s32 s5, s10;
	[dreg:$0x8] =	wrdreg s23  }
0x15: {  	s0 =	simm.s32 $0x5;
	s25 =	sadd.s32 s6, s10;
	[dreg:$0x9] =	wrdreg s24  }
0x16: {  	s21 =	simm.s32 $0x80;
	s10 =	simm.s32 $0x8;
	[dreg:$0xa] =	wrdreg s25  }
0x17: {  	s24 =	simm.s32 $0x3;
	s22 =	simm.s32 $0x200;
	s23 =	simm.s32 $0x280  }
.LBB2_1:
0x18: {  	[dreg:$0xe] =	wrdreg s15  }
0x19: {  	s9 =	rddreg [dreg:$0x3]  }
0x1a: {  	[spmem:s13], [sflag:s12] =	dma.local [hbm:s9], $0x2780  }
0x1b: {  	_ =	swait.ge [sflag:s14], $0x2780  }
0x1c: {  	[sflag:s14] =	ssyncset.done $0x0  }
0x1d: {  	s18 =	rddreg [dreg:$0x5];
	[sflag:s14] =	ssyncadd.s32 $0xFFFFD880  }
0x1e: {  	[tilespmem:s3], [sflag:$0x1] =	stream.linear.gather [hbm4b:s18+s3], $0x80, $0x38;
	[tilespmem:$0x1C000] =	vst v63  }
0x1f: {  	s12 =	simm.s32 $0x200;
	s19 =	rddreg [dreg:$0x6]  }
0x20: {  	[tilespmem:s12], [sflag:$0x1] =	stream.linear.gather [hbm4b:s19+s3], $0x80, $0x38;
	[tilespmem:$0x1C000] =	vst v63  }
0x21: {  	s20 =	rddreg [dreg:$0x7]  }
0x22: {  	[tilespmem:s21], [sflag:$0x2] =	stream.linear.gather [hbm4b:s20+s3], $0x80, $0x38;
	[tilespmem:$0x1C000] =	vst v63  }
0x23: {  	s16 =	simm.s32 $0x280;
	s25 =	rddreg [dreg:$0x8]  }
0x24: {  	[tilespmem:s16], [sflag:$0x2] =	stream.linear.gather [hbm4b:s25+s3], $0x80, $0x38;
	[tilespmem:$0x1C000] =	vst v63  }
0x25: {  	s15 =	simm.s32 $0x100;
	s13 =	rddreg [dreg:$0x9]  }
0x26: {  	[tilespmem:s15], [sflag:$0x3] =	stream.linear.gather [hbm4b:s13+s3], $0x80, $0x38;
	[tilespmem:$0x1C000] =	vst v63  }
0x27: {  	s17 =	simm.s32 $0x300;
	s14 =	rddreg [dreg:$0xa]  }
0x28: {  	[tilespmem:s17], [sflag:$0x3] =	stream.linear.gather [hbm4b:s14+s3], $0x80, $0x38;
	[tilespmem:$0x1C000] =	vst v63  }
0x29: {  	s18 =	simm.s32 $0x1;
	[bflag:$0x0] =	sbarrier.arrive $0xFFFF  }
0x2a: {  	_ =	swait.ge [sflag:s18], $0x80  }
0x2b: {  	[sflag:s18] =	ssyncset.done $0x0  }
0x2c: {  	[sflag:s18] =	ssyncadd.s32 $0xFFFFFF80  }
0x2d: {  	p0 =	por $0x1, $0x1;
	_ =	swait.ge [sflag:s18], $0x80  }
0x2e: {  	p0 =	por p0, p0;
	[sflag:s18] =	ssyncset.done $0x0  }
0x2f: {  	s13 =	simm.s32 @!p0 $0x8;
	[sflag:s18] =	ssyncadd.s32 $0xFFFFFF80  }
0x30: {  	[tilespmem:s26], [sflag:$0x5] =	stream.indirect.gather [hbm4b:s4+s21], $0x80, s3, s21, $0xb8;
	[tilespmem:$0x1C000] =	vst v63  }
0x31: {  	_ =	swait.ge @!p0 [sflag:s13], $0x4000  }
0x32: {  	[sflag:s13] =	ssyncset.done @!p0 $0x0  }
0x33: {  	[sflag:s13] =	ssyncadd.s32 @!p0 $0xFFFFC000  }
0x34: {  	_ =	swait.ge [sflag:s28], $0x80  }
0x35: {  	s19 =	sand.u32 $0x3C00, s3;
	[sflag:s28] =	ssyncset.done $0x0  }
0x36: {  	s20 =	sand.u32 $0x200, s3;
	s13 =	sadd.s32 s7, s19;
	[sflag:s28] =	ssyncadd.s32 $0xFFFFFF80  }
0x37: {  	s13 =	sor.u32 s13, s20;
	_ =	swait.ge [sflag:s28], $0x80  }
0x38: {  	s13 =	sor.u32 $0x180, s13;
	[sflag:s28] =	ssyncset.done $0x0  }
0x39: {  	s13 =	sshrl.u32 s13, $0x3;
	[sflag:s28] =	ssyncadd.s32 $0xFFFFFF80  }
0x3a: {  	[tilespmem:s29], [sflag:$0x6] =	stream.indirect.gather [hbm4b:s4+s21], $0x80, s21, s21, $0xb8;
	[tilespmem:$0x1C000] =	vst v63  }
0x3b: {  	s25 =	sadd.s32 s5, s13  }
0x3c: {  	[tilespmem:s30], [sflag:$0x4] =	stream.linear.gather [hbm4b:s25+s3], $0x80, $0x38;
	[tilespmem:$0x1C000] =	vst v63  }
0x3d: {  	s13 =	sadd.s32 s6, s13  }
0x3e: {  	[tilespmem:s31], [sflag:$0x4] =	stream.linear.gather [hbm4b:s13+s3], $0x80, $0x38;
	[tilespmem:$0x1C000] =	vst v63  }
0x3f: {  	_ =	swait.ge [sflag:s0], $0x4000  }
0x40: {  	[sflag:s0] =	ssyncset.done $0x0  }
0x41: {  	[sflag:s0] =	ssyncadd.s32 $0xFFFFC000  }
0x42: {  	[spmem:s2] =	stream.indirect.scatter.add.f32 [tilespmem:s26], [sflag:$0x7], $0x80, s12, s21, $0xb8;
	[tilespmem:$0x1C000] =	vst v63  }
0x43: {  	_ =	swait.ge [sflag:s1], $0x4000  }
0x44: {  	[sflag:s1] =	ssyncset.done $0x0  }
0x45: {  	[sflag:s1] =	ssyncadd.s32 $0xFFFFC000  }
0x46: {  	p0 =	por $0x0, $0x0;
	_ =	swait.ge [sflag:s24], $0x80  }
0x47: {  	s13 =	simm.s32 @!p0 $0x200;
	[sflag:s24] =	ssyncset.done $0x0  }
0x48: {  	s14 =	sand.u32 @!p0 $0x7C00, s13;
	[sflag:s24] =	ssyncadd.s32 $0xFFFFFF80  }
0x49: {  	s13 =	sand.u32 @!p0 $0x200, s13;
	s14 =	sadd.s32 @!p0 s7, s14;
	_ =	swait.ge [sflag:s24], $0x80  }
0x4a: {  	s13 =	sor.u32 @!p0 s13, s14;
	[sflag:s24] =	ssyncset.done $0x0  }
0x4b: {  	s14 =	sshrl.u32 @!p0 s13, $0x3;
	[sflag:s24] =	ssyncadd.s32 $0xFFFFFF80  }
0x4c: {  	[tilespmem:s26], [sflag:$0x5] =	stream.indirect.gather [hbm4b:s4+s21], $0x80, s15, s21, $0xb8;
	[tilespmem:$0x1C000] =	vst v63  }
0x4d: {  	s13 =	simm.s32 @!p0 $0x0;
	s15 =	sadd.s32 @!p0 s5, s14  }
0x4e: {  	[tilespmem:s13], [sflag:$0x1] =	stream.linear.gather @!p0 [hbm4b:s15+s13], $0x80, $0x38;
	[tilespmem:$0x1C000] =	vst v63  }
0x4f: {  	s14 =	sadd.s32 @!p0 s6, s14;
	s15 =	simm.s32 @!p0 $0x200  }
0x50: {  	[tilespmem:s15], [sflag:$0x1] =	stream.linear.gather @!p0 [hbm4b:s14+s13], $0x80, $0x38;
	[tilespmem:$0x1C000] =	vst v63  }
0x51: {  	_ =	swait.ge [sflag:s8], $0x4000  }
0x52: {  	[sflag:s8] =	ssyncset.done $0x0  }
0x53: {  	[sflag:s8] =	ssyncadd.s32 $0xFFFFC000  }
0x54: {  	[spmem:s2] =	stream.indirect.scatter.add.f32 [tilespmem:s29], [sflag:$0x8], $0x80, s16, s21, $0xb8;
	[tilespmem:$0x1C000] =	vst v63  }
0x55: {  	_ =	swait.ge [sflag:s10], $0x4000  }
0x56: {  	[sflag:s10] =	ssyncset.done $0x0  }
0x57: {  	[sflag:s10] =	ssyncadd.s32 $0xFFFFC000  }
0x58: {  	_ =	swait.ge [sflag:s11], $0x80  }
0x59: {  	[sflag:s11] =	ssyncset.done $0x0  }
0x5a: {  	[sflag:s11] =	ssyncadd.s32 $0xFFFFFF80  }
0x5b: {  	_ =	swait.ge [sflag:s11], $0x80  }
0x5c: {  	s17 =	simm.s32 @p0 $0x300;
	[sflag:s11] =	ssyncset.done $0x0  }
0x5d: {  	s9 =	simm.s32 @p0 $0x400;
	s16 =	simm.s32 @p0 $0x5;
	[sflag:s11] =	ssyncadd.s32 $0xFFFFFF80  }
0x5e: {  	[tilespmem:s29], [sflag:$0x6] =	stream.indirect.gather [hbm4b:s4+s21], $0x80, s30, s21, $0xb8;
	[tilespmem:$0x1C000] =	vst v63  }
0x5f: {  	s18 =	simm.s32 @p0 $0x7;
	s14 =	simm.s32 @!p0 $0x280;
	_ =	swait.ge @p0 [sflag:s16], $0x4000  }
0x60: {  	s15 =	sand.u32 @!p0 $0x7C00, s14;
	s14 =	sand.u32 @!p0 $0x280, s14;
	[sflag:s16] =	ssyncset.done @p0 $0x0  }
0x61: {  	s15 =	sadd.s32 @!p0 s7, s15;
	[sflag:s16] =	ssyncadd.s32 @p0 $0xFFFFC000;
	s16 =	simm.s32 @p0 $0x80  }
0x62: {  	[spmem:s2] =	stream.indirect.scatter.add.f32 @p0 [tilespmem:s9], [sflag:$0x7], $0x80, s17, s16, $0xb8;
	[tilespmem:$0x1C000] =	vst v63  }
0x63: {  	s9 =	sor.u32 @!p0 s14, s15;
	_ =	swait.ge @p0 [sflag:s18], $0x4000  }
0x64: {  	s9 =	sshrl.u32 @!p0 s9, $0x3;
	[sflag:s18] =	ssyncset.done @p0 $0x0  }
0x65: {  	s15 =	simm.s32 @!p0 $0x80;
	s14 =	sadd.s32 @!p0 s5, s9;
	[sflag:s18] =	ssyncadd.s32 @p0 $0xFFFFC000  }
0x66: {  	[tilespmem:s15], [sflag:$0x2] =	stream.linear.gather @!p0 [hbm4b:s14+s13], $0x80, $0x38;
	[tilespmem:$0x1C000] =	vst v63  }
0x67: {  	s16 =	simm.s32 @!p0 $0x5;
	s9 =	sadd.s32 @!p0 s6, s9;
	s14 =	simm.s32 @!p0 $0x280  }
0x68: {  	[tilespmem:s14], [sflag:$0x2] =	stream.linear.gather @!p0 [hbm4b:s9+s13], $0x80, $0x38;
	[tilespmem:$0x1C000] =	vst v63  }
0x69: {  	_ =	swait.ge @!p0 [sflag:s16], $0x4000  }
0x6a: {  	s17 =	simm.s32 @!p0 $0x7;
	[sflag:s16] =	ssyncset.done @!p0 $0x0  }
0x6b: {  	s9 =	simm.s32 @!p0 $0x300;
	s14 =	simm.s32 @!p0 $0x400;
	[sflag:s16] =	ssyncadd.s32 @!p0 $0xFFFFC000  }
0x6c: {  	[spmem:s2] =	stream.indirect.scatter.add.f32 @!p0 [tilespmem:s14], [sflag:$0x7], $0x80, s9, s15, $0xb8;
	[tilespmem:$0x1C000] =	vst v63  }
0x6d: {  	_ =	swait.ge @!p0 [sflag:s17], $0x4000  }
0x6e: {  	[sflag:s17] =	ssyncset.done @!p0 $0x0  }
0x6f: {  	s16 =	simm.s32 @!p0 $0x1;
	[sflag:s17] =	ssyncadd.s32 @!p0 $0xFFFFC000  }
0x70: {  	_ =	swait.ge @!p0 [sflag:s16], $0x80  }
0x71: {  	s17 =	simm.s32 @!p0 $0x300;
	[sflag:s16] =	ssyncset.done @!p0 $0x0  }
0x72: {  	s18 =	sand.u32 @!p0 $0x7C00, s17;
	[sflag:s16] =	ssyncadd.s32 @!p0 $0xFFFFFF80  }
0x73: {  	s17 =	sand.u32 @!p0 $0x300, s17;
	s18 =	sadd.s32 @!p0 s7, s18;
	_ =	swait.ge @!p0 [sflag:s16], $0x80  }
0x74: {  	s17 =	sor.u32 @!p0 s17, s18;
	[sflag:s16] =	ssyncset.done @!p0 $0x0  }
0x75: {  	[sflag:s16] =	ssyncadd.s32 @!p0 $0xFFFFFF80;
	s16 =	sshrl.u32 @!p0 s17, $0x3  }
0x76: {  	[tilespmem:s14], [sflag:$0x5] =	stream.indirect.gather @!p0 [hbm4b:s4+s15], $0x80, s13, s15, $0xb8;
	[tilespmem:$0x1C000] =	vst v63  }
0x77: {  	s14 =	sadd.s32 @!p0 s5, s16;
	s15 =	simm.s32 @!p0 $0x100  }
0x78: {  	[tilespmem:s15], [sflag:$0x3] =	stream.linear.gather @!p0 [hbm4b:s14+s13], $0x80, $0x38;
	[tilespmem:$0x1C000] =	vst v63  }
0x79: {  	p6 =	por $0x0, $0x0;
	s14 =	sadd.s32 @!p0 s6, s16  }
0x7a: {  	[tilespmem:s9], [sflag:$0x3] =	stream.linear.gather @!p0 [hbm4b:s14+s13], $0x80, $0x38;
	[tilespmem:$0x1C000] =	vst v63  }
0x7b: {  	s13 =	simm.s32 $0x200;
	s14 =	simm.s32 $0x400;
	p0 =	por p6, p6  }
.LBB2_2:
0x7c: {  	p2 =	seq.s32 s14, $0x0  }
0x7d: {  	_ =	swait.ge [sflag:s8], $0x4000;
	s16 =	smov.u32 s14;
	s14 =	sadd.s32 $0x200, s14  }
0x7e: {  	p1 =	sne.s32 s14, $0x2800;
	[sflag:s8] =	ssyncset.done $0x0  }
0x7f: {  	s9 =	simm.s32 @!p0 $0x8;
	[sflag:s8] =	ssyncadd.s32 $0xFFFFC000  }
0x80: {  	[spmem:s2] =	stream.indirect.scatter.add.f32 [tilespmem:s29], [sflag:$0x8], $0x80, s31, s21, $0xb8;
	[tilespmem:$0x1C000] =	vst v63  }
0x81: {  	_ =	swait.ge @!p0 [sflag:s9], $0x4000  }
0x82: {  	[sflag:s9] =	ssyncset.done @!p0 $0x0  }
0x83: {  	[sflag:s9] =	ssyncadd.s32 @!p0 $0xFFFFC000;
	p0 =	por p2, p2  }
0x84: {  	s9 =	sand.u32 $0x3C00, s13;
	_ =	swait.ge [sflag:s28], $0x80  }
0x85: {  	s15 =	sand.u32 $0x200, s13;
	s9 =	sadd.s32 s7, s9;
	[sflag:s28] =	ssyncset.done $0x0  }
0x86: {  	s9 =	sor.u32 s9, s15;
	[sflag:s28] =	ssyncadd.s32 $0xFFFFFF80  }
0x87: {  	s9 =	sor.u32 $0x180, s9;
	_ =	swait.ge [sflag:s28], $0x80  }
0x88: {  	s9 =	sshrl.u32 s9, $0x3;
	[sflag:s28] =	ssyncset.done $0x0  }
0x89: {  	[sflag:s28] =	ssyncadd.s32 $0xFFFFFF80  }
0x8a: {  	s15 =	sadd.s32 s5, s9;
	s9 =	sadd.s32 s6, s9  }
0x8b: {  	[tilespmem:s29], [sflag:$0x6] =	stream.indirect.gather [hbm4b:s4+s21], $0x80, s21, s21, $0xb8;
	[tilespmem:$0x1C000] =	vst v63  }
0x8c: {  	_ = 	snop  }
0x8d: {  	[tilespmem:s30], [sflag:$0x4] =	stream.linear.gather [hbm4b:s15+s3], $0x80, $0x38;
	[tilespmem:$0x1C000] =	vst v63  }
0x8e: {  	_ = 	snop  }
0x8f: {  	[tilespmem:s31], [sflag:$0x4] =	stream.linear.gather [hbm4b:s9+s3], $0x80, $0x38;
	[tilespmem:$0x1C000] =	vst v63  }
0x90: {  	_ =	swait.ge [sflag:s0], $0x4000  }
0x91: {  	[sflag:s0] =	ssyncset.done $0x0  }
0x92: {  	[sflag:s0] =	ssyncadd.s32 $0xFFFFC000  }
0x93: {  	[spmem:s2] =	stream.indirect.scatter.add.f32 [tilespmem:s26], [sflag:$0x7], $0x80, s22, s21, $0xb8;
	[tilespmem:$0x1C000] =	vst v63  }
0x94: {  	_ =	swait.ge [sflag:s1], $0x4000  }
0x95: {  	s12 =	simm.s32 $0x100;
	p2 =	seq.s32 s13, $0x2600;
	[sflag:s1] =	ssyncset.done $0x0  }
0x96: {  	s15 =	sadd.s32 @!p2 $0x280, s13;
	s9 =	sadd.s32 @!p2 $0x200, s13;
	[sflag:s1] =	ssyncadd.s32 $0xFFFFC000  }
0x97: {  	s18 =	sand.u32 @!p2 $0x7C00, s15;
	s17 =	sand.u32 @!p2 $0x7C00, s9;
	_ =	swait.ge [sflag:s24], $0x80  }
0x98: {  	s18 =	sadd.s32 @!p2 s7, s18;
	s17 =	sadd.s32 @!p2 s7, s17;
	[sflag:s24] =	ssyncset.done $0x0  }
0x99: {  	s19 =	sand.u32 @!p2 $0x280, s15;
	s9 =	sand.u32 @!p2 $0x200, s9;
	[sflag:s24] =	ssyncadd.s32 $0xFFFFFF80  }
0x9a: {  	s15 =	simm.s32 @!p2 $0x0;
	s9 =	sor.u32 @!p2 s9, s17;
	_ =	swait.ge [sflag:s24], $0x80  }
0x9b: {  	s13 =	sadd.s32 @!p2 $0x300, s13;
	s9 =	sshrl.u32 @!p2 s9, $0x3;
	[sflag:s24] =	ssyncset.done $0x0  }
0x9c: {  	s17 =	sadd.s32 @!p2 s5, s9;
	s9 =	sadd.s32 @!p2 s6, s9;
	[sflag:s24] =	ssyncadd.s32 $0xFFFFFF80  }
0x9d: {  	[tilespmem:s26], [sflag:$0x5] =	stream.indirect.gather [hbm4b:s4+s21], $0x80, s12, s21, $0xb8;
	[tilespmem:$0x1C000] =	vst v63  }
0x9e: {  	s25 =	simm.s32 @!p2 $0x200;
	s18 =	sor.u32 @!p2 s19, s18;
	s19 =	sand.u32 @!p2 $0x7C00, s13  }
0x9f: {  	[tilespmem:s15], [sflag:$0x1] =	stream.linear.gather @!p2 [hbm4b:s17+s15], $0x80, $0x38;
	[tilespmem:$0x1C000] =	vst v63  }
0xa0: {  	s13 =	sand.u32 @!p2 $0x300, s13;
	s17 =	sshrl.u32 @!p2 s18, $0x3;
	s18 =	sadd.s32 @!p2 s7, s19  }
0xa1: {  	[tilespmem:s25], [sflag:$0x1] =	stream.linear.gather @!p2 [hbm4b:s9+s15], $0x80, $0x38;
	[tilespmem:$0x1C000] =	vst v63  }
0xa2: {  	s19 =	sadd.s32 @!p2 s6, s17;
	s9 =	sadd.s32 @!p2 s5, s17;
	_ =	swait.ge [sflag:s8], $0x4000  }
0xa3: {  	s17 =	sor.u32 @!p2 s13, s18;
	s13 =	smov.u32 s16;
	[sflag:s8] =	ssyncset.done $0x0  }
0xa4: {  	s16 =	sshrl.u32 @!p2 s17, $0x3;
	[sflag:s8] =	ssyncadd.s32 $0xFFFFC000  }
0xa5: {  	[spmem:s2] =	stream.indirect.scatter.add.f32 [tilespmem:s29], [sflag:$0x8], $0x80, s23, s21, $0xb8;
	[tilespmem:$0x1C000] =	vst v63  }
0xa6: {  	s17 =	sadd.s32 @!p2 s5, s16;
	s16 =	sadd.s32 @!p2 s6, s16;
	_ =	swait.ge [sflag:s10], $0x4000  }
0xa7: {  	[sflag:s10] =	ssyncset.done $0x0  }
0xa8: {  	[sflag:s10] =	ssyncadd.s32 $0xFFFFC000  }
0xa9: {  	_ =	swait.ge [sflag:s11], $0x80  }
0xaa: {  	[sflag:s11] =	ssyncset.done $0x0  }
0xab: {  	[sflag:s11] =	ssyncadd.s32 $0xFFFFFF80  }
0xac: {  	s18 =	simm.s32 @p2 $0x5;
	_ =	swait.ge [sflag:s11], $0x80  }
0xad: {  	[sflag:s11] =	ssyncset.done $0x0  }
0xae: {  	[sflag:s11] =	ssyncadd.s32 $0xFFFFFF80  }
0xaf: {  	[tilespmem:s29], [sflag:$0x6] =	stream.indirect.gather [hbm4b:s4+s21], $0x80, s30, s21, $0xb8;
	[tilespmem:$0x1C000] =	vst v63  }
0xb0: {  	s12 =	simm.s32 @p2 $0x400;
	s25 =	simm.s32 @p2 $0x300;
	_ =	swait.ge @p2 [sflag:s18], $0x4000  }
0xb1: {  	s20 =	simm.s32 @p2 $0x7;
	[sflag:s18] =	ssyncset.done @p2 $0x0  }
0xb2: {  	[sflag:s18] =	ssyncadd.s32 @p2 $0xFFFFC000;
	s18 =	simm.s32 @p2 $0x80  }
0xb3: {  	[spmem:s2] =	stream.indirect.scatter.add.f32 @p2 [tilespmem:s12], [sflag:$0x7], $0x80, s25, s18, $0xb8;
	[tilespmem:$0x1C000] =	vst v63  }
0xb4: {  	s12 =	simm.s32 @!p2 $0x80;
	_ =	swait.ge @p2 [sflag:s20], $0x4000  }
0xb5: {  	[sflag:s20] =	ssyncset.done @p2 $0x0  }
0xb6: {  	s18 =	simm.s32 @!p2 $0x280;
	[sflag:s20] =	ssyncadd.s32 @p2 $0xFFFFC000;
	s20 =	simm.s32 @!p2 $0x5  }
0xb7: {  	[tilespmem:s12], [sflag:$0x2] =	stream.linear.gather @!p2 [hbm4b:s9+s15], $0x80, $0x38;
	[tilespmem:$0x1C000] =	vst v63  }
0xb8: {  	_ = 	snop  }
0xb9: {  	[tilespmem:s18], [sflag:$0x2] =	stream.linear.gather @!p2 [hbm4b:s19+s15], $0x80, $0x38;
	[tilespmem:$0x1C000] =	vst v63  }
0xba: {  	s9 =	simm.s32 @!p2 $0x300;
	s18 =	simm.s32 @!p2 $0x400;
	_ =	swait.ge @!p2 [sflag:s20], $0x4000  }
0xbb: {  	s19 =	simm.s32 @!p2 $0x7;
	[sflag:s20] =	ssyncset.done @!p2 $0x0  }
0xbc: {  	[sflag:s20] =	ssyncadd.s32 @!p2 $0xFFFFC000  }
0xbd: {  	[spmem:s2] =	stream.indirect.scatter.add.f32 @!p2 [tilespmem:s18], [sflag:$0x7], $0x80, s9, s12, $0xb8;
	[tilespmem:$0x1C000] =	vst v63  }
0xbe: {  	s20 =	simm.s32 @!p2 $0x1;
	_ =	swait.ge @!p2 [sflag:s19], $0x4000  }
0xbf: {  	[sflag:s19] =	ssyncset.done @!p2 $0x0  }
0xc0: {  	[sflag:s19] =	ssyncadd.s32 @!p2 $0xFFFFC000  }
0xc1: {  	_ =	swait.ge @!p2 [sflag:s20], $0x80  }
0xc2: {  	[sflag:s20] =	ssyncset.done @!p2 $0x0  }
0xc3: {  	[sflag:s20] =	ssyncadd.s32 @!p2 $0xFFFFFF80  }
0xc4: {  	_ =	swait.ge @!p2 [sflag:s20], $0x80  }
0xc5: {  	[sflag:s20] =	ssyncset.done @!p2 $0x0  }
0xc6: {  	s19 =	simm.s32 @!p2 $0x100;
	[sflag:s20] =	ssyncadd.s32 @!p2 $0xFFFFFF80  }
0xc7: {  	[tilespmem:s18], [sflag:$0x5] =	stream.indirect.gather @!p2 [hbm4b:s4+s12], $0x80, s15, s12, $0xb8;
	[tilespmem:$0x1C000] =	vst v63  }
.Ltmp0:
0xc8: {  	_ = 	snop;
	(pc) =	sbr.rel @p1 .LBB2_2-.Ltmp0, $4  }
0xc9: {  	_ = 	snop  }
0xca: {  	[tilespmem:s19], [sflag:$0x3] =	stream.linear.gather @!p2 [hbm4b:s17+s15], $0x80, $0x38;
	[tilespmem:$0x1C000] =	vst v63  }
0xcb: {  	_ = 	snop  }
0xcc: {  	[tilespmem:s9], [sflag:$0x3] =	stream.linear.gather @!p2 [hbm4b:s16+s15], $0x80, $0x38;
	[tilespmem:$0x1C000] =	vst v63  }
0xcd: {  	_ =	swait.ge [sflag:s8], $0x4000  }
0xce: {  	[sflag:s8] =	ssyncset.done $0x0  }
0xcf: {  	s9 =	simm.s32 @!p0 $0x8;
	[sflag:s8] =	ssyncadd.s32 $0xFFFFC000  }
0xd0: {  	[spmem:s2] =	stream.indirect.scatter.add.f32 [tilespmem:s29], [sflag:$0x8], $0x80, s31, s21, $0xb8;
	[tilespmem:$0x1C000] =	vst v63  }
0xd1: {  	_ =	swait.ge @!p0 [sflag:s9], $0x4000  }
0xd2: {  	[sflag:s9] =	ssyncset.done @!p0 $0x0  }
0xd3: {  	[sflag:s9] =	ssyncadd.s32 @!p0 $0xFFFFC000  }
0xd4: {  	_ =	swait.ge [sflag:s28], $0x80  }
0xd5: {  	s16 =	sand.u32 $0x3C00, s13;
	[sflag:s28] =	ssyncset.done $0x0  }
0xd6: {  	s12 =	sand.u32 $0x200, s13;
	s9 =	sadd.s32 s7, s16;
	[sflag:s28] =	ssyncadd.s32 $0xFFFFFF80  }
0xd7: {  	s9 =	sor.u32 s9, s12;
	_ =	swait.ge [sflag:s28], $0x80  }
0xd8: {  	s9 =	sor.u32 $0x180, s9;
	[sflag:s28] =	ssyncset.done $0x0  }
0xd9: {  	s9 =	sshrl.u32 s9, $0x3;
	[sflag:s28] =	ssyncadd.s32 $0xFFFFFF80  }
0xda: {  	[tilespmem:s29], [sflag:$0x6] =	stream.indirect.gather [hbm4b:s4+s21], $0x80, s21, s21, $0xb8;
	[tilespmem:$0x1C000] =	vst v63  }
0xdb: {  	s17 =	sadd.s32 s5, s9  }
0xdc: {  	[tilespmem:s30], [sflag:$0x4] =	stream.linear.gather [hbm4b:s17+s3], $0x80, $0x38;
	[tilespmem:$0x1C000] =	vst v63  }
0xdd: {  	s9 =	sadd.s32 s6, s9  }
0xde: {  	[tilespmem:s31], [sflag:$0x4] =	stream.linear.gather [hbm4b:s9+s3], $0x80, $0x38;
	[tilespmem:$0x1C000] =	vst v63  }
0xdf: {  	_ =	swait.ge [sflag:s0], $0x4000  }
0xe0: {  	[sflag:s0] =	ssyncset.done $0x0  }
0xe1: {  	[sflag:s0] =	ssyncadd.s32 $0xFFFFC000  }
0xe2: {  	[spmem:s2] =	stream.indirect.scatter.add.f32 [tilespmem:s26], [sflag:$0x7], $0x80, s22, s21, $0xb8;
	[tilespmem:$0x1C000] =	vst v63  }
0xe3: {  	_ =	swait.ge [sflag:s1], $0x4000  }
0xe4: {  	[sflag:s1] =	ssyncset.done $0x0  }
0xe5: {  	[sflag:s1] =	ssyncadd.s32 $0xFFFFC000  }
0xe6: {  	p0 =	seq.s32 s13, $0x2600;
	_ =	swait.ge [sflag:s24], $0x80  }
0xe7: {  	s9 =	sadd.s32 @!p0 $0x200, s13;
	[sflag:s24] =	ssyncset.done $0x0  }
0xe8: {  	s12 =	sand.u32 @!p0 $0x7C00, s9;
	[sflag:s24] =	ssyncadd.s32 $0xFFFFFF80  }
0xe9: {  	s9 =	sand.u32 @!p0 $0x200, s9;
	s12 =	sadd.s32 @!p0 s7, s12;
	_ =	swait.ge [sflag:s24], $0x80  }
0xea: {  	s9 =	sor.u32 @!p0 s9, s12;
	[sflag:s24] =	ssyncset.done $0x0  }
0xeb: {  	s18 =	simm.s32 $0x100;
	s9 =	sshrl.u32 @!p0 s9, $0x3;
	[sflag:s24] =	ssyncadd.s32 $0xFFFFFF80  }
0xec: {  	[tilespmem:s26], [sflag:$0x5] =	stream.indirect.gather [hbm4b:s4+s21], $0x80, s18, s21, $0xb8;
	[tilespmem:$0x1C000] =	vst v63  }
0xed: {  	s14 =	simm.s32 @!p0 $0x0;
	s12 =	sadd.s32 @!p0 s5, s9  }
0xee: {  	[tilespmem:s14], [sflag:$0x1] =	stream.linear.gather @!p0 [hbm4b:s12+s14], $0x80, $0x38;
	[tilespmem:$0x1C000] =	vst v63  }
0xef: {  	s9 =	sadd.s32 @!p0 s6, s9;
	s12 =	simm.s32 @!p0 $0x200  }
0xf0: {  	[tilespmem:s12], [sflag:$0x1] =	stream.linear.gather @!p0 [hbm4b:s9+s14], $0x80, $0x38;
	[tilespmem:$0x1C000] =	vst v63  }
0xf1: {  	_ =	swait.ge [sflag:s8], $0x4000  }
0xf2: {  	[sflag:s8] =	ssyncset.done $0x0  }
0xf3: {  	[sflag:s8] =	ssyncadd.s32 $0xFFFFC000  }
0xf4: {  	[spmem:s2] =	stream.indirect.scatter.add.f32 [tilespmem:s29], [sflag:$0x8], $0x80, s23, s21, $0xb8;
	[tilespmem:$0x1C000] =	vst v63  }
0xf5: {  	_ =	swait.ge [sflag:s10], $0x4000  }
0xf6: {  	[sflag:s10] =	ssyncset.done $0x0  }
0xf7: {  	[sflag:s10] =	ssyncadd.s32 $0xFFFFC000  }
0xf8: {  	_ =	swait.ge [sflag:s11], $0x80  }
0xf9: {  	[sflag:s11] =	ssyncset.done $0x0  }
0xfa: {  	[sflag:s11] =	ssyncadd.s32 $0xFFFFFF80  }
0xfb: {  	_ =	swait.ge [sflag:s11], $0x80  }
0xfc: {  	[sflag:s11] =	ssyncset.done $0x0  }
0xfd: {  	s9 =	simm.s32 @p0 $0x5;
	[sflag:s11] =	ssyncadd.s32 $0xFFFFFF80  }
0xfe: {  	[tilespmem:s29], [sflag:$0x6] =	stream.indirect.gather [hbm4b:s4+s21], $0x80, s30, s21, $0xb8;
	[tilespmem:$0x1C000] =	vst v63  }
0xff: {  	s16 =	simm.s32 @p0 $0x300;
	_ =	swait.ge @p0 [sflag:s9], $0x4000  }
0x100: {  	s17 =	simm.s32 @p0 $0x400;
	s12 =	sadd.s32 @!p0 $0x280, s13;
	[sflag:s9] =	ssyncset.done @p0 $0x0  }
0x101: {  	s15 =	sand.u32 @!p0 $0x7C00, s12;
	[sflag:s9] =	ssyncadd.s32 @p0 $0xFFFFC000;
	s9 =	simm.s32 @p0 $0x80  }
0x102: {  	[spmem:s2] =	stream.indirect.scatter.add.f32 @p0 [tilespmem:s17], [sflag:$0x7], $0x80, s16, s9, $0xb8;
	[tilespmem:$0x1C000] =	vst v63  }
0x103: {  	s12 =	sand.u32 @!p0 $0x280, s12;
	s9 =	sadd.s32 @!p0 s7, s15;
	s15 =	simm.s32 @p0 $0x7  }
0x104: {  	s9 =	sor.u32 @!p0 s12, s9;
	_ =	swait.ge @p0 [sflag:s15], $0x4000  }
0x105: {  	s9 =	sshrl.u32 @!p0 s9, $0x3;
	[sflag:s15] =	ssyncset.done @p0 $0x0  }
0x106: {  	s16 =	simm.s32 @!p0 $0x80;
	s12 =	sadd.s32 @!p0 s5, s9;
	[sflag:s15] =	ssyncadd.s32 @p0 $0xFFFFC000  }
0x107: {  	[tilespmem:s16], [sflag:$0x2] =	stream.linear.gather @!p0 [hbm4b:s12+s14], $0x80, $0x38;
	[tilespmem:$0x1C000] =	vst v63  }
0x108: {  	s9 =	sadd.s32 @!p0 s6, s9;
	s15 =	simm.s32 @!p0 $0x5;
	s12 =	simm.s32 @!p0 $0x280  }
0x109: {  	[tilespmem:s12], [sflag:$0x2] =	stream.linear.gather @!p0 [hbm4b:s9+s14], $0x80, $0x38;
	[tilespmem:$0x1C000] =	vst v63  }
0x10a: {  	_ =	swait.ge @!p0 [sflag:s15], $0x4000  }
0x10b: {  	s17 =	simm.s32 @!p0 $0x7;
	[sflag:s15] =	ssyncset.done @!p0 $0x0  }
0x10c: {  	s9 =	simm.s32 @!p0 $0x300;
	s12 =	simm.s32 @!p0 $0x400;
	[sflag:s15] =	ssyncadd.s32 @!p0 $0xFFFFC000  }
0x10d: {  	[spmem:s2] =	stream.indirect.scatter.add.f32 @!p0 [tilespmem:s12], [sflag:$0x7], $0x80, s9, s16, $0xb8;
	[tilespmem:$0x1C000] =	vst v63  }
0x10e: {  	_ =	swait.ge @!p0 [sflag:s17], $0x4000  }
0x10f: {  	[sflag:s17] =	ssyncset.done @!p0 $0x0  }
0x110: {  	s15 =	simm.s32 @!p0 $0x1;
	[sflag:s17] =	ssyncadd.s32 @!p0 $0xFFFFC000  }
0x111: {  	_ =	swait.ge @!p0 [sflag:s15], $0x80  }
0x112: {  	s13 =	sadd.s32 @!p0 $0x300, s13;
	[sflag:s15] =	ssyncset.done @!p0 $0x0  }
0x113: {  	s17 =	sand.u32 @!p0 $0x7C00, s13;
	[sflag:s15] =	ssyncadd.s32 @!p0 $0xFFFFFF80  }
0x114: {  	s13 =	sand.u32 @!p0 $0x300, s13;
	s17 =	sadd.s32 @!p0 s7, s17;
	_ =	swait.ge @!p0 [sflag:s15], $0x80  }
0x115: {  	s13 =	sor.u32 @!p0 s13, s17;
	[sflag:s15] =	ssyncset.done @!p0 $0x0  }
0x116: {  	s13 =	sshrl.u32 @!p0 s13, $0x3;
	[sflag:s15] =	ssyncadd.s32 @!p0 $0xFFFFFF80  }
0x117: {  	[tilespmem:s12], [sflag:$0x5] =	stream.indirect.gather @!p0 [hbm4b:s4+s16], $0x80, s14, s16, $0xb8;
	[tilespmem:$0x1C000] =	vst v63  }
0x118: {  	s15 =	simm.s32 @!p0 $0x100;
	s12 =	sadd.s32 @!p0 s5, s13  }
0x119: {  	[tilespmem:s15], [sflag:$0x3] =	stream.linear.gather @!p0 [hbm4b:s12+s14], $0x80, $0x38;
	[tilespmem:$0x1C000] =	vst v63  }
0x11a: {  	s12 =	sadd.s32 @!p0 s6, s13  }
0x11b: {  	[tilespmem:s9], [sflag:$0x3] =	stream.linear.gather @!p0 [hbm4b:s12+s14], $0x80, $0x38;
	[tilespmem:$0x1C000] =	vst v63  }
0x11c: {  	_ =	swait.ge [sflag:s8], $0x4000  }
0x11d: {  	[sflag:s8] =	ssyncset.done $0x0  }
0x11e: {  	[sflag:s8] =	ssyncadd.s32 $0xFFFFC000  }
0x11f: {  	[spmem:s2] =	stream.indirect.scatter.add.f32 [tilespmem:s29], [sflag:$0x8], $0x80, s31, s21, $0xb8;
	[tilespmem:$0x1C000] =	vst v63  }
0x120: {  	_ =	swait.ge [sflag:s10], $0x4000  }
0x121: {  	[sflag:s10] =	ssyncset.done $0x0  }
0x122: {  	[sflag:s10] =	ssyncadd.s32 $0xFFFFC000  }
0x123: {  	[bflag:$0x0] =	sbarrier.arrive $0xFFFF  }
0x124: {  	s12 =	rddreg [dreg:$0x4]  }
0x125: {  	s19 =	rddreg [dreg:$0xb]  }
0x126: {  	s14 =	simm.s32 $0x9;
	s13 =	rddreg [dreg:$0xd]  }
0x127: {  	[hbm:s19], [sflag:s12] =	dma.local [spmem:s13], $0x2780  }
0x128: {  	_ =	swait.ge [sflag:s14], $0x2780  }
0x129: {  	s20 =	rddreg [dreg:$0xe]  }
0x12a: {  	s25 =	rddreg [dreg:$0xc];
	s15 =	sadd.s32 $0x1, s20  }
0x12b: {  	p0 =	sne.s32 s15, s25  }
.Ltmp1:
0x12c: {  	_ = 	snop;
	(pc) =	sbr.rel @p0 .LBB2_1-.Ltmp1, $3  }
0x12d: {  	_ =	sdelay $0x1  }
0x12e: {  	[sflag:s14] =	ssyncset.done $0x0  }
0x12f: {  	[sflag:s14] =	ssyncadd.s32 $0xFFFFD880  }
0x130: {  	_ =	sfence.sel $0x180000  }
0x131: {  	[bflag:$0x0] =	sbarrier.arrive $0xFFFF  }
0x132: {  	_ =	strace $0x9000004D  }
0x133: {  	s0 =	stileid.u32;
	[bflag:$0x2] =	sbarrier.arrive $0xFFFF  }
0x134: {  	p0 =	sne.s32 s0, $0x0;
	s0 =	rddreg [dreg:$0x2]  }
0x135: {  	s0 =	sadd.s32 @!p0 $0x100000, s0  }
0x136: {  	[sflag:s0] =	ssyncadd.tile.s32 @!p0 $0x1;
	_ =	shalt  }
.Lfunc_end2:
_tile_overlayer_lowered:
.L_overlay_start_2:
0x137: {  	(tag) =	ssettag $0x2  }
0x138: {  	s0 =	rddreg [dreg:$0x0];
	s2 =	stileid.u32  }
0x139: {  	s1 =	rddreg [dreg:$0x1];
	p0 =	sne.s32 s2, $0x0  }
0x13a: {  	s3 =	rddreg [dreg:$0x2];
	[bflag:$0x3] =	sbarrier.arrive $0xFFFF;
	s2 =	simm.s32 @!p0 $0x1C09  }
0x13b: {  	[timem:s3], [sflag:s2] =	dma.local @!p0 [hbm:s0], s1  }
0x13c: {  	s0 =	simm.s32 @!p0 $0x9  }
0x13d: {  	_ =	swait.ge @!p0 [sflag:s0], s1  }
0x13e: {  	s1 =	ssub.s32 @!p0 $0x0, s1;
	[sflag:s0] =	ssyncset.done @!p0 $0x0  }
0x13f: {  	[sflag:s0] =	ssyncadd.s32 @!p0 s1  }
0x140: {  	[bflag:$0x3] =	sbarrier.arrive $0xFFFF  }
0x141: {  	_ =	shalt  }

// kernel: kernel.19.cloned.1.call-start
scs
__scs_entry_jumppad:
0x0: {  	(pc) =	sbr.rel $0x88, $3  }
0x1: {  	(tag) =	ssettag $0x0;
	lr =	simm.s32 $0x1  }
0x2: {  	[smem:$0x3F95] =	sst lr;
	_ =	strace $0xD0000000  }
0x3: {  	_ = 	snop  }
0x4: {  	_ = 	snop  }
0x5: {  	_ = 	snop  }
0x6: {  	_ = 	snop  }
0x7: {  	_ = 	snop  }
__scs_overlays_trampoline_lowered:
0x8: {  	[smem:$0x3FA4] =	sst s0  }
0x9: {  	[smem:$0x3FA5] =	sst s1  }
0xa: {  	[smem:$0x3FA6] =	sst s2  }
0xb: {  	[smem:$0x3FA7] =	sst s3  }
0xc: {  	[smem:$0x3FA8] =	sst s4  }
0xd: {  	[smem:$0x3FA9] =	sst s5  }
0xe: {  	[smem:$0x3FAA] =	sst s6  }
0xf: {  	[smem:$0x3FAB] =	sst s7  }
0x10: {  	[smem:$0x3FAC] =	sst s8  }
0x11: {  	[smem:$0x3FAD] =	sst s9;
	s0 =	simm.s32 @!p0 $0x0  }
0x12: {  	s1 =	sld [smem:$0x3F93];
	s0 =	simm.s32 @p0 $0x1  }
0x13: {  	[smem:$0x3FAE] =	sst s0;
	s0 =	simm.s32 @!p1 $0x0  }
0x14: {  	s2 =	sld [smem:$0x3F92];
	s0 =	simm.s32 @p1 $0x1  }
0x15: {  	[smem:$0x3FAF] =	sst s0;
	s0 =	simm.s32 @!p2 $0x0  }
0x16: {  	s3 =	sld [smem:$0x3FDB];
	s0 =	simm.s32 @p2 $0x1  }
0x17: {  	s4 =	simm.s32 $0x1BF5;
	[smem:$0x3FB1] =	sst s0  }
0x18: {  	s0 =	sld [smem:$0x3F94];
	_ =	swait.ge [sflag:s4], $0x0  }
0x19: {  	s7 =	sld [smem:$0x3F95]  }
0x1a: {  	s8 =	sadd.s32 $0xFFFFE003, lr  }
0x1b: {  	s9 =	sadd.s32 $0xFFFFFEF7, lr;
	s5 =	simm.s32 $0xFFFFFFFF;
	p2 =	slt.u32 s8, $0xFFFFF086  }
0x1c: {  	p1 =	slt.u32 s9, $0xF7A;
	s5 =	simm.s32 @!p2 $0x0  }
0x1d: {  	s5 =	simm.s32 @p1 $0x1;
	p0 =	seq.s32 s7, s2  }
0x1e: {  	s7 =	smul.u32 @!p0 $0xF7A, s2;
	p2 =	seq.s32 @!p0 s5, $0x0  }
0x1f: {  	s9 =	smul.u32 $0xF7A, s1;
	s8 =	simm.s32 @!p0 $0x1BF5;
	p2 =	por !p2, p0  }
0x20: {  	[sflag:s8] =	ssyncset.s32 @!p0 $0xFFFFF086;
	s6 =	sadd.s32 @!p0 s3, s7;
	s7 =	simm.s32 @!p0 $0x108  }
0x21: {  	s3 =	sadd.s32 s3, s9;
	s6 =	sadd.s32 @!p0 $0x88, s6;
	s7 =	simm.s32 @p2 $0x1082  }
0x22: {  	[simem:s7], [sflag:s8] =	dma.local @!p0 [hbm:s6], $0xF7A  }
0x23: {  	s9 =	sor.u32 $0xD0000000, s2;
	s6 =	simm.s32 $0x108;
	_ =	swait.ge @!p0 [sflag:s8], $0x0  }
0x24: {  	s3 =	sadd.s32 $0x88, s3;
	s6 =	simm.s32 @!p1 $0x1082;
	[sflag:s4] =	ssyncset.s32 $0xFFFFF086  }
0x25: {  	[simem:s6], [sflag:s4] =	dma.local [hbm:s3], $0xF7A  }
0x26: {  	[smem:$0x3F95] =	sst s1;
	(tag) =	ssettag s2;
	_ =	strace s9  }
0x27: {  	s1 =	sld [smem:$0x3FA5]  }
0x28: {  	s2 =	sld [smem:$0x3FA6]  }
0x29: {  	s4 =	sld [smem:$0x3FA8]  }
0x2a: {  	p0 =	seq.s32 s5, $0x0;
	s5 =	sld [smem:$0x3FA9]  }
0x2b: {  	s6 =	sld [smem:$0x3FAA]  }
0x2c: {  	s7 =	sld [smem:$0x3FAB]  }
0x2d: {  	s3 =	simm.s32 $0x108;
	s8 =	sld [smem:$0x3FAC]  }
0x2e: {  	s3 =	simm.s32 @!p0 $0x1082;
	s9 =	sld [smem:$0x3FAD]  }
0x2f: {  	lr =	sadd.s32 s0, s3;
	s0 =	sld [smem:$0x3FA4]  }
0x30: {  	s3 =	sld [smem:$0x3FA7]  }
0x31: {  	[smem:$0x3FB0] =	sst s10  }
0x32: {  	s10 =	sld [smem:$0x3FAE];
	_ =	sdelay $0x3  }
0x33: {  	p0 =	seq.s32 s10, $0x1;
	s10 =	sld [smem:$0x3FB0];
	_ =	sdelay $0x3  }
0x34: {  	[smem:$0x3FB0] =	sst s10  }
0x35: {  	s10 =	sld [smem:$0x3FAF];
	_ =	sdelay $0x3  }
0x36: {  	p1 =	seq.s32 s10, $0x1;
	s10 =	sld [smem:$0x3FB0];
	_ =	sdelay $0x3  }
0x37: {  	[smem:$0x3FB0] =	sst s10  }
0x38: {  	s10 =	sld [smem:$0x3FB1]  }
0x39: {  	_ = 	snop;
	(pc) =	sbr.ind lr, $3  }
0x3a: {  	_ = 	snop  }
0x3b: {  	_ = 	snop  }
0x3c: {  	p2 =	seq.s32 s10, $0x1;
	s10 =	sld [smem:$0x3FB0]  }
0x3d: {  	_ =	shalt  }
0x3e: {  	_ =	shalt  }
0x3f: {  	_ =	shalt  }
0x40: {  	_ =	shalt  }
0x41: {  	_ =	shalt  }
0x42: {  	_ =	shalt  }
0x43: {  	_ =	shalt  }
0x44: {  	_ =	shalt  }
0x45: {  	_ =	shalt  }
0x46: {  	_ =	shalt  }
0x47: {  	_ =	shalt  }
0x48: {  	_ =	shalt  }
0x49: {  	_ =	shalt  }
0x4a: {  	_ =	shalt  }
0x4b: {  	_ =	shalt  }
0x4c: {  	_ =	shalt  }
0x4d: {  	_ =	shalt  }
0x4e: {  	_ =	shalt  }
0x4f: {  	_ =	shalt  }
0x50: {  	_ =	shalt  }
0x51: {  	_ =	shalt  }
0x52: {  	_ =	shalt  }
0x53: {  	_ =	shalt  }
0x54: {  	_ =	shalt  }
0x55: {  	_ =	shalt  }
0x56: {  	_ =	shalt  }
0x57: {  	_ =	shalt  }
0x58: {  	_ =	shalt  }
0x59: {  	_ =	shalt  }
0x5a: {  	_ =	shalt  }
0x5b: {  	_ =	shalt  }
0x5c: {  	_ =	shalt  }
0x5d: {  	_ =	shalt  }
0x5e: {  	_ =	shalt  }
0x5f: {  	_ =	shalt  }
0x60: {  	_ =	shalt  }
0x61: {  	_ =	shalt  }
0x62: {  	_ =	shalt  }
0x63: {  	_ =	shalt  }
0x64: {  	_ =	shalt  }
0x65: {  	_ =	shalt  }
0x66: {  	_ =	shalt  }
0x67: {  	_ =	shalt  }
0x68: {  	_ =	shalt  }
0x69: {  	_ =	shalt  }
0x6a: {  	_ =	shalt  }
0x6b: {  	_ =	shalt  }
0x6c: {  	_ =	shalt  }
0x6d: {  	_ =	shalt  }
0x6e: {  	_ =	shalt  }
0x6f: {  	_ =	shalt  }
0x70: {  	_ =	shalt  }
0x71: {  	_ =	shalt  }
0x72: {  	_ =	shalt  }
0x73: {  	_ =	shalt  }
0x74: {  	_ =	shalt  }
0x75: {  	_ =	shalt  }
0x76: {  	_ =	shalt  }
0x77: {  	_ =	shalt  }
0x78: {  	_ =	shalt  }
0x79: {  	_ =	shalt  }
0x7a: {  	_ =	shalt  }
0x7b: {  	_ =	shalt  }
0x7c: {  	_ =	shalt  }
0x7d: {  	_ =	shalt  }
0x7e: {  	_ =	shalt  }
0x7f: {  	_ =	shalt  }
0x80: {  	_ =	shalt  }
0x81: {  	_ =	shalt  }
0x82: {  	_ =	shalt  }
0x83: {  	_ =	shalt  }
0x84: {  	_ =	shalt  }
0x85: {  	_ =	shalt  }
0x86: {  	_ =	shalt  }
0x87: {  	_ =	shalt  }
.Lfunc_end0:
.L_simem_size_0:
called_computation.3_lowered:
.L_overlay_start_0:
0x88: {  	s2 =	sld [smem:$0x3FD9]  }
0x89: {  	s3 =	sld [smem:$0x3FFE];
	_ =	sdelay $0x1  }
0x8a: {  	s1 =	srdreg.scid  }
0x8b: {  	s0 =	sand.u32 $0x1, s1  }
0x8c: {  	s16 =	sshll.u32 s0, $0xA;
	s2 =	sadd.s32 s3, s2  }
0x8d: {  	s2 =	sadd.s32 s2, s16  }
0x8e: {  	[smem:$0x3FBC] =	sst s2  }
0x8f: {  	_ = 	snop  }
0x90: {  	(tm) =	ssettm $0x1  }
0x91: {  	s17 =	sld [smem:$0x3FFB];
	_ =	sdelay $0x3  }
0x92: {  	_ =	strace s17  }
0x93: {  	s2 =	sld [smem:$0x3FFC];
	_ =	sdelay $0x3  }
0x94: {  	_ =	strace s2  }
0x95: {  	s2 =	sld [smem:$0x3FFD];
	_ =	sdelay $0x3  }
0x96: {  	_ =	strace s2  }
0x97: {  	_ =	strace $0x8FFFFFFF  }
0x98: {  	s18 =	sld [smem:$0x3FDB];
	_ =	sdelay $0x1  }
0x99: {  	s19 =	simm.s32 $_scs_section_size  }
0x9a: {  	s4 =	simm.s32 $_size__tile_overlayer_lowered;
	s5 =	simm.s32 $_tile_overlayer_lowered  }
0x9b: {  	s22 =	simm.s32 $0x1BFF;
	s21 =	sshll.u32 s5, $0x1;
	s2 =	sadd.s32 s19, s18  }
0x9c: {  	s6 =	simm.s32 $0x0;
	s20 =	sshll.u32 s4, $0x1;
	s4 =	sadd.s32 s21, s2  }
0x9d: {  	[timem:s6], [sflag:s22] =	dma.local [hbm:s4], s20  }
0x9e: {  	_ =	swait.ge [sflag:s22], s20  }
0x9f: {  	s3 =	ssub.s32 $0x0, s20;
	[sflag:s22] =	ssyncset.done $0x0  }
0xa0: {  	[sflag:s22] =	ssyncadd.s32 s3;
	_ =	sdelay $0x1  }
0xa1: {  	s23 =	simm.s32 $0x1B8B  }
0xa2: {  	_ =	swait.ge [sflag:s23], $0x1  }
0xa3: {  	[sflag:s23] =	ssyncset.done $0x0  }
0xa4: {  	s25 =	simm.s32 $0x1B8E;
	s24 =	sld [smem:$0x3FFE];
	[sflag:s23] =	ssyncadd.s32 $0xFFFFFFFF  }
0xa5: {  	s26 =	simm.s32 $execute0_lowered;
	[smem:$0x3FD2] =	sst s25  }
0xa6: {  	s4 =	sshll.u32 s26, $0x1;
	_ =	strace $0x8000004F;
	[dreg:$0x1] =	wrdreg $0xFFFFFFFF  }
0xa7: {  	s28 =	simm.s32 $_size_execute0_lowered;
	s2 =	sadd.s32 s2, s4;
	[dreg:$0x0] =	wrdreg $0x0  }
0xa8: {  	s4 =	sshll.u32 s28, $0x1;
	[dreg:$0x2] =	wrdreg s2  }
0xa9: {  	[dreg:$0x3] =	wrdreg s4  }
0xaa: {  	[dreg:$0x4] =	wrdreg $0xC0  }
0xab: {  	_ =	task [dreg:s6], $0x5FFFF  }
0xac: {  	[dreg:$0x1] =	wrdreg $0xFFFFFFFF  }
0xad: {  	[dreg:$0x0] =	wrdreg $0x60  }
0xae: {  	[dreg:$0x2] =	wrdreg s24  }
0xaf: {  	[dreg:$0x3] =	wrdreg $0x84000  }
0xb0: {  	[dreg:$0x4] =	wrdreg $0x9  }
0xb1: {  	_ =	task.clear_ibuf [dreg:s6], $0x5FFFF;
	_ =	strace $0x9000004F  }
0xb2: {  	s29 =	simm.s32 $0x9;
	_ =	strace $0x80000051  }
0xb3: {  	_ =	swait.ge [sflag:s29], $0x1  }
0xb4: {  	[sflag:s29] =	ssyncadd.s32 $0xFFFFFFFF  }
0xb5: {  	_ =	strace $0x90000051  }
0xb6: {  	_ =	sfence  }
0xb7: {  	s30 =	sld [smem:$0x0];
	_ =	sdelay $0x2  }
0xb8: {  	s31 =	sshll.u32 s1, $0xD;
	s1 =	sshrl.u32 s1, $0x2  }
0xb9: {  	s3 =	sand.u32 $0x4000, s31;
	s1 =	sadd.s32 s1, s30  }
0xba: {  	s0 =	sor.u32 s3, s0;
	s1 =	sshll.u32 s1, $0x11  }
0xbb: {  	s0 =	sor.u32 s1, s0  }
0xbc: {  	s0 =	sadd.s32 $0x8F2B, s0  }
0xbd: {  	[sflag:s0] =	ssyncadd.remote.s32 $0x1  }
0xbe: {  	_ =	sfence.sel $0xFFFF  }
0xbf: {  	[dreg:$0x0] =	wrdreg $0xFFFFFFFF;
	(pc) =	sbr.abs _section_cstart, $3  }
0xc0: {  	[dreg:$0x1] =	wrdreg $0xFFFFFFFF  }
0xc1: {  	_ =	task.clear_ibuf [dreg:s6], $0x2FFFF;
	_ =	strace $0x9FFFFFFF  }
0xc2: {  	(tm) =	ssettm $0x7FFFFFFF  }
0xc3: {  	_ =	shalt  }
tec
execute0_lowered:
.L_overlay_start_1:
0x0: {  	(tag) =	ssettag $0x1  }
0x1: {  	s0 =	rddreg [dreg:$0x0]  }
0x2: {  	s2 =	rddreg [dreg:$0x1];
	s3 =	simm.s32 $0x0;
	s11 =	stileid.u32  }
0x3: {  	s1 =	srdreg.scid;
	s28 =	simm.s32 $0x2;
	s29 =	simm.s32 $0x4400  }
0x4: {  	s30 =	simm.s32 $0x180;
	s31 =	simm.s32 $0x380;
	[smem:$0x7FF] =	sst s3  }
0x5: {  	s7 =	smul.u32 $0x2780, s11;
	s1 =	sand.u32 $0x1, s1;
	s4 =	sadd.s32 $0x49200, s0  }
0x6: {  	s5 =	sadd.s32 $0xDA00, s0;
	s6 =	sadd.s32 $0x17A00, s0;
	s14 =	smul.u32 $0x4F000, s11  }
0x7: {  	s17 =	sshll.u32 s11, $0x6;
	_ =	strace $0x80000050;
	s8 =	smul.u32 $0x27800, s1  }
0x8: {  	s10 =	sshll.u32 s1, $0x4;
	s1 =	ssub.s32 $0x2, s1;
	s12 =	sor.u32 $0x1C09, s17  }
0x9: {  	s9 =	sadd.s32 s7, s0;
	s15 =	sor.u32 s11, s10;
	s16 =	sshrl.u32 s1, $0x1  }
0xa: {  	s11 =	simm.s32 $0x4;
	[dreg:$0x4] =	wrdreg s12;
	s7 =	sadd.s32 s7, s8  }
0xb: {  	s8 =	sshrl.u32 s14, $0x2;
	s1 =	ssub.s32 s1, s16;
	s9 =	sadd.s32 $0x21A00, s9  }
0xc: {  	s14 =	simm.s32 $0x9;
	s0 =	sadd.s32 s7, s0;
	s7 =	smul.u32 $0x2800, s15  }
0xd: {  	s8 =	sadd.s32 s8, s2;
	[dreg:$0x3] =	wrdreg s9;
	s26 =	smax.u32 s1, $0x1  }
0xe: {  	s1 =	simm.s32 $0x7;
	s0 =	sadd.s32 $0x70A00, s0;
	[dreg:$0xc] =	wrdreg s26  }
0xf: {  	s13 =	sshrl.u32 s8, $0x3;
	s18 =	sshrl.u32 s7, $0x3;
	[dreg:$0xb] =	wrdreg s0  }
0x10: {  	s15 =	simm.s32 $0x0;
	[dreg:$0xd] =	wrdreg s13;
	s19 =	sadd.s32 s5, s18  }
0x11: {  	s20 =	sadd.s32 s6, s18;
	s21 =	sor.u32 $0x10, s18;
	[dreg:$0x5] =	wrdreg s19  }
0x12: {  	s26 =	simm.s32 $0x400;
	[dreg:$0x6] =	wrdreg s20;
	s22 =	sadd.s32 s5, s21  }
0x13: {  	s10 =	sor.u32 $0x20, s18;
	s23 =	sadd.s32 s6, s21;
	[dreg:$0x7] =	wrdreg s22  }
0x14: {  	s8 =	simm.s32 $0x6;
	s24 =	sadd.s32 s5, s10;
	[dreg:$0x8] =	wrdreg s23  }
0x15: {  	s0 =	simm.s32 $0x5;
	s25 =	sadd.s32 s6, s10;
	[dreg:$0x9] =	wrdreg s24  }
0x16: {  	s21 =	simm.s32 $0x80;
	s10 =	simm.s32 $0x8;
	[dreg:$0xa] =	wrdreg s25  }
0x17: {  	s24 =	simm.s32 $0x3;
	s22 =	simm.s32 $0x200;
	s23 =	simm.s32 $0x280  }
.LBB2_1:
0x18: {  	[dreg:$0xe] =	wrdreg s15  }
0x19: {  	s9 =	rddreg [dreg:$0x3]  }
0x1a: {  	[spmem:s13], [sflag:s12] =	dma.local [hbm:s9], $0x2780  }
0x1b: {  	_ =	swait.ge [sflag:s14], $0x2780  }
0x1c: {  	[sflag:s14] =	ssyncset.done $0x0  }
0x1d: {  	s18 =	rddreg [dreg:$0x5];
	[sflag:s14] =	ssyncadd.s32 $0xFFFFD880  }
0x1e: {  	[tilespmem:s3], [sflag:$0x1] =	stream.linear.gather [hbm4b:s18+s3], $0x80, $0x38;
	[tilespmem:$0x1C000] =	vst v63  }
0x1f: {  	s12 =	simm.s32 $0x200;
	s19 =	rddreg [dreg:$0x6]  }
0x20: {  	[tilespmem:s12], [sflag:$0x1] =	stream.linear.gather [hbm4b:s19+s3], $0x80, $0x38;
	[tilespmem:$0x1C000] =	vst v63  }
0x21: {  	s20 =	rddreg [dreg:$0x7]  }
0x22: {  	[tilespmem:s21], [sflag:$0x2] =	stream.linear.gather [hbm4b:s20+s3], $0x80, $0x38;
	[tilespmem:$0x1C000] =	vst v63  }
0x23: {  	s16 =	simm.s32 $0x280;
	s25 =	rddreg [dreg:$0x8]  }
0x24: {  	[tilespmem:s16], [sflag:$0x2] =	stream.linear.gather [hbm4b:s25+s3], $0x80, $0x38;
	[tilespmem:$0x1C000] =	vst v63  }
0x25: {  	s15 =	simm.s32 $0x100;
	s13 =	rddreg [dreg:$0x9]  }
0x26: {  	[tilespmem:s15], [sflag:$0x3] =	stream.linear.gather [hbm4b:s13+s3], $0x80, $0x38;
	[tilespmem:$0x1C000] =	vst v63  }
0x27: {  	s17 =	simm.s32 $0x300;
	s14 =	rddreg [dreg:$0xa]  }
0x28: {  	[tilespmem:s17], [sflag:$0x3] =	stream.linear.gather [hbm4b:s14+s3], $0x80, $0x38;
	[tilespmem:$0x1C000] =	vst v63  }
0x29: {  	s18 =	simm.s32 $0x1;
	[bflag:$0x0] =	sbarrier.arrive $0xFFFF  }
0x2a: {  	_ =	swait.ge [sflag:s18], $0x80  }
0x2b: {  	[sflag:s18] =	ssyncset.done $0x0  }
0x2c: {  	[sflag:s18] =	ssyncadd.s32 $0xFFFFFF80  }
0x2d: {  	p0 =	por $0x1, $0x1;
	_ =	swait.ge [sflag:s18], $0x80  }
0x2e: {  	p0 =	por p0, p0;
	[sflag:s18] =	ssyncset.done $0x0  }
0x2f: {  	s13 =	simm.s32 @!p0 $0x8;
	[sflag:s18] =	ssyncadd.s32 $0xFFFFFF80  }
0x30: {  	[tilespmem:s26], [sflag:$0x5] =	stream.indirect.gather [hbm4b:s4+s21], $0x80, s3, s21, $0xb8;
	[tilespmem:$0x1C000] =	vst v63  }
0x31: {  	_ =	swait.ge @!p0 [sflag:s13], $0x4000  }
0x32: {  	[sflag:s13] =	ssyncset.done @!p0 $0x0  }
0x33: {  	[sflag:s13] =	ssyncadd.s32 @!p0 $0xFFFFC000  }
0x34: {  	_ =	swait.ge [sflag:s28], $0x80  }
0x35: {  	s19 =	sand.u32 $0x3C00, s3;
	[sflag:s28] =	ssyncset.done $0x0  }
0x36: {  	s20 =	sand.u32 $0x200, s3;
	s13 =	sadd.s32 s7, s19;
	[sflag:s28] =	ssyncadd.s32 $0xFFFFFF80  }
0x37: {  	s13 =	sor.u32 s13, s20;
	_ =	swait.ge [sflag:s28], $0x80  }
0x38: {  	s13 =	sor.u32 $0x180, s13;
	[sflag:s28] =	ssyncset.done $0x0  }
0x39: {  	s13 =	sshrl.u32 s13, $0x3;
	[sflag:s28] =	ssyncadd.s32 $0xFFFFFF80  }
0x3a: {  	[tilespmem:s29], [sflag:$0x6] =	stream.indirect.gather [hbm4b:s4+s21], $0x80, s21, s21, $0xb8;
	[tilespmem:$0x1C000] =	vst v63  }
0x3b: {  	s25 =	sadd.s32 s5, s13  }
0x3c: {  	[tilespmem:s30], [sflag:$0x4] =	stream.linear.gather [hbm4b:s25+s3], $0x80, $0x38;
	[tilespmem:$0x1C000] =	vst v63  }
0x3d: {  	s13 =	sadd.s32 s6, s13  }
0x3e: {  	[tilespmem:s31], [sflag:$0x4] =	stream.linear.gather [hbm4b:s13+s3], $0x80, $0x38;
	[tilespmem:$0x1C000] =	vst v63  }
0x3f: {  	_ =	swait.ge [sflag:s0], $0x4000  }
0x40: {  	[sflag:s0] =	ssyncset.done $0x0  }
0x41: {  	[sflag:s0] =	ssyncadd.s32 $0xFFFFC000  }
0x42: {  	[spmem:s2] =	stream.indirect.scatter.add.f32 [tilespmem:s26], [sflag:$0x7], $0x80, s12, s21, $0xb8;
	[tilespmem:$0x1C000] =	vst v63  }
0x43: {  	_ =	swait.ge [sflag:s1], $0x4000  }
0x44: {  	[sflag:s1] =	ssyncset.done $0x0  }
0x45: {  	[sflag:s1] =	ssyncadd.s32 $0xFFFFC000  }
0x46: {  	p0 =	por $0x0, $0x0;
	_ =	swait.ge [sflag:s24], $0x80  }
0x47: {  	s13 =	simm.s32 @!p0 $0x200;
	[sflag:s24] =	ssyncset.done $0x0  }
0x48: {  	s14 =	sand.u32 @!p0 $0x7C00, s13;
	[sflag:s24] =	ssyncadd.s32 $0xFFFFFF80  }
0x49: {  	s13 =	sand.u32 @!p0 $0x200, s13;
	s14 =	sadd.s32 @!p0 s7, s14;
	_ =	swait.ge [sflag:s24], $0x80  }
0x4a: {  	s13 =	sor.u32 @!p0 s13, s14;
	[sflag:s24] =	ssyncset.done $0x0  }
0x4b: {  	s14 =	sshrl.u32 @!p0 s13, $0x3;
	[sflag:s24] =	ssyncadd.s32 $0xFFFFFF80  }
0x4c: {  	[tilespmem:s26], [sflag:$0x5] =	stream.indirect.gather [hbm4b:s4+s21], $0x80, s15, s21, $0xb8;
	[tilespmem:$0x1C000] =	vst v63  }
0x4d: {  	s13 =	simm.s32 @!p0 $0x0;
	s15 =	sadd.s32 @!p0 s5, s14  }
0x4e: {  	[tilespmem:s13], [sflag:$0x1] =	stream.linear.gather @!p0 [hbm4b:s15+s13], $0x80, $0x38;
	[tilespmem:$0x1C000] =	vst v63  }
0x4f: {  	s14 =	sadd.s32 @!p0 s6, s14;
	s15 =	simm.s32 @!p0 $0x200  }
0x50: {  	[tilespmem:s15], [sflag:$0x1] =	stream.linear.gather @!p0 [hbm4b:s14+s13], $0x80, $0x38;
	[tilespmem:$0x1C000] =	vst v63  }
0x51: {  	_ =	swait.ge [sflag:s8], $0x4000  }
0x52: {  	[sflag:s8] =	ssyncset.done $0x0  }
0x53: {  	[sflag:s8] =	ssyncadd.s32 $0xFFFFC000  }
0x54: {  	[spmem:s2] =	stream.indirect.scatter.add.f32 [tilespmem:s29], [sflag:$0x8], $0x80, s16, s21, $0xb8;
	[tilespmem:$0x1C000] =	vst v63  }
0x55: {  	_ =	swait.ge [sflag:s10], $0x4000  }
0x56: {  	[sflag:s10] =	ssyncset.done $0x0  }
0x57: {  	[sflag:s10] =	ssyncadd.s32 $0xFFFFC000  }
0x58: {  	_ =	swait.ge [sflag:s11], $0x80  }
0x59: {  	[sflag:s11] =	ssyncset.done $0x0  }
0x5a: {  	[sflag:s11] =	ssyncadd.s32 $0xFFFFFF80  }
0x5b: {  	_ =	swait.ge [sflag:s11], $0x80  }
0x5c: {  	s17 =	simm.s32 @p0 $0x300;
	[sflag:s11] =	ssyncset.done $0x0  }
0x5d: {  	s9 =	simm.s32 @p0 $0x400;
	s16 =	simm.s32 @p0 $0x5;
	[sflag:s11] =	ssyncadd.s32 $0xFFFFFF80  }
0x5e: {  	[tilespmem:s29], [sflag:$0x6] =	stream.indirect.gather [hbm4b:s4+s21], $0x80, s30, s21, $0xb8;
	[tilespmem:$0x1C000] =	vst v63  }
0x5f: {  	s18 =	simm.s32 @p0 $0x7;
	s14 =	simm.s32 @!p0 $0x280;
	_ =	swait.ge @p0 [sflag:s16], $0x4000  }
0x60: {  	s15 =	sand.u32 @!p0 $0x7C00, s14;
	s14 =	sand.u32 @!p0 $0x280, s14;
	[sflag:s16] =	ssyncset.done @p0 $0x0  }
0x61: {  	s15 =	sadd.s32 @!p0 s7, s15;
	[sflag:s16] =	ssyncadd.s32 @p0 $0xFFFFC000;
	s16 =	simm.s32 @p0 $0x80  }
0x62: {  	[spmem:s2] =	stream.indirect.scatter.add.f32 @p0 [tilespmem:s9], [sflag:$0x7], $0x80, s17, s16, $0xb8;
	[tilespmem:$0x1C000] =	vst v63  }
0x63: {  	s9 =	sor.u32 @!p0 s14, s15;
	_ =	swait.ge @p0 [sflag:s18], $0x4000  }
0x64: {  	s9 =	sshrl.u32 @!p0 s9, $0x3;
	[sflag:s18] =	ssyncset.done @p0 $0x0  }
0x65: {  	s15 =	simm.s32 @!p0 $0x80;
	s14 =	sadd.s32 @!p0 s5, s9;
	[sflag:s18] =	ssyncadd.s32 @p0 $0xFFFFC000  }
0x66: {  	[tilespmem:s15], [sflag:$0x2] =	stream.linear.gather @!p0 [hbm4b:s14+s13], $0x80, $0x38;
	[tilespmem:$0x1C000] =	vst v63  }
0x67: {  	s16 =	simm.s32 @!p0 $0x5;
	s9 =	sadd.s32 @!p0 s6, s9;
	s14 =	simm.s32 @!p0 $0x280  }
0x68: {  	[tilespmem:s14], [sflag:$0x2] =	stream.linear.gather @!p0 [hbm4b:s9+s13], $0x80, $0x38;
	[tilespmem:$0x1C000] =	vst v63  }
0x69: {  	_ =	swait.ge @!p0 [sflag:s16], $0x4000  }
0x6a: {  	s17 =	simm.s32 @!p0 $0x7;
	[sflag:s16] =	ssyncset.done @!p0 $0x0  }
0x6b: {  	s9 =	simm.s32 @!p0 $0x300;
	s14 =	simm.s32 @!p0 $0x400;
	[sflag:s16] =	ssyncadd.s32 @!p0 $0xFFFFC000  }
0x6c: {  	[spmem:s2] =	stream.indirect.scatter.add.f32 @!p0 [tilespmem:s14], [sflag:$0x7], $0x80, s9, s15, $0xb8;
	[tilespmem:$0x1C000] =	vst v63  }
0x6d: {  	_ =	swait.ge @!p0 [sflag:s17], $0x4000  }
0x6e: {  	[sflag:s17] =	ssyncset.done @!p0 $0x0  }
0x6f: {  	s16 =	simm.s32 @!p0 $0x1;
	[sflag:s17] =	ssyncadd.s32 @!p0 $0xFFFFC000  }
0x70: {  	_ =	swait.ge @!p0 [sflag:s16], $0x80  }
0x71: {  	s17 =	simm.s32 @!p0 $0x300;
	[sflag:s16] =	ssyncset.done @!p0 $0x0  }
0x72: {  	s18 =	sand.u32 @!p0 $0x7C00, s17;
	[sflag:s16] =	ssyncadd.s32 @!p0 $0xFFFFFF80  }
0x73: {  	s17 =	sand.u32 @!p0 $0x300, s17;
	s18 =	sadd.s32 @!p0 s7, s18;
	_ =	swait.ge @!p0 [sflag:s16], $0x80  }
0x74: {  	s17 =	sor.u32 @!p0 s17, s18;
	[sflag:s16] =	ssyncset.done @!p0 $0x0  }
0x75: {  	[sflag:s16] =	ssyncadd.s32 @!p0 $0xFFFFFF80;
	s16 =	sshrl.u32 @!p0 s17, $0x3  }
0x76: {  	[tilespmem:s14], [sflag:$0x5] =	stream.indirect.gather @!p0 [hbm4b:s4+s15], $0x80, s13, s15, $0xb8;
	[tilespmem:$0x1C000] =	vst v63  }
0x77: {  	s14 =	sadd.s32 @!p0 s5, s16;
	s15 =	simm.s32 @!p0 $0x100  }
0x78: {  	[tilespmem:s15], [sflag:$0x3] =	stream.linear.gather @!p0 [hbm4b:s14+s13], $0x80, $0x38;
	[tilespmem:$0x1C000] =	vst v63  }
0x79: {  	p6 =	por $0x0, $0x0;
	s14 =	sadd.s32 @!p0 s6, s16  }
0x7a: {  	[tilespmem:s9], [sflag:$0x3] =	stream.linear.gather @!p0 [hbm4b:s14+s13], $0x80, $0x38;
	[tilespmem:$0x1C000] =	vst v63  }
0x7b: {  	s13 =	simm.s32 $0x200;
	s14 =	simm.s32 $0x400;
	p0 =	por p6, p6  }
.LBB2_2:
0x7c: {  	p2 =	seq.s32 s14, $0x0  }
0x7d: {  	_ =	swait.ge [sflag:s8], $0x4000;
	s16 =	smov.u32 s14;
	s14 =	sadd.s32 $0x200, s14  }
0x7e: {  	p1 =	sne.s32 s14, $0x2800;
	[sflag:s8] =	ssyncset.done $0x0  }
0x7f: {  	s9 =	simm.s32 @!p0 $0x8;
	[sflag:s8] =	ssyncadd.s32 $0xFFFFC000  }
0x80: {  	[spmem:s2] =	stream.indirect.scatter.add.f32 [tilespmem:s29], [sflag:$0x8], $0x80, s31, s21, $0xb8;
	[tilespmem:$0x1C000] =	vst v63  }
0x81: {  	_ =	swait.ge @!p0 [sflag:s9], $0x4000  }
0x82: {  	[sflag:s9] =	ssyncset.done @!p0 $0x0  }
0x83: {  	[sflag:s9] =	ssyncadd.s32 @!p0 $0xFFFFC000;
	p0 =	por p2, p2  }
0x84: {  	s9 =	sand.u32 $0x3C00, s13;
	_ =	swait.ge [sflag:s28], $0x80  }
0x85: {  	s15 =	sand.u32 $0x200, s13;
	s9 =	sadd.s32 s7, s9;
	[sflag:s28] =	ssyncset.done $0x0  }
0x86: {  	s9 =	sor.u32 s9, s15;
	[sflag:s28] =	ssyncadd.s32 $0xFFFFFF80  }
0x87: {  	s9 =	sor.u32 $0x180, s9;
	_ =	swait.ge [sflag:s28], $0x80  }
0x88: {  	s9 =	sshrl.u32 s9, $0x3;
	[sflag:s28] =	ssyncset.done $0x0  }
0x89: {  	[sflag:s28] =	ssyncadd.s32 $0xFFFFFF80  }
0x8a: {  	s15 =	sadd.s32 s5, s9;
	s9 =	sadd.s32 s6, s9  }
0x8b: {  	[tilespmem:s29], [sflag:$0x6] =	stream.indirect.gather [hbm4b:s4+s21], $0x80, s21, s21, $0xb8;
	[tilespmem:$0x1C000] =	vst v63  }
0x8c: {  	_ = 	snop  }
0x8d: {  	[tilespmem:s30], [sflag:$0x4] =	stream.linear.gather [hbm4b:s15+s3], $0x80, $0x38;
	[tilespmem:$0x1C000] =	vst v63  }
0x8e: {  	_ = 	snop  }
0x8f: {  	[tilespmem:s31], [sflag:$0x4] =	stream.linear.gather [hbm4b:s9+s3], $0x80, $0x38;
	[tilespmem:$0x1C000] =	vst v63  }
0x90: {  	_ =	swait.ge [sflag:s0], $0x4000  }
0x91: {  	[sflag:s0] =	ssyncset.done $0x0  }
0x92: {  	[sflag:s0] =	ssyncadd.s32 $0xFFFFC000  }
0x93: {  	[spmem:s2] =	stream.indirect.scatter.add.f32 [tilespmem:s26], [sflag:$0x7], $0x80, s22, s21, $0xb8;
	[tilespmem:$0x1C000] =	vst v63  }
0x94: {  	_ =	swait.ge [sflag:s1], $0x4000  }
0x95: {  	s12 =	simm.s32 $0x100;
	p2 =	seq.s32 s13, $0x2600;
	[sflag:s1] =	ssyncset.done $0x0  }
0x96: {  	s15 =	sadd.s32 @!p2 $0x280, s13;
	s9 =	sadd.s32 @!p2 $0x200, s13;
	[sflag:s1] =	ssyncadd.s32 $0xFFFFC000  }
0x97: {  	s18 =	sand.u32 @!p2 $0x7C00, s15;
	s17 =	sand.u32 @!p2 $0x7C00, s9;
	_ =	swait.ge [sflag:s24], $0x80  }
0x98: {  	s18 =	sadd.s32 @!p2 s7, s18;
	s17 =	sadd.s32 @!p2 s7, s17;
	[sflag:s24] =	ssyncset.done $0x0  }
0x99: {  	s19 =	sand.u32 @!p2 $0x280, s15;
	s9 =	sand.u32 @!p2 $0x200, s9;
	[sflag:s24] =	ssyncadd.s32 $0xFFFFFF80  }
0x9a: {  	s15 =	simm.s32 @!p2 $0x0;
	s9 =	sor.u32 @!p2 s9, s17;
	_ =	swait.ge [sflag:s24], $0x80  }
0x9b: {  	s13 =	sadd.s32 @!p2 $0x300, s13;
	s9 =	sshrl.u32 @!p2 s9, $0x3;
	[sflag:s24] =	ssyncset.done $0x0  }
0x9c: {  	s17 =	sadd.s32 @!p2 s5, s9;
	s9 =	sadd.s32 @!p2 s6, s9;
	[sflag:s24] =	ssyncadd.s32 $0xFFFFFF80  }
0x9d: {  	[tilespmem:s26], [sflag:$0x5] =	stream.indirect.gather [hbm4b:s4+s21], $0x80, s12, s21, $0xb8;
	[tilespmem:$0x1C000] =	vst v63  }
0x9e: {  	s25 =	simm.s32 @!p2 $0x200;
	s18 =	sor.u32 @!p2 s19, s18;
	s19 =	sand.u32 @!p2 $0x7C00, s13  }
0x9f: {  	[tilespmem:s15], [sflag:$0x1] =	stream.linear.gather @!p2 [hbm4b:s17+s15], $0x80, $0x38;
	[tilespmem:$0x1C000] =	vst v63  }
0xa0: {  	s13 =	sand.u32 @!p2 $0x300, s13;
	s17 =	sshrl.u32 @!p2 s18, $0x3;
	s18 =	sadd.s32 @!p2 s7, s19  }
0xa1: {  	[tilespmem:s25], [sflag:$0x1] =	stream.linear.gather @!p2 [hbm4b:s9+s15], $0x80, $0x38;
	[tilespmem:$0x1C000] =	vst v63  }
0xa2: {  	s19 =	sadd.s32 @!p2 s6, s17;
	s9 =	sadd.s32 @!p2 s5, s17;
	_ =	swait.ge [sflag:s8], $0x4000  }
0xa3: {  	s17 =	sor.u32 @!p2 s13, s18;
	s13 =	smov.u32 s16;
	[sflag:s8] =	ssyncset.done $0x0  }
0xa4: {  	s16 =	sshrl.u32 @!p2 s17, $0x3;
	[sflag:s8] =	ssyncadd.s32 $0xFFFFC000  }
0xa5: {  	[spmem:s2] =	stream.indirect.scatter.add.f32 [tilespmem:s29], [sflag:$0x8], $0x80, s23, s21, $0xb8;
	[tilespmem:$0x1C000] =	vst v63  }
0xa6: {  	s17 =	sadd.s32 @!p2 s5, s16;
	s16 =	sadd.s32 @!p2 s6, s16;
	_ =	swait.ge [sflag:s10], $0x4000  }
0xa7: {  	[sflag:s10] =	ssyncset.done $0x0  }
0xa8: {  	[sflag:s10] =	ssyncadd.s32 $0xFFFFC000  }
0xa9: {  	_ =	swait.ge [sflag:s11], $0x80  }
0xaa: {  	[sflag:s11] =	ssyncset.done $0x0  }
0xab: {  	[sflag:s11] =	ssyncadd.s32 $0xFFFFFF80  }
0xac: {  	s18 =	simm.s32 @p2 $0x5;
	_ =	swait.ge [sflag:s11], $0x80  }
0xad: {  	[sflag:s11] =	ssyncset.done $0x0  }
0xae: {  	[sflag:s11] =	ssyncadd.s32 $0xFFFFFF80  }
0xaf: {  	[tilespmem:s29], [sflag:$0x6] =	stream.indirect.gather [hbm4b:s4+s21], $0x80, s30, s21, $0xb8;
	[tilespmem:$0x1C000] =	vst v63  }
0xb0: {  	s12 =	simm.s32 @p2 $0x400;
	s25 =	simm.s32 @p2 $0x300;
	_ =	swait.ge @p2 [sflag:s18], $0x4000  }
0xb1: {  	s20 =	simm.s32 @p2 $0x7;
	[sflag:s18] =	ssyncset.done @p2 $0x0  }
0xb2: {  	[sflag:s18] =	ssyncadd.s32 @p2 $0xFFFFC000;
	s18 =	simm.s32 @p2 $0x80  }
0xb3: {  	[spmem:s2] =	stream.indirect.scatter.add.f32 @p2 [tilespmem:s12], [sflag:$0x7], $0x80, s25, s18, $0xb8;
	[tilespmem:$0x1C000] =	vst v63  }
0xb4: {  	s12 =	simm.s32 @!p2 $0x80;
	_ =	swait.ge @p2 [sflag:s20], $0x4000  }
0xb5: {  	[sflag:s20] =	ssyncset.done @p2 $0x0  }
0xb6: {  	s18 =	simm.s32 @!p2 $0x280;
	[sflag:s20] =	ssyncadd.s32 @p2 $0xFFFFC000;
	s20 =	simm.s32 @!p2 $0x5  }
0xb7: {  	[tilespmem:s12], [sflag:$0x2] =	stream.linear.gather @!p2 [hbm4b:s9+s15], $0x80, $0x38;
	[tilespmem:$0x1C000] =	vst v63  }
0xb8: {  	_ = 	snop  }
0xb9: {  	[tilespmem:s18], [sflag:$0x2] =	stream.linear.gather @!p2 [hbm4b:s19+s15], $0x80, $0x38;
	[tilespmem:$0x1C000] =	vst v63  }
0xba: {  	s9 =	simm.s32 @!p2 $0x300;
	s18 =	simm.s32 @!p2 $0x400;
	_ =	swait.ge @!p2 [sflag:s20], $0x4000  }
0xbb: {  	s19 =	simm.s32 @!p2 $0x7;
	[sflag:s20] =	ssyncset.done @!p2 $0x0  }
0xbc: {  	[sflag:s20] =	ssyncadd.s32 @!p2 $0xFFFFC000  }
0xbd: {  	[spmem:s2] =	stream.indirect.scatter.add.f32 @!p2 [tilespmem:s18], [sflag:$0x7], $0x80, s9, s12, $0xb8;
	[tilespmem:$0x1C000] =	vst v63  }
0xbe: {  	s20 =	simm.s32 @!p2 $0x1;
	_ =	swait.ge @!p2 [sflag:s19], $0x4000  }
0xbf: {  	[sflag:s19] =	ssyncset.done @!p2 $0x0  }
0xc0: {  	[sflag:s19] =	ssyncadd.s32 @!p2 $0xFFFFC000  }
0xc1: {  	_ =	swait.ge @!p2 [sflag:s20], $0x80  }
0xc2: {  	[sflag:s20] =	ssyncset.done @!p2 $0x0  }
0xc3: {  	[sflag:s20] =	ssyncadd.s32 @!p2 $0xFFFFFF80  }
0xc4: {  	_ =	swait.ge @!p2 [sflag:s20], $0x80  }
0xc5: {  	[sflag:s20] =	ssyncset.done @!p2 $0x0  }
0xc6: {  	s19 =	simm.s32 @!p2 $0x100;
	[sflag:s20] =	ssyncadd.s32 @!p2 $0xFFFFFF80  }
0xc7: {  	[tilespmem:s18], [sflag:$0x5] =	stream.indirect.gather @!p2 [hbm4b:s4+s12], $0x80, s15, s12, $0xb8;
	[tilespmem:$0x1C000] =	vst v63  }
.Ltmp0:
0xc8: {  	_ = 	snop;
	(pc) =	sbr.rel @p1 .LBB2_2-.Ltmp0, $4  }
0xc9: {  	_ = 	snop  }
0xca: {  	[tilespmem:s19], [sflag:$0x3] =	stream.linear.gather @!p2 [hbm4b:s17+s15], $0x80, $0x38;
	[tilespmem:$0x1C000] =	vst v63  }
0xcb: {  	_ = 	snop  }
0xcc: {  	[tilespmem:s9], [sflag:$0x3] =	stream.linear.gather @!p2 [hbm4b:s16+s15], $0x80, $0x38;
	[tilespmem:$0x1C000] =	vst v63  }
0xcd: {  	_ =	swait.ge [sflag:s8], $0x4000  }
0xce: {  	[sflag:s8] =	ssyncset.done $0x0  }
0xcf: {  	s9 =	simm.s32 @!p0 $0x8;
	[sflag:s8] =	ssyncadd.s32 $0xFFFFC000  }
0xd0: {  	[spmem:s2] =	stream.indirect.scatter.add.f32 [tilespmem:s29], [sflag:$0x8], $0x80, s31, s21, $0xb8;
	[tilespmem:$0x1C000] =	vst v63  }
0xd1: {  	_ =	swait.ge @!p0 [sflag:s9], $0x4000  }
0xd2: {  	[sflag:s9] =	ssyncset.done @!p0 $0x0  }
0xd3: {  	[sflag:s9] =	ssyncadd.s32 @!p0 $0xFFFFC000  }
0xd4: {  	_ =	swait.ge [sflag:s28], $0x80  }
0xd5: {  	s16 =	sand.u32 $0x3C00, s13;
	[sflag:s28] =	ssyncset.done $0x0  }
0xd6: {  	s12 =	sand.u32 $0x200, s13;
	s9 =	sadd.s32 s7, s16;
	[sflag:s28] =	ssyncadd.s32 $0xFFFFFF80  }
0xd7: {  	s9 =	sor.u32 s9, s12;
	_ =	swait.ge [sflag:s28], $0x80  }
0xd8: {  	s9 =	sor.u32 $0x180, s9;
	[sflag:s28] =	ssyncset.done $0x0  }
0xd9: {  	s9 =	sshrl.u32 s9, $0x3;
	[sflag:s28] =	ssyncadd.s32 $0xFFFFFF80  }
0xda: {  	[tilespmem:s29], [sflag:$0x6] =	stream.indirect.gather [hbm4b:s4+s21], $0x80, s21, s21, $0xb8;
	[tilespmem:$0x1C000] =	vst v63  }
0xdb: {  	s17 =	sadd.s32 s5, s9  }
0xdc: {  	[tilespmem:s30], [sflag:$0x4] =	stream.linear.gather [hbm4b:s17+s3], $0x80, $0x38;
	[tilespmem:$0x1C000] =	vst v63  }
0xdd: {  	s9 =	sadd.s32 s6, s9  }
0xde: {  	[tilespmem:s31], [sflag:$0x4] =	stream.linear.gather [hbm4b:s9+s3], $0x80, $0x38;
	[tilespmem:$0x1C000] =	vst v63  }
0xdf: {  	_ =	swait.ge [sflag:s0], $0x4000  }
0xe0: {  	[sflag:s0] =	ssyncset.done $0x0  }
0xe1: {  	[sflag:s0] =	ssyncadd.s32 $0xFFFFC000  }
0xe2: {  	[spmem:s2] =	stream.indirect.scatter.add.f32 [tilespmem:s26], [sflag:$0x7], $0x80, s22, s21, $0xb8;
	[tilespmem:$0x1C000] =	vst v63  }
0xe3: {  	_ =	swait.ge [sflag:s1], $0x4000  }
0xe4: {  	[sflag:s1] =	ssyncset.done $0x0  }
0xe5: {  	[sflag:s1] =	ssyncadd.s32 $0xFFFFC000  }
0xe6: {  	p0 =	seq.s32 s13, $0x2600;
	_ =	swait.ge [sflag:s24], $0x80  }
0xe7: {  	s9 =	sadd.s32 @!p0 $0x200, s13;
	[sflag:s24] =	ssyncset.done $0x0  }
0xe8: {  	s12 =	sand.u32 @!p0 $0x7C00, s9;
	[sflag:s24] =	ssyncadd.s32 $0xFFFFFF80  }
0xe9: {  	s9 =	sand.u32 @!p0 $0x200, s9;
	s12 =	sadd.s32 @!p0 s7, s12;
	_ =	swait.ge [sflag:s24], $0x80  }
0xea: {  	s9 =	sor.u32 @!p0 s9, s12;
	[sflag:s24] =	ssyncset.done $0x0  }
0xeb: {  	s18 =	simm.s32 $0x100;
	s9 =	sshrl.u32 @!p0 s9, $0x3;
	[sflag:s24] =	ssyncadd.s32 $0xFFFFFF80  }
0xec: {  	[tilespmem:s26], [sflag:$0x5] =	stream.indirect.gather [hbm4b:s4+s21], $0x80, s18, s21, $0xb8;
	[tilespmem:$0x1C000] =	vst v63  }
0xed: {  	s14 =	simm.s32 @!p0 $0x0;
	s12 =	sadd.s32 @!p0 s5, s9  }
0xee: {  	[tilespmem:s14], [sflag:$0x1] =	stream.linear.gather @!p0 [hbm4b:s12+s14], $0x80, $0x38;
	[tilespmem:$0x1C000] =	vst v63  }
0xef: {  	s9 =	sadd.s32 @!p0 s6, s9;
	s12 =	simm.s32 @!p0 $0x200  }
0xf0: {  	[tilespmem:s12], [sflag:$0x1] =	stream.linear.gather @!p0 [hbm4b:s9+s14], $0x80, $0x38;
	[tilespmem:$0x1C000] =	vst v63  }
0xf1: {  	_ =	swait.ge [sflag:s8], $0x4000  }
0xf2: {  	[sflag:s8] =	ssyncset.done $0x0  }
0xf3: {  	[sflag:s8] =	ssyncadd.s32 $0xFFFFC000  }
0xf4: {  	[spmem:s2] =	stream.indirect.scatter.add.f32 [tilespmem:s29], [sflag:$0x8], $0x80, s23, s21, $0xb8;
	[tilespmem:$0x1C000] =	vst v63  }
0xf5: {  	_ =	swait.ge [sflag:s10], $0x4000  }
0xf6: {  	[sflag:s10] =	ssyncset.done $0x0  }
0xf7: {  	[sflag:s10] =	ssyncadd.s32 $0xFFFFC000  }
0xf8: {  	_ =	swait.ge [sflag:s11], $0x80  }
0xf9: {  	[sflag:s11] =	ssyncset.done $0x0  }
0xfa: {  	[sflag:s11] =	ssyncadd.s32 $0xFFFFFF80  }
0xfb: {  	_ =	swait.ge [sflag:s11], $0x80  }
0xfc: {  	[sflag:s11] =	ssyncset.done $0x0  }
0xfd: {  	s9 =	simm.s32 @p0 $0x5;
	[sflag:s11] =	ssyncadd.s32 $0xFFFFFF80  }
0xfe: {  	[tilespmem:s29], [sflag:$0x6] =	stream.indirect.gather [hbm4b:s4+s21], $0x80, s30, s21, $0xb8;
	[tilespmem:$0x1C000] =	vst v63  }
0xff: {  	s16 =	simm.s32 @p0 $0x300;
	_ =	swait.ge @p0 [sflag:s9], $0x4000  }
0x100: {  	s17 =	simm.s32 @p0 $0x400;
	s12 =	sadd.s32 @!p0 $0x280, s13;
	[sflag:s9] =	ssyncset.done @p0 $0x0  }
0x101: {  	s15 =	sand.u32 @!p0 $0x7C00, s12;
	[sflag:s9] =	ssyncadd.s32 @p0 $0xFFFFC000;
	s9 =	simm.s32 @p0 $0x80  }
0x102: {  	[spmem:s2] =	stream.indirect.scatter.add.f32 @p0 [tilespmem:s17], [sflag:$0x7], $0x80, s16, s9, $0xb8;
	[tilespmem:$0x1C000] =	vst v63  }
0x103: {  	s12 =	sand.u32 @!p0 $0x280, s12;
	s9 =	sadd.s32 @!p0 s7, s15;
	s15 =	simm.s32 @p0 $0x7  }
0x104: {  	s9 =	sor.u32 @!p0 s12, s9;
	_ =	swait.ge @p0 [sflag:s15], $0x4000  }
0x105: {  	s9 =	sshrl.u32 @!p0 s9, $0x3;
	[sflag:s15] =	ssyncset.done @p0 $0x0  }
0x106: {  	s16 =	simm.s32 @!p0 $0x80;
	s12 =	sadd.s32 @!p0 s5, s9;
	[sflag:s15] =	ssyncadd.s32 @p0 $0xFFFFC000  }
0x107: {  	[tilespmem:s16], [sflag:$0x2] =	stream.linear.gather @!p0 [hbm4b:s12+s14], $0x80, $0x38;
	[tilespmem:$0x1C000] =	vst v63  }
0x108: {  	s9 =	sadd.s32 @!p0 s6, s9;
	s15 =	simm.s32 @!p0 $0x5;
	s12 =	simm.s32 @!p0 $0x280  }
0x109: {  	[tilespmem:s12], [sflag:$0x2] =	stream.linear.gather @!p0 [hbm4b:s9+s14], $0x80, $0x38;
	[tilespmem:$0x1C000] =	vst v63  }
0x10a: {  	_ =	swait.ge @!p0 [sflag:s15], $0x4000  }
0x10b: {  	s17 =	simm.s32 @!p0 $0x7;
	[sflag:s15] =	ssyncset.done @!p0 $0x0  }
0x10c: {  	s9 =	simm.s32 @!p0 $0x300;
	s12 =	simm.s32 @!p0 $0x400;
	[sflag:s15] =	ssyncadd.s32 @!p0 $0xFFFFC000  }
0x10d: {  	[spmem:s2] =	stream.indirect.scatter.add.f32 @!p0 [tilespmem:s12], [sflag:$0x7], $0x80, s9, s16, $0xb8;
	[tilespmem:$0x1C000] =	vst v63  }
0x10e: {  	_ =	swait.ge @!p0 [sflag:s17], $0x4000  }
0x10f: {  	[sflag:s17] =	ssyncset.done @!p0 $0x0  }
0x110: {  	s15 =	simm.s32 @!p0 $0x1;
	[sflag:s17] =	ssyncadd.s32 @!p0 $0xFFFFC000  }
0x111: {  	_ =	swait.ge @!p0 [sflag:s15], $0x80  }
0x112: {  	s13 =	sadd.s32 @!p0 $0x300, s13;
	[sflag:s15] =	ssyncset.done @!p0 $0x0  }
0x113: {  	s17 =	sand.u32 @!p0 $0x7C00, s13;
	[sflag:s15] =	ssyncadd.s32 @!p0 $0xFFFFFF80  }
0x114: {  	s13 =	sand.u32 @!p0 $0x300, s13;
	s17 =	sadd.s32 @!p0 s7, s17;
	_ =	swait.ge @!p0 [sflag:s15], $0x80  }
0x115: {  	s13 =	sor.u32 @!p0 s13, s17;
	[sflag:s15] =	ssyncset.done @!p0 $0x0  }
0x116: {  	s13 =	sshrl.u32 @!p0 s13, $0x3;
	[sflag:s15] =	ssyncadd.s32 @!p0 $0xFFFFFF80  }
0x117: {  	[tilespmem:s12], [sflag:$0x5] =	stream.indirect.gather @!p0 [hbm4b:s4+s16], $0x80, s14, s16, $0xb8;
	[tilespmem:$0x1C000] =	vst v63  }
0x118: {  	s15 =	simm.s32 @!p0 $0x100;
	s12 =	sadd.s32 @!p0 s5, s13  }
0x119: {  	[tilespmem:s15], [sflag:$0x3] =	stream.linear.gather @!p0 [hbm4b:s12+s14], $0x80, $0x38;
	[tilespmem:$0x1C000] =	vst v63  }
0x11a: {  	s12 =	sadd.s32 @!p0 s6, s13  }
0x11b: {  	[tilespmem:s9], [sflag:$0x3] =	stream.linear.gather @!p0 [hbm4b:s12+s14], $0x80, $0x38;
	[tilespmem:$0x1C000] =	vst v63  }
0x11c: {  	_ =	swait.ge [sflag:s8], $0x4000  }
0x11d: {  	[sflag:s8] =	ssyncset.done $0x0  }
0x11e: {  	[sflag:s8] =	ssyncadd.s32 $0xFFFFC000  }
0x11f: {  	[spmem:s2] =	stream.indirect.scatter.add.f32 [tilespmem:s29], [sflag:$0x8], $0x80, s31, s21, $0xb8;
	[tilespmem:$0x1C000] =	vst v63  }
0x120: {  	_ =	swait.ge [sflag:s10], $0x4000  }
0x121: {  	[sflag:s10] =	ssyncset.done $0x0  }
0x122: {  	[sflag:s10] =	ssyncadd.s32 $0xFFFFC000  }
0x123: {  	[bflag:$0x0] =	sbarrier.arrive $0xFFFF  }
0x124: {  	s12 =	rddreg [dreg:$0x4]  }
0x125: {  	s19 =	rddreg [dreg:$0xb]  }
0x126: {  	s14 =	simm.s32 $0x9;
	s13 =	rddreg [dreg:$0xd]  }
0x127: {  	[hbm:s19], [sflag:s12] =	dma.local [spmem:s13], $0x2780  }
0x128: {  	_ =	swait.ge [sflag:s14], $0x2780  }
0x129: {  	s20 =	rddreg [dreg:$0xe]  }
0x12a: {  	s25 =	rddreg [dreg:$0xc];
	s15 =	sadd.s32 $0x1, s20  }
0x12b: {  	p0 =	sne.s32 s15, s25  }
.Ltmp1:
0x12c: {  	_ = 	snop;
	(pc) =	sbr.rel @p0 .LBB2_1-.Ltmp1, $3  }
0x12d: {  	_ =	sdelay $0x1  }
0x12e: {  	[sflag:s14] =	ssyncset.done $0x0  }
0x12f: {  	[sflag:s14] =	ssyncadd.s32 $0xFFFFD880  }
0x130: {  	_ =	sfence.sel $0x180000  }
0x131: {  	[bflag:$0x0] =	sbarrier.arrive $0xFFFF  }
0x132: {  	_ =	strace $0x90000050  }
0x133: {  	s0 =	stileid.u32;
	[bflag:$0x2] =	sbarrier.arrive $0xFFFF  }
0x134: {  	p0 =	sne.s32 s0, $0x0;
	s0 =	rddreg [dreg:$0x2]  }
0x135: {  	s0 =	sadd.s32 @!p0 $0x100000, s0  }
0x136: {  	[sflag:s0] =	ssyncadd.tile.s32 @!p0 $0x1;
	_ =	shalt  }
.Lfunc_end2:
_tile_overlayer_lowered:
.L_overlay_start_2:
0x137: {  	(tag) =	ssettag $0x2  }
0x138: {  	s0 =	rddreg [dreg:$0x0];
	s2 =	stileid.u32  }
0x139: {  	s1 =	rddreg [dreg:$0x1];
	p0 =	sne.s32 s2, $0x0  }
0x13a: {  	s3 =	rddreg [dreg:$0x2];
	[bflag:$0x3] =	sbarrier.arrive $0xFFFF;
	s2 =	simm.s32 @!p0 $0x1C09  }
0x13b: {  	[timem:s3], [sflag:s2] =	dma.local @!p0 [hbm:s0], s1  }
0x13c: {  	s0 =	simm.s32 @!p0 $0x9  }
0x13d: {  	_ =	swait.ge @!p0 [sflag:s0], s1  }
0x13e: {  	s1 =	ssub.s32 @!p0 $0x0, s1;
	[sflag:s0] =	ssyncset.done @!p0 $0x0  }
0x13f: {  	[sflag:s0] =	ssyncadd.s32 @!p0 s1  }
0x140: {  	[bflag:$0x3] =	sbarrier.arrive $0xFFFF  }
0x141: {  	_ =	shalt  }

</sc_bundles>
